<compile_context>
chip_gen: v7x
topology: tpu7x:2x2x1
jax: 0.10.2.dev20260603
libtpu: 0.0.44.dev20260713+nightly
codegen_flags: <defaults>
</compile_context>

<pallas_src>
import functools

import jax
import jax.numpy as jnp
import numpy as np
from jax.experimental import pallas as pl
from jax.experimental.pallas import tpu as pltpu
from jax.experimental.pallas import tpu_sc as plsc

NC = 32
NCOMP = 9
GW = 3 * NC
BE = 3200
BN = 1000


def _silu(x):
    return x * jax.nn.sigmoid(x)


def _mlp_body(rbf, cij, w0t, b0, w1t, b1, w2t, b2, act):
    h = _silu(jnp.dot(rbf[...], w0t[...]) + b0[...])
    h = _silu(jnp.dot(h, w1t[...]) + b1[...])
    cv = cij[pl.ds(pl.program_id(0) * BE, BE)]
    a = _silu(jnp.dot(h, w2t[...]) + b2[...]) * cv[:, None]
    act[...] = jnp.concatenate([a, jnp.zeros((BE, 32), jnp.float32)], 1)


def _mlp(rbf, cij, w0t, b0, w1t, b1, w2t, b2):
    ep = rbf.shape[0]
    full = lambda i: (0, 0)
    blk = lambda i: (i, 0)
    return pl.pallas_call(
        _mlp_body,
        grid=(ep // BE,),
        in_specs=[
            pl.BlockSpec((BE, 8), blk),
            pl.BlockSpec((160000,), lambda i: (0,)),
            pl.BlockSpec((8, NC), full),
            pl.BlockSpec((1, NC), full),
            pl.BlockSpec((NC, 2 * NC), full),
            pl.BlockSpec((1, 2 * NC), full),
            pl.BlockSpec((2 * NC, 3 * NC), full),
            pl.BlockSpec((1, 3 * NC), full),
        ],
        out_specs=[pl.BlockSpec((BE, 128), blk)],
        out_shape=[jax.ShapeDtypeStruct((ep, 128), jnp.float32)],
    )(rbf, cij, w0t, b0, w1t, b1, w2t, b2)[0]


def _prep_body(xc, p, wt0t, wt1t, wt2t, tg0, tg1, tg2, xn9):
    x9r = jnp.dot(xc[...], p[...])
    nrm1 = sum(x9r[:, k * NC : (k + 1) * NC] ** 2 for k in range(NCOMP)) + 1.0
    inv = 1.0 / nrm1
    x = [x9r[:, k * NC : (k + 1) * NC] * inv for k in range(NCOMP)]
    xn9[...] = jnp.concatenate(x, 1)
    i_ = (x[0] + x[4] + x[8]) * (1.0 / 3.0)
    a01 = 0.5 * (x[1] - x[3]); a02 = 0.5 * (x[2] - x[6]); a12 = 0.5 * (x[5] - x[7])
    s00 = x[0] - i_; s01 = 0.5 * (x[1] + x[3]); s02 = 0.5 * (x[2] + x[6])
    s11 = x[4] - i_; s12 = 0.5 * (x[5] + x[7])
    w1t_ = wt1t[...]
    w2t_ = wt2t[...]
    tg0[...] = jnp.concatenate(
        [jnp.dot(i_, wt0t[...]), jnp.dot(a01, w1t_), jnp.dot(a02, w1t_)], 1)
    tg1[...] = jnp.concatenate(
        [jnp.dot(a12, w1t_), jnp.dot(s00, w2t_), jnp.dot(s01, w2t_)], 1)
    tg2[...] = jnp.concatenate(
        [jnp.dot(s02, w2t_), jnp.dot(s11, w2t_), jnp.dot(s12, w2t_)], 1)


def _prep(xc, p, wt0t, wt1t, wt2t):
    n = xc.shape[0]
    full = lambda i: (0, 0)
    blk = lambda i: (i, 0)
    return pl.pallas_call(
        _prep_body,
        grid=(n // BN,),
        in_specs=[
            pl.BlockSpec((BN, NCOMP * NC), blk),
            pl.BlockSpec((NCOMP * NC, NCOMP * NC), full),
            pl.BlockSpec((NC, NC), full),
            pl.BlockSpec((NC, NC), full),
            pl.BlockSpec((NC, NC), full),
        ],
        out_specs=[
            pl.BlockSpec((BN, GW), blk),
            pl.BlockSpec((BN, GW), blk),
            pl.BlockSpec((BN, GW), blk),
            pl.BlockSpec((BN, NCOMP * NC), blk),
        ],
        out_shape=[
            jax.ShapeDtypeStruct((n, GW), jnp.float32),
            jax.ShapeDtypeStruct((n, GW), jnp.float32),
            jax.ShapeDtypeStruct((n, GW), jnp.float32),
            jax.ShapeDtypeStruct((n, NCOMP * NC), jnp.float32),
        ],
    )(xc, p, wt0t, wt1t, wt2t)


def _comps9(g0, g1, g2):
    i_, a01, a02 = (g0[:, k * NC : (k + 1) * NC] for k in range(3))
    a12, s00, s01 = (g1[:, k * NC : (k + 1) * NC] for k in range(3))
    s02, s11, s12 = (g2[:, k * NC : (k + 1) * NC] for k in range(3))
    s22 = -(s00 + s11)
    return [[i_ + s00, a01 + s01, a02 + s02],
            [-a01 + s01, i_ + s11, a12 + s12],
            [-a02 + s02, -a12 + s12, i_ + s22]]


def _tail_body(mg0, mg1, mg2a, mg2b, tg0, tg1, tg2, xn9, pt, wt3t, wt4t, wt5t,
               oc):
    m = _comps9(mg0[...][:, :GW], mg1[...][:, :GW],
                mg2a[...][:, :GW] + mg2b[...][:, :GW])
    y = _comps9(tg0[...], tg1[...], tg2[...])
    C = [[sum(m[r][k] * y[k][c] + y[r][k] * m[k][c] for k in range(3))
          for c in range(3)] for r in range(3)]
    inv = 1.0 / (sum(C[r][c] ** 2 for r in range(3) for c in range(3)) + 1.0)
    ci = (C[0][0] + C[1][1] + C[2][2]) * (1.0 / 3.0)
    ca01 = 0.5 * (C[0][1] - C[1][0]); ca02 = 0.5 * (C[0][2] - C[2][0])
    ca12 = 0.5 * (C[1][2] - C[2][1])
    cs00 = C[0][0] - ci; cs01 = 0.5 * (C[0][1] + C[1][0])
    cs02 = 0.5 * (C[0][2] + C[2][0]); cs11 = C[1][1] - ci
    cs12 = 0.5 * (C[1][2] + C[2][1])
    w3, w4, w5 = wt3t[...], wt4t[...], wt5t[...]
    di = jnp.dot(ci * inv, w3)
    da01 = jnp.dot(ca01 * inv, w4); da02 = jnp.dot(ca02 * inv, w4)
    da12 = jnp.dot(ca12 * inv, w4)
    ds00 = jnp.dot(cs00 * inv, w5); ds01 = jnp.dot(cs01 * inv, w5)
    ds02 = jnp.dot(cs02 * inv, w5); ds11 = jnp.dot(cs11 * inv, w5)
    ds12 = jnp.dot(cs12 * inv, w5)
    ds22 = -(ds00 + ds11)
    d = [[di + ds00, da01 + ds01, da02 + ds02],
         [-da01 + ds01, di + ds11, da12 + ds12],
         [-da02 + ds02, -da12 + ds12, di + ds22]]
    xr = xn9[...]
    out = []
    for r in range(3):
        for c in range(3):
            dd = sum(d[r][k] * d[k][c] for k in range(3))
            out.append(xr[:, (3 * r + c) * NC : (3 * r + c + 1) * NC]
                       + d[r][c] + dd)
    oc[...] = jnp.dot(jnp.concatenate(out, 1), pt[...])


def _tail(mg0, mg1, mg2a, mg2b, tg0, tg1, tg2, xn9, pt, wt3t, wt4t, wt5t, n):
    full = lambda i: (0, 0)
    blk = lambda i: (i, 0)
    return pl.pallas_call(
        _tail_body,
        grid=(n // BN,),
        in_specs=[pl.BlockSpec((BN, 128), blk)] * 4
        + [pl.BlockSpec((BN, GW), blk)] * 3
        + [pl.BlockSpec((BN, NCOMP * NC), blk)]
        + [pl.BlockSpec((NCOMP * NC, NCOMP * NC), full)]
        + [pl.BlockSpec((NC, NC), full)] * 3,
        out_specs=[pl.BlockSpec((BN, NCOMP * NC), blk)],
        out_shape=[jax.ShapeDtypeStruct((n, NCOMP * NC), jnp.float32)],
    )(mg0, mg1, mg2a, mg2b, tg0, tg1, tg2, xn9, pt, wt3t, wt4t, wt5t)[0]


NT = 16
_WMAP_A = [0, 1, 2, 3, 2, 3]
_WMAP_B = [0, 1, 0, 1, 0, 1]


def _sc_messages(tg0, tg1, tg2, act, idx_i, idx_j, n, ce=80):
    ch = idx_i.shape[0] // (NT * ce)
    na = ((n + NT * 128 - 1) // (NT * 128)) * (NT * 128)
    rpt = na // NT
    nzc = rpt // 128

    mesh = plsc.VectorSubcoreMesh(core_axis_name="c", subcore_axis_name="s")
    mshape = jax.ShapeDtypeStruct((na, 128), jnp.float32)

    @functools.partial(
        pl.kernel, mesh=mesh,
        compiler_params=pltpu.CompilerParams(use_tc_tiling_on_sc=False),
        out_type=[mshape, mshape, mshape, mshape],
        scratch_types=[
            pltpu.VMEM((ch * ce,), jnp.int32),
            pltpu.VMEM((2, ce), jnp.int32),
            pltpu.VMEM((2, ce, 4 * 16), jnp.float32),
            pltpu.VMEM((2, ce, 2 * 16), jnp.float32),
            pltpu.VMEM((2, ce, GW), jnp.float32),
            pltpu.VMEM((128, GW), jnp.float32),
            pltpu.VMEM_SHARED((na, GW), jnp.float32),
            pltpu.SemaphoreType.DMA,
            pltpu.SemaphoreType.DMA,
            pltpu.SemaphoreType.DMA,
            pltpu.SemaphoreType.DMA,
            pltpu.SemaphoreType.DMA,
            pltpu.SemaphoreType.DMA,
        ],
    )
    def sc_fn(tg0_h, tg1_h, tg2_h, act_h, idxi_h, idxj_h,
              mg0_h, mg1_h, mg2a_h, mg2b_h,
              idxj_v, idxi_v, acta_v, actb_v, rows_v, zbuf, acc,
              gs0, gs1, as0, as1, is0, is1):
        gsem = (gs0, gs1)
        asem = (as0, as1)
        isem = (is0, is1)
        cid = jax.lax.axis_index("c")
        sid = jax.lax.axis_index("s")
        tb = sid * (ch * ce)

        pltpu.sync_copy(idxj_h.at[pl.ds(tb, ch * ce)], idxj_v)

        def zb(r, carry):
            for t in range(GW // 16):
                zbuf[r, pl.ds(16 * t, 16)] = jnp.zeros((16,), jnp.float32)
            return carry
        jax.lax.fori_loop(0, 128, zb, 0)

        def zero_own_rows():
            for q in range(nzc):
                pltpu.sync_copy(zbuf, acc.at[pl.ds(sid * rpt + q * 128, 128)])

        def do_pass(tab_h, col0, act_v, nw, wmap, out_h, c0, c1):
            aw = 16 * nw

            def sf(ci, b):
                pltpu.async_copy(tab_h.at[idxj_v.at[pl.ds(ci * ce, ce)]],
                                 rows_v.at[b], gsem[b])
                pltpu.async_copy(
                    act_h.at[pl.ds(tb + ci * ce, ce), pl.ds(col0, aw)],
                    act_v.at[b], asem[b])
                pltpu.async_copy(idxi_h.at[pl.ds(tb + ci * ce, ce)],
                                 idxi_v.at[b], isem[b])

            def wf(ci, b):
                pltpu.make_async_copy(tab_h.at[idxj_v.at[pl.ds(ci * ce, ce)]],
                                      rows_v.at[b], gsem[b]).wait()
                pltpu.make_async_copy(
                    act_h.at[pl.ds(tb + ci * ce, ce), pl.ds(col0, aw)],
                    act_v.at[b], asem[b]).wait()
                pltpu.make_async_copy(idxi_h.at[pl.ds(tb + ci * ce, ce)],
                                      idxi_v.at[b], isem[b]).wait()

            def step(ci, b):
                wf(ci, b)

                def edge(e, c2):
                    wv = [act_v[b, e, pl.ds(16 * t, 16)]
                          for t in range(nw)]
                    for t in range(GW // 16):
                        sl = pl.ds(16 * t, 16)
                        rows_v[b, e, sl] = rows_v[b, e, sl] * wv[wmap[t]]
                    return c2
                jax.lax.fori_loop(0, ce, edge, 0)
                pltpu.sync_copy(rows_v.at[b], acc.at[idxi_v.at[b]], add=True)

                @pl.when(ci + 2 < c1)
                def _():
                    sf(ci + 2, b)

            length = c1 - c0
            sf(c0, 0)
            if length > 1:
                sf(c0 + 1, 1)

            def pair(ci2, carry):
                step(c0 + 2 * ci2, 0)
                step(c0 + 2 * ci2 + 1, 1)
                return carry
            jax.lax.fori_loop(0, length // 2, pair, 0)
            if length % 2:
                step(c1 - 1, 0)

            plsc.subcore_barrier()
            for q in range(nzc):
                rr = pl.ds(sid * rpt + q * 128, 128)
                pltpu.sync_copy(acc.at[rr], out_h.at[rr, pl.ds(0, GW)])

        zero_own_rows()
        plsc.subcore_barrier()

        @pl.when(cid == 0)
        def _():
            do_pass(tg0_h, 0, acta_v, 4, _WMAP_A, mg0_h, 0, ch)

        @pl.when(cid == 1)
        def _():
            do_pass(tg1_h, NC, acta_v, 4, _WMAP_A, mg1_h, 0, ch)

        zero_own_rows()
        plsc.subcore_barrier()

        @pl.when(cid == 0)
        def _():
            do_pass(tg2_h, 2 * NC, actb_v, 2, _WMAP_B, mg2a_h, 0, ch // 2)

        @pl.when(cid == 1)
        def _():
            do_pass(tg2_h, 2 * NC, actb_v, 2, _WMAP_B, mg2b_h, ch // 2, ch)

    return sc_fn(tg0, tg1, tg2, act, idx_i, idx_j)


_PERM = np.array([3 * (p % NC) + p // NC for p in range(3 * NC)])
_P9 = np.zeros((NCOMP * NC, NCOMP * NC), np.float32)
for _c in range(NC):
    for _k in range(NCOMP):
        _P9[_c * NCOMP + _k, _k * NC + _c] = 1.0


def kernel(X, cij, rbf, idx_i, idx_j, w0, b0, w1, b1, w2, b2,
           wt0, wt1, wt2, wt3, wt4, wt5):
    n = X.shape[0]
    e = rbf.shape[0]

    xc = X.reshape(n, NCOMP * NC)

    p9 = jnp.asarray(_P9)
    act = _mlp(rbf, cij, w0.T, b0[None, :], w1.T, b1[None, :],
               w2[_PERM].T, b2[_PERM][None, :])
    tg0, tg1, tg2, xn9 = _prep(xc, p9, wt0.T, wt1.T, wt2.T)
    mg0, mg1, mg2a, mg2b = _sc_messages(tg0, tg1, tg2, act, idx_i, idx_j, n)
    oc = _tail(mg0, mg1, mg2a, mg2b, tg0, tg1, tg2, xn9, p9.T,
               wt3.T, wt4.T, wt5.T, n)
    return oc.reshape(n, NC, 3, 3)

# --- scband reference (transcript-rebuilt; emitter-appended) ---
"""Pipeline reference for scband-interaction-54082228191976 (READ-ONLY COPY).

The authoritative reference and input builder live on the scoring server;
editing this copy changes nothing except your own understanding.
"""

import jax, jax.numpy as jnp
import numpy as np

N = 10000
E = 160000
NC = 32
NRBF = 8

def silu(x):
    return x * jax.nn.sigmoid(x)

def tensor_norm(t):
    return (t ** 2).sum((-2, -1))

def decompose_tensor(t):
    eye = jnp.eye(3, dtype=t.dtype)
    I = jnp.diagonal(t, axis1=-2, axis2=-1).mean(-1)[..., None, None] * eye
    A = 0.5 * (t - jnp.swapaxes(t, -2, -1))
    S = 0.5 * (t + jnp.swapaxes(t, -2, -1)) - I
    return I, A, S

def tensor_message_passing(idx_i, idx_j, act, tensor, natoms):
    msg = act * tensor[idx_j]
    return jax.ops.segment_sum(msg, idx_i, num_segments=natoms)

def setup_inputs(seed: int = 0):
    key = jax.random.key(seed)
    ks = jax.random.split(key, 16)
    inp = {}
    inp['X'] = jax.random.normal(ks[0], (N, NC, 3, 3), dtype=jnp.float32)
    inp['cij'] = jax.random.uniform(ks[1], (E,), dtype=jnp.float32)
    inp['rbf'] = jax.random.normal(ks[2], (E, NRBF), dtype=jnp.float32)
    inp['idx_i'] = jax.random.randint(ks[3], (E,), 0, N, dtype=jnp.int32)
    inp['idx_j'] = jax.random.randint(ks[4], (E,), 0, N, dtype=jnp.int32)
    inp['w0'] = jax.random.normal(ks[5], (NC, NRBF), dtype=jnp.float32) / np.sqrt(NRBF)
    inp['b0'] = jnp.zeros((NC,), dtype=jnp.float32)
    inp['w1'] = jax.random.normal(ks[6], (2 * NC, NC), dtype=jnp.float32) / np.sqrt(NC)
    inp['b1'] = jnp.zeros((2 * NC,), dtype=jnp.float32)
    inp['w2'] = jax.random.normal(ks[7], (3 * NC, 2 * NC), dtype=jnp.float32) / np.sqrt(2 * NC)
    inp['b2'] = jnp.zeros((3 * NC,), dtype=jnp.float32)
    for i in range(6):
        inp['wt%d' % i] = jax.random.normal(ks[8 + i], (NC, NC), dtype=jnp.float32) / np.sqrt(NC)
    return inp

def reference(X, cij, rbf, idx_i, idx_j, w0, b0, w1, b1, w2, b2, wt0, wt1, wt2, wt3, wt4, wt5):
    nc = X.shape[1]
    act = silu(rbf @ w0.T + b0)
    act = silu(act @ w1.T + b1)
    act = silu(act @ w2.T + b2)
    act = (act * cij[:, None]).reshape(rbf.shape[0], nc, 3)
    X = X / (tensor_norm(X) + 1)[..., None, None]
    I, A, S = decompose_tensor(X)
    I = jnp.einsum('ncij,dc->ndij', I, wt0)
    A = jnp.einsum('ncij,dc->ndij', A, wt1)
    S = jnp.einsum('ncij,dc->ndij', S, wt2)
    Y = I + A + S
    Im = tensor_message_passing(idx_i, idx_j, act[..., 0][..., None, None], I, X.shape[0])
    Am = tensor_message_passing(idx_i, idx_j, act[..., 1][..., None, None], A, X.shape[0])
    Sm = tensor_message_passing(idx_i, idx_j, act[..., 2][..., None, None], S, X.shape[0])
    msg = Im + Am + Sm
    Amat = jnp.matmul(msg, Y)
    Bmat = jnp.matmul(Y, msg)
    I, A, S = decompose_tensor(Amat + Bmat)
    normp1 = (tensor_norm(I + A + S) + 1)[..., None, None]
    I, A, S = I / normp1, A / normp1, S / normp1
    I = jnp.einsum('ncij,dc->ndij', I, wt3)
    A = jnp.einsum('ncij,dc->ndij', A, wt4)
    S = jnp.einsum('ncij,dc->ndij', S, wt5)
    dX = I + A + S
    X = X + dX + jnp.matmul(dX, dX)
    return X

if __name__ == "__main__":
    import jax
    _d = setup_inputs()
    print(jax.jit(kernel)(*tuple(_d.values())))

</pallas_src>

<mosaic_0001>
#map = affine_map<(d0, d1) -> (0, 0)>
#map1 = affine_map<(d0, d1) -> (0)>
module attributes {stable_mosaic.version = 14 : i64} {
  func.func @sc_fn(%arg0: i32, %arg1: i32, %arg2: memref<10000x96xf32, #tpu.memory_space<hbm>>, %arg3: memref<10000x96xf32, #tpu.memory_space<hbm>>, %arg4: memref<10000x96xf32, #tpu.memory_space<hbm>>, %arg5: memref<160000x128xf32, #tpu.memory_space<hbm>>, %arg6: memref<160000xi32, #tpu.memory_space<hbm>>, %arg7: memref<160000xi32, #tpu.memory_space<hbm>>, %arg8: memref<10240x128xf32, #tpu.memory_space<hbm>>, %arg9: memref<10240x128xf32, #tpu.memory_space<hbm>>, %arg10: memref<10240x128xf32, #tpu.memory_space<hbm>>, %arg11: memref<10240x128xf32, #tpu.memory_space<hbm>>, %arg12: memref<10000xi32, #tpu.memory_space<vmem>>, %arg13: memref<2x80xi32, #tpu.memory_space<vmem>>, %arg14: memref<2x80x64xf32, #tpu.memory_space<vmem>>, %arg15: memref<2x80x32xf32, #tpu.memory_space<vmem>>, %arg16: memref<2x80x96xf32, #tpu.memory_space<vmem>>, %arg17: memref<128x96xf32, #tpu.memory_space<vmem>>, %arg18: memref<10240x96xf32, #tpu.memory_space<vmem_shared>>, %arg19: memref<!tpu.dma_semaphore, #tpu.memory_space<semaphore_mem>>, %arg20: memref<!tpu.dma_semaphore, #tpu.memory_space<semaphore_mem>>, %arg21: memref<!tpu.dma_semaphore, #tpu.memory_space<semaphore_mem>>, %arg22: memref<!tpu.dma_semaphore, #tpu.memory_space<semaphore_mem>>, %arg23: memref<!tpu.dma_semaphore, #tpu.memory_space<semaphore_mem>>, %arg24: memref<!tpu.dma_semaphore, #tpu.memory_space<semaphore_mem>>) attributes {dimension_semantics = [#tpu.dimension_semantics<core_parallel>, #tpu.dimension_semantics<subcore_parallel>], iteration_bounds = array<i64: 2, 16>, scalar_prefetch = 0 : i64, scratch_operands = 13 : i64, tpu.core_type = #tpu.core_type<sc_vector_subcore>, window_params = [{transform_indices = #map}, {transform_indices = #map}, {transform_indices = #map}, {transform_indices = #map}, {transform_indices = #map1}, {transform_indices = #map1}, {transform_indices = #map}, {transform_indices = #map}, {transform_indices = #map}, {transform_indices = #map}]} {
    %mul3A = arith.constant 10000 : i32
    %mul3A_0 = arith.muli %arg1, %mul3A : i32
    "tpu.region"() ({
      %run_scoped3A = tpu.sem_alloc : memref<!tpu.dma_semaphore, #tpu.memory_space<semaphore_mem>>
      %dma_start3A = tpu.memref_slice %arg7[%mul3A_0] : memref<160000xi32, #tpu.memory_space<hbm>> -> memref<10000xi32, #tpu.memory_space<hbm>>
      %dma_start3A_63 = tpu.memref_slice %arg7[%mul3A_0] : memref<160000xi32, #tpu.memory_space<hbm>> -> memref<10000xi32, #tpu.memory_space<hbm>>
      tpu.enqueue_dma source(%dma_start3A_63 : memref<10000xi32, #tpu.memory_space<hbm>>) target(%arg12 : memref<10000xi32, #tpu.memory_space<vmem>>) target_semaphore(%run_scoped3A : memref<!tpu.dma_semaphore, #tpu.memory_space<semaphore_mem>>)
      %dma_wait3A = tpu.memref_slice %arg7[%mul3A_0] : memref<160000xi32, #tpu.memory_space<hbm>> -> memref<10000xi32, #tpu.memory_space<hbm>>
      %dma_wait3A_64 = tpu.memref_slice %arg7[%mul3A_0] : memref<160000xi32, #tpu.memory_space<hbm>> -> memref<10000xi32, #tpu.memory_space<hbm>>
      tpu.wait_dma2 semaphore(%run_scoped3A : memref<!tpu.dma_semaphore, #tpu.memory_space<semaphore_mem>>) src(%dma_wait3A_64 : memref<10000xi32, #tpu.memory_space<hbm>>) dst(%arg12 : memref<10000xi32, #tpu.memory_space<vmem>>)
      tpu.yield
    }) : () -> ()
    %scan3A = arith.constant 0 : i32
    %scan3A_1 = arith.constant 0 : i32
    %scan3A_2 = arith.constant 128 : i32
    %scan3A_3 = arith.addi %scan3A_1, %scan3A_2 : i32
    %scan3A_4 = arith.constant 1 : i32
    scf.for %scan3A_63 = %scan3A_1 to %scan3A_3 step %scan3A_4  : i32 {
      %broadcast_in_dim3A = arith.constant 0.000000e+00 : f32
      %broadcast_in_dim3A_64 = vector.broadcast %broadcast_in_dim3A : f32 to vector<16xf32>
      %swap3A = arith.index_cast %scan3A_63 : i32 to index
      %swap3A_65 = arith.constant 0 : index
      %swap3A_66 = tpu.vector_load %arg17[%swap3A, %swap3A_65] {strides = array<i32>} : memref<128x96xf32, #tpu.memory_space<vmem>>, vector<1x16xf32>,
      %swap3A_67 = vector.shape_cast %swap3A_66 : vector<1x16xf32> to vector<16xf32>
      %swap3A_68 = vector.shape_cast %broadcast_in_dim3A_64 : vector<16xf32> to vector<1x16xf32>
      tpu.vector_store %arg17[%swap3A, %swap3A_65], %swap3A_68 {strides = array<i32>} : memref<128x96xf32, #tpu.memory_space<vmem>>, vector<1x16xf32>,
      %broadcast_in_dim3A_69 = arith.constant 0.000000e+00 : f32
      %broadcast_in_dim3A_70 = vector.broadcast %broadcast_in_dim3A_69 : f32 to vector<16xf32>
      %swap3A_71 = arith.index_cast %scan3A_63 : i32 to index
      %swap3A_72 = arith.constant 16 : index
      %swap3A_73 = tpu.vector_load %arg17[%swap3A_71, %swap3A_72] {strides = array<i32>} : memref<128x96xf32, #tpu.memory_space<vmem>>, vector<1x16xf32>,
      %swap3A_74 = vector.shape_cast %swap3A_73 : vector<1x16xf32> to vector<16xf32>
      %swap3A_75 = vector.shape_cast %broadcast_in_dim3A_70 : vector<16xf32> to vector<1x16xf32>
      tpu.vector_store %arg17[%swap3A_71, %swap3A_72], %swap3A_75 {strides = array<i32>} : memref<128x96xf32, #tpu.memory_space<vmem>>, vector<1x16xf32>,
      %broadcast_in_dim3A_76 = arith.constant 0.000000e+00 : f32
      %broadcast_in_dim3A_77 = vector.broadcast %broadcast_in_dim3A_76 : f32 to vector<16xf32>
      %swap3A_78 = arith.index_cast %scan3A_63 : i32 to index
      %swap3A_79 = arith.constant 32 : index
      %swap3A_80 = tpu.vector_load %arg17[%swap3A_78, %swap3A_79] {strides = array<i32>} : memref<128x96xf32, #tpu.memory_space<vmem>>, vector<1x16xf32>,
      %swap3A_81 = vector.shape_cast %swap3A_80 : vector<1x16xf32> to vector<16xf32>
      %swap3A_82 = vector.shape_cast %broadcast_in_dim3A_77 : vector<16xf32> to vector<1x16xf32>
      tpu.vector_store %arg17[%swap3A_78, %swap3A_79], %swap3A_82 {strides = array<i32>} : memref<128x96xf32, #tpu.memory_space<vmem>>, vector<1x16xf32>,
      %broadcast_in_dim3A_83 = arith.constant 0.000000e+00 : f32
      %broadcast_in_dim3A_84 = vector.broadcast %broadcast_in_dim3A_83 : f32 to vector<16xf32>
      %swap3A_85 = arith.index_cast %scan3A_63 : i32 to index
      %swap3A_86 = arith.constant 48 : index
      %swap3A_87 = tpu.vector_load %arg17[%swap3A_85, %swap3A_86] {strides = array<i32>} : memref<128x96xf32, #tpu.memory_space<vmem>>, vector<1x16xf32>,
      %swap3A_88 = vector.shape_cast %swap3A_87 : vector<1x16xf32> to vector<16xf32>
      %swap3A_89 = vector.shape_cast %broadcast_in_dim3A_84 : vector<16xf32> to vector<1x16xf32>
      tpu.vector_store %arg17[%swap3A_85, %swap3A_86], %swap3A_89 {strides = array<i32>} : memref<128x96xf32, #tpu.memory_space<vmem>>, vector<1x16xf32>,
      %broadcast_in_dim3A_90 = arith.constant 0.000000e+00 : f32
      %broadcast_in_dim3A_91 = vector.broadcast %broadcast_in_dim3A_90 : f32 to vector<16xf32>
      %swap3A_92 = arith.index_cast %scan3A_63 : i32 to index
      %swap3A_93 = arith.constant 64 : index
      %swap3A_94 = tpu.vector_load %arg17[%swap3A_92, %swap3A_93] {strides = array<i32>} : memref<128x96xf32, #tpu.memory_space<vmem>>, vector<1x16xf32>,
      %swap3A_95 = vector.shape_cast %swap3A_94 : vector<1x16xf32> to vector<16xf32>
      %swap3A_96 = vector.shape_cast %broadcast_in_dim3A_91 : vector<16xf32> to vector<1x16xf32>
      tpu.vector_store %arg17[%swap3A_92, %swap3A_93], %swap3A_96 {strides = array<i32>} : memref<128x96xf32, #tpu.memory_space<vmem>>, vector<1x16xf32>,
      %broadcast_in_dim3A_97 = arith.constant 0.000000e+00 : f32
      %broadcast_in_dim3A_98 = vector.broadcast %broadcast_in_dim3A_97 : f32 to vector<16xf32>
      %swap3A_99 = arith.index_cast %scan3A_63 : i32 to index
      %swap3A_100 = arith.constant 80 : index
      %swap3A_101 = tpu.vector_load %arg17[%swap3A_99, %swap3A_100] {strides = array<i32>} : memref<128x96xf32, #tpu.memory_space<vmem>>, vector<1x16xf32>,
      %swap3A_102 = vector.shape_cast %swap3A_101 : vector<1x16xf32> to vector<16xf32>
      %swap3A_103 = vector.shape_cast %broadcast_in_dim3A_98 : vector<16xf32> to vector<1x16xf32>
      tpu.vector_store %arg17[%swap3A_99, %swap3A_100], %swap3A_103 {strides = array<i32>} : memref<128x96xf32, #tpu.memory_space<vmem>>, vector<1x16xf32>,
    }
    %scan3A_5 = arith.constant 128 : i32
    %mul3A_6 = arith.constant 640 : i32
    %mul3A_7 = arith.muli %arg1, %mul3A_6 : i32
    %add3A = arith.constant 0 : i32
    %add3A_8 = arith.addi %mul3A_7, %add3A : i32
    "tpu.region"() ({
      %run_scoped3A = tpu.sem_alloc : memref<!tpu.dma_semaphore, #tpu.memory_space<semaphore_mem>>
      %dma_start3A = arith.constant 0 : i32
      %dma_start3A_63 = tpu.memref_slice %arg18[%add3A_8, %dma_start3A] : memref<10240x96xf32, #tpu.memory_space<vmem_shared>> -> memref<128x96xf32, #tpu.memory_space<vmem_shared>>
      %dma_start3A_64 = arith.constant 0 : i32
      %dma_start3A_65 = tpu.memref_slice %arg18[%add3A_8, %dma_start3A_64] : memref<10240x96xf32, #tpu.memory_space<vmem_shared>> -> memref<128x96xf32, #tpu.memory_space<vmem_shared>>
      tpu.enqueue_dma source(%arg17 : memref<128x96xf32, #tpu.memory_space<vmem>>) target(%dma_start3A_65 : memref<128x96xf32, #tpu.memory_space<vmem_shared>>) target_semaphore(%run_scoped3A : memref<!tpu.dma_semaphore, #tpu.memory_space<semaphore_mem>>)
      %dma_wait3A = arith.constant 0 : i32
      %dma_wait3A_66 = tpu.memref_slice %arg18[%add3A_8, %dma_wait3A] : memref<10240x96xf32, #tpu.memory_space<vmem_shared>> -> memref<128x96xf32, #tpu.memory_space<vmem_shared>>
      %dma_wait3A_67 = arith.constant 0 : i32
      %dma_wait3A_68 = tpu.memref_slice %arg18[%add3A_8, %dma_wait3A_67] : memref<10240x96xf32, #tpu.memory_space<vmem_shared>> -> memref<128x96xf32, #tpu.memory_space<vmem_shared>>
      tpu.wait_dma2 semaphore(%run_scoped3A : memref<!tpu.dma_semaphore, #tpu.memory_space<semaphore_mem>>) src(%arg17 : memref<128x96xf32, #tpu.memory_space<vmem>>) dst(%dma_wait3A_68 : memref<128x96xf32, #tpu.memory_space<vmem_shared>>)
      tpu.yield
    }) : () -> ()
    %mul3A_9 = arith.constant 640 : i32
    %mul3A_10 = arith.muli %arg1, %mul3A_9 : i32
    %add3A_11 = arith.constant 128 : i32
    %add3A_12 = arith.addi %mul3A_10, %add3A_11 : i32
    "tpu.region"() ({
      %run_scoped3A = tpu.sem_alloc : memref<!tpu.dma_semaphore, #tpu.memory_space<semaphore_mem>>
      %dma_start3A = arith.constant 0 : i32
      %dma_start3A_63 = tpu.memref_slice %arg18[%add3A_12, %dma_start3A] : memref<10240x96xf32, #tpu.memory_space<vmem_shared>> -> memref<128x96xf32, #tpu.memory_space<vmem_shared>>
      %dma_start3A_64 = arith.constant 0 : i32
      %dma_start3A_65 = tpu.memref_slice %arg18[%add3A_12, %dma_start3A_64] : memref<10240x96xf32, #tpu.memory_space<vmem_shared>> -> memref<128x96xf32, #tpu.memory_space<vmem_shared>>
      tpu.enqueue_dma source(%arg17 : memref<128x96xf32, #tpu.memory_space<vmem>>) target(%dma_start3A_65 : memref<128x96xf32, #tpu.memory_space<vmem_shared>>) target_semaphore(%run_scoped3A : memref<!tpu.dma_semaphore, #tpu.memory_space<semaphore_mem>>)
      %dma_wait3A = arith.constant 0 : i32
      %dma_wait3A_66 = tpu.memref_slice %arg18[%add3A_12, %dma_wait3A] : memref<10240x96xf32, #tpu.memory_space<vmem_shared>> -> memref<128x96xf32, #tpu.memory_space<vmem_shared>>
      %dma_wait3A_67 = arith.constant 0 : i32
      %dma_wait3A_68 = tpu.memref_slice %arg18[%add3A_12, %dma_wait3A_67] : memref<10240x96xf32, #tpu.memory_space<vmem_shared>> -> memref<128x96xf32, #tpu.memory_space<vmem_shared>>
      tpu.wait_dma2 semaphore(%run_scoped3A : memref<!tpu.dma_semaphore, #tpu.memory_space<semaphore_mem>>) src(%arg17 : memref<128x96xf32, #tpu.memory_space<vmem>>) dst(%dma_wait3A_68 : memref<128x96xf32, #tpu.memory_space<vmem_shared>>)
      tpu.yield
    }) : () -> ()
    %mul3A_13 = arith.constant 640 : i32
    %mul3A_14 = arith.muli %arg1, %mul3A_13 : i32
    %add3A_15 = arith.constant 256 : i32
    %add3A_16 = arith.addi %mul3A_14, %add3A_15 : i32
    "tpu.region"() ({
      %run_scoped3A = tpu.sem_alloc : memref<!tpu.dma_semaphore, #tpu.memory_space<semaphore_mem>>
      %dma_start3A = arith.constant 0 : i32
      %dma_start3A_63 = tpu.memref_slice %arg18[%add3A_16, %dma_start3A] : memref<10240x96xf32, #tpu.memory_space<vmem_shared>> -> memref<128x96xf32, #tpu.memory_space<vmem_shared>>
      %dma_start3A_64 = arith.constant 0 : i32
      %dma_start3A_65 = tpu.memref_slice %arg18[%add3A_16, %dma_start3A_64] : memref<10240x96xf32, #tpu.memory_space<vmem_shared>> -> memref<128x96xf32, #tpu.memory_space<vmem_shared>>
      tpu.enqueue_dma source(%arg17 : memref<128x96xf32, #tpu.memory_space<vmem>>) target(%dma_start3A_65 : memref<128x96xf32, #tpu.memory_space<vmem_shared>>) target_semaphore(%run_scoped3A : memref<!tpu.dma_semaphore, #tpu.memory_space<semaphore_mem>>)
      %dma_wait3A = arith.constant 0 : i32
      %dma_wait3A_66 = tpu.memref_slice %arg18[%add3A_16, %dma_wait3A] : memref<10240x96xf32, #tpu.memory_space<vmem_shared>> -> memref<128x96xf32, #tpu.memory_space<vmem_shared>>
      %dma_wait3A_67 = arith.constant 0 : i32
      %dma_wait3A_68 = tpu.memref_slice %arg18[%add3A_16, %dma_wait3A_67] : memref<10240x96xf32, #tpu.memory_space<vmem_shared>> -> memref<128x96xf32, #tpu.memory_space<vmem_shared>>
      tpu.wait_dma2 semaphore(%run_scoped3A : memref<!tpu.dma_semaphore, #tpu.memory_space<semaphore_mem>>) src(%arg17 : memref<128x96xf32, #tpu.memory_space<vmem>>) dst(%dma_wait3A_68 : memref<128x96xf32, #tpu.memory_space<vmem_shared>>)
      tpu.yield
    }) : () -> ()
    %mul3A_17 = arith.constant 640 : i32
    %mul3A_18 = arith.muli %arg1, %mul3A_17 : i32
    %add3A_19 = arith.constant 384 : i32
    %add3A_20 = arith.addi %mul3A_18, %add3A_19 : i32
    "tpu.region"() ({
      %run_scoped3A = tpu.sem_alloc : memref<!tpu.dma_semaphore, #tpu.memory_space<semaphore_mem>>
      %dma_start3A = arith.constant 0 : i32
      %dma_start3A_63 = tpu.memref_slice %arg18[%add3A_20, %dma_start3A] : memref<10240x96xf32, #tpu.memory_space<vmem_shared>> -> memref<128x96xf32, #tpu.memory_space<vmem_shared>>
      %dma_start3A_64 = arith.constant 0 : i32
      %dma_start3A_65 = tpu.memref_slice %arg18[%add3A_20, %dma_start3A_64] : memref<10240x96xf32, #tpu.memory_space<vmem_shared>> -> memref<128x96xf32, #tpu.memory_space<vmem_shared>>
      tpu.enqueue_dma source(%arg17 : memref<128x96xf32, #tpu.memory_space<vmem>>) target(%dma_start3A_65 : memref<128x96xf32, #tpu.memory_space<vmem_shared>>) target_semaphore(%run_scoped3A : memref<!tpu.dma_semaphore, #tpu.memory_space<semaphore_mem>>)
      %dma_wait3A = arith.constant 0 : i32
      %dma_wait3A_66 = tpu.memref_slice %arg18[%add3A_20, %dma_wait3A] : memref<10240x96xf32, #tpu.memory_space<vmem_shared>> -> memref<128x96xf32, #tpu.memory_space<vmem_shared>>
      %dma_wait3A_67 = arith.constant 0 : i32
      %dma_wait3A_68 = tpu.memref_slice %arg18[%add3A_20, %dma_wait3A_67] : memref<10240x96xf32, #tpu.memory_space<vmem_shared>> -> memref<128x96xf32, #tpu.memory_space<vmem_shared>>
      tpu.wait_dma2 semaphore(%run_scoped3A : memref<!tpu.dma_semaphore, #tpu.memory_space<semaphore_mem>>) src(%arg17 : memref<128x96xf32, #tpu.memory_space<vmem>>) dst(%dma_wait3A_68 : memref<128x96xf32, #tpu.memory_space<vmem_shared>>)
      tpu.yield
    }) : () -> ()
    %mul3A_21 = arith.constant 640 : i32
    %mul3A_22 = arith.muli %arg1, %mul3A_21 : i32
    %add3A_23 = arith.constant 512 : i32
    %add3A_24 = arith.addi %mul3A_22, %add3A_23 : i32
    "tpu.region"() ({
      %run_scoped3A = tpu.sem_alloc : memref<!tpu.dma_semaphore, #tpu.memory_space<semaphore_mem>>
      %dma_start3A = arith.constant 0 : i32
      %dma_start3A_63 = tpu.memref_slice %arg18[%add3A_24, %dma_start3A] : memref<10240x96xf32, #tpu.memory_space<vmem_shared>> -> memref<128x96xf32, #tpu.memory_space<vmem_shared>>
      %dma_start3A_64 = arith.constant 0 : i32
      %dma_start3A_65 = tpu.memref_slice %arg18[%add3A_24, %dma_start3A_64] : memref<10240x96xf32, #tpu.memory_space<vmem_shared>> -> memref<128x96xf32, #tpu.memory_space<vmem_shared>>
      tpu.enqueue_dma source(%arg17 : memref<128x96xf32, #tpu.memory_space<vmem>>) target(%dma_start3A_65 : memref<128x96xf32, #tpu.memory_space<vmem_shared>>) target_semaphore(%run_scoped3A : memref<!tpu.dma_semaphore, #tpu.memory_space<semaphore_mem>>)
      %dma_wait3A = arith.constant 0 : i32
      %dma_wait3A_66 = tpu.memref_slice %arg18[%add3A_24, %dma_wait3A] : memref<10240x96xf32, #tpu.memory_space<vmem_shared>> -> memref<128x96xf32, #tpu.memory_space<vmem_shared>>
      %dma_wait3A_67 = arith.constant 0 : i32
      %dma_wait3A_68 = tpu.memref_slice %arg18[%add3A_24, %dma_wait3A_67] : memref<10240x96xf32, #tpu.memory_space<vmem_shared>> -> memref<128x96xf32, #tpu.memory_space<vmem_shared>>
      tpu.wait_dma2 semaphore(%run_scoped3A : memref<!tpu.dma_semaphore, #tpu.memory_space<semaphore_mem>>) src(%arg17 : memref<128x96xf32, #tpu.memory_space<vmem>>) dst(%dma_wait3A_68 : memref<128x96xf32, #tpu.memory_space<vmem_shared>>)
      tpu.yield
    }) : () -> ()
    %barrier3A = arith.constant 0 : index
    tpu.barrier barrier_id(%barrier3A)
    %eq3A = arith.constant 0 : i32
    %eq3A_25 = arith.cmpi eq, %arg0, %eq3A : i32
    %convert_element_type3A = arith.extui %eq3A_25 : i1 to i32
    %cond3A = arith.constant 0 : i32
    %cond3A_26 = arith.cmpi ne, %convert_element_type3A, %cond3A : i32
    scf.if %cond3A_26 {
      %dma_start3A = arith.constant 0 : i32
      %dma_start3A_63 = arith.constant 0 : i32
      %dma_start3A_64 = arith.constant 0 : i32
      %dma_start3A_65 = tpu.memref_slice %arg16[%dma_start3A, %dma_start3A_63, %dma_start3A_64] : memref<2x80x96xf32, #tpu.memory_space<vmem>> -> memref<1x80x96xf32, #tpu.memory_space<vmem>>
      %dma_start3A_66 = tpu.memref_squeeze %dma_start3A_65 : memref<1x80x96xf32, #tpu.memory_space<vmem>> -> memref<80x96xf32, #tpu.memory_space<vmem>>
      %dma_start3A_67 = arith.constant 0 : i32
      %dma_start3A_68 = tpu.memref_slice %arg12[%dma_start3A_67] : memref<10000xi32, #tpu.memory_space<vmem>> -> memref<80xi32, #tpu.memory_space<vmem>>
      %dma_start3A_69 = arith.constant 0 : i32
      %dma_start3A_70 = arith.constant 0 : i32
      %dma_start3A_71 = tpu.memref_slice %arg2[%dma_start3A_69, %dma_start3A_70] : memref<10000x96xf32, #tpu.memory_space<hbm>> -> memref<10000x96xf32, #tpu.memory_space<hbm>>
      tpu.enqueue_indirect_dma source(%dma_start3A_71 : memref<10000x96xf32, #tpu.memory_space<hbm>>) target(%dma_start3A_66 : memref<80x96xf32, #tpu.memory_space<vmem>>) offsets(%dma_start3A_68 : memref<80xi32, #tpu.memory_space<vmem>>) semaphore(%arg19 : memref<!tpu.dma_semaphore, #tpu.memory_space<semaphore_mem>>)
      %add3A_72 = arith.constant 0 : i32
      %add3A_73 = arith.addi %mul3A_0, %add3A_72 : i32
      %dma_start3A_74 = arith.constant 0 : i32
      %dma_start3A_75 = arith.constant 0 : i32
      %dma_start3A_76 = arith.constant 0 : i32
      %dma_start3A_77 = tpu.memref_slice %arg14[%dma_start3A_74, %dma_start3A_75, %dma_start3A_76] : memref<2x80x64xf32, #tpu.memory_space<vmem>> -> memref<1x80x64xf32, #tpu.memory_space<vmem>>
      %dma_start3A_78 = tpu.memref_squeeze %dma_start3A_77 : memref<1x80x64xf32, #tpu.memory_space<vmem>> -> memref<80x64xf32, #tpu.memory_space<vmem>>
      %dma_start3A_79 = arith.constant 0 : i32
      %dma_start3A_80 = tpu.memref_slice %arg5[%add3A_73, %dma_start3A_79] : memref<160000x128xf32, #tpu.memory_space<hbm>> -> memref<80x64xf32, #tpu.memory_space<hbm>>
      %dma_start3A_81 = arith.constant 0 : i32
      %dma_start3A_82 = arith.constant 0 : i32
      %dma_start3A_83 = tpu.memref_slice %arg14[%dma_start3A_74, %dma_start3A_81, %dma_start3A_82] : memref<2x80x64xf32, #tpu.memory_space<vmem>> -> memref<1x80x64xf32, #tpu.memory_space<vmem>>
      %dma_start3A_84 = tpu.memref_squeeze %dma_start3A_83 : memref<1x80x64xf32, #tpu.memory_space<vmem>> -> memref<80x64xf32, #tpu.memory_space<vmem>>
      %dma_start3A_85 = arith.constant 0 : i32
      %dma_start3A_86 = tpu.memref_slice %arg5[%add3A_73, %dma_start3A_85] : memref<160000x128xf32, #tpu.memory_space<hbm>> -> memref<80x64xf32, #tpu.memory_space<hbm>>
      tpu.enqueue_dma source(%dma_start3A_86 : memref<80x64xf32, #tpu.memory_space<hbm>>) target(%dma_start3A_84 : memref<80x64xf32, #tpu.memory_space<vmem>>) target_semaphore(%arg21 : memref<!tpu.dma_semaphore, #tpu.memory_space<semaphore_mem>>)
      %add3A_87 = arith.constant 0 : i32
      %add3A_88 = arith.addi %mul3A_0, %add3A_87 : i32
      %dma_start3A_89 = arith.constant 0 : i32
      %dma_start3A_90 = arith.constant 0 : i32
      %dma_start3A_91 = tpu.memref_slice %arg13[%dma_start3A_89, %dma_start3A_90] : memref<2x80xi32, #tpu.memory_space<vmem>> -> memref<1x80xi32, #tpu.memory_space<vmem>>
      %dma_start3A_92 = tpu.memref_squeeze %dma_start3A_91 : memref<1x80xi32, #tpu.memory_space<vmem>> -> memref<80xi32, #tpu.memory_space<vmem>>
      %dma_start3A_93 = tpu.memref_slice %arg6[%add3A_88] : memref<160000xi32, #tpu.memory_space<hbm>> -> memref<80xi32, #tpu.memory_space<hbm>>
      %dma_start3A_94 = arith.constant 0 : i32
      %dma_start3A_95 = tpu.memref_slice %arg13[%dma_start3A_89, %dma_start3A_94] : memref<2x80xi32, #tpu.memory_space<vmem>> -> memref<1x80xi32, #tpu.memory_space<vmem>>
      %dma_start3A_96 = tpu.memref_squeeze %dma_start3A_95 : memref<1x80xi32, #tpu.memory_space<vmem>> -> memref<80xi32, #tpu.memory_space<vmem>>
      %dma_start3A_97 = tpu.memref_slice %arg6[%add3A_88] : memref<160000xi32, #tpu.memory_space<hbm>> -> memref<80xi32, #tpu.memory_space<hbm>>
      tpu.enqueue_dma source(%dma_start3A_97 : memref<80xi32, #tpu.memory_space<hbm>>) target(%dma_start3A_96 : memref<80xi32, #tpu.memory_space<vmem>>) target_semaphore(%arg23 : memref<!tpu.dma_semaphore, #tpu.memory_space<semaphore_mem>>)
      %dma_start3A_98 = arith.constant 1 : i32
      %dma_start3A_99 = arith.constant 0 : i32
      %dma_start3A_100 = arith.constant 0 : i32
      %dma_start3A_101 = tpu.memref_slice %arg16[%dma_start3A_98, %dma_start3A_99, %dma_start3A_100] : memref<2x80x96xf32, #tpu.memory_space<vmem>> -> memref<1x80x96xf32, #tpu.memory_space<vmem>>
      %dma_start3A_102 = tpu.memref_squeeze %dma_start3A_101 : memref<1x80x96xf32, #tpu.memory_space<vmem>> -> memref<80x96xf32, #tpu.memory_space<vmem>>
      %dma_start3A_103 = arith.constant 80 : i32
      %dma_start3A_104 = tpu.memref_slice %arg12[%dma_start3A_103] : memref<10000xi32, #tpu.memory_space<vmem>> -> memref<80xi32, #tpu.memory_space<vmem>>
      %dma_start3A_105 = arith.constant 0 : i32
      %dma_start3A_106 = arith.constant 0 : i32
      %dma_start3A_107 = tpu.memref_slice %arg2[%dma_start3A_105, %dma_start3A_106] : memref<10000x96xf32, #tpu.memory_space<hbm>> -> memref<10000x96xf32, #tpu.memory_space<hbm>>
      tpu.enqueue_indirect_dma source(%dma_start3A_107 : memref<10000x96xf32, #tpu.memory_space<hbm>>) target(%dma_start3A_102 : memref<80x96xf32, #tpu.memory_space<vmem>>) offsets(%dma_start3A_104 : memref<80xi32, #tpu.memory_space<vmem>>) semaphore(%arg20 : memref<!tpu.dma_semaphore, #tpu.memory_space<semaphore_mem>>)
      %add3A_108 = arith.constant 80 : i32
      %add3A_109 = arith.addi %mul3A_0, %add3A_108 : i32
      %dma_start3A_110 = arith.constant 1 : i32
      %dma_start3A_111 = arith.constant 0 : i32
      %dma_start3A_112 = arith.constant 0 : i32
      %dma_start3A_113 = tpu.memref_slice %arg14[%dma_start3A_110, %dma_start3A_111, %dma_start3A_112] : memref<2x80x64xf32, #tpu.memory_space<vmem>> -> memref<1x80x64xf32, #tpu.memory_space<vmem>>
      %dma_start3A_114 = tpu.memref_squeeze %dma_start3A_113 : memref<1x80x64xf32, #tpu.memory_space<vmem>> -> memref<80x64xf32, #tpu.memory_space<vmem>>
      %dma_start3A_115 = arith.constant 0 : i32
      %dma_start3A_116 = tpu.memref_slice %arg5[%add3A_109, %dma_start3A_115] : memref<160000x128xf32, #tpu.memory_space<hbm>> -> memref<80x64xf32, #tpu.memory_space<hbm>>
      %dma_start3A_117 = arith.constant 0 : i32
      %dma_start3A_118 = arith.constant 0 : i32
      %dma_start3A_119 = tpu.memref_slice %arg14[%dma_start3A_110, %dma_start3A_117, %dma_start3A_118] : memref<2x80x64xf32, #tpu.memory_space<vmem>> -> memref<1x80x64xf32, #tpu.memory_space<vmem>>
      %dma_start3A_120 = tpu.memref_squeeze %dma_start3A_119 : memref<1x80x64xf32, #tpu.memory_space<vmem>> -> memref<80x64xf32, #tpu.memory_space<vmem>>
      %dma_start3A_121 = arith.constant 0 : i32
      %dma_start3A_122 = tpu.memref_slice %arg5[%add3A_109, %dma_start3A_121] : memref<160000x128xf32, #tpu.memory_space<hbm>> -> memref<80x64xf32, #tpu.memory_space<hbm>>
      tpu.enqueue_dma source(%dma_start3A_122 : memref<80x64xf32, #tpu.memory_space<hbm>>) target(%dma_start3A_120 : memref<80x64xf32, #tpu.memory_space<vmem>>) target_semaphore(%arg22 : memref<!tpu.dma_semaphore, #tpu.memory_space<semaphore_mem>>)
      %add3A_123 = arith.constant 80 : i32
      %add3A_124 = arith.addi %mul3A_0, %add3A_123 : i32
      %dma_start3A_125 = arith.constant 1 : i32
      %dma_start3A_126 = arith.constant 0 : i32
      %dma_start3A_127 = tpu.memref_slice %arg13[%dma_start3A_125, %dma_start3A_126] : memref<2x80xi32, #tpu.memory_space<vmem>> -> memref<1x80xi32, #tpu.memory_space<vmem>>
      %dma_start3A_128 = tpu.memref_squeeze %dma_start3A_127 : memref<1x80xi32, #tpu.memory_space<vmem>> -> memref<80xi32, #tpu.memory_space<vmem>>
      %dma_start3A_129 = tpu.memref_slice %arg6[%add3A_124] : memref<160000xi32, #tpu.memory_space<hbm>> -> memref<80xi32, #tpu.memory_space<hbm>>
      %dma_start3A_130 = arith.constant 0 : i32
      %dma_start3A_131 = tpu.memref_slice %arg13[%dma_start3A_125, %dma_start3A_130] : memref<2x80xi32, #tpu.memory_space<vmem>> -> memref<1x80xi32, #tpu.memory_space<vmem>>
      %dma_start3A_132 = tpu.memref_squeeze %dma_start3A_131 : memref<1x80xi32, #tpu.memory_space<vmem>> -> memref<80xi32, #tpu.memory_space<vmem>>
      %dma_start3A_133 = tpu.memref_slice %arg6[%add3A_124] : memref<160000xi32, #tpu.memory_space<hbm>> -> memref<80xi32, #tpu.memory_space<hbm>>
      tpu.enqueue_dma source(%dma_start3A_133 : memref<80xi32, #tpu.memory_space<hbm>>) target(%dma_start3A_132 : memref<80xi32, #tpu.memory_space<vmem>>) target_semaphore(%arg24 : memref<!tpu.dma_semaphore, #tpu.memory_space<semaphore_mem>>)
      %scan3A_134 = arith.constant 0 : i32
      %scan3A_135 = arith.constant 0 : i32
      %scan3A_136 = arith.constant 62 : i32
      %scan3A_137 = arith.addi %scan3A_135, %scan3A_136 : i32
      %scan3A_138 = arith.constant 1 : i32
      scf.for %scan3A_203 = %scan3A_135 to %scan3A_137 step %scan3A_138  : i32 {
        %mul3A_204 = arith.constant 2 : i32
        %mul3A_205 = arith.muli %mul3A_204, %scan3A_203 : i32
        %add3A_206 = arith.constant 0 : i32
        %add3A_207 = arith.addi %add3A_206, %mul3A_205 : i32
        %mul3A_208 = arith.constant 80 : i32
        %mul3A_209 = arith.muli %add3A_207, %mul3A_208 : i32
        %dma_wait3A_210 = arith.constant 0 : i32
        %dma_wait3A_211 = arith.constant 0 : i32
        %dma_wait3A_212 = arith.constant 0 : i32
        %dma_wait3A_213 = tpu.memref_slice %arg16[%dma_wait3A_210, %dma_wait3A_211, %dma_wait3A_212] : memref<2x80x96xf32, #tpu.memory_space<vmem>> -> memref<1x80x96xf32, #tpu.memory_space<vmem>>
        %dma_wait3A_214 = tpu.memref_squeeze %dma_wait3A_213 : memref<1x80x96xf32, #tpu.memory_space<vmem>> -> memref<80x96xf32, #tpu.memory_space<vmem>>
        %dma_wait3A_215 = tpu.memref_slice %arg12[%mul3A_209] : memref<10000xi32, #tpu.memory_space<vmem>> -> memref<80xi32, #tpu.memory_space<vmem>>
        %dma_wait3A_216 = arith.constant 0 : i32
        %dma_wait3A_217 = arith.constant 0 : i32
        %dma_wait3A_218 = tpu.memref_slice %arg2[%dma_wait3A_216, %dma_wait3A_217] : memref<10000x96xf32, #tpu.memory_space<hbm>> -> memref<10000x96xf32, #tpu.memory_space<hbm>>
        tpu.wait_indirect_dma semaphore(%arg19 : memref<!tpu.dma_semaphore, #tpu.memory_space<semaphore_mem>>) src(%dma_wait3A_218 : memref<10000x96xf32, #tpu.memory_space<hbm>>) dst(%dma_wait3A_214 : memref<80x96xf32, #tpu.memory_space<vmem>>)
        %mul3A_219 = arith.constant 80 : i32
        %mul3A_220 = arith.muli %add3A_207, %mul3A_219 : i32
        %add3A_221 = arith.addi %mul3A_0, %mul3A_220 : i32
        %dma_wait3A_222 = arith.constant 0 : i32
        %dma_wait3A_223 = arith.constant 0 : i32
        %dma_wait3A_224 = arith.constant 0 : i32
        %dma_wait3A_225 = tpu.memref_slice %arg14[%dma_wait3A_222, %dma_wait3A_223, %dma_wait3A_224] : memref<2x80x64xf32, #tpu.memory_space<vmem>> -> memref<1x80x64xf32, #tpu.memory_space<vmem>>
        %dma_wait3A_226 = tpu.memref_squeeze %dma_wait3A_225 : memref<1x80x64xf32, #tpu.memory_space<vmem>> -> memref<80x64xf32, #tpu.memory_space<vmem>>
        %dma_wait3A_227 = arith.constant 0 : i32
        %dma_wait3A_228 = tpu.memref_slice %arg5[%add3A_221, %dma_wait3A_227] : memref<160000x128xf32, #tpu.memory_space<hbm>> -> memref<80x64xf32, #tpu.memory_space<hbm>>
        %dma_wait3A_229 = arith.constant 0 : i32
        %dma_wait3A_230 = arith.constant 0 : i32
        %dma_wait3A_231 = tpu.memref_slice %arg14[%dma_wait3A_222, %dma_wait3A_229, %dma_wait3A_230] : memref<2x80x64xf32, #tpu.memory_space<vmem>> -> memref<1x80x64xf32, #tpu.memory_space<vmem>>
        %dma_wait3A_232 = tpu.memref_squeeze %dma_wait3A_231 : memref<1x80x64xf32, #tpu.memory_space<vmem>> -> memref<80x64xf32, #tpu.memory_space<vmem>>
        %dma_wait3A_233 = arith.constant 0 : i32
        %dma_wait3A_234 = tpu.memref_slice %arg5[%add3A_221, %dma_wait3A_233] : memref<160000x128xf32, #tpu.memory_space<hbm>> -> memref<80x64xf32, #tpu.memory_space<hbm>>
        tpu.wait_dma2 semaphore(%arg21 : memref<!tpu.dma_semaphore, #tpu.memory_space<semaphore_mem>>) src(%dma_wait3A_234 : memref<80x64xf32, #tpu.memory_space<hbm>>) dst(%dma_wait3A_232 : memref<80x64xf32, #tpu.memory_space<vmem>>)
        %mul3A_235 = arith.constant 80 : i32
        %mul3A_236 = arith.muli %add3A_207, %mul3A_235 : i32
        %add3A_237 = arith.addi %mul3A_0, %mul3A_236 : i32
        %dma_wait3A_238 = arith.constant 0 : i32
        %dma_wait3A_239 = arith.constant 0 : i32
        %dma_wait3A_240 = tpu.memref_slice %arg13[%dma_wait3A_238, %dma_wait3A_239] : memref<2x80xi32, #tpu.memory_space<vmem>> -> memref<1x80xi32, #tpu.memory_space<vmem>>
        %dma_wait3A_241 = tpu.memref_squeeze %dma_wait3A_240 : memref<1x80xi32, #tpu.memory_space<vmem>> -> memref<80xi32, #tpu.memory_space<vmem>>
        %dma_wait3A_242 = tpu.memref_slice %arg6[%add3A_237] : memref<160000xi32, #tpu.memory_space<hbm>> -> memref<80xi32, #tpu.memory_space<hbm>>
        %dma_wait3A_243 = arith.constant 0 : i32
        %dma_wait3A_244 = tpu.memref_slice %arg13[%dma_wait3A_238, %dma_wait3A_243] : memref<2x80xi32, #tpu.memory_space<vmem>> -> memref<1x80xi32, #tpu.memory_space<vmem>>
        %dma_wait3A_245 = tpu.memref_squeeze %dma_wait3A_244 : memref<1x80xi32, #tpu.memory_space<vmem>> -> memref<80xi32, #tpu.memory_space<vmem>>
        %dma_wait3A_246 = tpu.memref_slice %arg6[%add3A_237] : memref<160000xi32, #tpu.memory_space<hbm>> -> memref<80xi32, #tpu.memory_space<hbm>>
        tpu.wait_dma2 semaphore(%arg23 : memref<!tpu.dma_semaphore, #tpu.memory_space<semaphore_mem>>) src(%dma_wait3A_246 : memref<80xi32, #tpu.memory_space<hbm>>) dst(%dma_wait3A_245 : memref<80xi32, #tpu.memory_space<vmem>>)
        %scan3A_247 = arith.constant 0 : i32
        %scan3A_248 = arith.constant 0 : i32
        %scan3A_249 = arith.constant 80 : i32
        %scan3A_250 = arith.addi %scan3A_248, %scan3A_249 : i32
        %scan3A_251 = arith.constant 1 : i32
        scf.for %scan3A_321 = %scan3A_248 to %scan3A_250 step %scan3A_251  : i32 {
          %get3A = arith.constant 0 : i32
          %get3A_322 = arith.index_cast %get3A : i32 to index
          %get3A_323 = arith.index_cast %scan3A_321 : i32 to index
          %get3A_324 = arith.constant 0 : index
          %get3A_325 = tpu.vector_load %arg14[%get3A_322, %get3A_323, %get3A_324] {strides = array<i32>} : memref<2x80x64xf32, #tpu.memory_space<vmem>>, vector<1x1x16xf32>,
          %get3A_326 = vector.shape_cast %get3A_325 : vector<1x1x16xf32> to vector<16xf32>
          %get3A_327 = arith.constant 0 : i32
          %get3A_328 = arith.index_cast %get3A_327 : i32 to index
          %get3A_329 = arith.index_cast %scan3A_321 : i32 to index
          %get3A_330 = arith.constant 16 : index
          %get3A_331 = tpu.vector_load %arg14[%get3A_328, %get3A_329, %get3A_330] {strides = array<i32>} : memref<2x80x64xf32, #tpu.memory_space<vmem>>, vector<1x1x16xf32>,
          %get3A_332 = vector.shape_cast %get3A_331 : vector<1x1x16xf32> to vector<16xf32>
          %get3A_333 = arith.constant 0 : i32
          %get3A_334 = arith.index_cast %get3A_333 : i32 to index
          %get3A_335 = arith.index_cast %scan3A_321 : i32 to index
          %get3A_336 = arith.constant 32 : index
          %get3A_337 = tpu.vector_load %arg14[%get3A_334, %get3A_335, %get3A_336] {strides = array<i32>} : memref<2x80x64xf32, #tpu.memory_space<vmem>>, vector<1x1x16xf32>,
          %get3A_338 = vector.shape_cast %get3A_337 : vector<1x1x16xf32> to vector<16xf32>
          %get3A_339 = arith.constant 0 : i32
          %get3A_340 = arith.index_cast %get3A_339 : i32 to index
          %get3A_341 = arith.index_cast %scan3A_321 : i32 to index
          %get3A_342 = arith.constant 48 : index
          %get3A_343 = tpu.vector_load %arg14[%get3A_340, %get3A_341, %get3A_342] {strides = array<i32>} : memref<2x80x64xf32, #tpu.memory_space<vmem>>, vector<1x1x16xf32>,
          %get3A_344 = vector.shape_cast %get3A_343 : vector<1x1x16xf32> to vector<16xf32>
          %get3A_345 = arith.constant 0 : i32
          %get3A_346 = arith.index_cast %get3A_345 : i32 to index
          %get3A_347 = arith.index_cast %scan3A_321 : i32 to index
          %get3A_348 = arith.constant 0 : index
          %get3A_349 = tpu.vector_load %arg16[%get3A_346, %get3A_347, %get3A_348] {strides = array<i32>} : memref<2x80x96xf32, #tpu.memory_space<vmem>>, vector<1x1x16xf32>,
          %get3A_350 = vector.shape_cast %get3A_349 : vector<1x1x16xf32> to vector<16xf32>
          %mul3A_351 = arith.mulf %get3A_350, %get3A_326 : vector<16xf32>
          %swap3A = arith.constant 0 : i32
          %swap3A_352 = arith.index_cast %swap3A : i32 to index
          %swap3A_353 = arith.index_cast %scan3A_321 : i32 to index
          %swap3A_354 = arith.constant 0 : index
          %swap3A_355 = tpu.vector_load %arg16[%swap3A_352, %swap3A_353, %swap3A_354] {strides = array<i32>} : memref<2x80x96xf32, #tpu.memory_space<vmem>>, vector<1x1x16xf32>,
          %swap3A_356 = vector.shape_cast %swap3A_355 : vector<1x1x16xf32> to vector<16xf32>
          %swap3A_357 = vector.shape_cast %mul3A_351 : vector<16xf32> to vector<1x1x16xf32>
          tpu.vector_store %arg16[%swap3A_352, %swap3A_353, %swap3A_354], %swap3A_357 {strides = array<i32>} : memref<2x80x96xf32, #tpu.memory_space<vmem>>, vector<1x1x16xf32>,
          %get3A_358 = arith.constant 0 : i32
          %get3A_359 = arith.index_cast %get3A_358 : i32 to index
          %get3A_360 = arith.index_cast %scan3A_321 : i32 to index
          %get3A_361 = arith.constant 16 : index
          %get3A_362 = tpu.vector_load %arg16[%get3A_359, %get3A_360, %get3A_361] {strides = array<i32>} : memref<2x80x96xf32, #tpu.memory_space<vmem>>, vector<1x1x16xf32>,
          %get3A_363 = vector.shape_cast %get3A_362 : vector<1x1x16xf32> to vector<16xf32>
          %mul3A_364 = arith.mulf %get3A_363, %get3A_332 : vector<16xf32>
          %swap3A_365 = arith.constant 0 : i32
          %swap3A_366 = arith.index_cast %swap3A_365 : i32 to index
          %swap3A_367 = arith.index_cast %scan3A_321 : i32 to index
          %swap3A_368 = arith.constant 16 : index
          %swap3A_369 = tpu.vector_load %arg16[%swap3A_366, %swap3A_367, %swap3A_368] {strides = array<i32>} : memref<2x80x96xf32, #tpu.memory_space<vmem>>, vector<1x1x16xf32>,
          %swap3A_370 = vector.shape_cast %swap3A_369 : vector<1x1x16xf32> to vector<16xf32>
          %swap3A_371 = vector.shape_cast %mul3A_364 : vector<16xf32> to vector<1x1x16xf32>
          tpu.vector_store %arg16[%swap3A_366, %swap3A_367, %swap3A_368], %swap3A_371 {strides = array<i32>} : memref<2x80x96xf32, #tpu.memory_space<vmem>>, vector<1x1x16xf32>,
          %get3A_372 = arith.constant 0 : i32
          %get3A_373 = arith.index_cast %get3A_372 : i32 to index
          %get3A_374 = arith.index_cast %scan3A_321 : i32 to index
          %get3A_375 = arith.constant 32 : index
          %get3A_376 = tpu.vector_load %arg16[%get3A_373, %get3A_374, %get3A_375] {strides = array<i32>} : memref<2x80x96xf32, #tpu.memory_space<vmem>>, vector<1x1x16xf32>,
          %get3A_377 = vector.shape_cast %get3A_376 : vector<1x1x16xf32> to vector<16xf32>
          %mul3A_378 = arith.mulf %get3A_377, %get3A_338 : vector<16xf32>
          %swap3A_379 = arith.constant 0 : i32
          %swap3A_380 = arith.index_cast %swap3A_379 : i32 to index
          %swap3A_381 = arith.index_cast %scan3A_321 : i32 to index
          %swap3A_382 = arith.constant 32 : index
          %swap3A_383 = tpu.vector_load %arg16[%swap3A_380, %swap3A_381, %swap3A_382] {strides = array<i32>} : memref<2x80x96xf32, #tpu.memory_space<vmem>>, vector<1x1x16xf32>,
          %swap3A_384 = vector.shape_cast %swap3A_383 : vector<1x1x16xf32> to vector<16xf32>
          %swap3A_385 = vector.shape_cast %mul3A_378 : vector<16xf32> to vector<1x1x16xf32>
          tpu.vector_store %arg16[%swap3A_380, %swap3A_381, %swap3A_382], %swap3A_385 {strides = array<i32>} : memref<2x80x96xf32, #tpu.memory_space<vmem>>, vector<1x1x16xf32>,
          %get3A_386 = arith.constant 0 : i32
          %get3A_387 = arith.index_cast %get3A_386 : i32 to index
          %get3A_388 = arith.index_cast %scan3A_321 : i32 to index
          %get3A_389 = arith.constant 48 : index
          %get3A_390 = tpu.vector_load %arg16[%get3A_387, %get3A_388, %get3A_389] {strides = array<i32>} : memref<2x80x96xf32, #tpu.memory_space<vmem>>, vector<1x1x16xf32>,
          %get3A_391 = vector.shape_cast %get3A_390 : vector<1x1x16xf32> to vector<16xf32>
          %mul3A_392 = arith.mulf %get3A_391, %get3A_344 : vector<16xf32>
          %swap3A_393 = arith.constant 0 : i32
          %swap3A_394 = arith.index_cast %swap3A_393 : i32 to index
          %swap3A_395 = arith.index_cast %scan3A_321 : i32 to index
          %swap3A_396 = arith.constant 48 : index
          %swap3A_397 = tpu.vector_load %arg16[%swap3A_394, %swap3A_395, %swap3A_396] {strides = array<i32>} : memref<2x80x96xf32, #tpu.memory_space<vmem>>, vector<1x1x16xf32>,
          %swap3A_398 = vector.shape_cast %swap3A_397 : vector<1x1x16xf32> to vector<16xf32>
          %swap3A_399 = vector.shape_cast %mul3A_392 : vector<16xf32> to vector<1x1x16xf32>
          tpu.vector_store %arg16[%swap3A_394, %swap3A_395, %swap3A_396], %swap3A_399 {strides = array<i32>} : memref<2x80x96xf32, #tpu.memory_space<vmem>>, vector<1x1x16xf32>,
          %get3A_400 = arith.constant 0 : i32
          %get3A_401 = arith.index_cast %get3A_400 : i32 to index
          %get3A_402 = arith.index_cast %scan3A_321 : i32 to index
          %get3A_403 = arith.constant 64 : index
          %get3A_404 = tpu.vector_load %arg16[%get3A_401, %get3A_402, %get3A_403] {strides = array<i32>} : memref<2x80x96xf32, #tpu.memory_space<vmem>>, vector<1x1x16xf32>,
          %get3A_405 = vector.shape_cast %get3A_404 : vector<1x1x16xf32> to vector<16xf32>
          %mul3A_406 = arith.mulf %get3A_405, %get3A_338 : vector<16xf32>
          %swap3A_407 = arith.constant 0 : i32
          %swap3A_408 = arith.index_cast %swap3A_407 : i32 to index
          %swap3A_409 = arith.index_cast %scan3A_321 : i32 to index
          %swap3A_410 = arith.constant 64 : index
          %swap3A_411 = tpu.vector_load %arg16[%swap3A_408, %swap3A_409, %swap3A_410] {strides = array<i32>} : memref<2x80x96xf32, #tpu.memory_space<vmem>>, vector<1x1x16xf32>,
          %swap3A_412 = vector.shape_cast %swap3A_411 : vector<1x1x16xf32> to vector<16xf32>
          %swap3A_413 = vector.shape_cast %mul3A_406 : vector<16xf32> to vector<1x1x16xf32>
          tpu.vector_store %arg16[%swap3A_408, %swap3A_409, %swap3A_410], %swap3A_413 {strides = array<i32>} : memref<2x80x96xf32, #tpu.memory_space<vmem>>, vector<1x1x16xf32>,
          %get3A_414 = arith.constant 0 : i32
          %get3A_415 = arith.index_cast %get3A_414 : i32 to index
          %get3A_416 = arith.index_cast %scan3A_321 : i32 to index
          %get3A_417 = arith.constant 80 : index
          %get3A_418 = tpu.vector_load %arg16[%get3A_415, %get3A_416, %get3A_417] {strides = array<i32>} : memref<2x80x96xf32, #tpu.memory_space<vmem>>, vector<1x1x16xf32>,
          %get3A_419 = vector.shape_cast %get3A_418 : vector<1x1x16xf32> to vector<16xf32>
          %mul3A_420 = arith.mulf %get3A_419, %get3A_344 : vector<16xf32>
          %swap3A_421 = arith.constant 0 : i32
          %swap3A_422 = arith.index_cast %swap3A_421 : i32 to index
          %swap3A_423 = arith.index_cast %scan3A_321 : i32 to index
          %swap3A_424 = arith.constant 80 : index
          %swap3A_425 = tpu.vector_load %arg16[%swap3A_422, %swap3A_423, %swap3A_424] {strides = array<i32>} : memref<2x80x96xf32, #tpu.memory_space<vmem>>, vector<1x1x16xf32>,
          %swap3A_426 = vector.shape_cast %swap3A_425 : vector<1x1x16xf32> to vector<16xf32>
          %swap3A_427 = vector.shape_cast %mul3A_420 : vector<16xf32> to vector<1x1x16xf32>
          tpu.vector_store %arg16[%swap3A_422, %swap3A_423, %swap3A_424], %swap3A_427 {strides = array<i32>} : memref<2x80x96xf32, #tpu.memory_space<vmem>>, vector<1x1x16xf32>,
        }
        %scan3A_252 = arith.constant 80 : i32
        %run_scoped3A_253 = arith.constant 0 : i32
        %run_scoped3A_254 = arith.constant 0 : i32
        "tpu.region"() ({
          %run_scoped3A_321 = tpu.sem_alloc : memref<!tpu.dma_semaphore, #tpu.memory_space<semaphore_mem>>
          %dma_start3A_322 = arith.constant 0 : i32
          %dma_start3A_323 = arith.constant 0 : i32
          %dma_start3A_324 = tpu.memref_slice %arg16[%run_scoped3A_253, %dma_start3A_322, %dma_start3A_323] : memref<2x80x96xf32, #tpu.memory_space<vmem>> -> memref<1x80x96xf32, #tpu.memory_space<vmem>>
          %dma_start3A_325 = tpu.memref_squeeze %dma_start3A_324 : memref<1x80x96xf32, #tpu.memory_space<vmem>> -> memref<80x96xf32, #tpu.memory_space<vmem>>
          %dma_start3A_326 = arith.constant 0 : i32
          %dma_start3A_327 = tpu.memref_slice %arg13[%run_scoped3A_254, %dma_start3A_326] : memref<2x80xi32, #tpu.memory_space<vmem>> -> memref<1x80xi32, #tpu.memory_space<vmem>>
          %dma_start3A_328 = tpu.memref_squeeze %dma_start3A_327 : memref<1x80xi32, #tpu.memory_space<vmem>> -> memref<80xi32, #tpu.memory_space<vmem>>
          %dma_start3A_329 = arith.constant 0 : i32
          %dma_start3A_330 = arith.constant 0 : i32
          %dma_start3A_331 = tpu.memref_slice %arg18[%dma_start3A_329, %dma_start3A_330] : memref<10240x96xf32, #tpu.memory_space<vmem_shared>> -> memref<10240x96xf32, #tpu.memory_space<vmem_shared>>
          tpu.enqueue_indirect_dma source(%dma_start3A_325 : memref<80x96xf32, #tpu.memory_space<vmem>>) target(%dma_start3A_331 : memref<10240x96xf32, #tpu.memory_space<vmem_shared>>) offsets(%dma_start3A_328 : memref<80xi32, #tpu.memory_space<vmem>>) semaphore(%run_scoped3A_321 : memref<!tpu.dma_semaphore, #tpu.memory_space<semaphore_mem>>) {add = true}
          %dma_wait3A_332 = arith.constant 0 : i32
          %dma_wait3A_333 = arith.constant 0 : i32
          %dma_wait3A_334 = tpu.memref_slice %arg16[%run_scoped3A_253, %dma_wait3A_332, %dma_wait3A_333] : memref<2x80x96xf32, #tpu.memory_space<vmem>> -> memref<1x80x96xf32, #tpu.memory_space<vmem>>
          %dma_wait3A_335 = tpu.memref_squeeze %dma_wait3A_334 : memref<1x80x96xf32, #tpu.memory_space<vmem>> -> memref<80x96xf32, #tpu.memory_space<vmem>>
          %dma_wait3A_336 = arith.constant 0 : i32
          %dma_wait3A_337 = tpu.memref_slice %arg13[%run_scoped3A_254, %dma_wait3A_336] : memref<2x80xi32, #tpu.memory_space<vmem>> -> memref<1x80xi32, #tpu.memory_space<vmem>>
          %dma_wait3A_338 = tpu.memref_squeeze %dma_wait3A_337 : memref<1x80xi32, #tpu.memory_space<vmem>> -> memref<80xi32, #tpu.memory_space<vmem>>
          %dma_wait3A_339 = arith.constant 0 : i32
          %dma_wait3A_340 = arith.constant 0 : i32
          %dma_wait3A_341 = tpu.memref_slice %arg18[%dma_wait3A_339, %dma_wait3A_340] : memref<10240x96xf32, #tpu.memory_space<vmem_shared>> -> memref<10240x96xf32, #tpu.memory_space<vmem_shared>>
          tpu.wait_indirect_dma semaphore(%run_scoped3A_321 : memref<!tpu.dma_semaphore, #tpu.memory_space<semaphore_mem>>) src(%dma_wait3A_335 : memref<80x96xf32, #tpu.memory_space<vmem>>) dst(%dma_wait3A_341 : memref<10240x96xf32, #tpu.memory_space<vmem_shared>>)
          tpu.yield
        }) : () -> ()
        %add3A_255 = arith.constant 2 : i32
        %add3A_256 = arith.addi %add3A_207, %add3A_255 : i32
        %lt3A = arith.constant 125 : i32
        %lt3A_257 = arith.cmpi slt, %add3A_256, %lt3A : i32
        %convert_element_type3A_258 = arith.extui %lt3A_257 : i1 to i32
        %cond3A_259 = arith.constant 0 : i32
        %cond3A_260 = arith.cmpi ne, %convert_element_type3A_258, %cond3A_259 : i32
        scf.if %cond3A_260 {
          %add3A_321 = arith.constant 2 : i32
          %add3A_322 = arith.addi %add3A_207, %add3A_321 : i32
          %mul3A_323 = arith.constant 80 : i32
          %mul3A_324 = arith.muli %add3A_322, %mul3A_323 : i32
          %dma_start3A_325 = arith.constant 0 : i32
          %dma_start3A_326 = arith.constant 0 : i32
          %dma_start3A_327 = arith.constant 0 : i32
          %dma_start3A_328 = tpu.memref_slice %arg16[%dma_start3A_325, %dma_start3A_326, %dma_start3A_327] : memref<2x80x96xf32, #tpu.memory_space<vmem>> -> memref<1x80x96xf32, #tpu.memory_space<vmem>>
          %dma_start3A_329 = tpu.memref_squeeze %dma_start3A_328 : memref<1x80x96xf32, #tpu.memory_space<vmem>> -> memref<80x96xf32, #tpu.memory_space<vmem>>
          %dma_start3A_330 = tpu.memref_slice %arg12[%mul3A_324] : memref<10000xi32, #tpu.memory_space<vmem>> -> memref<80xi32, #tpu.memory_space<vmem>>
          %dma_start3A_331 = arith.constant 0 : i32
          %dma_start3A_332 = arith.constant 0 : i32
          %dma_start3A_333 = tpu.memref_slice %arg2[%dma_start3A_331, %dma_start3A_332] : memref<10000x96xf32, #tpu.memory_space<hbm>> -> memref<10000x96xf32, #tpu.memory_space<hbm>>
          tpu.enqueue_indirect_dma source(%dma_start3A_333 : memref<10000x96xf32, #tpu.memory_space<hbm>>) target(%dma_start3A_329 : memref<80x96xf32, #tpu.memory_space<vmem>>) offsets(%dma_start3A_330 : memref<80xi32, #tpu.memory_space<vmem>>) semaphore(%arg19 : memref<!tpu.dma_semaphore, #tpu.memory_space<semaphore_mem>>)
          %mul3A_334 = arith.constant 80 : i32
          %mul3A_335 = arith.muli %add3A_322, %mul3A_334 : i32
          %add3A_336 = arith.addi %mul3A_0, %mul3A_335 : i32
          %dma_start3A_337 = arith.constant 0 : i32
          %dma_start3A_338 = arith.constant 0 : i32
          %dma_start3A_339 = arith.constant 0 : i32
          %dma_start3A_340 = tpu.memref_slice %arg14[%dma_start3A_337, %dma_start3A_338, %dma_start3A_339] : memref<2x80x64xf32, #tpu.memory_space<vmem>> -> memref<1x80x64xf32, #tpu.memory_space<vmem>>
          %dma_start3A_341 = tpu.memref_squeeze %dma_start3A_340 : memref<1x80x64xf32, #tpu.memory_space<vmem>> -> memref<80x64xf32, #tpu.memory_space<vmem>>
          %dma_start3A_342 = arith.constant 0 : i32
          %dma_start3A_343 = tpu.memref_slice %arg5[%add3A_336, %dma_start3A_342] : memref<160000x128xf32, #tpu.memory_space<hbm>> -> memref<80x64xf32, #tpu.memory_space<hbm>>
          %dma_start3A_344 = arith.constant 0 : i32
          %dma_start3A_345 = arith.constant 0 : i32
          %dma_start3A_346 = tpu.memref_slice %arg14[%dma_start3A_337, %dma_start3A_344, %dma_start3A_345] : memref<2x80x64xf32, #tpu.memory_space<vmem>> -> memref<1x80x64xf32, #tpu.memory_space<vmem>>
          %dma_start3A_347 = tpu.memref_squeeze %dma_start3A_346 : memref<1x80x64xf32, #tpu.memory_space<vmem>> -> memref<80x64xf32, #tpu.memory_space<vmem>>
          %dma_start3A_348 = arith.constant 0 : i32
          %dma_start3A_349 = tpu.memref_slice %arg5[%add3A_336, %dma_start3A_348] : memref<160000x128xf32, #tpu.memory_space<hbm>> -> memref<80x64xf32, #tpu.memory_space<hbm>>
          tpu.enqueue_dma source(%dma_start3A_349 : memref<80x64xf32, #tpu.memory_space<hbm>>) target(%dma_start3A_347 : memref<80x64xf32, #tpu.memory_space<vmem>>) target_semaphore(%arg21 : memref<!tpu.dma_semaphore, #tpu.memory_space<semaphore_mem>>)
          %mul3A_350 = arith.constant 80 : i32
          %mul3A_351 = arith.muli %add3A_322, %mul3A_350 : i32
          %add3A_352 = arith.addi %mul3A_0, %mul3A_351 : i32
          %dma_start3A_353 = arith.constant 0 : i32
          %dma_start3A_354 = arith.constant 0 : i32
          %dma_start3A_355 = tpu.memref_slice %arg13[%dma_start3A_353, %dma_start3A_354] : memref<2x80xi32, #tpu.memory_space<vmem>> -> memref<1x80xi32, #tpu.memory_space<vmem>>
          %dma_start3A_356 = tpu.memref_squeeze %dma_start3A_355 : memref<1x80xi32, #tpu.memory_space<vmem>> -> memref<80xi32, #tpu.memory_space<vmem>>
          %dma_start3A_357 = tpu.memref_slice %arg6[%add3A_352] : memref<160000xi32, #tpu.memory_space<hbm>> -> memref<80xi32, #tpu.memory_space<hbm>>
          %dma_start3A_358 = arith.constant 0 : i32
          %dma_start3A_359 = tpu.memref_slice %arg13[%dma_start3A_353, %dma_start3A_358] : memref<2x80xi32, #tpu.memory_space<vmem>> -> memref<1x80xi32, #tpu.memory_space<vmem>>
          %dma_start3A_360 = tpu.memref_squeeze %dma_start3A_359 : memref<1x80xi32, #tpu.memory_space<vmem>> -> memref<80xi32, #tpu.memory_space<vmem>>
          %dma_start3A_361 = tpu.memref_slice %arg6[%add3A_352] : memref<160000xi32, #tpu.memory_space<hbm>> -> memref<80xi32, #tpu.memory_space<hbm>>
          tpu.enqueue_dma source(%dma_start3A_361 : memref<80xi32, #tpu.memory_space<hbm>>) target(%dma_start3A_360 : memref<80xi32, #tpu.memory_space<vmem>>) target_semaphore(%arg23 : memref<!tpu.dma_semaphore, #tpu.memory_space<semaphore_mem>>)
        } else {
        }
        %mul3A_261 = arith.constant 2 : i32
        %mul3A_262 = arith.muli %mul3A_261, %scan3A_203 : i32
        %add3A_263 = arith.constant 0 : i32
        %add3A_264 = arith.addi %add3A_263, %mul3A_262 : i32
        %add3A_265 = arith.constant 1 : i32
        %add3A_266 = arith.addi %add3A_264, %add3A_265 : i32
        %mul3A_267 = arith.constant 80 : i32
        %mul3A_268 = arith.muli %add3A_266, %mul3A_267 : i32
        %dma_wait3A_269 = arith.constant 1 : i32
        %dma_wait3A_270 = arith.constant 0 : i32
        %dma_wait3A_271 = arith.constant 0 : i32
        %dma_wait3A_272 = tpu.memref_slice %arg16[%dma_wait3A_269, %dma_wait3A_270, %dma_wait3A_271] : memref<2x80x96xf32, #tpu.memory_space<vmem>> -> memref<1x80x96xf32, #tpu.memory_space<vmem>>
        %dma_wait3A_273 = tpu.memref_squeeze %dma_wait3A_272 : memref<1x80x96xf32, #tpu.memory_space<vmem>> -> memref<80x96xf32, #tpu.memory_space<vmem>>
        %dma_wait3A_274 = tpu.memref_slice %arg12[%mul3A_268] : memref<10000xi32, #tpu.memory_space<vmem>> -> memref<80xi32, #tpu.memory_space<vmem>>
        %dma_wait3A_275 = arith.constant 0 : i32
        %dma_wait3A_276 = arith.constant 0 : i32
        %dma_wait3A_277 = tpu.memref_slice %arg2[%dma_wait3A_275, %dma_wait3A_276] : memref<10000x96xf32, #tpu.memory_space<hbm>> -> memref<10000x96xf32, #tpu.memory_space<hbm>>
        tpu.wait_indirect_dma semaphore(%arg20 : memref<!tpu.dma_semaphore, #tpu.memory_space<semaphore_mem>>) src(%dma_wait3A_277 : memref<10000x96xf32, #tpu.memory_space<hbm>>) dst(%dma_wait3A_273 : memref<80x96xf32, #tpu.memory_space<vmem>>)
        %mul3A_278 = arith.constant 80 : i32
        %mul3A_279 = arith.muli %add3A_266, %mul3A_278 : i32
        %add3A_280 = arith.addi %mul3A_0, %mul3A_279 : i32
        %dma_wait3A_281 = arith.constant 1 : i32
        %dma_wait3A_282 = arith.constant 0 : i32
        %dma_wait3A_283 = arith.constant 0 : i32
        %dma_wait3A_284 = tpu.memref_slice %arg14[%dma_wait3A_281, %dma_wait3A_282, %dma_wait3A_283] : memref<2x80x64xf32, #tpu.memory_space<vmem>> -> memref<1x80x64xf32, #tpu.memory_space<vmem>>
        %dma_wait3A_285 = tpu.memref_squeeze %dma_wait3A_284 : memref<1x80x64xf32, #tpu.memory_space<vmem>> -> memref<80x64xf32, #tpu.memory_space<vmem>>
        %dma_wait3A_286 = arith.constant 0 : i32
        %dma_wait3A_287 = tpu.memref_slice %arg5[%add3A_280, %dma_wait3A_286] : memref<160000x128xf32, #tpu.memory_space<hbm>> -> memref<80x64xf32, #tpu.memory_space<hbm>>
        %dma_wait3A_288 = arith.constant 0 : i32
        %dma_wait3A_289 = arith.constant 0 : i32
        %dma_wait3A_290 = tpu.memref_slice %arg14[%dma_wait3A_281, %dma_wait3A_288, %dma_wait3A_289] : memref<2x80x64xf32, #tpu.memory_space<vmem>> -> memref<1x80x64xf32, #tpu.memory_space<vmem>>
        %dma_wait3A_291 = tpu.memref_squeeze %dma_wait3A_290 : memref<1x80x64xf32, #tpu.memory_space<vmem>> -> memref<80x64xf32, #tpu.memory_space<vmem>>
        %dma_wait3A_292 = arith.constant 0 : i32
        %dma_wait3A_293 = tpu.memref_slice %arg5[%add3A_280, %dma_wait3A_292] : memref<160000x128xf32, #tpu.memory_space<hbm>> -> memref<80x64xf32, #tpu.memory_space<hbm>>
        tpu.wait_dma2 semaphore(%arg22 : memref<!tpu.dma_semaphore, #tpu.memory_space<semaphore_mem>>) src(%dma_wait3A_293 : memref<80x64xf32, #tpu.memory_space<hbm>>) dst(%dma_wait3A_291 : memref<80x64xf32, #tpu.memory_space<vmem>>)
        %mul3A_294 = arith.constant 80 : i32
        %mul3A_295 = arith.muli %add3A_266, %mul3A_294 : i32
        %add3A_296 = arith.addi %mul3A_0, %mul3A_295 : i32
        %dma_wait3A_297 = arith.constant 1 : i32
        %dma_wait3A_298 = arith.constant 0 : i32
        %dma_wait3A_299 = tpu.memref_slice %arg13[%dma_wait3A_297, %dma_wait3A_298] : memref<2x80xi32, #tpu.memory_space<vmem>> -> memref<1x80xi32, #tpu.memory_space<vmem>>
        %dma_wait3A_300 = tpu.memref_squeeze %dma_wait3A_299 : memref<1x80xi32, #tpu.memory_space<vmem>> -> memref<80xi32, #tpu.memory_space<vmem>>
        %dma_wait3A_301 = tpu.memref_slice %arg6[%add3A_296] : memref<160000xi32, #tpu.memory_space<hbm>> -> memref<80xi32, #tpu.memory_space<hbm>>
        %dma_wait3A_302 = arith.constant 0 : i32
        %dma_wait3A_303 = tpu.memref_slice %arg13[%dma_wait3A_297, %dma_wait3A_302] : memref<2x80xi32, #tpu.memory_space<vmem>> -> memref<1x80xi32, #tpu.memory_space<vmem>>
        %dma_wait3A_304 = tpu.memref_squeeze %dma_wait3A_303 : memref<1x80xi32, #tpu.memory_space<vmem>> -> memref<80xi32, #tpu.memory_space<vmem>>
        %dma_wait3A_305 = tpu.memref_slice %arg6[%add3A_296] : memref<160000xi32, #tpu.memory_space<hbm>> -> memref<80xi32, #tpu.memory_space<hbm>>
        tpu.wait_dma2 semaphore(%arg24 : memref<!tpu.dma_semaphore, #tpu.memory_space<semaphore_mem>>) src(%dma_wait3A_305 : memref<80xi32, #tpu.memory_space<hbm>>) dst(%dma_wait3A_304 : memref<80xi32, #tpu.memory_space<vmem>>)
        %scan3A_306 = arith.constant 0 : i32
        %scan3A_307 = arith.constant 0 : i32
        %scan3A_308 = arith.constant 80 : i32
        %scan3A_309 = arith.addi %scan3A_307, %scan3A_308 : i32
        %scan3A_310 = arith.constant 1 : i32
        scf.for %scan3A_321 = %scan3A_307 to %scan3A_309 step %scan3A_310  : i32 {
          %get3A = arith.constant 1 : i32
          %get3A_322 = arith.index_cast %get3A : i32 to index
          %get3A_323 = arith.index_cast %scan3A_321 : i32 to index
          %get3A_324 = arith.constant 0 : index
          %get3A_325 = tpu.vector_load %arg14[%get3A_322, %get3A_323, %get3A_324] {strides = array<i32>} : memref<2x80x64xf32, #tpu.memory_space<vmem>>, vector<1x1x16xf32>,
          %get3A_326 = vector.shape_cast %get3A_325 : vector<1x1x16xf32> to vector<16xf32>
          %get3A_327 = arith.constant 1 : i32
          %get3A_328 = arith.index_cast %get3A_327 : i32 to index
          %get3A_329 = arith.index_cast %scan3A_321 : i32 to index
          %get3A_330 = arith.constant 16 : index
          %get3A_331 = tpu.vector_load %arg14[%get3A_328, %get3A_329, %get3A_330] {strides = array<i32>} : memref<2x80x64xf32, #tpu.memory_space<vmem>>, vector<1x1x16xf32>,
          %get3A_332 = vector.shape_cast %get3A_331 : vector<1x1x16xf32> to vector<16xf32>
          %get3A_333 = arith.constant 1 : i32
          %get3A_334 = arith.index_cast %get3A_333 : i32 to index
          %get3A_335 = arith.index_cast %scan3A_321 : i32 to index
          %get3A_336 = arith.constant 32 : index
          %get3A_337 = tpu.vector_load %arg14[%get3A_334, %get3A_335, %get3A_336] {strides = array<i32>} : memref<2x80x64xf32, #tpu.memory_space<vmem>>, vector<1x1x16xf32>,
          %get3A_338 = vector.shape_cast %get3A_337 : vector<1x1x16xf32> to vector<16xf32>
          %get3A_339 = arith.constant 1 : i32
          %get3A_340 = arith.index_cast %get3A_339 : i32 to index
          %get3A_341 = arith.index_cast %scan3A_321 : i32 to index
          %get3A_342 = arith.constant 48 : index
          %get3A_343 = tpu.vector_load %arg14[%get3A_340, %get3A_341, %get3A_342] {strides = array<i32>} : memref<2x80x64xf32, #tpu.memory_space<vmem>>, vector<1x1x16xf32>,
          %get3A_344 = vector.shape_cast %get3A_343 : vector<1x1x16xf32> to vector<16xf32>
          %get3A_345 = arith.constant 1 : i32
          %get3A_346 = arith.index_cast %get3A_345 : i32 to index
          %get3A_347 = arith.index_cast %scan3A_321 : i32 to index
          %get3A_348 = arith.constant 0 : index
          %get3A_349 = tpu.vector_load %arg16[%get3A_346, %get3A_347, %get3A_348] {strides = array<i32>} : memref<2x80x96xf32, #tpu.memory_space<vmem>>, vector<1x1x16xf32>,
          %get3A_350 = vector.shape_cast %get3A_349 : vector<1x1x16xf32> to vector<16xf32>
          %mul3A_351 = arith.mulf %get3A_350, %get3A_326 : vector<16xf32>
          %swap3A = arith.constant 1 : i32
          %swap3A_352 = arith.index_cast %swap3A : i32 to index
          %swap3A_353 = arith.index_cast %scan3A_321 : i32 to index
          %swap3A_354 = arith.constant 0 : index
          %swap3A_355 = tpu.vector_load %arg16[%swap3A_352, %swap3A_353, %swap3A_354] {strides = array<i32>} : memref<2x80x96xf32, #tpu.memory_space<vmem>>, vector<1x1x16xf32>,
          %swap3A_356 = vector.shape_cast %swap3A_355 : vector<1x1x16xf32> to vector<16xf32>
          %swap3A_357 = vector.shape_cast %mul3A_351 : vector<16xf32> to vector<1x1x16xf32>
          tpu.vector_store %arg16[%swap3A_352, %swap3A_353, %swap3A_354], %swap3A_357 {strides = array<i32>} : memref<2x80x96xf32, #tpu.memory_space<vmem>>, vector<1x1x16xf32>,
          %get3A_358 = arith.constant 1 : i32
          %get3A_359 = arith.index_cast %get3A_358 : i32 to index
          %get3A_360 = arith.index_cast %scan3A_321 : i32 to index
          %get3A_361 = arith.constant 16 : index
          %get3A_362 = tpu.vector_load %arg16[%get3A_359, %get3A_360, %get3A_361] {strides = array<i32>} : memref<2x80x96xf32, #tpu.memory_space<vmem>>, vector<1x1x16xf32>,
          %get3A_363 = vector.shape_cast %get3A_362 : vector<1x1x16xf32> to vector<16xf32>
          %mul3A_364 = arith.mulf %get3A_363, %get3A_332 : vector<16xf32>
          %swap3A_365 = arith.constant 1 : i32
          %swap3A_366 = arith.index_cast %swap3A_365 : i32 to index
          %swap3A_367 = arith.index_cast %scan3A_321 : i32 to index
          %swap3A_368 = arith.constant 16 : index
          %swap3A_369 = tpu.vector_load %arg16[%swap3A_366, %swap3A_367, %swap3A_368] {strides = array<i32>} : memref<2x80x96xf32, #tpu.memory_space<vmem>>, vector<1x1x16xf32>,
          %swap3A_370 = vector.shape_cast %swap3A_369 : vector<1x1x16xf32> to vector<16xf32>
          %swap3A_371 = vector.shape_cast %mul3A_364 : vector<16xf32> to vector<1x1x16xf32>
          tpu.vector_store %arg16[%swap3A_366, %swap3A_367, %swap3A_368], %swap3A_371 {strides = array<i32>} : memref<2x80x96xf32, #tpu.memory_space<vmem>>, vector<1x1x16xf32>,
          %get3A_372 = arith.constant 1 : i32
          %get3A_373 = arith.index_cast %get3A_372 : i32 to index
          %get3A_374 = arith.index_cast %scan3A_321 : i32 to index
          %get3A_375 = arith.constant 32 : index
          %get3A_376 = tpu.vector_load %arg16[%get3A_373, %get3A_374, %get3A_375] {strides = array<i32>} : memref<2x80x96xf32, #tpu.memory_space<vmem>>, vector<1x1x16xf32>,
          %get3A_377 = vector.shape_cast %get3A_376 : vector<1x1x16xf32> to vector<16xf32>
          %mul3A_378 = arith.mulf %get3A_377, %get3A_338 : vector<16xf32>
          %swap3A_379 = arith.constant 1 : i32
          %swap3A_380 = arith.index_cast %swap3A_379 : i32 to index
          %swap3A_381 = arith.index_cast %scan3A_321 : i32 to index
          %swap3A_382 = arith.constant 32 : index
          %swap3A_383 = tpu.vector_load %arg16[%swap3A_380, %swap3A_381, %swap3A_382] {strides = array<i32>} : memref<2x80x96xf32, #tpu.memory_space<vmem>>, vector<1x1x16xf32>,
          %swap3A_384 = vector.shape_cast %swap3A_383 : vector<1x1x16xf32> to vector<16xf32>
          %swap3A_385 = vector.shape_cast %mul3A_378 : vector<16xf32> to vector<1x1x16xf32>
          tpu.vector_store %arg16[%swap3A_380, %swap3A_381, %swap3A_382], %swap3A_385 {strides = array<i32>} : memref<2x80x96xf32, #tpu.memory_space<vmem>>, vector<1x1x16xf32>,
          %get3A_386 = arith.constant 1 : i32
          %get3A_387 = arith.index_cast %get3A_386 : i32 to index
          %get3A_388 = arith.index_cast %scan3A_321 : i32 to index
          %get3A_389 = arith.constant 48 : index
          %get3A_390 = tpu.vector_load %arg16[%get3A_387, %get3A_388, %get3A_389] {strides = array<i32>} : memref<2x80x96xf32, #tpu.memory_space<vmem>>, vector<1x1x16xf32>,
          %get3A_391 = vector.shape_cast %get3A_390 : vector<1x1x16xf32> to vector<16xf32>
          %mul3A_392 = arith.mulf %get3A_391, %get3A_344 : vector<16xf32>
          %swap3A_393 = arith.constant 1 : i32
          %swap3A_394 = arith.index_cast %swap3A_393 : i32 to index
          %swap3A_395 = arith.index_cast %scan3A_321 : i32 to index
          %swap3A_396 = arith.constant 48 : index
          %swap3A_397 = tpu.vector_load %arg16[%swap3A_394, %swap3A_395, %swap3A_396] {strides = array<i32>} : memref<2x80x96xf32, #tpu.memory_space<vmem>>, vector<1x1x16xf32>,
          %swap3A_398 = vector.shape_cast %swap3A_397 : vector<1x1x16xf32> to vector<16xf32>
          %swap3A_399 = vector.shape_cast %mul3A_392 : vector<16xf32> to vector<1x1x16xf32>
          tpu.vector_store %arg16[%swap3A_394, %swap3A_395, %swap3A_396], %swap3A_399 {strides = array<i32>} : memref<2x80x96xf32, #tpu.memory_space<vmem>>, vector<1x1x16xf32>,
          %get3A_400 = arith.constant 1 : i32
          %get3A_401 = arith.index_cast %get3A_400 : i32 to index
          %get3A_402 = arith.index_cast %scan3A_321 : i32 to index
          %get3A_403 = arith.constant 64 : index
          %get3A_404 = tpu.vector_load %arg16[%get3A_401, %get3A_402, %get3A_403] {strides = array<i32>} : memref<2x80x96xf32, #tpu.memory_space<vmem>>, vector<1x1x16xf32>,
          %get3A_405 = vector.shape_cast %get3A_404 : vector<1x1x16xf32> to vector<16xf32>
          %mul3A_406 = arith.mulf %get3A_405, %get3A_338 : vector<16xf32>
          %swap3A_407 = arith.constant 1 : i32
          %swap3A_408 = arith.index_cast %swap3A_407 : i32 to index
          %swap3A_409 = arith.index_cast %scan3A_321 : i32 to index
          %swap3A_410 = arith.constant 64 : index
          %swap3A_411 = tpu.vector_load %arg16[%swap3A_408, %swap3A_409, %swap3A_410] {strides = array<i32>} : memref<2x80x96xf32, #tpu.memory_space<vmem>>, vector<1x1x16xf32>,
          %swap3A_412 = vector.shape_cast %swap3A_411 : vector<1x1x16xf32> to vector<16xf32>
          %swap3A_413 = vector.shape_cast %mul3A_406 : vector<16xf32> to vector<1x1x16xf32>
          tpu.vector_store %arg16[%swap3A_408, %swap3A_409, %swap3A_410], %swap3A_413 {strides = array<i32>} : memref<2x80x96xf32, #tpu.memory_space<vmem>>, vector<1x1x16xf32>,
          %get3A_414 = arith.constant 1 : i32
          %get3A_415 = arith.index_cast %get3A_414 : i32 to index
          %get3A_416 = arith.index_cast %scan3A_321 : i32 to index
          %get3A_417 = arith.constant 80 : index
          %get3A_418 = tpu.vector_load %arg16[%get3A_415, %get3A_416, %get3A_417] {strides = array<i32>} : memref<2x80x96xf32, #tpu.memory_space<vmem>>, vector<1x1x16xf32>,
          %get3A_419 = vector.shape_cast %get3A_418 : vector<1x1x16xf32> to vector<16xf32>
          %mul3A_420 = arith.mulf %get3A_419, %get3A_344 : vector<16xf32>
          %swap3A_421 = arith.constant 1 : i32
          %swap3A_422 = arith.index_cast %swap3A_421 : i32 to index
          %swap3A_423 = arith.index_cast %scan3A_321 : i32 to index
          %swap3A_424 = arith.constant 80 : index
          %swap3A_425 = tpu.vector_load %arg16[%swap3A_422, %swap3A_423, %swap3A_424] {strides = array<i32>} : memref<2x80x96xf32, #tpu.memory_space<vmem>>, vector<1x1x16xf32>,
          %swap3A_426 = vector.shape_cast %swap3A_425 : vector<1x1x16xf32> to vector<16xf32>
          %swap3A_427 = vector.shape_cast %mul3A_420 : vector<16xf32> to vector<1x1x16xf32>
          tpu.vector_store %arg16[%swap3A_422, %swap3A_423, %swap3A_424], %swap3A_427 {strides = array<i32>} : memref<2x80x96xf32, #tpu.memory_space<vmem>>, vector<1x1x16xf32>,
        }
        %scan3A_311 = arith.constant 80 : i32
        %run_scoped3A_312 = arith.constant 1 : i32
        %run_scoped3A_313 = arith.constant 1 : i32
        "tpu.region"() ({
          %run_scoped3A_321 = tpu.sem_alloc : memref<!tpu.dma_semaphore, #tpu.memory_space<semaphore_mem>>
          %dma_start3A_322 = arith.constant 0 : i32
          %dma_start3A_323 = arith.constant 0 : i32
          %dma_start3A_324 = tpu.memref_slice %arg16[%run_scoped3A_312, %dma_start3A_322, %dma_start3A_323] : memref<2x80x96xf32, #tpu.memory_space<vmem>> -> memref<1x80x96xf32, #tpu.memory_space<vmem>>
          %dma_start3A_325 = tpu.memref_squeeze %dma_start3A_324 : memref<1x80x96xf32, #tpu.memory_space<vmem>> -> memref<80x96xf32, #tpu.memory_space<vmem>>
          %dma_start3A_326 = arith.constant 0 : i32
          %dma_start3A_327 = tpu.memref_slice %arg13[%run_scoped3A_313, %dma_start3A_326] : memref<2x80xi32, #tpu.memory_space<vmem>> -> memref<1x80xi32, #tpu.memory_space<vmem>>
          %dma_start3A_328 = tpu.memref_squeeze %dma_start3A_327 : memref<1x80xi32, #tpu.memory_space<vmem>> -> memref<80xi32, #tpu.memory_space<vmem>>
          %dma_start3A_329 = arith.constant 0 : i32
          %dma_start3A_330 = arith.constant 0 : i32
          %dma_start3A_331 = tpu.memref_slice %arg18[%dma_start3A_329, %dma_start3A_330] : memref<10240x96xf32, #tpu.memory_space<vmem_shared>> -> memref<10240x96xf32, #tpu.memory_space<vmem_shared>>
          tpu.enqueue_indirect_dma source(%dma_start3A_325 : memref<80x96xf32, #tpu.memory_space<vmem>>) target(%dma_start3A_331 : memref<10240x96xf32, #tpu.memory_space<vmem_shared>>) offsets(%dma_start3A_328 : memref<80xi32, #tpu.memory_space<vmem>>) semaphore(%run_scoped3A_321 : memref<!tpu.dma_semaphore, #tpu.memory_space<semaphore_mem>>) {add = true}
          %dma_wait3A_332 = arith.constant 0 : i32
          %dma_wait3A_333 = arith.constant 0 : i32
          %dma_wait3A_334 = tpu.memref_slice %arg16[%run_scoped3A_312, %dma_wait3A_332, %dma_wait3A_333] : memref<2x80x96xf32, #tpu.memory_space<vmem>> -> memref<1x80x96xf32, #tpu.memory_space<vmem>>
          %dma_wait3A_335 = tpu.memref_squeeze %dma_wait3A_334 : memref<1x80x96xf32, #tpu.memory_space<vmem>> -> memref<80x96xf32, #tpu.memory_space<vmem>>
          %dma_wait3A_336 = arith.constant 0 : i32
          %dma_wait3A_337 = tpu.memref_slice %arg13[%run_scoped3A_313, %dma_wait3A_336] : memref<2x80xi32, #tpu.memory_space<vmem>> -> memref<1x80xi32, #tpu.memory_space<vmem>>
          %dma_wait3A_338 = tpu.memref_squeeze %dma_wait3A_337 : memref<1x80xi32, #tpu.memory_space<vmem>> -> memref<80xi32, #tpu.memory_space<vmem>>
          %dma_wait3A_339 = arith.constant 0 : i32
          %dma_wait3A_340 = arith.constant 0 : i32
          %dma_wait3A_341 = tpu.memref_slice %arg18[%dma_wait3A_339, %dma_wait3A_340] : memref<10240x96xf32, #tpu.memory_space<vmem_shared>> -> memref<10240x96xf32, #tpu.memory_space<vmem_shared>>
          tpu.wait_indirect_dma semaphore(%run_scoped3A_321 : memref<!tpu.dma_semaphore, #tpu.memory_space<semaphore_mem>>) src(%dma_wait3A_335 : memref<80x96xf32, #tpu.memory_space<vmem>>) dst(%dma_wait3A_341 : memref<10240x96xf32, #tpu.memory_space<vmem_shared>>)
          tpu.yield
        }) : () -> ()
        %add3A_314 = arith.constant 2 : i32
        %add3A_315 = arith.addi %add3A_266, %add3A_314 : i32
        %lt3A_316 = arith.constant 125 : i32
        %lt3A_317 = arith.cmpi slt, %add3A_315, %lt3A_316 : i32
        %convert_element_type3A_318 = arith.extui %lt3A_317 : i1 to i32
        %cond3A_319 = arith.constant 0 : i32
        %cond3A_320 = arith.cmpi ne, %convert_element_type3A_318, %cond3A_319 : i32
        scf.if %cond3A_320 {
          %add3A_321 = arith.constant 2 : i32
          %add3A_322 = arith.addi %add3A_266, %add3A_321 : i32
          %mul3A_323 = arith.constant 80 : i32
          %mul3A_324 = arith.muli %add3A_322, %mul3A_323 : i32
          %dma_start3A_325 = arith.constant 1 : i32
          %dma_start3A_326 = arith.constant 0 : i32
          %dma_start3A_327 = arith.constant 0 : i32
          %dma_start3A_328 = tpu.memref_slice %arg16[%dma_start3A_325, %dma_start3A_326, %dma_start3A_327] : memref<2x80x96xf32, #tpu.memory_space<vmem>> -> memref<1x80x96xf32, #tpu.memory_space<vmem>>
          %dma_start3A_329 = tpu.memref_squeeze %dma_start3A_328 : memref<1x80x96xf32, #tpu.memory_space<vmem>> -> memref<80x96xf32, #tpu.memory_space<vmem>>
          %dma_start3A_330 = tpu.memref_slice %arg12[%mul3A_324] : memref<10000xi32, #tpu.memory_space<vmem>> -> memref<80xi32, #tpu.memory_space<vmem>>
          %dma_start3A_331 = arith.constant 0 : i32
          %dma_start3A_332 = arith.constant 0 : i32
          %dma_start3A_333 = tpu.memref_slice %arg2[%dma_start3A_331, %dma_start3A_332] : memref<10000x96xf32, #tpu.memory_space<hbm>> -> memref<10000x96xf32, #tpu.memory_space<hbm>>
          tpu.enqueue_indirect_dma source(%dma_start3A_333 : memref<10000x96xf32, #tpu.memory_space<hbm>>) target(%dma_start3A_329 : memref<80x96xf32, #tpu.memory_space<vmem>>) offsets(%dma_start3A_330 : memref<80xi32, #tpu.memory_space<vmem>>) semaphore(%arg20 : memref<!tpu.dma_semaphore, #tpu.memory_space<semaphore_mem>>)
          %mul3A_334 = arith.constant 80 : i32
          %mul3A_335 = arith.muli %add3A_322, %mul3A_334 : i32
          %add3A_336 = arith.addi %mul3A_0, %mul3A_335 : i32
          %dma_start3A_337 = arith.constant 1 : i32
          %dma_start3A_338 = arith.constant 0 : i32
          %dma_start3A_339 = arith.constant 0 : i32
          %dma_start3A_340 = tpu.memref_slice %arg14[%dma_start3A_337, %dma_start3A_338, %dma_start3A_339] : memref<2x80x64xf32, #tpu.memory_space<vmem>> -> memref<1x80x64xf32, #tpu.memory_space<vmem>>
          %dma_start3A_341 = tpu.memref_squeeze %dma_start3A_340 : memref<1x80x64xf32, #tpu.memory_space<vmem>> -> memref<80x64xf32, #tpu.memory_space<vmem>>
          %dma_start3A_342 = arith.constant 0 : i32
          %dma_start3A_343 = tpu.memref_slice %arg5[%add3A_336, %dma_start3A_342] : memref<160000x128xf32, #tpu.memory_space<hbm>> -> memref<80x64xf32, #tpu.memory_space<hbm>>
          %dma_start3A_344 = arith.constant 0 : i32
          %dma_start3A_345 = arith.constant 0 : i32
          %dma_start3A_346 = tpu.memref_slice %arg14[%dma_start3A_337, %dma_start3A_344, %dma_start3A_345] : memref<2x80x64xf32, #tpu.memory_space<vmem>> -> memref<1x80x64xf32, #tpu.memory_space<vmem>>
          %dma_start3A_347 = tpu.memref_squeeze %dma_start3A_346 : memref<1x80x64xf32, #tpu.memory_space<vmem>> -> memref<80x64xf32, #tpu.memory_space<vmem>>
          %dma_start3A_348 = arith.constant 0 : i32
          %dma_start3A_349 = tpu.memref_slice %arg5[%add3A_336, %dma_start3A_348] : memref<160000x128xf32, #tpu.memory_space<hbm>> -> memref<80x64xf32, #tpu.memory_space<hbm>>
          tpu.enqueue_dma source(%dma_start3A_349 : memref<80x64xf32, #tpu.memory_space<hbm>>) target(%dma_start3A_347 : memref<80x64xf32, #tpu.memory_space<vmem>>) target_semaphore(%arg22 : memref<!tpu.dma_semaphore, #tpu.memory_space<semaphore_mem>>)
          %mul3A_350 = arith.constant 80 : i32
          %mul3A_351 = arith.muli %add3A_322, %mul3A_350 : i32
          %add3A_352 = arith.addi %mul3A_0, %mul3A_351 : i32
          %dma_start3A_353 = arith.constant 1 : i32
          %dma_start3A_354 = arith.constant 0 : i32
          %dma_start3A_355 = tpu.memref_slice %arg13[%dma_start3A_353, %dma_start3A_354] : memref<2x80xi32, #tpu.memory_space<vmem>> -> memref<1x80xi32, #tpu.memory_space<vmem>>
          %dma_start3A_356 = tpu.memref_squeeze %dma_start3A_355 : memref<1x80xi32, #tpu.memory_space<vmem>> -> memref<80xi32, #tpu.memory_space<vmem>>
          %dma_start3A_357 = tpu.memref_slice %arg6[%add3A_352] : memref<160000xi32, #tpu.memory_space<hbm>> -> memref<80xi32, #tpu.memory_space<hbm>>
          %dma_start3A_358 = arith.constant 0 : i32
          %dma_start3A_359 = tpu.memref_slice %arg13[%dma_start3A_353, %dma_start3A_358] : memref<2x80xi32, #tpu.memory_space<vmem>> -> memref<1x80xi32, #tpu.memory_space<vmem>>
          %dma_start3A_360 = tpu.memref_squeeze %dma_start3A_359 : memref<1x80xi32, #tpu.memory_space<vmem>> -> memref<80xi32, #tpu.memory_space<vmem>>
          %dma_start3A_361 = tpu.memref_slice %arg6[%add3A_352] : memref<160000xi32, #tpu.memory_space<hbm>> -> memref<80xi32, #tpu.memory_space<hbm>>
          tpu.enqueue_dma source(%dma_start3A_361 : memref<80xi32, #tpu.memory_space<hbm>>) target(%dma_start3A_360 : memref<80xi32, #tpu.memory_space<vmem>>) target_semaphore(%arg24 : memref<!tpu.dma_semaphore, #tpu.memory_space<semaphore_mem>>)
        } else {
        }
      }
      %scan3A_139 = arith.constant 62 : i32
      %dma_wait3A = arith.constant 0 : i32
      %dma_wait3A_140 = arith.constant 0 : i32
      %dma_wait3A_141 = arith.constant 0 : i32
      %dma_wait3A_142 = tpu.memref_slice %arg16[%dma_wait3A, %dma_wait3A_140, %dma_wait3A_141] : memref<2x80x96xf32, #tpu.memory_space<vmem>> -> memref<1x80x96xf32, #tpu.memory_space<vmem>>
      %dma_wait3A_143 = tpu.memref_squeeze %dma_wait3A_142 : memref<1x80x96xf32, #tpu.memory_space<vmem>> -> memref<80x96xf32, #tpu.memory_space<vmem>>
      %dma_wait3A_144 = arith.constant 9920 : i32
      %dma_wait3A_145 = tpu.memref_slice %arg12[%dma_wait3A_144] : memref<10000xi32, #tpu.memory_space<vmem>> -> memref<80xi32, #tpu.memory_space<vmem>>
      %dma_wait3A_146 = arith.constant 0 : i32
      %dma_wait3A_147 = arith.constant 0 : i32
      %dma_wait3A_148 = tpu.memref_slice %arg2[%dma_wait3A_146, %dma_wait3A_147] : memref<10000x96xf32, #tpu.memory_space<hbm>> -> memref<10000x96xf32, #tpu.memory_space<hbm>>
      tpu.wait_indirect_dma semaphore(%arg19 : memref<!tpu.dma_semaphore, #tpu.memory_space<semaphore_mem>>) src(%dma_wait3A_148 : memref<10000x96xf32, #tpu.memory_space<hbm>>) dst(%dma_wait3A_143 : memref<80x96xf32, #tpu.memory_space<vmem>>)
      %add3A_149 = arith.constant 9920 : i32
      %add3A_150 = arith.addi %mul3A_0, %add3A_149 : i32
      %dma_wait3A_151 = arith.constant 0 : i32
      %dma_wait3A_152 = arith.constant 0 : i32
      %dma_wait3A_153 = arith.constant 0 : i32
      %dma_wait3A_154 = tpu.memref_slice %arg14[%dma_wait3A_151, %dma_wait3A_152, %dma_wait3A_153] : memref<2x80x64xf32, #tpu.memory_space<vmem>> -> memref<1x80x64xf32, #tpu.memory_space<vmem>>
      %dma_wait3A_155 = tpu.memref_squeeze %dma_wait3A_154 : memref<1x80x64xf32, #tpu.memory_space<vmem>> -> memref<80x64xf32, #tpu.memory_space<vmem>>
      %dma_wait3A_156 = arith.constant 0 : i32
      %dma_wait3A_157 = tpu.memref_slice %arg5[%add3A_150, %dma_wait3A_156] : memref<160000x128xf32, #tpu.memory_space<hbm>> -> memref<80x64xf32, #tpu.memory_space<hbm>>
      %dma_wait3A_158 = arith.constant 0 : i32
      %dma_wait3A_159 = arith.constant 0 : i32
      %dma_wait3A_160 = tpu.memref_slice %arg14[%dma_wait3A_151, %dma_wait3A_158, %dma_wait3A_159] : memref<2x80x64xf32, #tpu.memory_space<vmem>> -> memref<1x80x64xf32, #tpu.memory_space<vmem>>
      %dma_wait3A_161 = tpu.memref_squeeze %dma_wait3A_160 : memref<1x80x64xf32, #tpu.memory_space<vmem>> -> memref<80x64xf32, #tpu.memory_space<vmem>>
      %dma_wait3A_162 = arith.constant 0 : i32
      %dma_wait3A_163 = tpu.memref_slice %arg5[%add3A_150, %dma_wait3A_162] : memref<160000x128xf32, #tpu.memory_space<hbm>> -> memref<80x64xf32, #tpu.memory_space<hbm>>
      tpu.wait_dma2 semaphore(%arg21 : memref<!tpu.dma_semaphore, #tpu.memory_space<semaphore_mem>>) src(%dma_wait3A_163 : memref<80x64xf32, #tpu.memory_space<hbm>>) dst(%dma_wait3A_161 : memref<80x64xf32, #tpu.memory_space<vmem>>)
      %add3A_164 = arith.constant 9920 : i32
      %add3A_165 = arith.addi %mul3A_0, %add3A_164 : i32
      %dma_wait3A_166 = arith.constant 0 : i32
      %dma_wait3A_167 = arith.constant 0 : i32
      %dma_wait3A_168 = tpu.memref_slice %arg13[%dma_wait3A_166, %dma_wait3A_167] : memref<2x80xi32, #tpu.memory_space<vmem>> -> memref<1x80xi32, #tpu.memory_space<vmem>>
      %dma_wait3A_169 = tpu.memref_squeeze %dma_wait3A_168 : memref<1x80xi32, #tpu.memory_space<vmem>> -> memref<80xi32, #tpu.memory_space<vmem>>
      %dma_wait3A_170 = tpu.memref_slice %arg6[%add3A_165] : memref<160000xi32, #tpu.memory_space<hbm>> -> memref<80xi32, #tpu.memory_space<hbm>>
      %dma_wait3A_171 = arith.constant 0 : i32
      %dma_wait3A_172 = tpu.memref_slice %arg13[%dma_wait3A_166, %dma_wait3A_171] : memref<2x80xi32, #tpu.memory_space<vmem>> -> memref<1x80xi32, #tpu.memory_space<vmem>>
      %dma_wait3A_173 = tpu.memref_squeeze %dma_wait3A_172 : memref<1x80xi32, #tpu.memory_space<vmem>> -> memref<80xi32, #tpu.memory_space<vmem>>
      %dma_wait3A_174 = tpu.memref_slice %arg6[%add3A_165] : memref<160000xi32, #tpu.memory_space<hbm>> -> memref<80xi32, #tpu.memory_space<hbm>>
      tpu.wait_dma2 semaphore(%arg23 : memref<!tpu.dma_semaphore, #tpu.memory_space<semaphore_mem>>) src(%dma_wait3A_174 : memref<80xi32, #tpu.memory_space<hbm>>) dst(%dma_wait3A_173 : memref<80xi32, #tpu.memory_space<vmem>>)
      %scan3A_175 = arith.constant 0 : i32
      %scan3A_176 = arith.constant 0 : i32
      %scan3A_177 = arith.constant 80 : i32
      %scan3A_178 = arith.addi %scan3A_176, %scan3A_177 : i32
      %scan3A_179 = arith.constant 1 : i32
      scf.for %scan3A_203 = %scan3A_176 to %scan3A_178 step %scan3A_179  : i32 {
        %get3A = arith.constant 0 : i32
        %get3A_204 = arith.index_cast %get3A : i32 to index
        %get3A_205 = arith.index_cast %scan3A_203 : i32 to index
        %get3A_206 = arith.constant 0 : index
        %get3A_207 = tpu.vector_load %arg14[%get3A_204, %get3A_205, %get3A_206] {strides = array<i32>} : memref<2x80x64xf32, #tpu.memory_space<vmem>>, vector<1x1x16xf32>,
        %get3A_208 = vector.shape_cast %get3A_207 : vector<1x1x16xf32> to vector<16xf32>
        %get3A_209 = arith.constant 0 : i32
        %get3A_210 = arith.index_cast %get3A_209 : i32 to index
        %get3A_211 = arith.index_cast %scan3A_203 : i32 to index
        %get3A_212 = arith.constant 16 : index
        %get3A_213 = tpu.vector_load %arg14[%get3A_210, %get3A_211, %get3A_212] {strides = array<i32>} : memref<2x80x64xf32, #tpu.memory_space<vmem>>, vector<1x1x16xf32>,
        %get3A_214 = vector.shape_cast %get3A_213 : vector<1x1x16xf32> to vector<16xf32>
        %get3A_215 = arith.constant 0 : i32
        %get3A_216 = arith.index_cast %get3A_215 : i32 to index
        %get3A_217 = arith.index_cast %scan3A_203 : i32 to index
        %get3A_218 = arith.constant 32 : index
        %get3A_219 = tpu.vector_load %arg14[%get3A_216, %get3A_217, %get3A_218] {strides = array<i32>} : memref<2x80x64xf32, #tpu.memory_space<vmem>>, vector<1x1x16xf32>,
        %get3A_220 = vector.shape_cast %get3A_219 : vector<1x1x16xf32> to vector<16xf32>
        %get3A_221 = arith.constant 0 : i32
        %get3A_222 = arith.index_cast %get3A_221 : i32 to index
        %get3A_223 = arith.index_cast %scan3A_203 : i32 to index
        %get3A_224 = arith.constant 48 : index
        %get3A_225 = tpu.vector_load %arg14[%get3A_222, %get3A_223, %get3A_224] {strides = array<i32>} : memref<2x80x64xf32, #tpu.memory_space<vmem>>, vector<1x1x16xf32>,
        %get3A_226 = vector.shape_cast %get3A_225 : vector<1x1x16xf32> to vector<16xf32>
        %get3A_227 = arith.constant 0 : i32
        %get3A_228 = arith.index_cast %get3A_227 : i32 to index
        %get3A_229 = arith.index_cast %scan3A_203 : i32 to index
        %get3A_230 = arith.constant 0 : index
        %get3A_231 = tpu.vector_load %arg16[%get3A_228, %get3A_229, %get3A_230] {strides = array<i32>} : memref<2x80x96xf32, #tpu.memory_space<vmem>>, vector<1x1x16xf32>,
        %get3A_232 = vector.shape_cast %get3A_231 : vector<1x1x16xf32> to vector<16xf32>
        %mul3A_233 = arith.mulf %get3A_232, %get3A_208 : vector<16xf32>
        %swap3A = arith.constant 0 : i32
        %swap3A_234 = arith.index_cast %swap3A : i32 to index
        %swap3A_235 = arith.index_cast %scan3A_203 : i32 to index
        %swap3A_236 = arith.constant 0 : index
        %swap3A_237 = tpu.vector_load %arg16[%swap3A_234, %swap3A_235, %swap3A_236] {strides = array<i32>} : memref<2x80x96xf32, #tpu.memory_space<vmem>>, vector<1x1x16xf32>,
        %swap3A_238 = vector.shape_cast %swap3A_237 : vector<1x1x16xf32> to vector<16xf32>
        %swap3A_239 = vector.shape_cast %mul3A_233 : vector<16xf32> to vector<1x1x16xf32>
        tpu.vector_store %arg16[%swap3A_234, %swap3A_235, %swap3A_236], %swap3A_239 {strides = array<i32>} : memref<2x80x96xf32, #tpu.memory_space<vmem>>, vector<1x1x16xf32>,
        %get3A_240 = arith.constant 0 : i32
        %get3A_241 = arith.index_cast %get3A_240 : i32 to index
        %get3A_242 = arith.index_cast %scan3A_203 : i32 to index
        %get3A_243 = arith.constant 16 : index
        %get3A_244 = tpu.vector_load %arg16[%get3A_241, %get3A_242, %get3A_243] {strides = array<i32>} : memref<2x80x96xf32, #tpu.memory_space<vmem>>, vector<1x1x16xf32>,
        %get3A_245 = vector.shape_cast %get3A_244 : vector<1x1x16xf32> to vector<16xf32>
        %mul3A_246 = arith.mulf %get3A_245, %get3A_214 : vector<16xf32>
        %swap3A_247 = arith.constant 0 : i32
        %swap3A_248 = arith.index_cast %swap3A_247 : i32 to index
        %swap3A_249 = arith.index_cast %scan3A_203 : i32 to index
        %swap3A_250 = arith.constant 16 : index
        %swap3A_251 = tpu.vector_load %arg16[%swap3A_248, %swap3A_249, %swap3A_250] {strides = array<i32>} : memref<2x80x96xf32, #tpu.memory_space<vmem>>, vector<1x1x16xf32>,
        %swap3A_252 = vector.shape_cast %swap3A_251 : vector<1x1x16xf32> to vector<16xf32>
        %swap3A_253 = vector.shape_cast %mul3A_246 : vector<16xf32> to vector<1x1x16xf32>
        tpu.vector_store %arg16[%swap3A_248, %swap3A_249, %swap3A_250], %swap3A_253 {strides = array<i32>} : memref<2x80x96xf32, #tpu.memory_space<vmem>>, vector<1x1x16xf32>,
        %get3A_254 = arith.constant 0 : i32
        %get3A_255 = arith.index_cast %get3A_254 : i32 to index
        %get3A_256 = arith.index_cast %scan3A_203 : i32 to index
        %get3A_257 = arith.constant 32 : index
        %get3A_258 = tpu.vector_load %arg16[%get3A_255, %get3A_256, %get3A_257] {strides = array<i32>} : memref<2x80x96xf32, #tpu.memory_space<vmem>>, vector<1x1x16xf32>,
        %get3A_259 = vector.shape_cast %get3A_258 : vector<1x1x16xf32> to vector<16xf32>
        %mul3A_260 = arith.mulf %get3A_259, %get3A_220 : vector<16xf32>
        %swap3A_261 = arith.constant 0 : i32
        %swap3A_262 = arith.index_cast %swap3A_261 : i32 to index
        %swap3A_263 = arith.index_cast %scan3A_203 : i32 to index
        %swap3A_264 = arith.constant 32 : index
        %swap3A_265 = tpu.vector_load %arg16[%swap3A_262, %swap3A_263, %swap3A_264] {strides = array<i32>} : memref<2x80x96xf32, #tpu.memory_space<vmem>>, vector<1x1x16xf32>,
        %swap3A_266 = vector.shape_cast %swap3A_265 : vector<1x1x16xf32> to vector<16xf32>
        %swap3A_267 = vector.shape_cast %mul3A_260 : vector<16xf32> to vector<1x1x16xf32>
        tpu.vector_store %arg16[%swap3A_262, %swap3A_263, %swap3A_264], %swap3A_267 {strides = array<i32>} : memref<2x80x96xf32, #tpu.memory_space<vmem>>, vector<1x1x16xf32>,
        %get3A_268 = arith.constant 0 : i32
        %get3A_269 = arith.index_cast %get3A_268 : i32 to index
        %get3A_270 = arith.index_cast %scan3A_203 : i32 to index
        %get3A_271 = arith.constant 48 : index
        %get3A_272 = tpu.vector_load %arg16[%get3A_269, %get3A_270, %get3A_271] {strides = array<i32>} : memref<2x80x96xf32, #tpu.memory_space<vmem>>, vector<1x1x16xf32>,
        %get3A_273 = vector.shape_cast %get3A_272 : vector<1x1x16xf32> to vector<16xf32>
        %mul3A_274 = arith.mulf %get3A_273, %get3A_226 : vector<16xf32>
        %swap3A_275 = arith.constant 0 : i32
        %swap3A_276 = arith.index_cast %swap3A_275 : i32 to index
        %swap3A_277 = arith.index_cast %scan3A_203 : i32 to index
        %swap3A_278 = arith.constant 48 : index
        %swap3A_279 = tpu.vector_load %arg16[%swap3A_276, %swap3A_277, %swap3A_278] {strides = array<i32>} : memref<2x80x96xf32, #tpu.memory_space<vmem>>, vector<1x1x16xf32>,
        %swap3A_280 = vector.shape_cast %swap3A_279 : vector<1x1x16xf32> to vector<16xf32>
        %swap3A_281 = vector.shape_cast %mul3A_274 : vector<16xf32> to vector<1x1x16xf32>
        tpu.vector_store %arg16[%swap3A_276, %swap3A_277, %swap3A_278], %swap3A_281 {strides = array<i32>} : memref<2x80x96xf32, #tpu.memory_space<vmem>>, vector<1x1x16xf32>,
        %get3A_282 = arith.constant 0 : i32
        %get3A_283 = arith.index_cast %get3A_282 : i32 to index
        %get3A_284 = arith.index_cast %scan3A_203 : i32 to index
        %get3A_285 = arith.constant 64 : index
        %get3A_286 = tpu.vector_load %arg16[%get3A_283, %get3A_284, %get3A_285] {strides = array<i32>} : memref<2x80x96xf32, #tpu.memory_space<vmem>>, vector<1x1x16xf32>,
        %get3A_287 = vector.shape_cast %get3A_286 : vector<1x1x16xf32> to vector<16xf32>
        %mul3A_288 = arith.mulf %get3A_287, %get3A_220 : vector<16xf32>
        %swap3A_289 = arith.constant 0 : i32
        %swap3A_290 = arith.index_cast %swap3A_289 : i32 to index
        %swap3A_291 = arith.index_cast %scan3A_203 : i32 to index
        %swap3A_292 = arith.constant 64 : index
        %swap3A_293 = tpu.vector_load %arg16[%swap3A_290, %swap3A_291, %swap3A_292] {strides = array<i32>} : memref<2x80x96xf32, #tpu.memory_space<vmem>>, vector<1x1x16xf32>,
        %swap3A_294 = vector.shape_cast %swap3A_293 : vector<1x1x16xf32> to vector<16xf32>
        %swap3A_295 = vector.shape_cast %mul3A_288 : vector<16xf32> to vector<1x1x16xf32>
        tpu.vector_store %arg16[%swap3A_290, %swap3A_291, %swap3A_292], %swap3A_295 {strides = array<i32>} : memref<2x80x96xf32, #tpu.memory_space<vmem>>, vector<1x1x16xf32>,
        %get3A_296 = arith.constant 0 : i32
        %get3A_297 = arith.index_cast %get3A_296 : i32 to index
        %get3A_298 = arith.index_cast %scan3A_203 : i32 to index
        %get3A_299 = arith.constant 80 : index
        %get3A_300 = tpu.vector_load %arg16[%get3A_297, %get3A_298, %get3A_299] {strides = array<i32>} : memref<2x80x96xf32, #tpu.memory_space<vmem>>, vector<1x1x16xf32>,
        %get3A_301 = vector.shape_cast %get3A_300 : vector<1x1x16xf32> to vector<16xf32>
        %mul3A_302 = arith.mulf %get3A_301, %get3A_226 : vector<16xf32>
        %swap3A_303 = arith.constant 0 : i32
        %swap3A_304 = arith.index_cast %swap3A_303 : i32 to index
        %swap3A_305 = arith.index_cast %scan3A_203 : i32 to index
        %swap3A_306 = arith.constant 80 : index
        %swap3A_307 = tpu.vector_load %arg16[%swap3A_304, %swap3A_305, %swap3A_306] {strides = array<i32>} : memref<2x80x96xf32, #tpu.memory_space<vmem>>, vector<1x1x16xf32>,
        %swap3A_308 = vector.shape_cast %swap3A_307 : vector<1x1x16xf32> to vector<16xf32>
        %swap3A_309 = vector.shape_cast %mul3A_302 : vector<16xf32> to vector<1x1x16xf32>
        tpu.vector_store %arg16[%swap3A_304, %swap3A_305, %swap3A_306], %swap3A_309 {strides = array<i32>} : memref<2x80x96xf32, #tpu.memory_space<vmem>>, vector<1x1x16xf32>,
      }
      %scan3A_180 = arith.constant 80 : i32
      %run_scoped3A = arith.constant 0 : i32
      %run_scoped3A_181 = arith.constant 0 : i32
      "tpu.region"() ({
        %run_scoped3A_203 = tpu.sem_alloc : memref<!tpu.dma_semaphore, #tpu.memory_space<semaphore_mem>>
        %dma_start3A_204 = arith.constant 0 : i32
        %dma_start3A_205 = arith.constant 0 : i32
        %dma_start3A_206 = tpu.memref_slice %arg16[%run_scoped3A, %dma_start3A_204, %dma_start3A_205] : memref<2x80x96xf32, #tpu.memory_space<vmem>> -> memref<1x80x96xf32, #tpu.memory_space<vmem>>
        %dma_start3A_207 = tpu.memref_squeeze %dma_start3A_206 : memref<1x80x96xf32, #tpu.memory_space<vmem>> -> memref<80x96xf32, #tpu.memory_space<vmem>>
        %dma_start3A_208 = arith.constant 0 : i32
        %dma_start3A_209 = tpu.memref_slice %arg13[%run_scoped3A_181, %dma_start3A_208] : memref<2x80xi32, #tpu.memory_space<vmem>> -> memref<1x80xi32, #tpu.memory_space<vmem>>
        %dma_start3A_210 = tpu.memref_squeeze %dma_start3A_209 : memref<1x80xi32, #tpu.memory_space<vmem>> -> memref<80xi32, #tpu.memory_space<vmem>>
        %dma_start3A_211 = arith.constant 0 : i32
        %dma_start3A_212 = arith.constant 0 : i32
        %dma_start3A_213 = tpu.memref_slice %arg18[%dma_start3A_211, %dma_start3A_212] : memref<10240x96xf32, #tpu.memory_space<vmem_shared>> -> memref<10240x96xf32, #tpu.memory_space<vmem_shared>>
        tpu.enqueue_indirect_dma source(%dma_start3A_207 : memref<80x96xf32, #tpu.memory_space<vmem>>) target(%dma_start3A_213 : memref<10240x96xf32, #tpu.memory_space<vmem_shared>>) offsets(%dma_start3A_210 : memref<80xi32, #tpu.memory_space<vmem>>) semaphore(%run_scoped3A_203 : memref<!tpu.dma_semaphore, #tpu.memory_space<semaphore_mem>>) {add = true}
        %dma_wait3A_214 = arith.constant 0 : i32
        %dma_wait3A_215 = arith.constant 0 : i32
        %dma_wait3A_216 = tpu.memref_slice %arg16[%run_scoped3A, %dma_wait3A_214, %dma_wait3A_215] : memref<2x80x96xf32, #tpu.memory_space<vmem>> -> memref<1x80x96xf32, #tpu.memory_space<vmem>>
        %dma_wait3A_217 = tpu.memref_squeeze %dma_wait3A_216 : memref<1x80x96xf32, #tpu.memory_space<vmem>> -> memref<80x96xf32, #tpu.memory_space<vmem>>
        %dma_wait3A_218 = arith.constant 0 : i32
        %dma_wait3A_219 = tpu.memref_slice %arg13[%run_scoped3A_181, %dma_wait3A_218] : memref<2x80xi32, #tpu.memory_space<vmem>> -> memref<1x80xi32, #tpu.memory_space<vmem>>
        %dma_wait3A_220 = tpu.memref_squeeze %dma_wait3A_219 : memref<1x80xi32, #tpu.memory_space<vmem>> -> memref<80xi32, #tpu.memory_space<vmem>>
        %dma_wait3A_221 = arith.constant 0 : i32
        %dma_wait3A_222 = arith.constant 0 : i32
        %dma_wait3A_223 = tpu.memref_slice %arg18[%dma_wait3A_221, %dma_wait3A_222] : memref<10240x96xf32, #tpu.memory_space<vmem_shared>> -> memref<10240x96xf32, #tpu.memory_space<vmem_shared>>
        tpu.wait_indirect_dma semaphore(%run_scoped3A_203 : memref<!tpu.dma_semaphore, #tpu.memory_space<semaphore_mem>>) src(%dma_wait3A_217 : memref<80x96xf32, #tpu.memory_space<vmem>>) dst(%dma_wait3A_223 : memref<10240x96xf32, #tpu.memory_space<vmem_shared>>)
        tpu.yield
      }) : () -> ()
      %barrier3A_182 = arith.constant 0 : index
      tpu.barrier barrier_id(%barrier3A_182)
      %mul3A_183 = arith.constant 640 : i32
      %mul3A_184 = arith.muli %arg1, %mul3A_183 : i32
      %add3A_185 = arith.constant 0 : i32
      %add3A_186 = arith.addi %mul3A_184, %add3A_185 : i32
      "tpu.region"() ({
        %run_scoped3A_203 = tpu.sem_alloc : memref<!tpu.dma_semaphore, #tpu.memory_space<semaphore_mem>>
        %dma_start3A_204 = arith.constant 0 : i32
        %dma_start3A_205 = tpu.memref_slice %arg8[%add3A_186, %dma_start3A_204] : memref<10240x128xf32, #tpu.memory_space<hbm>> -> memref<128x96xf32, #tpu.memory_space<hbm>>
        %dma_start3A_206 = arith.constant 0 : i32
        %dma_start3A_207 = tpu.memref_slice %arg18[%add3A_186, %dma_start3A_206] : memref<10240x96xf32, #tpu.memory_space<vmem_shared>> -> memref<128x96xf32, #tpu.memory_space<vmem_shared>>
        tpu.enqueue_dma source(%dma_start3A_207 : memref<128x96xf32, #tpu.memory_space<vmem_shared>>) target(%dma_start3A_205 : memref<128x96xf32, #tpu.memory_space<hbm>>) target_semaphore(%run_scoped3A_203 : memref<!tpu.dma_semaphore, #tpu.memory_space<semaphore_mem>>)
        %dma_wait3A_208 = arith.constant 0 : i32
        %dma_wait3A_209 = tpu.memref_slice %arg8[%add3A_186, %dma_wait3A_208] : memref<10240x128xf32, #tpu.memory_space<hbm>> -> memref<128x96xf32, #tpu.memory_space<hbm>>
        %dma_wait3A_210 = arith.constant 0 : i32
        %dma_wait3A_211 = tpu.memref_slice %arg18[%add3A_186, %dma_wait3A_210] : memref<10240x96xf32, #tpu.memory_space<vmem_shared>> -> memref<128x96xf32, #tpu.memory_space<vmem_shared>>
        tpu.wait_dma2 semaphore(%run_scoped3A_203 : memref<!tpu.dma_semaphore, #tpu.memory_space<semaphore_mem>>) src(%dma_wait3A_211 : memref<128x96xf32, #tpu.memory_space<vmem_shared>>) dst(%dma_wait3A_209 : memref<128x96xf32, #tpu.memory_space<hbm>>)
        tpu.yield
      }) : () -> ()
      %mul3A_187 = arith.constant 640 : i32
      %mul3A_188 = arith.muli %arg1, %mul3A_187 : i32
      %add3A_189 = arith.constant 128 : i32
      %add3A_190 = arith.addi %mul3A_188, %add3A_189 : i32
      "tpu.region"() ({
        %run_scoped3A_203 = tpu.sem_alloc : memref<!tpu.dma_semaphore, #tpu.memory_space<semaphore_mem>>
        %dma_start3A_204 = arith.constant 0 : i32
        %dma_start3A_205 = tpu.memref_slice %arg8[%add3A_190, %dma_start3A_204] : memref<10240x128xf32, #tpu.memory_space<hbm>> -> memref<128x96xf32, #tpu.memory_space<hbm>>
        %dma_start3A_206 = arith.constant 0 : i32
        %dma_start3A_207 = tpu.memref_slice %arg18[%add3A_190, %dma_start3A_206] : memref<10240x96xf32, #tpu.memory_space<vmem_shared>> -> memref<128x96xf32, #tpu.memory_space<vmem_shared>>
        tpu.enqueue_dma source(%dma_start3A_207 : memref<128x96xf32, #tpu.memory_space<vmem_shared>>) target(%dma_start3A_205 : memref<128x96xf32, #tpu.memory_space<hbm>>) target_semaphore(%run_scoped3A_203 : memref<!tpu.dma_semaphore, #tpu.memory_space<semaphore_mem>>)
        %dma_wait3A_208 = arith.constant 0 : i32
        %dma_wait3A_209 = tpu.memref_slice %arg8[%add3A_190, %dma_wait3A_208] : memref<10240x128xf32, #tpu.memory_space<hbm>> -> memref<128x96xf32, #tpu.memory_space<hbm>>
        %dma_wait3A_210 = arith.constant 0 : i32
        %dma_wait3A_211 = tpu.memref_slice %arg18[%add3A_190, %dma_wait3A_210] : memref<10240x96xf32, #tpu.memory_space<vmem_shared>> -> memref<128x96xf32, #tpu.memory_space<vmem_shared>>
        tpu.wait_dma2 semaphore(%run_scoped3A_203 : memref<!tpu.dma_semaphore, #tpu.memory_space<semaphore_mem>>) src(%dma_wait3A_211 : memref<128x96xf32, #tpu.memory_space<vmem_shared>>) dst(%dma_wait3A_209 : memref<128x96xf32, #tpu.memory_space<hbm>>)
        tpu.yield
      }) : () -> ()
      %mul3A_191 = arith.constant 640 : i32
      %mul3A_192 = arith.muli %arg1, %mul3A_191 : i32
      %add3A_193 = arith.constant 256 : i32
      %add3A_194 = arith.addi %mul3A_192, %add3A_193 : i32
      "tpu.region"() ({
        %run_scoped3A_203 = tpu.sem_alloc : memref<!tpu.dma_semaphore, #tpu.memory_space<semaphore_mem>>
        %dma_start3A_204 = arith.constant 0 : i32
        %dma_start3A_205 = tpu.memref_slice %arg8[%add3A_194, %dma_start3A_204] : memref<10240x128xf32, #tpu.memory_space<hbm>> -> memref<128x96xf32, #tpu.memory_space<hbm>>
        %dma_start3A_206 = arith.constant 0 : i32
        %dma_start3A_207 = tpu.memref_slice %arg18[%add3A_194, %dma_start3A_206] : memref<10240x96xf32, #tpu.memory_space<vmem_shared>> -> memref<128x96xf32, #tpu.memory_space<vmem_shared>>
        tpu.enqueue_dma source(%dma_start3A_207 : memref<128x96xf32, #tpu.memory_space<vmem_shared>>) target(%dma_start3A_205 : memref<128x96xf32, #tpu.memory_space<hbm>>) target_semaphore(%run_scoped3A_203 : memref<!tpu.dma_semaphore, #tpu.memory_space<semaphore_mem>>)
        %dma_wait3A_208 = arith.constant 0 : i32
        %dma_wait3A_209 = tpu.memref_slice %arg8[%add3A_194, %dma_wait3A_208] : memref<10240x128xf32, #tpu.memory_space<hbm>> -> memref<128x96xf32, #tpu.memory_space<hbm>>
        %dma_wait3A_210 = arith.constant 0 : i32
        %dma_wait3A_211 = tpu.memref_slice %arg18[%add3A_194, %dma_wait3A_210] : memref<10240x96xf32, #tpu.memory_space<vmem_shared>> -> memref<128x96xf32, #tpu.memory_space<vmem_shared>>
        tpu.wait_dma2 semaphore(%run_scoped3A_203 : memref<!tpu.dma_semaphore, #tpu.memory_space<semaphore_mem>>) src(%dma_wait3A_211 : memref<128x96xf32, #tpu.memory_space<vmem_shared>>) dst(%dma_wait3A_209 : memref<128x96xf32, #tpu.memory_space<hbm>>)
        tpu.yield
      }) : () -> ()
      %mul3A_195 = arith.constant 640 : i32
      %mul3A_196 = arith.muli %arg1, %mul3A_195 : i32
      %add3A_197 = arith.constant 384 : i32
      %add3A_198 = arith.addi %mul3A_196, %add3A_197 : i32
      "tpu.region"() ({
        %run_scoped3A_203 = tpu.sem_alloc : memref<!tpu.dma_semaphore, #tpu.memory_space<semaphore_mem>>
        %dma_start3A_204 = arith.constant 0 : i32
        %dma_start3A_205 = tpu.memref_slice %arg8[%add3A_198, %dma_start3A_204] : memref<10240x128xf32, #tpu.memory_space<hbm>> -> memref<128x96xf32, #tpu.memory_space<hbm>>
        %dma_start3A_206 = arith.constant 0 : i32
        %dma_start3A_207 = tpu.memref_slice %arg18[%add3A_198, %dma_start3A_206] : memref<10240x96xf32, #tpu.memory_space<vmem_shared>> -> memref<128x96xf32, #tpu.memory_space<vmem_shared>>
        tpu.enqueue_dma source(%dma_start3A_207 : memref<128x96xf32, #tpu.memory_space<vmem_shared>>) target(%dma_start3A_205 : memref<128x96xf32, #tpu.memory_space<hbm>>) target_semaphore(%run_scoped3A_203 : memref<!tpu.dma_semaphore, #tpu.memory_space<semaphore_mem>>)
        %dma_wait3A_208 = arith.constant 0 : i32
        %dma_wait3A_209 = tpu.memref_slice %arg8[%add3A_198, %dma_wait3A_208] : memref<10240x128xf32, #tpu.memory_space<hbm>> -> memref<128x96xf32, #tpu.memory_space<hbm>>
        %dma_wait3A_210 = arith.constant 0 : i32
        %dma_wait3A_211 = tpu.memref_slice %arg18[%add3A_198, %dma_wait3A_210] : memref<10240x96xf32, #tpu.memory_space<vmem_shared>> -> memref<128x96xf32, #tpu.memory_space<vmem_shared>>
        tpu.wait_dma2 semaphore(%run_scoped3A_203 : memref<!tpu.dma_semaphore, #tpu.memory_space<semaphore_mem>>) src(%dma_wait3A_211 : memref<128x96xf32, #tpu.memory_space<vmem_shared>>) dst(%dma_wait3A_209 : memref<128x96xf32, #tpu.memory_space<hbm>>)
        tpu.yield
      }) : () -> ()
      %mul3A_199 = arith.constant 640 : i32
      %mul3A_200 = arith.muli %arg1, %mul3A_199 : i32
      %add3A_201 = arith.constant 512 : i32
      %add3A_202 = arith.addi %mul3A_200, %add3A_201 : i32
      "tpu.region"() ({
        %run_scoped3A_203 = tpu.sem_alloc : memref<!tpu.dma_semaphore, #tpu.memory_space<semaphore_mem>>
        %dma_start3A_204 = arith.constant 0 : i32
        %dma_start3A_205 = tpu.memref_slice %arg8[%add3A_202, %dma_start3A_204] : memref<10240x128xf32, #tpu.memory_space<hbm>> -> memref<128x96xf32, #tpu.memory_space<hbm>>
        %dma_start3A_206 = arith.constant 0 : i32
        %dma_start3A_207 = tpu.memref_slice %arg18[%add3A_202, %dma_start3A_206] : memref<10240x96xf32, #tpu.memory_space<vmem_shared>> -> memref<128x96xf32, #tpu.memory_space<vmem_shared>>
        tpu.enqueue_dma source(%dma_start3A_207 : memref<128x96xf32, #tpu.memory_space<vmem_shared>>) target(%dma_start3A_205 : memref<128x96xf32, #tpu.memory_space<hbm>>) target_semaphore(%run_scoped3A_203 : memref<!tpu.dma_semaphore, #tpu.memory_space<semaphore_mem>>)
        %dma_wait3A_208 = arith.constant 0 : i32
        %dma_wait3A_209 = tpu.memref_slice %arg8[%add3A_202, %dma_wait3A_208] : memref<10240x128xf32, #tpu.memory_space<hbm>> -> memref<128x96xf32, #tpu.memory_space<hbm>>
        %dma_wait3A_210 = arith.constant 0 : i32
        %dma_wait3A_211 = tpu.memref_slice %arg18[%add3A_202, %dma_wait3A_210] : memref<10240x96xf32, #tpu.memory_space<vmem_shared>> -> memref<128x96xf32, #tpu.memory_space<vmem_shared>>
        tpu.wait_dma2 semaphore(%run_scoped3A_203 : memref<!tpu.dma_semaphore, #tpu.memory_space<semaphore_mem>>) src(%dma_wait3A_211 : memref<128x96xf32, #tpu.memory_space<vmem_shared>>) dst(%dma_wait3A_209 : memref<128x96xf32, #tpu.memory_space<hbm>>)
        tpu.yield
      }) : () -> ()
    } else {
    }
    %eq3A_27 = arith.constant 1 : i32
    %eq3A_28 = arith.cmpi eq, %arg0, %eq3A_27 : i32
    %convert_element_type3A_29 = arith.extui %eq3A_28 : i1 to i32
    %cond3A_30 = arith.constant 0 : i32
    %cond3A_31 = arith.cmpi ne, %convert_element_type3A_29, %cond3A_30 : i32
    scf.if %cond3A_31 {
      %dma_start3A = arith.constant 0 : i32
      %dma_start3A_63 = arith.constant 0 : i32
      %dma_start3A_64 = arith.constant 0 : i32
      %dma_start3A_65 = tpu.memref_slice %arg16[%dma_start3A, %dma_start3A_63, %dma_start3A_64] : memref<2x80x96xf32, #tpu.memory_space<vmem>> -> memref<1x80x96xf32, #tpu.memory_space<vmem>>
      %dma_start3A_66 = tpu.memref_squeeze %dma_start3A_65 : memref<1x80x96xf32, #tpu.memory_space<vmem>> -> memref<80x96xf32, #tpu.memory_space<vmem>>
      %dma_start3A_67 = arith.constant 0 : i32
      %dma_start3A_68 = tpu.memref_slice %arg12[%dma_start3A_67] : memref<10000xi32, #tpu.memory_space<vmem>> -> memref<80xi32, #tpu.memory_space<vmem>>
      %dma_start3A_69 = arith.constant 0 : i32
      %dma_start3A_70 = arith.constant 0 : i32
      %dma_start3A_71 = tpu.memref_slice %arg3[%dma_start3A_69, %dma_start3A_70] : memref<10000x96xf32, #tpu.memory_space<hbm>> -> memref<10000x96xf32, #tpu.memory_space<hbm>>
      tpu.enqueue_indirect_dma source(%dma_start3A_71 : memref<10000x96xf32, #tpu.memory_space<hbm>>) target(%dma_start3A_66 : memref<80x96xf32, #tpu.memory_space<vmem>>) offsets(%dma_start3A_68 : memref<80xi32, #tpu.memory_space<vmem>>) semaphore(%arg19 : memref<!tpu.dma_semaphore, #tpu.memory_space<semaphore_mem>>)
      %add3A_72 = arith.constant 0 : i32
      %add3A_73 = arith.addi %mul3A_0, %add3A_72 : i32
      %dma_start3A_74 = arith.constant 0 : i32
      %dma_start3A_75 = arith.constant 0 : i32
      %dma_start3A_76 = arith.constant 0 : i32
      %dma_start3A_77 = tpu.memref_slice %arg14[%dma_start3A_74, %dma_start3A_75, %dma_start3A_76] : memref<2x80x64xf32, #tpu.memory_space<vmem>> -> memref<1x80x64xf32, #tpu.memory_space<vmem>>
      %dma_start3A_78 = tpu.memref_squeeze %dma_start3A_77 : memref<1x80x64xf32, #tpu.memory_space<vmem>> -> memref<80x64xf32, #tpu.memory_space<vmem>>
      %dma_start3A_79 = arith.constant 32 : i32
      %dma_start3A_80 = tpu.memref_slice %arg5[%add3A_73, %dma_start3A_79] : memref<160000x128xf32, #tpu.memory_space<hbm>> -> memref<80x64xf32, #tpu.memory_space<hbm>>
      %dma_start3A_81 = arith.constant 0 : i32
      %dma_start3A_82 = arith.constant 0 : i32
      %dma_start3A_83 = tpu.memref_slice %arg14[%dma_start3A_74, %dma_start3A_81, %dma_start3A_82] : memref<2x80x64xf32, #tpu.memory_space<vmem>> -> memref<1x80x64xf32, #tpu.memory_space<vmem>>
      %dma_start3A_84 = tpu.memref_squeeze %dma_start3A_83 : memref<1x80x64xf32, #tpu.memory_space<vmem>> -> memref<80x64xf32, #tpu.memory_space<vmem>>
      %dma_start3A_85 = arith.constant 32 : i32
      %dma_start3A_86 = tpu.memref_slice %arg5[%add3A_73, %dma_start3A_85] : memref<160000x128xf32, #tpu.memory_space<hbm>> -> memref<80x64xf32, #tpu.memory_space<hbm>>
      tpu.enqueue_dma source(%dma_start3A_86 : memref<80x64xf32, #tpu.memory_space<hbm>>) target(%dma_start3A_84 : memref<80x64xf32, #tpu.memory_space<vmem>>) target_semaphore(%arg21 : memref<!tpu.dma_semaphore, #tpu.memory_space<semaphore_mem>>)
      %add3A_87 = arith.constant 0 : i32
      %add3A_88 = arith.addi %mul3A_0, %add3A_87 : i32
      %dma_start3A_89 = arith.constant 0 : i32
      %dma_start3A_90 = arith.constant 0 : i32
      %dma_start3A_91 = tpu.memref_slice %arg13[%dma_start3A_89, %dma_start3A_90] : memref<2x80xi32, #tpu.memory_space<vmem>> -> memref<1x80xi32, #tpu.memory_space<vmem>>
      %dma_start3A_92 = tpu.memref_squeeze %dma_start3A_91 : memref<1x80xi32, #tpu.memory_space<vmem>> -> memref<80xi32, #tpu.memory_space<vmem>>
      %dma_start3A_93 = tpu.memref_slice %arg6[%add3A_88] : memref<160000xi32, #tpu.memory_space<hbm>> -> memref<80xi32, #tpu.memory_space<hbm>>
      %dma_start3A_94 = arith.constant 0 : i32
      %dma_start3A_95 = tpu.memref_slice %arg13[%dma_start3A_89, %dma_start3A_94] : memref<2x80xi32, #tpu.memory_space<vmem>> -> memref<1x80xi32, #tpu.memory_space<vmem>>
      %dma_start3A_96 = tpu.memref_squeeze %dma_start3A_95 : memref<1x80xi32, #tpu.memory_space<vmem>> -> memref<80xi32, #tpu.memory_space<vmem>>
      %dma_start3A_97 = tpu.memref_slice %arg6[%add3A_88] : memref<160000xi32, #tpu.memory_space<hbm>> -> memref<80xi32, #tpu.memory_space<hbm>>
      tpu.enqueue_dma source(%dma_start3A_97 : memref<80xi32, #tpu.memory_space<hbm>>) target(%dma_start3A_96 : memref<80xi32, #tpu.memory_space<vmem>>) target_semaphore(%arg23 : memref<!tpu.dma_semaphore, #tpu.memory_space<semaphore_mem>>)
      %dma_start3A_98 = arith.constant 1 : i32
      %dma_start3A_99 = arith.constant 0 : i32
      %dma_start3A_100 = arith.constant 0 : i32
      %dma_start3A_101 = tpu.memref_slice %arg16[%dma_start3A_98, %dma_start3A_99, %dma_start3A_100] : memref<2x80x96xf32, #tpu.memory_space<vmem>> -> memref<1x80x96xf32, #tpu.memory_space<vmem>>
      %dma_start3A_102 = tpu.memref_squeeze %dma_start3A_101 : memref<1x80x96xf32, #tpu.memory_space<vmem>> -> memref<80x96xf32, #tpu.memory_space<vmem>>
      %dma_start3A_103 = arith.constant 80 : i32
      %dma_start3A_104 = tpu.memref_slice %arg12[%dma_start3A_103] : memref<10000xi32, #tpu.memory_space<vmem>> -> memref<80xi32, #tpu.memory_space<vmem>>
      %dma_start3A_105 = arith.constant 0 : i32
      %dma_start3A_106 = arith.constant 0 : i32
      %dma_start3A_107 = tpu.memref_slice %arg3[%dma_start3A_105, %dma_start3A_106] : memref<10000x96xf32, #tpu.memory_space<hbm>> -> memref<10000x96xf32, #tpu.memory_space<hbm>>
      tpu.enqueue_indirect_dma source(%dma_start3A_107 : memref<10000x96xf32, #tpu.memory_space<hbm>>) target(%dma_start3A_102 : memref<80x96xf32, #tpu.memory_space<vmem>>) offsets(%dma_start3A_104 : memref<80xi32, #tpu.memory_space<vmem>>) semaphore(%arg20 : memref<!tpu.dma_semaphore, #tpu.memory_space<semaphore_mem>>)
      %add3A_108 = arith.constant 80 : i32
      %add3A_109 = arith.addi %mul3A_0, %add3A_108 : i32
      %dma_start3A_110 = arith.constant 1 : i32
      %dma_start3A_111 = arith.constant 0 : i32
      %dma_start3A_112 = arith.constant 0 : i32
      %dma_start3A_113 = tpu.memref_slice %arg14[%dma_start3A_110, %dma_start3A_111, %dma_start3A_112] : memref<2x80x64xf32, #tpu.memory_space<vmem>> -> memref<1x80x64xf32, #tpu.memory_space<vmem>>
      %dma_start3A_114 = tpu.memref_squeeze %dma_start3A_113 : memref<1x80x64xf32, #tpu.memory_space<vmem>> -> memref<80x64xf32, #tpu.memory_space<vmem>>
      %dma_start3A_115 = arith.constant 32 : i32
      %dma_start3A_116 = tpu.memref_slice %arg5[%add3A_109, %dma_start3A_115] : memref<160000x128xf32, #tpu.memory_space<hbm>> -> memref<80x64xf32, #tpu.memory_space<hbm>>
      %dma_start3A_117 = arith.constant 0 : i32
      %dma_start3A_118 = arith.constant 0 : i32
      %dma_start3A_119 = tpu.memref_slice %arg14[%dma_start3A_110, %dma_start3A_117, %dma_start3A_118] : memref<2x80x64xf32, #tpu.memory_space<vmem>> -> memref<1x80x64xf32, #tpu.memory_space<vmem>>
      %dma_start3A_120 = tpu.memref_squeeze %dma_start3A_119 : memref<1x80x64xf32, #tpu.memory_space<vmem>> -> memref<80x64xf32, #tpu.memory_space<vmem>>
      %dma_start3A_121 = arith.constant 32 : i32
      %dma_start3A_122 = tpu.memref_slice %arg5[%add3A_109, %dma_start3A_121] : memref<160000x128xf32, #tpu.memory_space<hbm>> -> memref<80x64xf32, #tpu.memory_space<hbm>>
      tpu.enqueue_dma source(%dma_start3A_122 : memref<80x64xf32, #tpu.memory_space<hbm>>) target(%dma_start3A_120 : memref<80x64xf32, #tpu.memory_space<vmem>>) target_semaphore(%arg22 : memref<!tpu.dma_semaphore, #tpu.memory_space<semaphore_mem>>)
      %add3A_123 = arith.constant 80 : i32
      %add3A_124 = arith.addi %mul3A_0, %add3A_123 : i32
      %dma_start3A_125 = arith.constant 1 : i32
      %dma_start3A_126 = arith.constant 0 : i32
      %dma_start3A_127 = tpu.memref_slice %arg13[%dma_start3A_125, %dma_start3A_126] : memref<2x80xi32, #tpu.memory_space<vmem>> -> memref<1x80xi32, #tpu.memory_space<vmem>>
      %dma_start3A_128 = tpu.memref_squeeze %dma_start3A_127 : memref<1x80xi32, #tpu.memory_space<vmem>> -> memref<80xi32, #tpu.memory_space<vmem>>
      %dma_start3A_129 = tpu.memref_slice %arg6[%add3A_124] : memref<160000xi32, #tpu.memory_space<hbm>> -> memref<80xi32, #tpu.memory_space<hbm>>
      %dma_start3A_130 = arith.constant 0 : i32
      %dma_start3A_131 = tpu.memref_slice %arg13[%dma_start3A_125, %dma_start3A_130] : memref<2x80xi32, #tpu.memory_space<vmem>> -> memref<1x80xi32, #tpu.memory_space<vmem>>
      %dma_start3A_132 = tpu.memref_squeeze %dma_start3A_131 : memref<1x80xi32, #tpu.memory_space<vmem>> -> memref<80xi32, #tpu.memory_space<vmem>>
      %dma_start3A_133 = tpu.memref_slice %arg6[%add3A_124] : memref<160000xi32, #tpu.memory_space<hbm>> -> memref<80xi32, #tpu.memory_space<hbm>>
      tpu.enqueue_dma source(%dma_start3A_133 : memref<80xi32, #tpu.memory_space<hbm>>) target(%dma_start3A_132 : memref<80xi32, #tpu.memory_space<vmem>>) target_semaphore(%arg24 : memref<!tpu.dma_semaphore, #tpu.memory_space<semaphore_mem>>)
      %scan3A_134 = arith.constant 0 : i32
      %scan3A_135 = arith.constant 0 : i32
      %scan3A_136 = arith.constant 62 : i32
      %scan3A_137 = arith.addi %scan3A_135, %scan3A_136 : i32
      %scan3A_138 = arith.constant 1 : i32
      scf.for %scan3A_203 = %scan3A_135 to %scan3A_137 step %scan3A_138  : i32 {
        %mul3A_204 = arith.constant 2 : i32
        %mul3A_205 = arith.muli %mul3A_204, %scan3A_203 : i32
        %add3A_206 = arith.constant 0 : i32
        %add3A_207 = arith.addi %add3A_206, %mul3A_205 : i32
        %mul3A_208 = arith.constant 80 : i32
        %mul3A_209 = arith.muli %add3A_207, %mul3A_208 : i32
        %dma_wait3A_210 = arith.constant 0 : i32
        %dma_wait3A_211 = arith.constant 0 : i32
        %dma_wait3A_212 = arith.constant 0 : i32
        %dma_wait3A_213 = tpu.memref_slice %arg16[%dma_wait3A_210, %dma_wait3A_211, %dma_wait3A_212] : memref<2x80x96xf32, #tpu.memory_space<vmem>> -> memref<1x80x96xf32, #tpu.memory_space<vmem>>
        %dma_wait3A_214 = tpu.memref_squeeze %dma_wait3A_213 : memref<1x80x96xf32, #tpu.memory_space<vmem>> -> memref<80x96xf32, #tpu.memory_space<vmem>>
        %dma_wait3A_215 = tpu.memref_slice %arg12[%mul3A_209] : memref<10000xi32, #tpu.memory_space<vmem>> -> memref<80xi32, #tpu.memory_space<vmem>>
        %dma_wait3A_216 = arith.constant 0 : i32
        %dma_wait3A_217 = arith.constant 0 : i32
        %dma_wait3A_218 = tpu.memref_slice %arg3[%dma_wait3A_216, %dma_wait3A_217] : memref<10000x96xf32, #tpu.memory_space<hbm>> -> memref<10000x96xf32, #tpu.memory_space<hbm>>
        tpu.wait_indirect_dma semaphore(%arg19 : memref<!tpu.dma_semaphore, #tpu.memory_space<semaphore_mem>>) src(%dma_wait3A_218 : memref<10000x96xf32, #tpu.memory_space<hbm>>) dst(%dma_wait3A_214 : memref<80x96xf32, #tpu.memory_space<vmem>>)
        %mul3A_219 = arith.constant 80 : i32
        %mul3A_220 = arith.muli %add3A_207, %mul3A_219 : i32
        %add3A_221 = arith.addi %mul3A_0, %mul3A_220 : i32
        %dma_wait3A_222 = arith.constant 0 : i32
        %dma_wait3A_223 = arith.constant 0 : i32
        %dma_wait3A_224 = arith.constant 0 : i32
        %dma_wait3A_225 = tpu.memref_slice %arg14[%dma_wait3A_222, %dma_wait3A_223, %dma_wait3A_224] : memref<2x80x64xf32, #tpu.memory_space<vmem>> -> memref<1x80x64xf32, #tpu.memory_space<vmem>>
        %dma_wait3A_226 = tpu.memref_squeeze %dma_wait3A_225 : memref<1x80x64xf32, #tpu.memory_space<vmem>> -> memref<80x64xf32, #tpu.memory_space<vmem>>
        %dma_wait3A_227 = arith.constant 32 : i32
        %dma_wait3A_228 = tpu.memref_slice %arg5[%add3A_221, %dma_wait3A_227] : memref<160000x128xf32, #tpu.memory_space<hbm>> -> memref<80x64xf32, #tpu.memory_space<hbm>>
        %dma_wait3A_229 = arith.constant 0 : i32
        %dma_wait3A_230 = arith.constant 0 : i32
        %dma_wait3A_231 = tpu.memref_slice %arg14[%dma_wait3A_222, %dma_wait3A_229, %dma_wait3A_230] : memref<2x80x64xf32, #tpu.memory_space<vmem>> -> memref<1x80x64xf32, #tpu.memory_space<vmem>>
        %dma_wait3A_232 = tpu.memref_squeeze %dma_wait3A_231 : memref<1x80x64xf32, #tpu.memory_space<vmem>> -> memref<80x64xf32, #tpu.memory_space<vmem>>
        %dma_wait3A_233 = arith.constant 32 : i32
        %dma_wait3A_234 = tpu.memref_slice %arg5[%add3A_221, %dma_wait3A_233] : memref<160000x128xf32, #tpu.memory_space<hbm>> -> memref<80x64xf32, #tpu.memory_space<hbm>>
        tpu.wait_dma2 semaphore(%arg21 : memref<!tpu.dma_semaphore, #tpu.memory_space<semaphore_mem>>) src(%dma_wait3A_234 : memref<80x64xf32, #tpu.memory_space<hbm>>) dst(%dma_wait3A_232 : memref<80x64xf32, #tpu.memory_space<vmem>>)
        %mul3A_235 = arith.constant 80 : i32
        %mul3A_236 = arith.muli %add3A_207, %mul3A_235 : i32
        %add3A_237 = arith.addi %mul3A_0, %mul3A_236 : i32
        %dma_wait3A_238 = arith.constant 0 : i32
        %dma_wait3A_239 = arith.constant 0 : i32
        %dma_wait3A_240 = tpu.memref_slice %arg13[%dma_wait3A_238, %dma_wait3A_239] : memref<2x80xi32, #tpu.memory_space<vmem>> -> memref<1x80xi32, #tpu.memory_space<vmem>>
        %dma_wait3A_241 = tpu.memref_squeeze %dma_wait3A_240 : memref<1x80xi32, #tpu.memory_space<vmem>> -> memref<80xi32, #tpu.memory_space<vmem>>
        %dma_wait3A_242 = tpu.memref_slice %arg6[%add3A_237] : memref<160000xi32, #tpu.memory_space<hbm>> -> memref<80xi32, #tpu.memory_space<hbm>>
        %dma_wait3A_243 = arith.constant 0 : i32
        %dma_wait3A_244 = tpu.memref_slice %arg13[%dma_wait3A_238, %dma_wait3A_243] : memref<2x80xi32, #tpu.memory_space<vmem>> -> memref<1x80xi32, #tpu.memory_space<vmem>>
        %dma_wait3A_245 = tpu.memref_squeeze %dma_wait3A_244 : memref<1x80xi32, #tpu.memory_space<vmem>> -> memref<80xi32, #tpu.memory_space<vmem>>
        %dma_wait3A_246 = tpu.memref_slice %arg6[%add3A_237] : memref<160000xi32, #tpu.memory_space<hbm>> -> memref<80xi32, #tpu.memory_space<hbm>>
        tpu.wait_dma2 semaphore(%arg23 : memref<!tpu.dma_semaphore, #tpu.memory_space<semaphore_mem>>) src(%dma_wait3A_246 : memref<80xi32, #tpu.memory_space<hbm>>) dst(%dma_wait3A_245 : memref<80xi32, #tpu.memory_space<vmem>>)
        %scan3A_247 = arith.constant 0 : i32
        %scan3A_248 = arith.constant 0 : i32
        %scan3A_249 = arith.constant 80 : i32
        %scan3A_250 = arith.addi %scan3A_248, %scan3A_249 : i32
        %scan3A_251 = arith.constant 1 : i32
        scf.for %scan3A_321 = %scan3A_248 to %scan3A_250 step %scan3A_251  : i32 {
          %get3A = arith.constant 0 : i32
          %get3A_322 = arith.index_cast %get3A : i32 to index
          %get3A_323 = arith.index_cast %scan3A_321 : i32 to index
          %get3A_324 = arith.constant 0 : index
          %get3A_325 = tpu.vector_load %arg14[%get3A_322, %get3A_323, %get3A_324] {strides = array<i32>} : memref<2x80x64xf32, #tpu.memory_space<vmem>>, vector<1x1x16xf32>,
          %get3A_326 = vector.shape_cast %get3A_325 : vector<1x1x16xf32> to vector<16xf32>
          %get3A_327 = arith.constant 0 : i32
          %get3A_328 = arith.index_cast %get3A_327 : i32 to index
          %get3A_329 = arith.index_cast %scan3A_321 : i32 to index
          %get3A_330 = arith.constant 16 : index
          %get3A_331 = tpu.vector_load %arg14[%get3A_328, %get3A_329, %get3A_330] {strides = array<i32>} : memref<2x80x64xf32, #tpu.memory_space<vmem>>, vector<1x1x16xf32>,
          %get3A_332 = vector.shape_cast %get3A_331 : vector<1x1x16xf32> to vector<16xf32>
          %get3A_333 = arith.constant 0 : i32
          %get3A_334 = arith.index_cast %get3A_333 : i32 to index
          %get3A_335 = arith.index_cast %scan3A_321 : i32 to index
          %get3A_336 = arith.constant 32 : index
          %get3A_337 = tpu.vector_load %arg14[%get3A_334, %get3A_335, %get3A_336] {strides = array<i32>} : memref<2x80x64xf32, #tpu.memory_space<vmem>>, vector<1x1x16xf32>,
          %get3A_338 = vector.shape_cast %get3A_337 : vector<1x1x16xf32> to vector<16xf32>
          %get3A_339 = arith.constant 0 : i32
          %get3A_340 = arith.index_cast %get3A_339 : i32 to index
          %get3A_341 = arith.index_cast %scan3A_321 : i32 to index
          %get3A_342 = arith.constant 48 : index
          %get3A_343 = tpu.vector_load %arg14[%get3A_340, %get3A_341, %get3A_342] {strides = array<i32>} : memref<2x80x64xf32, #tpu.memory_space<vmem>>, vector<1x1x16xf32>,
          %get3A_344 = vector.shape_cast %get3A_343 : vector<1x1x16xf32> to vector<16xf32>
          %get3A_345 = arith.constant 0 : i32
          %get3A_346 = arith.index_cast %get3A_345 : i32 to index
          %get3A_347 = arith.index_cast %scan3A_321 : i32 to index
          %get3A_348 = arith.constant 0 : index
          %get3A_349 = tpu.vector_load %arg16[%get3A_346, %get3A_347, %get3A_348] {strides = array<i32>} : memref<2x80x96xf32, #tpu.memory_space<vmem>>, vector<1x1x16xf32>,
          %get3A_350 = vector.shape_cast %get3A_349 : vector<1x1x16xf32> to vector<16xf32>
          %mul3A_351 = arith.mulf %get3A_350, %get3A_326 : vector<16xf32>
          %swap3A = arith.constant 0 : i32
          %swap3A_352 = arith.index_cast %swap3A : i32 to index
          %swap3A_353 = arith.index_cast %scan3A_321 : i32 to index
          %swap3A_354 = arith.constant 0 : index
          %swap3A_355 = tpu.vector_load %arg16[%swap3A_352, %swap3A_353, %swap3A_354] {strides = array<i32>} : memref<2x80x96xf32, #tpu.memory_space<vmem>>, vector<1x1x16xf32>,
          %swap3A_356 = vector.shape_cast %swap3A_355 : vector<1x1x16xf32> to vector<16xf32>
          %swap3A_357 = vector.shape_cast %mul3A_351 : vector<16xf32> to vector<1x1x16xf32>
          tpu.vector_store %arg16[%swap3A_352, %swap3A_353, %swap3A_354], %swap3A_357 {strides = array<i32>} : memref<2x80x96xf32, #tpu.memory_space<vmem>>, vector<1x1x16xf32>,
          %get3A_358 = arith.constant 0 : i32
          %get3A_359 = arith.index_cast %get3A_358 : i32 to index
          %get3A_360 = arith.index_cast %scan3A_321 : i32 to index
          %get3A_361 = arith.constant 16 : index
          %get3A_362 = tpu.vector_load %arg16[%get3A_359, %get3A_360, %get3A_361] {strides = array<i32>} : memref<2x80x96xf32, #tpu.memory_space<vmem>>, vector<1x1x16xf32>,
          %get3A_363 = vector.shape_cast %get3A_362 : vector<1x1x16xf32> to vector<16xf32>
          %mul3A_364 = arith.mulf %get3A_363, %get3A_332 : vector<16xf32>
          %swap3A_365 = arith.constant 0 : i32
          %swap3A_366 = arith.index_cast %swap3A_365 : i32 to index
          %swap3A_367 = arith.index_cast %scan3A_321 : i32 to index
          %swap3A_368 = arith.constant 16 : index
          %swap3A_369 = tpu.vector_load %arg16[%swap3A_366, %swap3A_367, %swap3A_368] {strides = array<i32>} : memref<2x80x96xf32, #tpu.memory_space<vmem>>, vector<1x1x16xf32>,
          %swap3A_370 = vector.shape_cast %swap3A_369 : vector<1x1x16xf32> to vector<16xf32>
          %swap3A_371 = vector.shape_cast %mul3A_364 : vector<16xf32> to vector<1x1x16xf32>
          tpu.vector_store %arg16[%swap3A_366, %swap3A_367, %swap3A_368], %swap3A_371 {strides = array<i32>} : memref<2x80x96xf32, #tpu.memory_space<vmem>>, vector<1x1x16xf32>,
          %get3A_372 = arith.constant 0 : i32
          %get3A_373 = arith.index_cast %get3A_372 : i32 to index
          %get3A_374 = arith.index_cast %scan3A_321 : i32 to index
          %get3A_375 = arith.constant 32 : index
          %get3A_376 = tpu.vector_load %arg16[%get3A_373, %get3A_374, %get3A_375] {strides = array<i32>} : memref<2x80x96xf32, #tpu.memory_space<vmem>>, vector<1x1x16xf32>,
          %get3A_377 = vector.shape_cast %get3A_376 : vector<1x1x16xf32> to vector<16xf32>
          %mul3A_378 = arith.mulf %get3A_377, %get3A_338 : vector<16xf32>
          %swap3A_379 = arith.constant 0 : i32
          %swap3A_380 = arith.index_cast %swap3A_379 : i32 to index
          %swap3A_381 = arith.index_cast %scan3A_321 : i32 to index
          %swap3A_382 = arith.constant 32 : index
          %swap3A_383 = tpu.vector_load %arg16[%swap3A_380, %swap3A_381, %swap3A_382] {strides = array<i32>} : memref<2x80x96xf32, #tpu.memory_space<vmem>>, vector<1x1x16xf32>,
          %swap3A_384 = vector.shape_cast %swap3A_383 : vector<1x1x16xf32> to vector<16xf32>
          %swap3A_385 = vector.shape_cast %mul3A_378 : vector<16xf32> to vector<1x1x16xf32>
          tpu.vector_store %arg16[%swap3A_380, %swap3A_381, %swap3A_382], %swap3A_385 {strides = array<i32>} : memref<2x80x96xf32, #tpu.memory_space<vmem>>, vector<1x1x16xf32>,
          %get3A_386 = arith.constant 0 : i32
          %get3A_387 = arith.index_cast %get3A_386 : i32 to index
          %get3A_388 = arith.index_cast %scan3A_321 : i32 to index
          %get3A_389 = arith.constant 48 : index
          %get3A_390 = tpu.vector_load %arg16[%get3A_387, %get3A_388, %get3A_389] {strides = array<i32>} : memref<2x80x96xf32, #tpu.memory_space<vmem>>, vector<1x1x16xf32>,
          %get3A_391 = vector.shape_cast %get3A_390 : vector<1x1x16xf32> to vector<16xf32>
          %mul3A_392 = arith.mulf %get3A_391, %get3A_344 : vector<16xf32>
          %swap3A_393 = arith.constant 0 : i32
          %swap3A_394 = arith.index_cast %swap3A_393 : i32 to index
          %swap3A_395 = arith.index_cast %scan3A_321 : i32 to index
          %swap3A_396 = arith.constant 48 : index
          %swap3A_397 = tpu.vector_load %arg16[%swap3A_394, %swap3A_395, %swap3A_396] {strides = array<i32>} : memref<2x80x96xf32, #tpu.memory_space<vmem>>, vector<1x1x16xf32>,
          %swap3A_398 = vector.shape_cast %swap3A_397 : vector<1x1x16xf32> to vector<16xf32>
          %swap3A_399 = vector.shape_cast %mul3A_392 : vector<16xf32> to vector<1x1x16xf32>
          tpu.vector_store %arg16[%swap3A_394, %swap3A_395, %swap3A_396], %swap3A_399 {strides = array<i32>} : memref<2x80x96xf32, #tpu.memory_space<vmem>>, vector<1x1x16xf32>,
          %get3A_400 = arith.constant 0 : i32
          %get3A_401 = arith.index_cast %get3A_400 : i32 to index
          %get3A_402 = arith.index_cast %scan3A_321 : i32 to index
          %get3A_403 = arith.constant 64 : index
          %get3A_404 = tpu.vector_load %arg16[%get3A_401, %get3A_402, %get3A_403] {strides = array<i32>} : memref<2x80x96xf32, #tpu.memory_space<vmem>>, vector<1x1x16xf32>,
          %get3A_405 = vector.shape_cast %get3A_404 : vector<1x1x16xf32> to vector<16xf32>
          %mul3A_406 = arith.mulf %get3A_405, %get3A_338 : vector<16xf32>
          %swap3A_407 = arith.constant 0 : i32
          %swap3A_408 = arith.index_cast %swap3A_407 : i32 to index
          %swap3A_409 = arith.index_cast %scan3A_321 : i32 to index
          %swap3A_410 = arith.constant 64 : index
          %swap3A_411 = tpu.vector_load %arg16[%swap3A_408, %swap3A_409, %swap3A_410] {strides = array<i32>} : memref<2x80x96xf32, #tpu.memory_space<vmem>>, vector<1x1x16xf32>,
          %swap3A_412 = vector.shape_cast %swap3A_411 : vector<1x1x16xf32> to vector<16xf32>
          %swap3A_413 = vector.shape_cast %mul3A_406 : vector<16xf32> to vector<1x1x16xf32>
          tpu.vector_store %arg16[%swap3A_408, %swap3A_409, %swap3A_410], %swap3A_413 {strides = array<i32>} : memref<2x80x96xf32, #tpu.memory_space<vmem>>, vector<1x1x16xf32>,
          %get3A_414 = arith.constant 0 : i32
          %get3A_415 = arith.index_cast %get3A_414 : i32 to index
          %get3A_416 = arith.index_cast %scan3A_321 : i32 to index
          %get3A_417 = arith.constant 80 : index
          %get3A_418 = tpu.vector_load %arg16[%get3A_415, %get3A_416, %get3A_417] {strides = array<i32>} : memref<2x80x96xf32, #tpu.memory_space<vmem>>, vector<1x1x16xf32>,
          %get3A_419 = vector.shape_cast %get3A_418 : vector<1x1x16xf32> to vector<16xf32>
          %mul3A_420 = arith.mulf %get3A_419, %get3A_344 : vector<16xf32>
          %swap3A_421 = arith.constant 0 : i32
          %swap3A_422 = arith.index_cast %swap3A_421 : i32 to index
          %swap3A_423 = arith.index_cast %scan3A_321 : i32 to index
          %swap3A_424 = arith.constant 80 : index
          %swap3A_425 = tpu.vector_load %arg16[%swap3A_422, %swap3A_423, %swap3A_424] {strides = array<i32>} : memref<2x80x96xf32, #tpu.memory_space<vmem>>, vector<1x1x16xf32>,
          %swap3A_426 = vector.shape_cast %swap3A_425 : vector<1x1x16xf32> to vector<16xf32>
          %swap3A_427 = vector.shape_cast %mul3A_420 : vector<16xf32> to vector<1x1x16xf32>
          tpu.vector_store %arg16[%swap3A_422, %swap3A_423, %swap3A_424], %swap3A_427 {strides = array<i32>} : memref<2x80x96xf32, #tpu.memory_space<vmem>>, vector<1x1x16xf32>,
        }
        %scan3A_252 = arith.constant 80 : i32
        %run_scoped3A_253 = arith.constant 0 : i32
        %run_scoped3A_254 = arith.constant 0 : i32
        "tpu.region"() ({
          %run_scoped3A_321 = tpu.sem_alloc : memref<!tpu.dma_semaphore, #tpu.memory_space<semaphore_mem>>
          %dma_start3A_322 = arith.constant 0 : i32
          %dma_start3A_323 = arith.constant 0 : i32
          %dma_start3A_324 = tpu.memref_slice %arg16[%run_scoped3A_253, %dma_start3A_322, %dma_start3A_323] : memref<2x80x96xf32, #tpu.memory_space<vmem>> -> memref<1x80x96xf32, #tpu.memory_space<vmem>>
          %dma_start3A_325 = tpu.memref_squeeze %dma_start3A_324 : memref<1x80x96xf32, #tpu.memory_space<vmem>> -> memref<80x96xf32, #tpu.memory_space<vmem>>
          %dma_start3A_326 = arith.constant 0 : i32
          %dma_start3A_327 = tpu.memref_slice %arg13[%run_scoped3A_254, %dma_start3A_326] : memref<2x80xi32, #tpu.memory_space<vmem>> -> memref<1x80xi32, #tpu.memory_space<vmem>>
          %dma_start3A_328 = tpu.memref_squeeze %dma_start3A_327 : memref<1x80xi32, #tpu.memory_space<vmem>> -> memref<80xi32, #tpu.memory_space<vmem>>
          %dma_start3A_329 = arith.constant 0 : i32
          %dma_start3A_330 = arith.constant 0 : i32
          %dma_start3A_331 = tpu.memref_slice %arg18[%dma_start3A_329, %dma_start3A_330] : memref<10240x96xf32, #tpu.memory_space<vmem_shared>> -> memref<10240x96xf32, #tpu.memory_space<vmem_shared>>
          tpu.enqueue_indirect_dma source(%dma_start3A_325 : memref<80x96xf32, #tpu.memory_space<vmem>>) target(%dma_start3A_331 : memref<10240x96xf32, #tpu.memory_space<vmem_shared>>) offsets(%dma_start3A_328 : memref<80xi32, #tpu.memory_space<vmem>>) semaphore(%run_scoped3A_321 : memref<!tpu.dma_semaphore, #tpu.memory_space<semaphore_mem>>) {add = true}
          %dma_wait3A_332 = arith.constant 0 : i32
          %dma_wait3A_333 = arith.constant 0 : i32
          %dma_wait3A_334 = tpu.memref_slice %arg16[%run_scoped3A_253, %dma_wait3A_332, %dma_wait3A_333] : memref<2x80x96xf32, #tpu.memory_space<vmem>> -> memref<1x80x96xf32, #tpu.memory_space<vmem>>
          %dma_wait3A_335 = tpu.memref_squeeze %dma_wait3A_334 : memref<1x80x96xf32, #tpu.memory_space<vmem>> -> memref<80x96xf32, #tpu.memory_space<vmem>>
          %dma_wait3A_336 = arith.constant 0 : i32
          %dma_wait3A_337 = tpu.memref_slice %arg13[%run_scoped3A_254, %dma_wait3A_336] : memref<2x80xi32, #tpu.memory_space<vmem>> -> memref<1x80xi32, #tpu.memory_space<vmem>>
          %dma_wait3A_338 = tpu.memref_squeeze %dma_wait3A_337 : memref<1x80xi32, #tpu.memory_space<vmem>> -> memref<80xi32, #tpu.memory_space<vmem>>
          %dma_wait3A_339 = arith.constant 0 : i32
          %dma_wait3A_340 = arith.constant 0 : i32
          %dma_wait3A_341 = tpu.memref_slice %arg18[%dma_wait3A_339, %dma_wait3A_340] : memref<10240x96xf32, #tpu.memory_space<vmem_shared>> -> memref<10240x96xf32, #tpu.memory_space<vmem_shared>>
          tpu.wait_indirect_dma semaphore(%run_scoped3A_321 : memref<!tpu.dma_semaphore, #tpu.memory_space<semaphore_mem>>) src(%dma_wait3A_335 : memref<80x96xf32, #tpu.memory_space<vmem>>) dst(%dma_wait3A_341 : memref<10240x96xf32, #tpu.memory_space<vmem_shared>>)
          tpu.yield
        }) : () -> ()
        %add3A_255 = arith.constant 2 : i32
        %add3A_256 = arith.addi %add3A_207, %add3A_255 : i32
        %lt3A = arith.constant 125 : i32
        %lt3A_257 = arith.cmpi slt, %add3A_256, %lt3A : i32
        %convert_element_type3A_258 = arith.extui %lt3A_257 : i1 to i32
        %cond3A_259 = arith.constant 0 : i32
        %cond3A_260 = arith.cmpi ne, %convert_element_type3A_258, %cond3A_259 : i32
        scf.if %cond3A_260 {
          %add3A_321 = arith.constant 2 : i32
          %add3A_322 = arith.addi %add3A_207, %add3A_321 : i32
          %mul3A_323 = arith.constant 80 : i32
          %mul3A_324 = arith.muli %add3A_322, %mul3A_323 : i32
          %dma_start3A_325 = arith.constant 0 : i32
          %dma_start3A_326 = arith.constant 0 : i32
          %dma_start3A_327 = arith.constant 0 : i32
          %dma_start3A_328 = tpu.memref_slice %arg16[%dma_start3A_325, %dma_start3A_326, %dma_start3A_327] : memref<2x80x96xf32, #tpu.memory_space<vmem>> -> memref<1x80x96xf32, #tpu.memory_space<vmem>>
          %dma_start3A_329 = tpu.memref_squeeze %dma_start3A_328 : memref<1x80x96xf32, #tpu.memory_space<vmem>> -> memref<80x96xf32, #tpu.memory_space<vmem>>
          %dma_start3A_330 = tpu.memref_slice %arg12[%mul3A_324] : memref<10000xi32, #tpu.memory_space<vmem>> -> memref<80xi32, #tpu.memory_space<vmem>>
          %dma_start3A_331 = arith.constant 0 : i32
          %dma_start3A_332 = arith.constant 0 : i32
          %dma_start3A_333 = tpu.memref_slice %arg3[%dma_start3A_331, %dma_start3A_332] : memref<10000x96xf32, #tpu.memory_space<hbm>> -> memref<10000x96xf32, #tpu.memory_space<hbm>>
          tpu.enqueue_indirect_dma source(%dma_start3A_333 : memref<10000x96xf32, #tpu.memory_space<hbm>>) target(%dma_start3A_329 : memref<80x96xf32, #tpu.memory_space<vmem>>) offsets(%dma_start3A_330 : memref<80xi32, #tpu.memory_space<vmem>>) semaphore(%arg19 : memref<!tpu.dma_semaphore, #tpu.memory_space<semaphore_mem>>)
          %mul3A_334 = arith.constant 80 : i32
          %mul3A_335 = arith.muli %add3A_322, %mul3A_334 : i32
          %add3A_336 = arith.addi %mul3A_0, %mul3A_335 : i32
          %dma_start3A_337 = arith.constant 0 : i32
          %dma_start3A_338 = arith.constant 0 : i32
          %dma_start3A_339 = arith.constant 0 : i32
          %dma_start3A_340 = tpu.memref_slice %arg14[%dma_start3A_337, %dma_start3A_338, %dma_start3A_339] : memref<2x80x64xf32, #tpu.memory_space<vmem>> -> memref<1x80x64xf32, #tpu.memory_space<vmem>>
          %dma_start3A_341 = tpu.memref_squeeze %dma_start3A_340 : memref<1x80x64xf32, #tpu.memory_space<vmem>> -> memref<80x64xf32, #tpu.memory_space<vmem>>
          %dma_start3A_342 = arith.constant 32 : i32
          %dma_start3A_343 = tpu.memref_slice %arg5[%add3A_336, %dma_start3A_342] : memref<160000x128xf32, #tpu.memory_space<hbm>> -> memref<80x64xf32, #tpu.memory_space<hbm>>
          %dma_start3A_344 = arith.constant 0 : i32
          %dma_start3A_345 = arith.constant 0 : i32
          %dma_start3A_346 = tpu.memref_slice %arg14[%dma_start3A_337, %dma_start3A_344, %dma_start3A_345] : memref<2x80x64xf32, #tpu.memory_space<vmem>> -> memref<1x80x64xf32, #tpu.memory_space<vmem>>
          %dma_start3A_347 = tpu.memref_squeeze %dma_start3A_346 : memref<1x80x64xf32, #tpu.memory_space<vmem>> -> memref<80x64xf32, #tpu.memory_space<vmem>>
          %dma_start3A_348 = arith.constant 32 : i32
          %dma_start3A_349 = tpu.memref_slice %arg5[%add3A_336, %dma_start3A_348] : memref<160000x128xf32, #tpu.memory_space<hbm>> -> memref<80x64xf32, #tpu.memory_space<hbm>>
          tpu.enqueue_dma source(%dma_start3A_349 : memref<80x64xf32, #tpu.memory_space<hbm>>) target(%dma_start3A_347 : memref<80x64xf32, #tpu.memory_space<vmem>>) target_semaphore(%arg21 : memref<!tpu.dma_semaphore, #tpu.memory_space<semaphore_mem>>)
          %mul3A_350 = arith.constant 80 : i32
          %mul3A_351 = arith.muli %add3A_322, %mul3A_350 : i32
          %add3A_352 = arith.addi %mul3A_0, %mul3A_351 : i32
          %dma_start3A_353 = arith.constant 0 : i32
          %dma_start3A_354 = arith.constant 0 : i32
          %dma_start3A_355 = tpu.memref_slice %arg13[%dma_start3A_353, %dma_start3A_354] : memref<2x80xi32, #tpu.memory_space<vmem>> -> memref<1x80xi32, #tpu.memory_space<vmem>>
          %dma_start3A_356 = tpu.memref_squeeze %dma_start3A_355 : memref<1x80xi32, #tpu.memory_space<vmem>> -> memref<80xi32, #tpu.memory_space<vmem>>
          %dma_start3A_357 = tpu.memref_slice %arg6[%add3A_352] : memref<160000xi32, #tpu.memory_space<hbm>> -> memref<80xi32, #tpu.memory_space<hbm>>
          %dma_start3A_358 = arith.constant 0 : i32
          %dma_start3A_359 = tpu.memref_slice %arg13[%dma_start3A_353, %dma_start3A_358] : memref<2x80xi32, #tpu.memory_space<vmem>> -> memref<1x80xi32, #tpu.memory_space<vmem>>
          %dma_start3A_360 = tpu.memref_squeeze %dma_start3A_359 : memref<1x80xi32, #tpu.memory_space<vmem>> -> memref<80xi32, #tpu.memory_space<vmem>>
          %dma_start3A_361 = tpu.memref_slice %arg6[%add3A_352] : memref<160000xi32, #tpu.memory_space<hbm>> -> memref<80xi32, #tpu.memory_space<hbm>>
          tpu.enqueue_dma source(%dma_start3A_361 : memref<80xi32, #tpu.memory_space<hbm>>) target(%dma_start3A_360 : memref<80xi32, #tpu.memory_space<vmem>>) target_semaphore(%arg23 : memref<!tpu.dma_semaphore, #tpu.memory_space<semaphore_mem>>)
        } else {
        }
        %mul3A_261 = arith.constant 2 : i32
        %mul3A_262 = arith.muli %mul3A_261, %scan3A_203 : i32
        %add3A_263 = arith.constant 0 : i32
        %add3A_264 = arith.addi %add3A_263, %mul3A_262 : i32
        %add3A_265 = arith.constant 1 : i32
        %add3A_266 = arith.addi %add3A_264, %add3A_265 : i32
        %mul3A_267 = arith.constant 80 : i32
        %mul3A_268 = arith.muli %add3A_266, %mul3A_267 : i32
        %dma_wait3A_269 = arith.constant 1 : i32
        %dma_wait3A_270 = arith.constant 0 : i32
        %dma_wait3A_271 = arith.constant 0 : i32
        %dma_wait3A_272 = tpu.memref_slice %arg16[%dma_wait3A_269, %dma_wait3A_270, %dma_wait3A_271] : memref<2x80x96xf32, #tpu.memory_space<vmem>> -> memref<1x80x96xf32, #tpu.memory_space<vmem>>
        %dma_wait3A_273 = tpu.memref_squeeze %dma_wait3A_272 : memref<1x80x96xf32, #tpu.memory_space<vmem>> -> memref<80x96xf32, #tpu.memory_space<vmem>>
        %dma_wait3A_274 = tpu.memref_slice %arg12[%mul3A_268] : memref<10000xi32, #tpu.memory_space<vmem>> -> memref<80xi32, #tpu.memory_space<vmem>>
        %dma_wait3A_275 = arith.constant 0 : i32
        %dma_wait3A_276 = arith.constant 0 : i32
        %dma_wait3A_277 = tpu.memref_slice %arg3[%dma_wait3A_275, %dma_wait3A_276] : memref<10000x96xf32, #tpu.memory_space<hbm>> -> memref<10000x96xf32, #tpu.memory_space<hbm>>
        tpu.wait_indirect_dma semaphore(%arg20 : memref<!tpu.dma_semaphore, #tpu.memory_space<semaphore_mem>>) src(%dma_wait3A_277 : memref<10000x96xf32, #tpu.memory_space<hbm>>) dst(%dma_wait3A_273 : memref<80x96xf32, #tpu.memory_space<vmem>>)
        %mul3A_278 = arith.constant 80 : i32
        %mul3A_279 = arith.muli %add3A_266, %mul3A_278 : i32
        %add3A_280 = arith.addi %mul3A_0, %mul3A_279 : i32
        %dma_wait3A_281 = arith.constant 1 : i32
        %dma_wait3A_282 = arith.constant 0 : i32
        %dma_wait3A_283 = arith.constant 0 : i32
        %dma_wait3A_284 = tpu.memref_slice %arg14[%dma_wait3A_281, %dma_wait3A_282, %dma_wait3A_283] : memref<2x80x64xf32, #tpu.memory_space<vmem>> -> memref<1x80x64xf32, #tpu.memory_space<vmem>>
        %dma_wait3A_285 = tpu.memref_squeeze %dma_wait3A_284 : memref<1x80x64xf32, #tpu.memory_space<vmem>> -> memref<80x64xf32, #tpu.memory_space<vmem>>
        %dma_wait3A_286 = arith.constant 32 : i32
        %dma_wait3A_287 = tpu.memref_slice %arg5[%add3A_280, %dma_wait3A_286] : memref<160000x128xf32, #tpu.memory_space<hbm>> -> memref<80x64xf32, #tpu.memory_space<hbm>>
        %dma_wait3A_288 = arith.constant 0 : i32
        %dma_wait3A_289 = arith.constant 0 : i32
        %dma_wait3A_290 = tpu.memref_slice %arg14[%dma_wait3A_281, %dma_wait3A_288, %dma_wait3A_289] : memref<2x80x64xf32, #tpu.memory_space<vmem>> -> memref<1x80x64xf32, #tpu.memory_space<vmem>>
        %dma_wait3A_291 = tpu.memref_squeeze %dma_wait3A_290 : memref<1x80x64xf32, #tpu.memory_space<vmem>> -> memref<80x64xf32, #tpu.memory_space<vmem>>
        %dma_wait3A_292 = arith.constant 32 : i32
        %dma_wait3A_293 = tpu.memref_slice %arg5[%add3A_280, %dma_wait3A_292] : memref<160000x128xf32, #tpu.memory_space<hbm>> -> memref<80x64xf32, #tpu.memory_space<hbm>>
        tpu.wait_dma2 semaphore(%arg22 : memref<!tpu.dma_semaphore, #tpu.memory_space<semaphore_mem>>) src(%dma_wait3A_293 : memref<80x64xf32, #tpu.memory_space<hbm>>) dst(%dma_wait3A_291 : memref<80x64xf32, #tpu.memory_space<vmem>>)
        %mul3A_294 = arith.constant 80 : i32
        %mul3A_295 = arith.muli %add3A_266, %mul3A_294 : i32
        %add3A_296 = arith.addi %mul3A_0, %mul3A_295 : i32
        %dma_wait3A_297 = arith.constant 1 : i32
        %dma_wait3A_298 = arith.constant 0 : i32
        %dma_wait3A_299 = tpu.memref_slice %arg13[%dma_wait3A_297, %dma_wait3A_298] : memref<2x80xi32, #tpu.memory_space<vmem>> -> memref<1x80xi32, #tpu.memory_space<vmem>>
        %dma_wait3A_300 = tpu.memref_squeeze %dma_wait3A_299 : memref<1x80xi32, #tpu.memory_space<vmem>> -> memref<80xi32, #tpu.memory_space<vmem>>
        %dma_wait3A_301 = tpu.memref_slice %arg6[%add3A_296] : memref<160000xi32, #tpu.memory_space<hbm>> -> memref<80xi32, #tpu.memory_space<hbm>>
        %dma_wait3A_302 = arith.constant 0 : i32
        %dma_wait3A_303 = tpu.memref_slice %arg13[%dma_wait3A_297, %dma_wait3A_302] : memref<2x80xi32, #tpu.memory_space<vmem>> -> memref<1x80xi32, #tpu.memory_space<vmem>>
        %dma_wait3A_304 = tpu.memref_squeeze %dma_wait3A_303 : memref<1x80xi32, #tpu.memory_space<vmem>> -> memref<80xi32, #tpu.memory_space<vmem>>
        %dma_wait3A_305 = tpu.memref_slice %arg6[%add3A_296] : memref<160000xi32, #tpu.memory_space<hbm>> -> memref<80xi32, #tpu.memory_space<hbm>>
        tpu.wait_dma2 semaphore(%arg24 : memref<!tpu.dma_semaphore, #tpu.memory_space<semaphore_mem>>) src(%dma_wait3A_305 : memref<80xi32, #tpu.memory_space<hbm>>) dst(%dma_wait3A_304 : memref<80xi32, #tpu.memory_space<vmem>>)
        %scan3A_306 = arith.constant 0 : i32
        %scan3A_307 = arith.constant 0 : i32
        %scan3A_308 = arith.constant 80 : i32
        %scan3A_309 = arith.addi %scan3A_307, %scan3A_308 : i32
        %scan3A_310 = arith.constant 1 : i32
        scf.for %scan3A_321 = %scan3A_307 to %scan3A_309 step %scan3A_310  : i32 {
          %get3A = arith.constant 1 : i32
          %get3A_322 = arith.index_cast %get3A : i32 to index
          %get3A_323 = arith.index_cast %scan3A_321 : i32 to index
          %get3A_324 = arith.constant 0 : index
          %get3A_325 = tpu.vector_load %arg14[%get3A_322, %get3A_323, %get3A_324] {strides = array<i32>} : memref<2x80x64xf32, #tpu.memory_space<vmem>>, vector<1x1x16xf32>,
          %get3A_326 = vector.shape_cast %get3A_325 : vector<1x1x16xf32> to vector<16xf32>
          %get3A_327 = arith.constant 1 : i32
          %get3A_328 = arith.index_cast %get3A_327 : i32 to index
          %get3A_329 = arith.index_cast %scan3A_321 : i32 to index
          %get3A_330 = arith.constant 16 : index
          %get3A_331 = tpu.vector_load %arg14[%get3A_328, %get3A_329, %get3A_330] {strides = array<i32>} : memref<2x80x64xf32, #tpu.memory_space<vmem>>, vector<1x1x16xf32>,
          %get3A_332 = vector.shape_cast %get3A_331 : vector<1x1x16xf32> to vector<16xf32>
          %get3A_333 = arith.constant 1 : i32
          %get3A_334 = arith.index_cast %get3A_333 : i32 to index
          %get3A_335 = arith.index_cast %scan3A_321 : i32 to index
          %get3A_336 = arith.constant 32 : index
          %get3A_337 = tpu.vector_load %arg14[%get3A_334, %get3A_335, %get3A_336] {strides = array<i32>} : memref<2x80x64xf32, #tpu.memory_space<vmem>>, vector<1x1x16xf32>,
          %get3A_338 = vector.shape_cast %get3A_337 : vector<1x1x16xf32> to vector<16xf32>
          %get3A_339 = arith.constant 1 : i32
          %get3A_340 = arith.index_cast %get3A_339 : i32 to index
          %get3A_341 = arith.index_cast %scan3A_321 : i32 to index
          %get3A_342 = arith.constant 48 : index
          %get3A_343 = tpu.vector_load %arg14[%get3A_340, %get3A_341, %get3A_342] {strides = array<i32>} : memref<2x80x64xf32, #tpu.memory_space<vmem>>, vector<1x1x16xf32>,
          %get3A_344 = vector.shape_cast %get3A_343 : vector<1x1x16xf32> to vector<16xf32>
          %get3A_345 = arith.constant 1 : i32
          %get3A_346 = arith.index_cast %get3A_345 : i32 to index
          %get3A_347 = arith.index_cast %scan3A_321 : i32 to index
          %get3A_348 = arith.constant 0 : index
          %get3A_349 = tpu.vector_load %arg16[%get3A_346, %get3A_347, %get3A_348] {strides = array<i32>} : memref<2x80x96xf32, #tpu.memory_space<vmem>>, vector<1x1x16xf32>,
          %get3A_350 = vector.shape_cast %get3A_349 : vector<1x1x16xf32> to vector<16xf32>
          %mul3A_351 = arith.mulf %get3A_350, %get3A_326 : vector<16xf32>
          %swap3A = arith.constant 1 : i32
          %swap3A_352 = arith.index_cast %swap3A : i32 to index
          %swap3A_353 = arith.index_cast %scan3A_321 : i32 to index
          %swap3A_354 = arith.constant 0 : index
          %swap3A_355 = tpu.vector_load %arg16[%swap3A_352, %swap3A_353, %swap3A_354] {strides = array<i32>} : memref<2x80x96xf32, #tpu.memory_space<vmem>>, vector<1x1x16xf32>,
          %swap3A_356 = vector.shape_cast %swap3A_355 : vector<1x1x16xf32> to vector<16xf32>
          %swap3A_357 = vector.shape_cast %mul3A_351 : vector<16xf32> to vector<1x1x16xf32>
          tpu.vector_store %arg16[%swap3A_352, %swap3A_353, %swap3A_354], %swap3A_357 {strides = array<i32>} : memref<2x80x96xf32, #tpu.memory_space<vmem>>, vector<1x1x16xf32>,
          %get3A_358 = arith.constant 1 : i32
          %get3A_359 = arith.index_cast %get3A_358 : i32 to index
          %get3A_360 = arith.index_cast %scan3A_321 : i32 to index
          %get3A_361 = arith.constant 16 : index
          %get3A_362 = tpu.vector_load %arg16[%get3A_359, %get3A_360, %get3A_361] {strides = array<i32>} : memref<2x80x96xf32, #tpu.memory_space<vmem>>, vector<1x1x16xf32>,
          %get3A_363 = vector.shape_cast %get3A_362 : vector<1x1x16xf32> to vector<16xf32>
          %mul3A_364 = arith.mulf %get3A_363, %get3A_332 : vector<16xf32>
          %swap3A_365 = arith.constant 1 : i32
          %swap3A_366 = arith.index_cast %swap3A_365 : i32 to index
          %swap3A_367 = arith.index_cast %scan3A_321 : i32 to index
          %swap3A_368 = arith.constant 16 : index
          %swap3A_369 = tpu.vector_load %arg16[%swap3A_366, %swap3A_367, %swap3A_368] {strides = array<i32>} : memref<2x80x96xf32, #tpu.memory_space<vmem>>, vector<1x1x16xf32>,
          %swap3A_370 = vector.shape_cast %swap3A_369 : vector<1x1x16xf32> to vector<16xf32>
          %swap3A_371 = vector.shape_cast %mul3A_364 : vector<16xf32> to vector<1x1x16xf32>
          tpu.vector_store %arg16[%swap3A_366, %swap3A_367, %swap3A_368], %swap3A_371 {strides = array<i32>} : memref<2x80x96xf32, #tpu.memory_space<vmem>>, vector<1x1x16xf32>,
          %get3A_372 = arith.constant 1 : i32
          %get3A_373 = arith.index_cast %get3A_372 : i32 to index
          %get3A_374 = arith.index_cast %scan3A_321 : i32 to index
          %get3A_375 = arith.constant 32 : index
          %get3A_376 = tpu.vector_load %arg16[%get3A_373, %get3A_374, %get3A_375] {strides = array<i32>} : memref<2x80x96xf32, #tpu.memory_space<vmem>>, vector<1x1x16xf32>,
          %get3A_377 = vector.shape_cast %get3A_376 : vector<1x1x16xf32> to vector<16xf32>
          %mul3A_378 = arith.mulf %get3A_377, %get3A_338 : vector<16xf32>
          %swap3A_379 = arith.constant 1 : i32
          %swap3A_380 = arith.index_cast %swap3A_379 : i32 to index
          %swap3A_381 = arith.index_cast %scan3A_321 : i32 to index
          %swap3A_382 = arith.constant 32 : index
          %swap3A_383 = tpu.vector_load %arg16[%swap3A_380, %swap3A_381, %swap3A_382] {strides = array<i32>} : memref<2x80x96xf32, #tpu.memory_space<vmem>>, vector<1x1x16xf32>,
          %swap3A_384 = vector.shape_cast %swap3A_383 : vector<1x1x16xf32> to vector<16xf32>
          %swap3A_385 = vector.shape_cast %mul3A_378 : vector<16xf32> to vector<1x1x16xf32>
          tpu.vector_store %arg16[%swap3A_380, %swap3A_381, %swap3A_382], %swap3A_385 {strides = array<i32>} : memref<2x80x96xf32, #tpu.memory_space<vmem>>, vector<1x1x16xf32>,
          %get3A_386 = arith.constant 1 : i32
          %get3A_387 = arith.index_cast %get3A_386 : i32 to index
          %get3A_388 = arith.index_cast %scan3A_321 : i32 to index
          %get3A_389 = arith.constant 48 : index
          %get3A_390 = tpu.vector_load %arg16[%get3A_387, %get3A_388, %get3A_389] {strides = array<i32>} : memref<2x80x96xf32, #tpu.memory_space<vmem>>, vector<1x1x16xf32>,
          %get3A_391 = vector.shape_cast %get3A_390 : vector<1x1x16xf32> to vector<16xf32>
          %mul3A_392 = arith.mulf %get3A_391, %get3A_344 : vector<16xf32>
          %swap3A_393 = arith.constant 1 : i32
          %swap3A_394 = arith.index_cast %swap3A_393 : i32 to index
          %swap3A_395 = arith.index_cast %scan3A_321 : i32 to index
          %swap3A_396 = arith.constant 48 : index
          %swap3A_397 = tpu.vector_load %arg16[%swap3A_394, %swap3A_395, %swap3A_396] {strides = array<i32>} : memref<2x80x96xf32, #tpu.memory_space<vmem>>, vector<1x1x16xf32>,
          %swap3A_398 = vector.shape_cast %swap3A_397 : vector<1x1x16xf32> to vector<16xf32>
          %swap3A_399 = vector.shape_cast %mul3A_392 : vector<16xf32> to vector<1x1x16xf32>
          tpu.vector_store %arg16[%swap3A_394, %swap3A_395, %swap3A_396], %swap3A_399 {strides = array<i32>} : memref<2x80x96xf32, #tpu.memory_space<vmem>>, vector<1x1x16xf32>,
          %get3A_400 = arith.constant 1 : i32
          %get3A_401 = arith.index_cast %get3A_400 : i32 to index
          %get3A_402 = arith.index_cast %scan3A_321 : i32 to index
          %get3A_403 = arith.constant 64 : index
          %get3A_404 = tpu.vector_load %arg16[%get3A_401, %get3A_402, %get3A_403] {strides = array<i32>} : memref<2x80x96xf32, #tpu.memory_space<vmem>>, vector<1x1x16xf32>,
          %get3A_405 = vector.shape_cast %get3A_404 : vector<1x1x16xf32> to vector<16xf32>
          %mul3A_406 = arith.mulf %get3A_405, %get3A_338 : vector<16xf32>
          %swap3A_407 = arith.constant 1 : i32
          %swap3A_408 = arith.index_cast %swap3A_407 : i32 to index
          %swap3A_409 = arith.index_cast %scan3A_321 : i32 to index
          %swap3A_410 = arith.constant 64 : index
          %swap3A_411 = tpu.vector_load %arg16[%swap3A_408, %swap3A_409, %swap3A_410] {strides = array<i32>} : memref<2x80x96xf32, #tpu.memory_space<vmem>>, vector<1x1x16xf32>,
          %swap3A_412 = vector.shape_cast %swap3A_411 : vector<1x1x16xf32> to vector<16xf32>
          %swap3A_413 = vector.shape_cast %mul3A_406 : vector<16xf32> to vector<1x1x16xf32>
          tpu.vector_store %arg16[%swap3A_408, %swap3A_409, %swap3A_410], %swap3A_413 {strides = array<i32>} : memref<2x80x96xf32, #tpu.memory_space<vmem>>, vector<1x1x16xf32>,
          %get3A_414 = arith.constant 1 : i32
          %get3A_415 = arith.index_cast %get3A_414 : i32 to index
          %get3A_416 = arith.index_cast %scan3A_321 : i32 to index
          %get3A_417 = arith.constant 80 : index
          %get3A_418 = tpu.vector_load %arg16[%get3A_415, %get3A_416, %get3A_417] {strides = array<i32>} : memref<2x80x96xf32, #tpu.memory_space<vmem>>, vector<1x1x16xf32>,
          %get3A_419 = vector.shape_cast %get3A_418 : vector<1x1x16xf32> to vector<16xf32>
          %mul3A_420 = arith.mulf %get3A_419, %get3A_344 : vector<16xf32>
          %swap3A_421 = arith.constant 1 : i32
          %swap3A_422 = arith.index_cast %swap3A_421 : i32 to index
          %swap3A_423 = arith.index_cast %scan3A_321 : i32 to index
          %swap3A_424 = arith.constant 80 : index
          %swap3A_425 = tpu.vector_load %arg16[%swap3A_422, %swap3A_423, %swap3A_424] {strides = array<i32>} : memref<2x80x96xf32, #tpu.memory_space<vmem>>, vector<1x1x16xf32>,
          %swap3A_426 = vector.shape_cast %swap3A_425 : vector<1x1x16xf32> to vector<16xf32>
          %swap3A_427 = vector.shape_cast %mul3A_420 : vector<16xf32> to vector<1x1x16xf32>
          tpu.vector_store %arg16[%swap3A_422, %swap3A_423, %swap3A_424], %swap3A_427 {strides = array<i32>} : memref<2x80x96xf32, #tpu.memory_space<vmem>>, vector<1x1x16xf32>,
        }
        %scan3A_311 = arith.constant 80 : i32
        %run_scoped3A_312 = arith.constant 1 : i32
        %run_scoped3A_313 = arith.constant 1 : i32
        "tpu.region"() ({
          %run_scoped3A_321 = tpu.sem_alloc : memref<!tpu.dma_semaphore, #tpu.memory_space<semaphore_mem>>
          %dma_start3A_322 = arith.constant 0 : i32
          %dma_start3A_323 = arith.constant 0 : i32
          %dma_start3A_324 = tpu.memref_slice %arg16[%run_scoped3A_312, %dma_start3A_322, %dma_start3A_323] : memref<2x80x96xf32, #tpu.memory_space<vmem>> -> memref<1x80x96xf32, #tpu.memory_space<vmem>>
          %dma_start3A_325 = tpu.memref_squeeze %dma_start3A_324 : memref<1x80x96xf32, #tpu.memory_space<vmem>> -> memref<80x96xf32, #tpu.memory_space<vmem>>
          %dma_start3A_326 = arith.constant 0 : i32
          %dma_start3A_327 = tpu.memref_slice %arg13[%run_scoped3A_313, %dma_start3A_326] : memref<2x80xi32, #tpu.memory_space<vmem>> -> memref<1x80xi32, #tpu.memory_space<vmem>>
          %dma_start3A_328 = tpu.memref_squeeze %dma_start3A_327 : memref<1x80xi32, #tpu.memory_space<vmem>> -> memref<80xi32, #tpu.memory_space<vmem>>
          %dma_start3A_329 = arith.constant 0 : i32
          %dma_start3A_330 = arith.constant 0 : i32
          %dma_start3A_331 = tpu.memref_slice %arg18[%dma_start3A_329, %dma_start3A_330] : memref<10240x96xf32, #tpu.memory_space<vmem_shared>> -> memref<10240x96xf32, #tpu.memory_space<vmem_shared>>
          tpu.enqueue_indirect_dma source(%dma_start3A_325 : memref<80x96xf32, #tpu.memory_space<vmem>>) target(%dma_start3A_331 : memref<10240x96xf32, #tpu.memory_space<vmem_shared>>) offsets(%dma_start3A_328 : memref<80xi32, #tpu.memory_space<vmem>>) semaphore(%run_scoped3A_321 : memref<!tpu.dma_semaphore, #tpu.memory_space<semaphore_mem>>) {add = true}
          %dma_wait3A_332 = arith.constant 0 : i32
          %dma_wait3A_333 = arith.constant 0 : i32
          %dma_wait3A_334 = tpu.memref_slice %arg16[%run_scoped3A_312, %dma_wait3A_332, %dma_wait3A_333] : memref<2x80x96xf32, #tpu.memory_space<vmem>> -> memref<1x80x96xf32, #tpu.memory_space<vmem>>
          %dma_wait3A_335 = tpu.memref_squeeze %dma_wait3A_334 : memref<1x80x96xf32, #tpu.memory_space<vmem>> -> memref<80x96xf32, #tpu.memory_space<vmem>>
          %dma_wait3A_336 = arith.constant 0 : i32
          %dma_wait3A_337 = tpu.memref_slice %arg13[%run_scoped3A_313, %dma_wait3A_336] : memref<2x80xi32, #tpu.memory_space<vmem>> -> memref<1x80xi32, #tpu.memory_space<vmem>>
          %dma_wait3A_338 = tpu.memref_squeeze %dma_wait3A_337 : memref<1x80xi32, #tpu.memory_space<vmem>> -> memref<80xi32, #tpu.memory_space<vmem>>
          %dma_wait3A_339 = arith.constant 0 : i32
          %dma_wait3A_340 = arith.constant 0 : i32
          %dma_wait3A_341 = tpu.memref_slice %arg18[%dma_wait3A_339, %dma_wait3A_340] : memref<10240x96xf32, #tpu.memory_space<vmem_shared>> -> memref<10240x96xf32, #tpu.memory_space<vmem_shared>>
          tpu.wait_indirect_dma semaphore(%run_scoped3A_321 : memref<!tpu.dma_semaphore, #tpu.memory_space<semaphore_mem>>) src(%dma_wait3A_335 : memref<80x96xf32, #tpu.memory_space<vmem>>) dst(%dma_wait3A_341 : memref<10240x96xf32, #tpu.memory_space<vmem_shared>>)
          tpu.yield
        }) : () -> ()
        %add3A_314 = arith.constant 2 : i32
        %add3A_315 = arith.addi %add3A_266, %add3A_314 : i32
        %lt3A_316 = arith.constant 125 : i32
        %lt3A_317 = arith.cmpi slt, %add3A_315, %lt3A_316 : i32
        %convert_element_type3A_318 = arith.extui %lt3A_317 : i1 to i32
        %cond3A_319 = arith.constant 0 : i32
        %cond3A_320 = arith.cmpi ne, %convert_element_type3A_318, %cond3A_319 : i32
        scf.if %cond3A_320 {
          %add3A_321 = arith.constant 2 : i32
          %add3A_322 = arith.addi %add3A_266, %add3A_321 : i32
          %mul3A_323 = arith.constant 80 : i32
          %mul3A_324 = arith.muli %add3A_322, %mul3A_323 : i32
          %dma_start3A_325 = arith.constant 1 : i32
          %dma_start3A_326 = arith.constant 0 : i32
          %dma_start3A_327 = arith.constant 0 : i32
          %dma_start3A_328 = tpu.memref_slice %arg16[%dma_start3A_325, %dma_start3A_326, %dma_start3A_327] : memref<2x80x96xf32, #tpu.memory_space<vmem>> -> memref<1x80x96xf32, #tpu.memory_space<vmem>>
          %dma_start3A_329 = tpu.memref_squeeze %dma_start3A_328 : memref<1x80x96xf32, #tpu.memory_space<vmem>> -> memref<80x96xf32, #tpu.memory_space<vmem>>
          %dma_start3A_330 = tpu.memref_slice %arg12[%mul3A_324] : memref<10000xi32, #tpu.memory_space<vmem>> -> memref<80xi32, #tpu.memory_space<vmem>>
          %dma_start3A_331 = arith.constant 0 : i32
          %dma_start3A_332 = arith.constant 0 : i32
          %dma_start3A_333 = tpu.memref_slice %arg3[%dma_start3A_331, %dma_start3A_332] : memref<10000x96xf32, #tpu.memory_space<hbm>> -> memref<10000x96xf32, #tpu.memory_space<hbm>>
          tpu.enqueue_indirect_dma source(%dma_start3A_333 : memref<10000x96xf32, #tpu.memory_space<hbm>>) target(%dma_start3A_329 : memref<80x96xf32, #tpu.memory_space<vmem>>) offsets(%dma_start3A_330 : memref<80xi32, #tpu.memory_space<vmem>>) semaphore(%arg20 : memref<!tpu.dma_semaphore, #tpu.memory_space<semaphore_mem>>)
          %mul3A_334 = arith.constant 80 : i32
          %mul3A_335 = arith.muli %add3A_322, %mul3A_334 : i32
          %add3A_336 = arith.addi %mul3A_0, %mul3A_335 : i32
          %dma_start3A_337 = arith.constant 1 : i32
          %dma_start3A_338 = arith.constant 0 : i32
          %dma_start3A_339 = arith.constant 0 : i32
          %dma_start3A_340 = tpu.memref_slice %arg14[%dma_start3A_337, %dma_start3A_338, %dma_start3A_339] : memref<2x80x64xf32, #tpu.memory_space<vmem>> -> memref<1x80x64xf32, #tpu.memory_space<vmem>>
          %dma_start3A_341 = tpu.memref_squeeze %dma_start3A_340 : memref<1x80x64xf32, #tpu.memory_space<vmem>> -> memref<80x64xf32, #tpu.memory_space<vmem>>
          %dma_start3A_342 = arith.constant 32 : i32
          %dma_start3A_343 = tpu.memref_slice %arg5[%add3A_336, %dma_start3A_342] : memref<160000x128xf32, #tpu.memory_space<hbm>> -> memref<80x64xf32, #tpu.memory_space<hbm>>
          %dma_start3A_344 = arith.constant 0 : i32
          %dma_start3A_345 = arith.constant 0 : i32
          %dma_start3A_346 = tpu.memref_slice %arg14[%dma_start3A_337, %dma_start3A_344, %dma_start3A_345] : memref<2x80x64xf32, #tpu.memory_space<vmem>> -> memref<1x80x64xf32, #tpu.memory_space<vmem>>
          %dma_start3A_347 = tpu.memref_squeeze %dma_start3A_346 : memref<1x80x64xf32, #tpu.memory_space<vmem>> -> memref<80x64xf32, #tpu.memory_space<vmem>>
          %dma_start3A_348 = arith.constant 32 : i32
          %dma_start3A_349 = tpu.memref_slice %arg5[%add3A_336, %dma_start3A_348] : memref<160000x128xf32, #tpu.memory_space<hbm>> -> memref<80x64xf32, #tpu.memory_space<hbm>>
          tpu.enqueue_dma source(%dma_start3A_349 : memref<80x64xf32, #tpu.memory_space<hbm>>) target(%dma_start3A_347 : memref<80x64xf32, #tpu.memory_space<vmem>>) target_semaphore(%arg22 : memref<!tpu.dma_semaphore, #tpu.memory_space<semaphore_mem>>)
          %mul3A_350 = arith.constant 80 : i32
          %mul3A_351 = arith.muli %add3A_322, %mul3A_350 : i32
          %add3A_352 = arith.addi %mul3A_0, %mul3A_351 : i32
          %dma_start3A_353 = arith.constant 1 : i32
          %dma_start3A_354 = arith.constant 0 : i32
          %dma_start3A_355 = tpu.memref_slice %arg13[%dma_start3A_353, %dma_start3A_354] : memref<2x80xi32, #tpu.memory_space<vmem>> -> memref<1x80xi32, #tpu.memory_space<vmem>>
          %dma_start3A_356 = tpu.memref_squeeze %dma_start3A_355 : memref<1x80xi32, #tpu.memory_space<vmem>> -> memref<80xi32, #tpu.memory_space<vmem>>
          %dma_start3A_357 = tpu.memref_slice %arg6[%add3A_352] : memref<160000xi32, #tpu.memory_space<hbm>> -> memref<80xi32, #tpu.memory_space<hbm>>
          %dma_start3A_358 = arith.constant 0 : i32
          %dma_start3A_359 = tpu.memref_slice %arg13[%dma_start3A_353, %dma_start3A_358] : memref<2x80xi32, #tpu.memory_space<vmem>> -> memref<1x80xi32, #tpu.memory_space<vmem>>
          %dma_start3A_360 = tpu.memref_squeeze %dma_start3A_359 : memref<1x80xi32, #tpu.memory_space<vmem>> -> memref<80xi32, #tpu.memory_space<vmem>>
          %dma_start3A_361 = tpu.memref_slice %arg6[%add3A_352] : memref<160000xi32, #tpu.memory_space<hbm>> -> memref<80xi32, #tpu.memory_space<hbm>>
          tpu.enqueue_dma source(%dma_start3A_361 : memref<80xi32, #tpu.memory_space<hbm>>) target(%dma_start3A_360 : memref<80xi32, #tpu.memory_space<vmem>>) target_semaphore(%arg24 : memref<!tpu.dma_semaphore, #tpu.memory_space<semaphore_mem>>)
        } else {
        }
      }
      %scan3A_139 = arith.constant 62 : i32
      %dma_wait3A = arith.constant 0 : i32
      %dma_wait3A_140 = arith.constant 0 : i32
      %dma_wait3A_141 = arith.constant 0 : i32
      %dma_wait3A_142 = tpu.memref_slice %arg16[%dma_wait3A, %dma_wait3A_140, %dma_wait3A_141] : memref<2x80x96xf32, #tpu.memory_space<vmem>> -> memref<1x80x96xf32, #tpu.memory_space<vmem>>
      %dma_wait3A_143 = tpu.memref_squeeze %dma_wait3A_142 : memref<1x80x96xf32, #tpu.memory_space<vmem>> -> memref<80x96xf32, #tpu.memory_space<vmem>>
      %dma_wait3A_144 = arith.constant 9920 : i32
      %dma_wait3A_145 = tpu.memref_slice %arg12[%dma_wait3A_144] : memref<10000xi32, #tpu.memory_space<vmem>> -> memref<80xi32, #tpu.memory_space<vmem>>
      %dma_wait3A_146 = arith.constant 0 : i32
      %dma_wait3A_147 = arith.constant 0 : i32
      %dma_wait3A_148 = tpu.memref_slice %arg3[%dma_wait3A_146, %dma_wait3A_147] : memref<10000x96xf32, #tpu.memory_space<hbm>> -> memref<10000x96xf32, #tpu.memory_space<hbm>>
      tpu.wait_indirect_dma semaphore(%arg19 : memref<!tpu.dma_semaphore, #tpu.memory_space<semaphore_mem>>) src(%dma_wait3A_148 : memref<10000x96xf32, #tpu.memory_space<hbm>>) dst(%dma_wait3A_143 : memref<80x96xf32, #tpu.memory_space<vmem>>)
      %add3A_149 = arith.constant 9920 : i32
      %add3A_150 = arith.addi %mul3A_0, %add3A_149 : i32
      %dma_wait3A_151 = arith.constant 0 : i32
      %dma_wait3A_152 = arith.constant 0 : i32
      %dma_wait3A_153 = arith.constant 0 : i32
      %dma_wait3A_154 = tpu.memref_slice %arg14[%dma_wait3A_151, %dma_wait3A_152, %dma_wait3A_153] : memref<2x80x64xf32, #tpu.memory_space<vmem>> -> memref<1x80x64xf32, #tpu.memory_space<vmem>>
      %dma_wait3A_155 = tpu.memref_squeeze %dma_wait3A_154 : memref<1x80x64xf32, #tpu.memory_space<vmem>> -> memref<80x64xf32, #tpu.memory_space<vmem>>
      %dma_wait3A_156 = arith.constant 32 : i32
      %dma_wait3A_157 = tpu.memref_slice %arg5[%add3A_150, %dma_wait3A_156] : memref<160000x128xf32, #tpu.memory_space<hbm>> -> memref<80x64xf32, #tpu.memory_space<hbm>>
      %dma_wait3A_158 = arith.constant 0 : i32
      %dma_wait3A_159 = arith.constant 0 : i32
      %dma_wait3A_160 = tpu.memref_slice %arg14[%dma_wait3A_151, %dma_wait3A_158, %dma_wait3A_159] : memref<2x80x64xf32, #tpu.memory_space<vmem>> -> memref<1x80x64xf32, #tpu.memory_space<vmem>>
      %dma_wait3A_161 = tpu.memref_squeeze %dma_wait3A_160 : memref<1x80x64xf32, #tpu.memory_space<vmem>> -> memref<80x64xf32, #tpu.memory_space<vmem>>
      %dma_wait3A_162 = arith.constant 32 : i32
      %dma_wait3A_163 = tpu.memref_slice %arg5[%add3A_150, %dma_wait3A_162] : memref<160000x128xf32, #tpu.memory_space<hbm>> -> memref<80x64xf32, #tpu.memory_space<hbm>>
      tpu.wait_dma2 semaphore(%arg21 : memref<!tpu.dma_semaphore, #tpu.memory_space<semaphore_mem>>) src(%dma_wait3A_163 : memref<80x64xf32, #tpu.memory_space<hbm>>) dst(%dma_wait3A_161 : memref<80x64xf32, #tpu.memory_space<vmem>>)
      %add3A_164 = arith.constant 9920 : i32
      %add3A_165 = arith.addi %mul3A_0, %add3A_164 : i32
      %dma_wait3A_166 = arith.constant 0 : i32
      %dma_wait3A_167 = arith.constant 0 : i32
      %dma_wait3A_168 = tpu.memref_slice %arg13[%dma_wait3A_166, %dma_wait3A_167] : memref<2x80xi32, #tpu.memory_space<vmem>> -> memref<1x80xi32, #tpu.memory_space<vmem>>
      %dma_wait3A_169 = tpu.memref_squeeze %dma_wait3A_168 : memref<1x80xi32, #tpu.memory_space<vmem>> -> memref<80xi32, #tpu.memory_space<vmem>>
      %dma_wait3A_170 = tpu.memref_slice %arg6[%add3A_165] : memref<160000xi32, #tpu.memory_space<hbm>> -> memref<80xi32, #tpu.memory_space<hbm>>
      %dma_wait3A_171 = arith.constant 0 : i32
      %dma_wait3A_172 = tpu.memref_slice %arg13[%dma_wait3A_166, %dma_wait3A_171] : memref<2x80xi32, #tpu.memory_space<vmem>> -> memref<1x80xi32, #tpu.memory_space<vmem>>
      %dma_wait3A_173 = tpu.memref_squeeze %dma_wait3A_172 : memref<1x80xi32, #tpu.memory_space<vmem>> -> memref<80xi32, #tpu.memory_space<vmem>>
      %dma_wait3A_174 = tpu.memref_slice %arg6[%add3A_165] : memref<160000xi32, #tpu.memory_space<hbm>> -> memref<80xi32, #tpu.memory_space<hbm>>
      tpu.wait_dma2 semaphore(%arg23 : memref<!tpu.dma_semaphore, #tpu.memory_space<semaphore_mem>>) src(%dma_wait3A_174 : memref<80xi32, #tpu.memory_space<hbm>>) dst(%dma_wait3A_173 : memref<80xi32, #tpu.memory_space<vmem>>)
      %scan3A_175 = arith.constant 0 : i32
      %scan3A_176 = arith.constant 0 : i32
      %scan3A_177 = arith.constant 80 : i32
      %scan3A_178 = arith.addi %scan3A_176, %scan3A_177 : i32
      %scan3A_179 = arith.constant 1 : i32
      scf.for %scan3A_203 = %scan3A_176 to %scan3A_178 step %scan3A_179  : i32 {
        %get3A = arith.constant 0 : i32
        %get3A_204 = arith.index_cast %get3A : i32 to index
        %get3A_205 = arith.index_cast %scan3A_203 : i32 to index
        %get3A_206 = arith.constant 0 : index
        %get3A_207 = tpu.vector_load %arg14[%get3A_204, %get3A_205, %get3A_206] {strides = array<i32>} : memref<2x80x64xf32, #tpu.memory_space<vmem>>, vector<1x1x16xf32>,
        %get3A_208 = vector.shape_cast %get3A_207 : vector<1x1x16xf32> to vector<16xf32>
        %get3A_209 = arith.constant 0 : i32
        %get3A_210 = arith.index_cast %get3A_209 : i32 to index
        %get3A_211 = arith.index_cast %scan3A_203 : i32 to index
        %get3A_212 = arith.constant 16 : index
        %get3A_213 = tpu.vector_load %arg14[%get3A_210, %get3A_211, %get3A_212] {strides = array<i32>} : memref<2x80x64xf32, #tpu.memory_space<vmem>>, vector<1x1x16xf32>,
        %get3A_214 = vector.shape_cast %get3A_213 : vector<1x1x16xf32> to vector<16xf32>
        %get3A_215 = arith.constant 0 : i32
        %get3A_216 = arith.index_cast %get3A_215 : i32 to index
        %get3A_217 = arith.index_cast %scan3A_203 : i32 to index
        %get3A_218 = arith.constant 32 : index
        %get3A_219 = tpu.vector_load %arg14[%get3A_216, %get3A_217, %get3A_218] {strides = array<i32>} : memref<2x80x64xf32, #tpu.memory_space<vmem>>, vector<1x1x16xf32>,
        %get3A_220 = vector.shape_cast %get3A_219 : vector<1x1x16xf32> to vector<16xf32>
        %get3A_221 = arith.constant 0 : i32
        %get3A_222 = arith.index_cast %get3A_221 : i32 to index
        %get3A_223 = arith.index_cast %scan3A_203 : i32 to index
        %get3A_224 = arith.constant 48 : index
        %get3A_225 = tpu.vector_load %arg14[%get3A_222, %get3A_223, %get3A_224] {strides = array<i32>} : memref<2x80x64xf32, #tpu.memory_space<vmem>>, vector<1x1x16xf32>,
        %get3A_226 = vector.shape_cast %get3A_225 : vector<1x1x16xf32> to vector<16xf32>
        %get3A_227 = arith.constant 0 : i32
        %get3A_228 = arith.index_cast %get3A_227 : i32 to index
        %get3A_229 = arith.index_cast %scan3A_203 : i32 to index
        %get3A_230 = arith.constant 0 : index
        %get3A_231 = tpu.vector_load %arg16[%get3A_228, %get3A_229, %get3A_230] {strides = array<i32>} : memref<2x80x96xf32, #tpu.memory_space<vmem>>, vector<1x1x16xf32>,
        %get3A_232 = vector.shape_cast %get3A_231 : vector<1x1x16xf32> to vector<16xf32>
        %mul3A_233 = arith.mulf %get3A_232, %get3A_208 : vector<16xf32>
        %swap3A = arith.constant 0 : i32
        %swap3A_234 = arith.index_cast %swap3A : i32 to index
        %swap3A_235 = arith.index_cast %scan3A_203 : i32 to index
        %swap3A_236 = arith.constant 0 : index
        %swap3A_237 = tpu.vector_load %arg16[%swap3A_234, %swap3A_235, %swap3A_236] {strides = array<i32>} : memref<2x80x96xf32, #tpu.memory_space<vmem>>, vector<1x1x16xf32>,
        %swap3A_238 = vector.shape_cast %swap3A_237 : vector<1x1x16xf32> to vector<16xf32>
        %swap3A_239 = vector.shape_cast %mul3A_233 : vector<16xf32> to vector<1x1x16xf32>
        tpu.vector_store %arg16[%swap3A_234, %swap3A_235, %swap3A_236], %swap3A_239 {strides = array<i32>} : memref<2x80x96xf32, #tpu.memory_space<vmem>>, vector<1x1x16xf32>,
        %get3A_240 = arith.constant 0 : i32
        %get3A_241 = arith.index_cast %get3A_240 : i32 to index
        %get3A_242 = arith.index_cast %scan3A_203 : i32 to index
        %get3A_243 = arith.constant 16 : index
        %get3A_244 = tpu.vector_load %arg16[%get3A_241, %get3A_242, %get3A_243] {strides = array<i32>} : memref<2x80x96xf32, #tpu.memory_space<vmem>>, vector<1x1x16xf32>,
        %get3A_245 = vector.shape_cast %get3A_244 : vector<1x1x16xf32> to vector<16xf32>
        %mul3A_246 = arith.mulf %get3A_245, %get3A_214 : vector<16xf32>
        %swap3A_247 = arith.constant 0 : i32
        %swap3A_248 = arith.index_cast %swap3A_247 : i32 to index
        %swap3A_249 = arith.index_cast %scan3A_203 : i32 to index
        %swap3A_250 = arith.constant 16 : index
        %swap3A_251 = tpu.vector_load %arg16[%swap3A_248, %swap3A_249, %swap3A_250] {strides = array<i32>} : memref<2x80x96xf32, #tpu.memory_space<vmem>>, vector<1x1x16xf32>,
        %swap3A_252 = vector.shape_cast %swap3A_251 : vector<1x1x16xf32> to vector<16xf32>
        %swap3A_253 = vector.shape_cast %mul3A_246 : vector<16xf32> to vector<1x1x16xf32>
        tpu.vector_store %arg16[%swap3A_248, %swap3A_249, %swap3A_250], %swap3A_253 {strides = array<i32>} : memref<2x80x96xf32, #tpu.memory_space<vmem>>, vector<1x1x16xf32>,
        %get3A_254 = arith.constant 0 : i32
        %get3A_255 = arith.index_cast %get3A_254 : i32 to index
        %get3A_256 = arith.index_cast %scan3A_203 : i32 to index
        %get3A_257 = arith.constant 32 : index
        %get3A_258 = tpu.vector_load %arg16[%get3A_255, %get3A_256, %get3A_257] {strides = array<i32>} : memref<2x80x96xf32, #tpu.memory_space<vmem>>, vector<1x1x16xf32>,
        %get3A_259 = vector.shape_cast %get3A_258 : vector<1x1x16xf32> to vector<16xf32>
        %mul3A_260 = arith.mulf %get3A_259, %get3A_220 : vector<16xf32>
        %swap3A_261 = arith.constant 0 : i32
        %swap3A_262 = arith.index_cast %swap3A_261 : i32 to index
        %swap3A_263 = arith.index_cast %scan3A_203 : i32 to index
        %swap3A_264 = arith.constant 32 : index
        %swap3A_265 = tpu.vector_load %arg16[%swap3A_262, %swap3A_263, %swap3A_264] {strides = array<i32>} : memref<2x80x96xf32, #tpu.memory_space<vmem>>, vector<1x1x16xf32>,
        %swap3A_266 = vector.shape_cast %swap3A_265 : vector<1x1x16xf32> to vector<16xf32>
        %swap3A_267 = vector.shape_cast %mul3A_260 : vector<16xf32> to vector<1x1x16xf32>
        tpu.vector_store %arg16[%swap3A_262, %swap3A_263, %swap3A_264], %swap3A_267 {strides = array<i32>} : memref<2x80x96xf32, #tpu.memory_space<vmem>>, vector<1x1x16xf32>,
        %get3A_268 = arith.constant 0 : i32
        %get3A_269 = arith.index_cast %get3A_268 : i32 to index
        %get3A_270 = arith.index_cast %scan3A_203 : i32 to index
        %get3A_271 = arith.constant 48 : index
        %get3A_272 = tpu.vector_load %arg16[%get3A_269, %get3A_270, %get3A_271] {strides = array<i32>} : memref<2x80x96xf32, #tpu.memory_space<vmem>>, vector<1x1x16xf32>,
        %get3A_273 = vector.shape_cast %get3A_272 : vector<1x1x16xf32> to vector<16xf32>
        %mul3A_274 = arith.mulf %get3A_273, %get3A_226 : vector<16xf32>
        %swap3A_275 = arith.constant 0 : i32
        %swap3A_276 = arith.index_cast %swap3A_275 : i32 to index
        %swap3A_277 = arith.index_cast %scan3A_203 : i32 to index
        %swap3A_278 = arith.constant 48 : index
        %swap3A_279 = tpu.vector_load %arg16[%swap3A_276, %swap3A_277, %swap3A_278] {strides = array<i32>} : memref<2x80x96xf32, #tpu.memory_space<vmem>>, vector<1x1x16xf32>,
        %swap3A_280 = vector.shape_cast %swap3A_279 : vector<1x1x16xf32> to vector<16xf32>
        %swap3A_281 = vector.shape_cast %mul3A_274 : vector<16xf32> to vector<1x1x16xf32>
        tpu.vector_store %arg16[%swap3A_276, %swap3A_277, %swap3A_278], %swap3A_281 {strides = array<i32>} : memref<2x80x96xf32, #tpu.memory_space<vmem>>, vector<1x1x16xf32>,
        %get3A_282 = arith.constant 0 : i32
        %get3A_283 = arith.index_cast %get3A_282 : i32 to index
        %get3A_284 = arith.index_cast %scan3A_203 : i32 to index
        %get3A_285 = arith.constant 64 : index
        %get3A_286 = tpu.vector_load %arg16[%get3A_283, %get3A_284, %get3A_285] {strides = array<i32>} : memref<2x80x96xf32, #tpu.memory_space<vmem>>, vector<1x1x16xf32>,
        %get3A_287 = vector.shape_cast %get3A_286 : vector<1x1x16xf32> to vector<16xf32>
        %mul3A_288 = arith.mulf %get3A_287, %get3A_220 : vector<16xf32>
        %swap3A_289 = arith.constant 0 : i32
        %swap3A_290 = arith.index_cast %swap3A_289 : i32 to index
        %swap3A_291 = arith.index_cast %scan3A_203 : i32 to index
        %swap3A_292 = arith.constant 64 : index
        %swap3A_293 = tpu.vector_load %arg16[%swap3A_290, %swap3A_291, %swap3A_292] {strides = array<i32>} : memref<2x80x96xf32, #tpu.memory_space<vmem>>, vector<1x1x16xf32>,
        %swap3A_294 = vector.shape_cast %swap3A_293 : vector<1x1x16xf32> to vector<16xf32>
        %swap3A_295 = vector.shape_cast %mul3A_288 : vector<16xf32> to vector<1x1x16xf32>
        tpu.vector_store %arg16[%swap3A_290, %swap3A_291, %swap3A_292], %swap3A_295 {strides = array<i32>} : memref<2x80x96xf32, #tpu.memory_space<vmem>>, vector<1x1x16xf32>,
        %get3A_296 = arith.constant 0 : i32
        %get3A_297 = arith.index_cast %get3A_296 : i32 to index
        %get3A_298 = arith.index_cast %scan3A_203 : i32 to index
        %get3A_299 = arith.constant 80 : index
        %get3A_300 = tpu.vector_load %arg16[%get3A_297, %get3A_298, %get3A_299] {strides = array<i32>} : memref<2x80x96xf32, #tpu.memory_space<vmem>>, vector<1x1x16xf32>,
        %get3A_301 = vector.shape_cast %get3A_300 : vector<1x1x16xf32> to vector<16xf32>
        %mul3A_302 = arith.mulf %get3A_301, %get3A_226 : vector<16xf32>
        %swap3A_303 = arith.constant 0 : i32
        %swap3A_304 = arith.index_cast %swap3A_303 : i32 to index
        %swap3A_305 = arith.index_cast %scan3A_203 : i32 to index
        %swap3A_306 = arith.constant 80 : index
        %swap3A_307 = tpu.vector_load %arg16[%swap3A_304, %swap3A_305, %swap3A_306] {strides = array<i32>} : memref<2x80x96xf32, #tpu.memory_space<vmem>>, vector<1x1x16xf32>,
        %swap3A_308 = vector.shape_cast %swap3A_307 : vector<1x1x16xf32> to vector<16xf32>
        %swap3A_309 = vector.shape_cast %mul3A_302 : vector<16xf32> to vector<1x1x16xf32>
        tpu.vector_store %arg16[%swap3A_304, %swap3A_305, %swap3A_306], %swap3A_309 {strides = array<i32>} : memref<2x80x96xf32, #tpu.memory_space<vmem>>, vector<1x1x16xf32>,
      }
      %scan3A_180 = arith.constant 80 : i32
      %run_scoped3A = arith.constant 0 : i32
      %run_scoped3A_181 = arith.constant 0 : i32
      "tpu.region"() ({
        %run_scoped3A_203 = tpu.sem_alloc : memref<!tpu.dma_semaphore, #tpu.memory_space<semaphore_mem>>
        %dma_start3A_204 = arith.constant 0 : i32
        %dma_start3A_205 = arith.constant 0 : i32
        %dma_start3A_206 = tpu.memref_slice %arg16[%run_scoped3A, %dma_start3A_204, %dma_start3A_205] : memref<2x80x96xf32, #tpu.memory_space<vmem>> -> memref<1x80x96xf32, #tpu.memory_space<vmem>>
        %dma_start3A_207 = tpu.memref_squeeze %dma_start3A_206 : memref<1x80x96xf32, #tpu.memory_space<vmem>> -> memref<80x96xf32, #tpu.memory_space<vmem>>
        %dma_start3A_208 = arith.constant 0 : i32
        %dma_start3A_209 = tpu.memref_slice %arg13[%run_scoped3A_181, %dma_start3A_208] : memref<2x80xi32, #tpu.memory_space<vmem>> -> memref<1x80xi32, #tpu.memory_space<vmem>>
        %dma_start3A_210 = tpu.memref_squeeze %dma_start3A_209 : memref<1x80xi32, #tpu.memory_space<vmem>> -> memref<80xi32, #tpu.memory_space<vmem>>
        %dma_start3A_211 = arith.constant 0 : i32
        %dma_start3A_212 = arith.constant 0 : i32
        %dma_start3A_213 = tpu.memref_slice %arg18[%dma_start3A_211, %dma_start3A_212] : memref<10240x96xf32, #tpu.memory_space<vmem_shared>> -> memref<10240x96xf32, #tpu.memory_space<vmem_shared>>
        tpu.enqueue_indirect_dma source(%dma_start3A_207 : memref<80x96xf32, #tpu.memory_space<vmem>>) target(%dma_start3A_213 : memref<10240x96xf32, #tpu.memory_space<vmem_shared>>) offsets(%dma_start3A_210 : memref<80xi32, #tpu.memory_space<vmem>>) semaphore(%run_scoped3A_203 : memref<!tpu.dma_semaphore, #tpu.memory_space<semaphore_mem>>) {add = true}
        %dma_wait3A_214 = arith.constant 0 : i32
        %dma_wait3A_215 = arith.constant 0 : i32
        %dma_wait3A_216 = tpu.memref_slice %arg16[%run_scoped3A, %dma_wait3A_214, %dma_wait3A_215] : memref<2x80x96xf32, #tpu.memory_space<vmem>> -> memref<1x80x96xf32, #tpu.memory_space<vmem>>
        %dma_wait3A_217 = tpu.memref_squeeze %dma_wait3A_216 : memref<1x80x96xf32, #tpu.memory_space<vmem>> -> memref<80x96xf32, #tpu.memory_space<vmem>>
        %dma_wait3A_218 = arith.constant 0 : i32
        %dma_wait3A_219 = tpu.memref_slice %arg13[%run_scoped3A_181, %dma_wait3A_218] : memref<2x80xi32, #tpu.memory_space<vmem>> -> memref<1x80xi32, #tpu.memory_space<vmem>>
        %dma_wait3A_220 = tpu.memref_squeeze %dma_wait3A_219 : memref<1x80xi32, #tpu.memory_space<vmem>> -> memref<80xi32, #tpu.memory_space<vmem>>
        %dma_wait3A_221 = arith.constant 0 : i32
        %dma_wait3A_222 = arith.constant 0 : i32
        %dma_wait3A_223 = tpu.memref_slice %arg18[%dma_wait3A_221, %dma_wait3A_222] : memref<10240x96xf32, #tpu.memory_space<vmem_shared>> -> memref<10240x96xf32, #tpu.memory_space<vmem_shared>>
        tpu.wait_indirect_dma semaphore(%run_scoped3A_203 : memref<!tpu.dma_semaphore, #tpu.memory_space<semaphore_mem>>) src(%dma_wait3A_217 : memref<80x96xf32, #tpu.memory_space<vmem>>) dst(%dma_wait3A_223 : memref<10240x96xf32, #tpu.memory_space<vmem_shared>>)
        tpu.yield
      }) : () -> ()
      %barrier3A_182 = arith.constant 0 : index
      tpu.barrier barrier_id(%barrier3A_182)
      %mul3A_183 = arith.constant 640 : i32
      %mul3A_184 = arith.muli %arg1, %mul3A_183 : i32
      %add3A_185 = arith.constant 0 : i32
      %add3A_186 = arith.addi %mul3A_184, %add3A_185 : i32
      "tpu.region"() ({
        %run_scoped3A_203 = tpu.sem_alloc : memref<!tpu.dma_semaphore, #tpu.memory_space<semaphore_mem>>
        %dma_start3A_204 = arith.constant 0 : i32
        %dma_start3A_205 = tpu.memref_slice %arg9[%add3A_186, %dma_start3A_204] : memref<10240x128xf32, #tpu.memory_space<hbm>> -> memref<128x96xf32, #tpu.memory_space<hbm>>
        %dma_start3A_206 = arith.constant 0 : i32
        %dma_start3A_207 = tpu.memref_slice %arg18[%add3A_186, %dma_start3A_206] : memref<10240x96xf32, #tpu.memory_space<vmem_shared>> -> memref<128x96xf32, #tpu.memory_space<vmem_shared>>
        tpu.enqueue_dma source(%dma_start3A_207 : memref<128x96xf32, #tpu.memory_space<vmem_shared>>) target(%dma_start3A_205 : memref<128x96xf32, #tpu.memory_space<hbm>>) target_semaphore(%run_scoped3A_203 : memref<!tpu.dma_semaphore, #tpu.memory_space<semaphore_mem>>)
        %dma_wait3A_208 = arith.constant 0 : i32
        %dma_wait3A_209 = tpu.memref_slice %arg9[%add3A_186, %dma_wait3A_208] : memref<10240x128xf32, #tpu.memory_space<hbm>> -> memref<128x96xf32, #tpu.memory_space<hbm>>
        %dma_wait3A_210 = arith.constant 0 : i32
        %dma_wait3A_211 = tpu.memref_slice %arg18[%add3A_186, %dma_wait3A_210] : memref<10240x96xf32, #tpu.memory_space<vmem_shared>> -> memref<128x96xf32, #tpu.memory_space<vmem_shared>>
        tpu.wait_dma2 semaphore(%run_scoped3A_203 : memref<!tpu.dma_semaphore, #tpu.memory_space<semaphore_mem>>) src(%dma_wait3A_211 : memref<128x96xf32, #tpu.memory_space<vmem_shared>>) dst(%dma_wait3A_209 : memref<128x96xf32, #tpu.memory_space<hbm>>)
        tpu.yield
      }) : () -> ()
      %mul3A_187 = arith.constant 640 : i32
      %mul3A_188 = arith.muli %arg1, %mul3A_187 : i32
      %add3A_189 = arith.constant 128 : i32
      %add3A_190 = arith.addi %mul3A_188, %add3A_189 : i32
      "tpu.region"() ({
        %run_scoped3A_203 = tpu.sem_alloc : memref<!tpu.dma_semaphore, #tpu.memory_space<semaphore_mem>>
        %dma_start3A_204 = arith.constant 0 : i32
        %dma_start3A_205 = tpu.memref_slice %arg9[%add3A_190, %dma_start3A_204] : memref<10240x128xf32, #tpu.memory_space<hbm>> -> memref<128x96xf32, #tpu.memory_space<hbm>>
        %dma_start3A_206 = arith.constant 0 : i32
        %dma_start3A_207 = tpu.memref_slice %arg18[%add3A_190, %dma_start3A_206] : memref<10240x96xf32, #tpu.memory_space<vmem_shared>> -> memref<128x96xf32, #tpu.memory_space<vmem_shared>>
        tpu.enqueue_dma source(%dma_start3A_207 : memref<128x96xf32, #tpu.memory_space<vmem_shared>>) target(%dma_start3A_205 : memref<128x96xf32, #tpu.memory_space<hbm>>) target_semaphore(%run_scoped3A_203 : memref<!tpu.dma_semaphore, #tpu.memory_space<semaphore_mem>>)
        %dma_wait3A_208 = arith.constant 0 : i32
        %dma_wait3A_209 = tpu.memref_slice %arg9[%add3A_190, %dma_wait3A_208] : memref<10240x128xf32, #tpu.memory_space<hbm>> -> memref<128x96xf32, #tpu.memory_space<hbm>>
        %dma_wait3A_210 = arith.constant 0 : i32
        %dma_wait3A_211 = tpu.memref_slice %arg18[%add3A_190, %dma_wait3A_210] : memref<10240x96xf32, #tpu.memory_space<vmem_shared>> -> memref<128x96xf32, #tpu.memory_space<vmem_shared>>
        tpu.wait_dma2 semaphore(%run_scoped3A_203 : memref<!tpu.dma_semaphore, #tpu.memory_space<semaphore_mem>>) src(%dma_wait3A_211 : memref<128x96xf32, #tpu.memory_space<vmem_shared>>) dst(%dma_wait3A_209 : memref<128x96xf32, #tpu.memory_space<hbm>>)
        tpu.yield
      }) : () -> ()
      %mul3A_191 = arith.constant 640 : i32
      %mul3A_192 = arith.muli %arg1, %mul3A_191 : i32
      %add3A_193 = arith.constant 256 : i32
      %add3A_194 = arith.addi %mul3A_192, %add3A_193 : i32
      "tpu.region"() ({
        %run_scoped3A_203 = tpu.sem_alloc : memref<!tpu.dma_semaphore, #tpu.memory_space<semaphore_mem>>
        %dma_start3A_204 = arith.constant 0 : i32
        %dma_start3A_205 = tpu.memref_slice %arg9[%add3A_194, %dma_start3A_204] : memref<10240x128xf32, #tpu.memory_space<hbm>> -> memref<128x96xf32, #tpu.memory_space<hbm>>
        %dma_start3A_206 = arith.constant 0 : i32
        %dma_start3A_207 = tpu.memref_slice %arg18[%add3A_194, %dma_start3A_206] : memref<10240x96xf32, #tpu.memory_space<vmem_shared>> -> memref<128x96xf32, #tpu.memory_space<vmem_shared>>
        tpu.enqueue_dma source(%dma_start3A_207 : memref<128x96xf32, #tpu.memory_space<vmem_shared>>) target(%dma_start3A_205 : memref<128x96xf32, #tpu.memory_space<hbm>>) target_semaphore(%run_scoped3A_203 : memref<!tpu.dma_semaphore, #tpu.memory_space<semaphore_mem>>)
        %dma_wait3A_208 = arith.constant 0 : i32
        %dma_wait3A_209 = tpu.memref_slice %arg9[%add3A_194, %dma_wait3A_208] : memref<10240x128xf32, #tpu.memory_space<hbm>> -> memref<128x96xf32, #tpu.memory_space<hbm>>
        %dma_wait3A_210 = arith.constant 0 : i32
        %dma_wait3A_211 = tpu.memref_slice %arg18[%add3A_194, %dma_wait3A_210] : memref<10240x96xf32, #tpu.memory_space<vmem_shared>> -> memref<128x96xf32, #tpu.memory_space<vmem_shared>>
        tpu.wait_dma2 semaphore(%run_scoped3A_203 : memref<!tpu.dma_semaphore, #tpu.memory_space<semaphore_mem>>) src(%dma_wait3A_211 : memref<128x96xf32, #tpu.memory_space<vmem_shared>>) dst(%dma_wait3A_209 : memref<128x96xf32, #tpu.memory_space<hbm>>)
        tpu.yield
      }) : () -> ()
      %mul3A_195 = arith.constant 640 : i32
      %mul3A_196 = arith.muli %arg1, %mul3A_195 : i32
      %add3A_197 = arith.constant 384 : i32
      %add3A_198 = arith.addi %mul3A_196, %add3A_197 : i32
      "tpu.region"() ({
        %run_scoped3A_203 = tpu.sem_alloc : memref<!tpu.dma_semaphore, #tpu.memory_space<semaphore_mem>>
        %dma_start3A_204 = arith.constant 0 : i32
        %dma_start3A_205 = tpu.memref_slice %arg9[%add3A_198, %dma_start3A_204] : memref<10240x128xf32, #tpu.memory_space<hbm>> -> memref<128x96xf32, #tpu.memory_space<hbm>>
        %dma_start3A_206 = arith.constant 0 : i32
        %dma_start3A_207 = tpu.memref_slice %arg18[%add3A_198, %dma_start3A_206] : memref<10240x96xf32, #tpu.memory_space<vmem_shared>> -> memref<128x96xf32, #tpu.memory_space<vmem_shared>>
        tpu.enqueue_dma source(%dma_start3A_207 : memref<128x96xf32, #tpu.memory_space<vmem_shared>>) target(%dma_start3A_205 : memref<128x96xf32, #tpu.memory_space<hbm>>) target_semaphore(%run_scoped3A_203 : memref<!tpu.dma_semaphore, #tpu.memory_space<semaphore_mem>>)
        %dma_wait3A_208 = arith.constant 0 : i32
        %dma_wait3A_209 = tpu.memref_slice %arg9[%add3A_198, %dma_wait3A_208] : memref<10240x128xf32, #tpu.memory_space<hbm>> -> memref<128x96xf32, #tpu.memory_space<hbm>>
        %dma_wait3A_210 = arith.constant 0 : i32
        %dma_wait3A_211 = tpu.memref_slice %arg18[%add3A_198, %dma_wait3A_210] : memref<10240x96xf32, #tpu.memory_space<vmem_shared>> -> memref<128x96xf32, #tpu.memory_space<vmem_shared>>
        tpu.wait_dma2 semaphore(%run_scoped3A_203 : memref<!tpu.dma_semaphore, #tpu.memory_space<semaphore_mem>>) src(%dma_wait3A_211 : memref<128x96xf32, #tpu.memory_space<vmem_shared>>) dst(%dma_wait3A_209 : memref<128x96xf32, #tpu.memory_space<hbm>>)
        tpu.yield
      }) : () -> ()
      %mul3A_199 = arith.constant 640 : i32
      %mul3A_200 = arith.muli %arg1, %mul3A_199 : i32
      %add3A_201 = arith.constant 512 : i32
      %add3A_202 = arith.addi %mul3A_200, %add3A_201 : i32
      "tpu.region"() ({
        %run_scoped3A_203 = tpu.sem_alloc : memref<!tpu.dma_semaphore, #tpu.memory_space<semaphore_mem>>
        %dma_start3A_204 = arith.constant 0 : i32
        %dma_start3A_205 = tpu.memref_slice %arg9[%add3A_202, %dma_start3A_204] : memref<10240x128xf32, #tpu.memory_space<hbm>> -> memref<128x96xf32, #tpu.memory_space<hbm>>
        %dma_start3A_206 = arith.constant 0 : i32
        %dma_start3A_207 = tpu.memref_slice %arg18[%add3A_202, %dma_start3A_206] : memref<10240x96xf32, #tpu.memory_space<vmem_shared>> -> memref<128x96xf32, #tpu.memory_space<vmem_shared>>
        tpu.enqueue_dma source(%dma_start3A_207 : memref<128x96xf32, #tpu.memory_space<vmem_shared>>) target(%dma_start3A_205 : memref<128x96xf32, #tpu.memory_space<hbm>>) target_semaphore(%run_scoped3A_203 : memref<!tpu.dma_semaphore, #tpu.memory_space<semaphore_mem>>)
        %dma_wait3A_208 = arith.constant 0 : i32
        %dma_wait3A_209 = tpu.memref_slice %arg9[%add3A_202, %dma_wait3A_208] : memref<10240x128xf32, #tpu.memory_space<hbm>> -> memref<128x96xf32, #tpu.memory_space<hbm>>
        %dma_wait3A_210 = arith.constant 0 : i32
        %dma_wait3A_211 = tpu.memref_slice %arg18[%add3A_202, %dma_wait3A_210] : memref<10240x96xf32, #tpu.memory_space<vmem_shared>> -> memref<128x96xf32, #tpu.memory_space<vmem_shared>>
        tpu.wait_dma2 semaphore(%run_scoped3A_203 : memref<!tpu.dma_semaphore, #tpu.memory_space<semaphore_mem>>) src(%dma_wait3A_211 : memref<128x96xf32, #tpu.memory_space<vmem_shared>>) dst(%dma_wait3A_209 : memref<128x96xf32, #tpu.memory_space<hbm>>)
        tpu.yield
      }) : () -> ()
    } else {
    }
    %mul3A_32 = arith.constant 640 : i32
    %mul3A_33 = arith.muli %arg1, %mul3A_32 : i32
    %add3A_34 = arith.constant 0 : i32
    %add3A_35 = arith.addi %mul3A_33, %add3A_34 : i32
    "tpu.region"() ({
      %run_scoped3A = tpu.sem_alloc : memref<!tpu.dma_semaphore, #tpu.memory_space<semaphore_mem>>
      %dma_start3A = arith.constant 0 : i32
      %dma_start3A_63 = tpu.memref_slice %arg18[%add3A_35, %dma_start3A] : memref<10240x96xf32, #tpu.memory_space<vmem_shared>> -> memref<128x96xf32, #tpu.memory_space<vmem_shared>>
      %dma_start3A_64 = arith.constant 0 : i32
      %dma_start3A_65 = tpu.memref_slice %arg18[%add3A_35, %dma_start3A_64] : memref<10240x96xf32, #tpu.memory_space<vmem_shared>> -> memref<128x96xf32, #tpu.memory_space<vmem_shared>>
      tpu.enqueue_dma source(%arg17 : memref<128x96xf32, #tpu.memory_space<vmem>>) target(%dma_start3A_65 : memref<128x96xf32, #tpu.memory_space<vmem_shared>>) target_semaphore(%run_scoped3A : memref<!tpu.dma_semaphore, #tpu.memory_space<semaphore_mem>>)
      %dma_wait3A = arith.constant 0 : i32
      %dma_wait3A_66 = tpu.memref_slice %arg18[%add3A_35, %dma_wait3A] : memref<10240x96xf32, #tpu.memory_space<vmem_shared>> -> memref<128x96xf32, #tpu.memory_space<vmem_shared>>
      %dma_wait3A_67 = arith.constant 0 : i32
      %dma_wait3A_68 = tpu.memref_slice %arg18[%add3A_35, %dma_wait3A_67] : memref<10240x96xf32, #tpu.memory_space<vmem_shared>> -> memref<128x96xf32, #tpu.memory_space<vmem_shared>>
      tpu.wait_dma2 semaphore(%run_scoped3A : memref<!tpu.dma_semaphore, #tpu.memory_space<semaphore_mem>>) src(%arg17 : memref<128x96xf32, #tpu.memory_space<vmem>>) dst(%dma_wait3A_68 : memref<128x96xf32, #tpu.memory_space<vmem_shared>>)
      tpu.yield
    }) : () -> ()
    %mul3A_36 = arith.constant 640 : i32
    %mul3A_37 = arith.muli %arg1, %mul3A_36 : i32
    %add3A_38 = arith.constant 128 : i32
    %add3A_39 = arith.addi %mul3A_37, %add3A_38 : i32
    "tpu.region"() ({
      %run_scoped3A = tpu.sem_alloc : memref<!tpu.dma_semaphore, #tpu.memory_space<semaphore_mem>>
      %dma_start3A = arith.constant 0 : i32
      %dma_start3A_63 = tpu.memref_slice %arg18[%add3A_39, %dma_start3A] : memref<10240x96xf32, #tpu.memory_space<vmem_shared>> -> memref<128x96xf32, #tpu.memory_space<vmem_shared>>
      %dma_start3A_64 = arith.constant 0 : i32
      %dma_start3A_65 = tpu.memref_slice %arg18[%add3A_39, %dma_start3A_64] : memref<10240x96xf32, #tpu.memory_space<vmem_shared>> -> memref<128x96xf32, #tpu.memory_space<vmem_shared>>
      tpu.enqueue_dma source(%arg17 : memref<128x96xf32, #tpu.memory_space<vmem>>) target(%dma_start3A_65 : memref<128x96xf32, #tpu.memory_space<vmem_shared>>) target_semaphore(%run_scoped3A : memref<!tpu.dma_semaphore, #tpu.memory_space<semaphore_mem>>)
      %dma_wait3A = arith.constant 0 : i32
      %dma_wait3A_66 = tpu.memref_slice %arg18[%add3A_39, %dma_wait3A] : memref<10240x96xf32, #tpu.memory_space<vmem_shared>> -> memref<128x96xf32, #tpu.memory_space<vmem_shared>>
      %dma_wait3A_67 = arith.constant 0 : i32
      %dma_wait3A_68 = tpu.memref_slice %arg18[%add3A_39, %dma_wait3A_67] : memref<10240x96xf32, #tpu.memory_space<vmem_shared>> -> memref<128x96xf32, #tpu.memory_space<vmem_shared>>
      tpu.wait_dma2 semaphore(%run_scoped3A : memref<!tpu.dma_semaphore, #tpu.memory_space<semaphore_mem>>) src(%arg17 : memref<128x96xf32, #tpu.memory_space<vmem>>) dst(%dma_wait3A_68 : memref<128x96xf32, #tpu.memory_space<vmem_shared>>)
      tpu.yield
    }) : () -> ()
    %mul3A_40 = arith.constant 640 : i32
    %mul3A_41 = arith.muli %arg1, %mul3A_40 : i32
    %add3A_42 = arith.constant 256 : i32
    %add3A_43 = arith.addi %mul3A_41, %add3A_42 : i32
    "tpu.region"() ({
      %run_scoped3A = tpu.sem_alloc : memref<!tpu.dma_semaphore, #tpu.memory_space<semaphore_mem>>
      %dma_start3A = arith.constant 0 : i32
      %dma_start3A_63 = tpu.memref_slice %arg18[%add3A_43, %dma_start3A] : memref<10240x96xf32, #tpu.memory_space<vmem_shared>> -> memref<128x96xf32, #tpu.memory_space<vmem_shared>>
      %dma_start3A_64 = arith.constant 0 : i32
      %dma_start3A_65 = tpu.memref_slice %arg18[%add3A_43, %dma_start3A_64] : memref<10240x96xf32, #tpu.memory_space<vmem_shared>> -> memref<128x96xf32, #tpu.memory_space<vmem_shared>>
      tpu.enqueue_dma source(%arg17 : memref<128x96xf32, #tpu.memory_space<vmem>>) target(%dma_start3A_65 : memref<128x96xf32, #tpu.memory_space<vmem_shared>>) target_semaphore(%run_scoped3A : memref<!tpu.dma_semaphore, #tpu.memory_space<semaphore_mem>>)
      %dma_wait3A = arith.constant 0 : i32
      %dma_wait3A_66 = tpu.memref_slice %arg18[%add3A_43, %dma_wait3A] : memref<10240x96xf32, #tpu.memory_space<vmem_shared>> -> memref<128x96xf32, #tpu.memory_space<vmem_shared>>
      %dma_wait3A_67 = arith.constant 0 : i32
      %dma_wait3A_68 = tpu.memref_slice %arg18[%add3A_43, %dma_wait3A_67] : memref<10240x96xf32, #tpu.memory_space<vmem_shared>> -> memref<128x96xf32, #tpu.memory_space<vmem_shared>>
      tpu.wait_dma2 semaphore(%run_scoped3A : memref<!tpu.dma_semaphore, #tpu.memory_space<semaphore_mem>>) src(%arg17 : memref<128x96xf32, #tpu.memory_space<vmem>>) dst(%dma_wait3A_68 : memref<128x96xf32, #tpu.memory_space<vmem_shared>>)
      tpu.yield
    }) : () -> ()
    %mul3A_44 = arith.constant 640 : i32
    %mul3A_45 = arith.muli %arg1, %mul3A_44 : i32
    %add3A_46 = arith.constant 384 : i32
    %add3A_47 = arith.addi %mul3A_45, %add3A_46 : i32
    "tpu.region"() ({
      %run_scoped3A = tpu.sem_alloc : memref<!tpu.dma_semaphore, #tpu.memory_space<semaphore_mem>>
      %dma_start3A = arith.constant 0 : i32
      %dma_start3A_63 = tpu.memref_slice %arg18[%add3A_47, %dma_start3A] : memref<10240x96xf32, #tpu.memory_space<vmem_shared>> -> memref<128x96xf32, #tpu.memory_space<vmem_shared>>
      %dma_start3A_64 = arith.constant 0 : i32
      %dma_start3A_65 = tpu.memref_slice %arg18[%add3A_47, %dma_start3A_64] : memref<10240x96xf32, #tpu.memory_space<vmem_shared>> -> memref<128x96xf32, #tpu.memory_space<vmem_shared>>
      tpu.enqueue_dma source(%arg17 : memref<128x96xf32, #tpu.memory_space<vmem>>) target(%dma_start3A_65 : memref<128x96xf32, #tpu.memory_space<vmem_shared>>) target_semaphore(%run_scoped3A : memref<!tpu.dma_semaphore, #tpu.memory_space<semaphore_mem>>)
      %dma_wait3A = arith.constant 0 : i32
      %dma_wait3A_66 = tpu.memref_slice %arg18[%add3A_47, %dma_wait3A] : memref<10240x96xf32, #tpu.memory_space<vmem_shared>> -> memref<128x96xf32, #tpu.memory_space<vmem_shared>>
      %dma_wait3A_67 = arith.constant 0 : i32
      %dma_wait3A_68 = tpu.memref_slice %arg18[%add3A_47, %dma_wait3A_67] : memref<10240x96xf32, #tpu.memory_space<vmem_shared>> -> memref<128x96xf32, #tpu.memory_space<vmem_shared>>
      tpu.wait_dma2 semaphore(%run_scoped3A : memref<!tpu.dma_semaphore, #tpu.memory_space<semaphore_mem>>) src(%arg17 : memref<128x96xf32, #tpu.memory_space<vmem>>) dst(%dma_wait3A_68 : memref<128x96xf32, #tpu.memory_space<vmem_shared>>)
      tpu.yield
    }) : () -> ()
    %mul3A_48 = arith.constant 640 : i32
    %mul3A_49 = arith.muli %arg1, %mul3A_48 : i32
    %add3A_50 = arith.constant 512 : i32
    %add3A_51 = arith.addi %mul3A_49, %add3A_50 : i32
    "tpu.region"() ({
      %run_scoped3A = tpu.sem_alloc : memref<!tpu.dma_semaphore, #tpu.memory_space<semaphore_mem>>
      %dma_start3A = arith.constant 0 : i32
      %dma_start3A_63 = tpu.memref_slice %arg18[%add3A_51, %dma_start3A] : memref<10240x96xf32, #tpu.memory_space<vmem_shared>> -> memref<128x96xf32, #tpu.memory_space<vmem_shared>>
      %dma_start3A_64 = arith.constant 0 : i32
      %dma_start3A_65 = tpu.memref_slice %arg18[%add3A_51, %dma_start3A_64] : memref<10240x96xf32, #tpu.memory_space<vmem_shared>> -> memref<128x96xf32, #tpu.memory_space<vmem_shared>>
      tpu.enqueue_dma source(%arg17 : memref<128x96xf32, #tpu.memory_space<vmem>>) target(%dma_start3A_65 : memref<128x96xf32, #tpu.memory_space<vmem_shared>>) target_semaphore(%run_scoped3A : memref<!tpu.dma_semaphore, #tpu.memory_space<semaphore_mem>>)
      %dma_wait3A = arith.constant 0 : i32
      %dma_wait3A_66 = tpu.memref_slice %arg18[%add3A_51, %dma_wait3A] : memref<10240x96xf32, #tpu.memory_space<vmem_shared>> -> memref<128x96xf32, #tpu.memory_space<vmem_shared>>
      %dma_wait3A_67 = arith.constant 0 : i32
      %dma_wait3A_68 = tpu.memref_slice %arg18[%add3A_51, %dma_wait3A_67] : memref<10240x96xf32, #tpu.memory_space<vmem_shared>> -> memref<128x96xf32, #tpu.memory_space<vmem_shared>>
      tpu.wait_dma2 semaphore(%run_scoped3A : memref<!tpu.dma_semaphore, #tpu.memory_space<semaphore_mem>>) src(%arg17 : memref<128x96xf32, #tpu.memory_space<vmem>>) dst(%dma_wait3A_68 : memref<128x96xf32, #tpu.memory_space<vmem_shared>>)
      tpu.yield
    }) : () -> ()
    %barrier3A_52 = arith.constant 0 : index
    tpu.barrier barrier_id(%barrier3A_52)
    %eq3A_53 = arith.constant 0 : i32
    %eq3A_54 = arith.cmpi eq, %arg0, %eq3A_53 : i32
    %convert_element_type3A_55 = arith.extui %eq3A_54 : i1 to i32
    %cond3A_56 = arith.constant 0 : i32
    %cond3A_57 = arith.cmpi ne, %convert_element_type3A_55, %cond3A_56 : i32
    scf.if %cond3A_57 {
      %dma_start3A = arith.constant 0 : i32
      %dma_start3A_63 = arith.constant 0 : i32
      %dma_start3A_64 = arith.constant 0 : i32
      %dma_start3A_65 = tpu.memref_slice %arg16[%dma_start3A, %dma_start3A_63, %dma_start3A_64] : memref<2x80x96xf32, #tpu.memory_space<vmem>> -> memref<1x80x96xf32, #tpu.memory_space<vmem>>
      %dma_start3A_66 = tpu.memref_squeeze %dma_start3A_65 : memref<1x80x96xf32, #tpu.memory_space<vmem>> -> memref<80x96xf32, #tpu.memory_space<vmem>>
      %dma_start3A_67 = arith.constant 0 : i32
      %dma_start3A_68 = tpu.memref_slice %arg12[%dma_start3A_67] : memref<10000xi32, #tpu.memory_space<vmem>> -> memref<80xi32, #tpu.memory_space<vmem>>
      %dma_start3A_69 = arith.constant 0 : i32
      %dma_start3A_70 = arith.constant 0 : i32
      %dma_start3A_71 = tpu.memref_slice %arg4[%dma_start3A_69, %dma_start3A_70] : memref<10000x96xf32, #tpu.memory_space<hbm>> -> memref<10000x96xf32, #tpu.memory_space<hbm>>
      tpu.enqueue_indirect_dma source(%dma_start3A_71 : memref<10000x96xf32, #tpu.memory_space<hbm>>) target(%dma_start3A_66 : memref<80x96xf32, #tpu.memory_space<vmem>>) offsets(%dma_start3A_68 : memref<80xi32, #tpu.memory_space<vmem>>) semaphore(%arg19 : memref<!tpu.dma_semaphore, #tpu.memory_space<semaphore_mem>>)
      %add3A_72 = arith.constant 0 : i32
      %add3A_73 = arith.addi %mul3A_0, %add3A_72 : i32
      %dma_start3A_74 = arith.constant 0 : i32
      %dma_start3A_75 = arith.constant 0 : i32
      %dma_start3A_76 = arith.constant 0 : i32
      %dma_start3A_77 = tpu.memref_slice %arg15[%dma_start3A_74, %dma_start3A_75, %dma_start3A_76] : memref<2x80x32xf32, #tpu.memory_space<vmem>> -> memref<1x80x32xf32, #tpu.memory_space<vmem>>
      %dma_start3A_78 = tpu.memref_squeeze %dma_start3A_77 : memref<1x80x32xf32, #tpu.memory_space<vmem>> -> memref<80x32xf32, #tpu.memory_space<vmem>>
      %dma_start3A_79 = arith.constant 64 : i32
      %dma_start3A_80 = tpu.memref_slice %arg5[%add3A_73, %dma_start3A_79] : memref<160000x128xf32, #tpu.memory_space<hbm>> -> memref<80x32xf32, #tpu.memory_space<hbm>>
      %dma_start3A_81 = arith.constant 0 : i32
      %dma_start3A_82 = arith.constant 0 : i32
      %dma_start3A_83 = tpu.memref_slice %arg15[%dma_start3A_74, %dma_start3A_81, %dma_start3A_82] : memref<2x80x32xf32, #tpu.memory_space<vmem>> -> memref<1x80x32xf32, #tpu.memory_space<vmem>>
      %dma_start3A_84 = tpu.memref_squeeze %dma_start3A_83 : memref<1x80x32xf32, #tpu.memory_space<vmem>> -> memref<80x32xf32, #tpu.memory_space<vmem>>
      %dma_start3A_85 = arith.constant 64 : i32
      %dma_start3A_86 = tpu.memref_slice %arg5[%add3A_73, %dma_start3A_85] : memref<160000x128xf32, #tpu.memory_space<hbm>> -> memref<80x32xf32, #tpu.memory_space<hbm>>
      tpu.enqueue_dma source(%dma_start3A_86 : memref<80x32xf32, #tpu.memory_space<hbm>>) target(%dma_start3A_84 : memref<80x32xf32, #tpu.memory_space<vmem>>) target_semaphore(%arg21 : memref<!tpu.dma_semaphore, #tpu.memory_space<semaphore_mem>>)
      %add3A_87 = arith.constant 0 : i32
      %add3A_88 = arith.addi %mul3A_0, %add3A_87 : i32
      %dma_start3A_89 = arith.constant 0 : i32
      %dma_start3A_90 = arith.constant 0 : i32
      %dma_start3A_91 = tpu.memref_slice %arg13[%dma_start3A_89, %dma_start3A_90] : memref<2x80xi32, #tpu.memory_space<vmem>> -> memref<1x80xi32, #tpu.memory_space<vmem>>
      %dma_start3A_92 = tpu.memref_squeeze %dma_start3A_91 : memref<1x80xi32, #tpu.memory_space<vmem>> -> memref<80xi32, #tpu.memory_space<vmem>>
      %dma_start3A_93 = tpu.memref_slice %arg6[%add3A_88] : memref<160000xi32, #tpu.memory_space<hbm>> -> memref<80xi32, #tpu.memory_space<hbm>>
      %dma_start3A_94 = arith.constant 0 : i32
      %dma_start3A_95 = tpu.memref_slice %arg13[%dma_start3A_89, %dma_start3A_94] : memref<2x80xi32, #tpu.memory_space<vmem>> -> memref<1x80xi32, #tpu.memory_space<vmem>>
      %dma_start3A_96 = tpu.memref_squeeze %dma_start3A_95 : memref<1x80xi32, #tpu.memory_space<vmem>> -> memref<80xi32, #tpu.memory_space<vmem>>
      %dma_start3A_97 = tpu.memref_slice %arg6[%add3A_88] : memref<160000xi32, #tpu.memory_space<hbm>> -> memref<80xi32, #tpu.memory_space<hbm>>
      tpu.enqueue_dma source(%dma_start3A_97 : memref<80xi32, #tpu.memory_space<hbm>>) target(%dma_start3A_96 : memref<80xi32, #tpu.memory_space<vmem>>) target_semaphore(%arg23 : memref<!tpu.dma_semaphore, #tpu.memory_space<semaphore_mem>>)
      %dma_start3A_98 = arith.constant 1 : i32
      %dma_start3A_99 = arith.constant 0 : i32
      %dma_start3A_100 = arith.constant 0 : i32
      %dma_start3A_101 = tpu.memref_slice %arg16[%dma_start3A_98, %dma_start3A_99, %dma_start3A_100] : memref<2x80x96xf32, #tpu.memory_space<vmem>> -> memref<1x80x96xf32, #tpu.memory_space<vmem>>
      %dma_start3A_102 = tpu.memref_squeeze %dma_start3A_101 : memref<1x80x96xf32, #tpu.memory_space<vmem>> -> memref<80x96xf32, #tpu.memory_space<vmem>>
      %dma_start3A_103 = arith.constant 80 : i32
      %dma_start3A_104 = tpu.memref_slice %arg12[%dma_start3A_103] : memref<10000xi32, #tpu.memory_space<vmem>> -> memref<80xi32, #tpu.memory_space<vmem>>
      %dma_start3A_105 = arith.constant 0 : i32
      %dma_start3A_106 = arith.constant 0 : i32
      %dma_start3A_107 = tpu.memref_slice %arg4[%dma_start3A_105, %dma_start3A_106] : memref<10000x96xf32, #tpu.memory_space<hbm>> -> memref<10000x96xf32, #tpu.memory_space<hbm>>
      tpu.enqueue_indirect_dma source(%dma_start3A_107 : memref<10000x96xf32, #tpu.memory_space<hbm>>) target(%dma_start3A_102 : memref<80x96xf32, #tpu.memory_space<vmem>>) offsets(%dma_start3A_104 : memref<80xi32, #tpu.memory_space<vmem>>) semaphore(%arg20 : memref<!tpu.dma_semaphore, #tpu.memory_space<semaphore_mem>>)
      %add3A_108 = arith.constant 80 : i32
      %add3A_109 = arith.addi %mul3A_0, %add3A_108 : i32
      %dma_start3A_110 = arith.constant 1 : i32
      %dma_start3A_111 = arith.constant 0 : i32
      %dma_start3A_112 = arith.constant 0 : i32
      %dma_start3A_113 = tpu.memref_slice %arg15[%dma_start3A_110, %dma_start3A_111, %dma_start3A_112] : memref<2x80x32xf32, #tpu.memory_space<vmem>> -> memref<1x80x32xf32, #tpu.memory_space<vmem>>
      %dma_start3A_114 = tpu.memref_squeeze %dma_start3A_113 : memref<1x80x32xf32, #tpu.memory_space<vmem>> -> memref<80x32xf32, #tpu.memory_space<vmem>>
      %dma_start3A_115 = arith.constant 64 : i32
      %dma_start3A_116 = tpu.memref_slice %arg5[%add3A_109, %dma_start3A_115] : memref<160000x128xf32, #tpu.memory_space<hbm>> -> memref<80x32xf32, #tpu.memory_space<hbm>>
      %dma_start3A_117 = arith.constant 0 : i32
      %dma_start3A_118 = arith.constant 0 : i32
      %dma_start3A_119 = tpu.memref_slice %arg15[%dma_start3A_110, %dma_start3A_117, %dma_start3A_118] : memref<2x80x32xf32, #tpu.memory_space<vmem>> -> memref<1x80x32xf32, #tpu.memory_space<vmem>>
      %dma_start3A_120 = tpu.memref_squeeze %dma_start3A_119 : memref<1x80x32xf32, #tpu.memory_space<vmem>> -> memref<80x32xf32, #tpu.memory_space<vmem>>
      %dma_start3A_121 = arith.constant 64 : i32
      %dma_start3A_122 = tpu.memref_slice %arg5[%add3A_109, %dma_start3A_121] : memref<160000x128xf32, #tpu.memory_space<hbm>> -> memref<80x32xf32, #tpu.memory_space<hbm>>
      tpu.enqueue_dma source(%dma_start3A_122 : memref<80x32xf32, #tpu.memory_space<hbm>>) target(%dma_start3A_120 : memref<80x32xf32, #tpu.memory_space<vmem>>) target_semaphore(%arg22 : memref<!tpu.dma_semaphore, #tpu.memory_space<semaphore_mem>>)
      %add3A_123 = arith.constant 80 : i32
      %add3A_124 = arith.addi %mul3A_0, %add3A_123 : i32
      %dma_start3A_125 = arith.constant 1 : i32
      %dma_start3A_126 = arith.constant 0 : i32
      %dma_start3A_127 = tpu.memref_slice %arg13[%dma_start3A_125, %dma_start3A_126] : memref<2x80xi32, #tpu.memory_space<vmem>> -> memref<1x80xi32, #tpu.memory_space<vmem>>
      %dma_start3A_128 = tpu.memref_squeeze %dma_start3A_127 : memref<1x80xi32, #tpu.memory_space<vmem>> -> memref<80xi32, #tpu.memory_space<vmem>>
      %dma_start3A_129 = tpu.memref_slice %arg6[%add3A_124] : memref<160000xi32, #tpu.memory_space<hbm>> -> memref<80xi32, #tpu.memory_space<hbm>>
      %dma_start3A_130 = arith.constant 0 : i32
      %dma_start3A_131 = tpu.memref_slice %arg13[%dma_start3A_125, %dma_start3A_130] : memref<2x80xi32, #tpu.memory_space<vmem>> -> memref<1x80xi32, #tpu.memory_space<vmem>>
      %dma_start3A_132 = tpu.memref_squeeze %dma_start3A_131 : memref<1x80xi32, #tpu.memory_space<vmem>> -> memref<80xi32, #tpu.memory_space<vmem>>
      %dma_start3A_133 = tpu.memref_slice %arg6[%add3A_124] : memref<160000xi32, #tpu.memory_space<hbm>> -> memref<80xi32, #tpu.memory_space<hbm>>
      tpu.enqueue_dma source(%dma_start3A_133 : memref<80xi32, #tpu.memory_space<hbm>>) target(%dma_start3A_132 : memref<80xi32, #tpu.memory_space<vmem>>) target_semaphore(%arg24 : memref<!tpu.dma_semaphore, #tpu.memory_space<semaphore_mem>>)
      %scan3A_134 = arith.constant 0 : i32
      %scan3A_135 = arith.constant 0 : i32
      %scan3A_136 = arith.constant 31 : i32
      %scan3A_137 = arith.addi %scan3A_135, %scan3A_136 : i32
      %scan3A_138 = arith.constant 1 : i32
      scf.for %scan3A_161 = %scan3A_135 to %scan3A_137 step %scan3A_138  : i32 {
        %mul3A_162 = arith.constant 2 : i32
        %mul3A_163 = arith.muli %mul3A_162, %scan3A_161 : i32
        %add3A_164 = arith.constant 0 : i32
        %add3A_165 = arith.addi %add3A_164, %mul3A_163 : i32
        %mul3A_166 = arith.constant 80 : i32
        %mul3A_167 = arith.muli %add3A_165, %mul3A_166 : i32
        %dma_wait3A = arith.constant 0 : i32
        %dma_wait3A_168 = arith.constant 0 : i32
        %dma_wait3A_169 = arith.constant 0 : i32
        %dma_wait3A_170 = tpu.memref_slice %arg16[%dma_wait3A, %dma_wait3A_168, %dma_wait3A_169] : memref<2x80x96xf32, #tpu.memory_space<vmem>> -> memref<1x80x96xf32, #tpu.memory_space<vmem>>
        %dma_wait3A_171 = tpu.memref_squeeze %dma_wait3A_170 : memref<1x80x96xf32, #tpu.memory_space<vmem>> -> memref<80x96xf32, #tpu.memory_space<vmem>>
        %dma_wait3A_172 = tpu.memref_slice %arg12[%mul3A_167] : memref<10000xi32, #tpu.memory_space<vmem>> -> memref<80xi32, #tpu.memory_space<vmem>>
        %dma_wait3A_173 = arith.constant 0 : i32
        %dma_wait3A_174 = arith.constant 0 : i32
        %dma_wait3A_175 = tpu.memref_slice %arg4[%dma_wait3A_173, %dma_wait3A_174] : memref<10000x96xf32, #tpu.memory_space<hbm>> -> memref<10000x96xf32, #tpu.memory_space<hbm>>
        tpu.wait_indirect_dma semaphore(%arg19 : memref<!tpu.dma_semaphore, #tpu.memory_space<semaphore_mem>>) src(%dma_wait3A_175 : memref<10000x96xf32, #tpu.memory_space<hbm>>) dst(%dma_wait3A_171 : memref<80x96xf32, #tpu.memory_space<vmem>>)
        %mul3A_176 = arith.constant 80 : i32
        %mul3A_177 = arith.muli %add3A_165, %mul3A_176 : i32
        %add3A_178 = arith.addi %mul3A_0, %mul3A_177 : i32
        %dma_wait3A_179 = arith.constant 0 : i32
        %dma_wait3A_180 = arith.constant 0 : i32
        %dma_wait3A_181 = arith.constant 0 : i32
        %dma_wait3A_182 = tpu.memref_slice %arg15[%dma_wait3A_179, %dma_wait3A_180, %dma_wait3A_181] : memref<2x80x32xf32, #tpu.memory_space<vmem>> -> memref<1x80x32xf32, #tpu.memory_space<vmem>>
        %dma_wait3A_183 = tpu.memref_squeeze %dma_wait3A_182 : memref<1x80x32xf32, #tpu.memory_space<vmem>> -> memref<80x32xf32, #tpu.memory_space<vmem>>
        %dma_wait3A_184 = arith.constant 64 : i32
        %dma_wait3A_185 = tpu.memref_slice %arg5[%add3A_178, %dma_wait3A_184] : memref<160000x128xf32, #tpu.memory_space<hbm>> -> memref<80x32xf32, #tpu.memory_space<hbm>>
        %dma_wait3A_186 = arith.constant 0 : i32
        %dma_wait3A_187 = arith.constant 0 : i32
        %dma_wait3A_188 = tpu.memref_slice %arg15[%dma_wait3A_179, %dma_wait3A_186, %dma_wait3A_187] : memref<2x80x32xf32, #tpu.memory_space<vmem>> -> memref<1x80x32xf32, #tpu.memory_space<vmem>>
        %dma_wait3A_189 = tpu.memref_squeeze %dma_wait3A_188 : memref<1x80x32xf32, #tpu.memory_space<vmem>> -> memref<80x32xf32, #tpu.memory_space<vmem>>
        %dma_wait3A_190 = arith.constant 64 : i32
        %dma_wait3A_191 = tpu.memref_slice %arg5[%add3A_178, %dma_wait3A_190] : memref<160000x128xf32, #tpu.memory_space<hbm>> -> memref<80x32xf32, #tpu.memory_space<hbm>>
        tpu.wait_dma2 semaphore(%arg21 : memref<!tpu.dma_semaphore, #tpu.memory_space<semaphore_mem>>) src(%dma_wait3A_191 : memref<80x32xf32, #tpu.memory_space<hbm>>) dst(%dma_wait3A_189 : memref<80x32xf32, #tpu.memory_space<vmem>>)
        %mul3A_192 = arith.constant 80 : i32
        %mul3A_193 = arith.muli %add3A_165, %mul3A_192 : i32
        %add3A_194 = arith.addi %mul3A_0, %mul3A_193 : i32
        %dma_wait3A_195 = arith.constant 0 : i32
        %dma_wait3A_196 = arith.constant 0 : i32
        %dma_wait3A_197 = tpu.memref_slice %arg13[%dma_wait3A_195, %dma_wait3A_196] : memref<2x80xi32, #tpu.memory_space<vmem>> -> memref<1x80xi32, #tpu.memory_space<vmem>>
        %dma_wait3A_198 = tpu.memref_squeeze %dma_wait3A_197 : memref<1x80xi32, #tpu.memory_space<vmem>> -> memref<80xi32, #tpu.memory_space<vmem>>
        %dma_wait3A_199 = tpu.memref_slice %arg6[%add3A_194] : memref<160000xi32, #tpu.memory_space<hbm>> -> memref<80xi32, #tpu.memory_space<hbm>>
        %dma_wait3A_200 = arith.constant 0 : i32
        %dma_wait3A_201 = tpu.memref_slice %arg13[%dma_wait3A_195, %dma_wait3A_200] : memref<2x80xi32, #tpu.memory_space<vmem>> -> memref<1x80xi32, #tpu.memory_space<vmem>>
        %dma_wait3A_202 = tpu.memref_squeeze %dma_wait3A_201 : memref<1x80xi32, #tpu.memory_space<vmem>> -> memref<80xi32, #tpu.memory_space<vmem>>
        %dma_wait3A_203 = tpu.memref_slice %arg6[%add3A_194] : memref<160000xi32, #tpu.memory_space<hbm>> -> memref<80xi32, #tpu.memory_space<hbm>>
        tpu.wait_dma2 semaphore(%arg23 : memref<!tpu.dma_semaphore, #tpu.memory_space<semaphore_mem>>) src(%dma_wait3A_203 : memref<80xi32, #tpu.memory_space<hbm>>) dst(%dma_wait3A_202 : memref<80xi32, #tpu.memory_space<vmem>>)
        %scan3A_204 = arith.constant 0 : i32
        %scan3A_205 = arith.constant 0 : i32
        %scan3A_206 = arith.constant 80 : i32
        %scan3A_207 = arith.addi %scan3A_205, %scan3A_206 : i32
        %scan3A_208 = arith.constant 1 : i32
        scf.for %scan3A_277 = %scan3A_205 to %scan3A_207 step %scan3A_208  : i32 {
          %get3A = arith.constant 0 : i32
          %get3A_278 = arith.index_cast %get3A : i32 to index
          %get3A_279 = arith.index_cast %scan3A_277 : i32 to index
          %get3A_280 = arith.constant 0 : index
          %get3A_281 = tpu.vector_load %arg15[%get3A_278, %get3A_279, %get3A_280] {strides = array<i32>} : memref<2x80x32xf32, #tpu.memory_space<vmem>>, vector<1x1x16xf32>,
          %get3A_282 = vector.shape_cast %get3A_281 : vector<1x1x16xf32> to vector<16xf32>
          %get3A_283 = arith.constant 0 : i32
          %get3A_284 = arith.index_cast %get3A_283 : i32 to index
          %get3A_285 = arith.index_cast %scan3A_277 : i32 to index
          %get3A_286 = arith.constant 16 : index
          %get3A_287 = tpu.vector_load %arg15[%get3A_284, %get3A_285, %get3A_286] {strides = array<i32>} : memref<2x80x32xf32, #tpu.memory_space<vmem>>, vector<1x1x16xf32>,
          %get3A_288 = vector.shape_cast %get3A_287 : vector<1x1x16xf32> to vector<16xf32>
          %get3A_289 = arith.constant 0 : i32
          %get3A_290 = arith.index_cast %get3A_289 : i32 to index
          %get3A_291 = arith.index_cast %scan3A_277 : i32 to index
          %get3A_292 = arith.constant 0 : index
          %get3A_293 = tpu.vector_load %arg16[%get3A_290, %get3A_291, %get3A_292] {strides = array<i32>} : memref<2x80x96xf32, #tpu.memory_space<vmem>>, vector<1x1x16xf32>,
          %get3A_294 = vector.shape_cast %get3A_293 : vector<1x1x16xf32> to vector<16xf32>
          %mul3A_295 = arith.mulf %get3A_294, %get3A_282 : vector<16xf32>
          %swap3A = arith.constant 0 : i32
          %swap3A_296 = arith.index_cast %swap3A : i32 to index
          %swap3A_297 = arith.index_cast %scan3A_277 : i32 to index
          %swap3A_298 = arith.constant 0 : index
          %swap3A_299 = tpu.vector_load %arg16[%swap3A_296, %swap3A_297, %swap3A_298] {strides = array<i32>} : memref<2x80x96xf32, #tpu.memory_space<vmem>>, vector<1x1x16xf32>,
          %swap3A_300 = vector.shape_cast %swap3A_299 : vector<1x1x16xf32> to vector<16xf32>
          %swap3A_301 = vector.shape_cast %mul3A_295 : vector<16xf32> to vector<1x1x16xf32>
          tpu.vector_store %arg16[%swap3A_296, %swap3A_297, %swap3A_298], %swap3A_301 {strides = array<i32>} : memref<2x80x96xf32, #tpu.memory_space<vmem>>, vector<1x1x16xf32>,
          %get3A_302 = arith.constant 0 : i32
          %get3A_303 = arith.index_cast %get3A_302 : i32 to index
          %get3A_304 = arith.index_cast %scan3A_277 : i32 to index
          %get3A_305 = arith.constant 16 : index
          %get3A_306 = tpu.vector_load %arg16[%get3A_303, %get3A_304, %get3A_305] {strides = array<i32>} : memref<2x80x96xf32, #tpu.memory_space<vmem>>, vector<1x1x16xf32>,
          %get3A_307 = vector.shape_cast %get3A_306 : vector<1x1x16xf32> to vector<16xf32>
          %mul3A_308 = arith.mulf %get3A_307, %get3A_288 : vector<16xf32>
          %swap3A_309 = arith.constant 0 : i32
          %swap3A_310 = arith.index_cast %swap3A_309 : i32 to index
          %swap3A_311 = arith.index_cast %scan3A_277 : i32 to index
          %swap3A_312 = arith.constant 16 : index
          %swap3A_313 = tpu.vector_load %arg16[%swap3A_310, %swap3A_311, %swap3A_312] {strides = array<i32>} : memref<2x80x96xf32, #tpu.memory_space<vmem>>, vector<1x1x16xf32>,
          %swap3A_314 = vector.shape_cast %swap3A_313 : vector<1x1x16xf32> to vector<16xf32>
          %swap3A_315 = vector.shape_cast %mul3A_308 : vector<16xf32> to vector<1x1x16xf32>
          tpu.vector_store %arg16[%swap3A_310, %swap3A_311, %swap3A_312], %swap3A_315 {strides = array<i32>} : memref<2x80x96xf32, #tpu.memory_space<vmem>>, vector<1x1x16xf32>,
          %get3A_316 = arith.constant 0 : i32
          %get3A_317 = arith.index_cast %get3A_316 : i32 to index
          %get3A_318 = arith.index_cast %scan3A_277 : i32 to index
          %get3A_319 = arith.constant 32 : index
          %get3A_320 = tpu.vector_load %arg16[%get3A_317, %get3A_318, %get3A_319] {strides = array<i32>} : memref<2x80x96xf32, #tpu.memory_space<vmem>>, vector<1x1x16xf32>,
          %get3A_321 = vector.shape_cast %get3A_320 : vector<1x1x16xf32> to vector<16xf32>
          %mul3A_322 = arith.mulf %get3A_321, %get3A_282 : vector<16xf32>
          %swap3A_323 = arith.constant 0 : i32
          %swap3A_324 = arith.index_cast %swap3A_323 : i32 to index
          %swap3A_325 = arith.index_cast %scan3A_277 : i32 to index
          %swap3A_326 = arith.constant 32 : index
          %swap3A_327 = tpu.vector_load %arg16[%swap3A_324, %swap3A_325, %swap3A_326] {strides = array<i32>} : memref<2x80x96xf32, #tpu.memory_space<vmem>>, vector<1x1x16xf32>,
          %swap3A_328 = vector.shape_cast %swap3A_327 : vector<1x1x16xf32> to vector<16xf32>
          %swap3A_329 = vector.shape_cast %mul3A_322 : vector<16xf32> to vector<1x1x16xf32>
          tpu.vector_store %arg16[%swap3A_324, %swap3A_325, %swap3A_326], %swap3A_329 {strides = array<i32>} : memref<2x80x96xf32, #tpu.memory_space<vmem>>, vector<1x1x16xf32>,
          %get3A_330 = arith.constant 0 : i32
          %get3A_331 = arith.index_cast %get3A_330 : i32 to index
          %get3A_332 = arith.index_cast %scan3A_277 : i32 to index
          %get3A_333 = arith.constant 48 : index
          %get3A_334 = tpu.vector_load %arg16[%get3A_331, %get3A_332, %get3A_333] {strides = array<i32>} : memref<2x80x96xf32, #tpu.memory_space<vmem>>, vector<1x1x16xf32>,
          %get3A_335 = vector.shape_cast %get3A_334 : vector<1x1x16xf32> to vector<16xf32>
          %mul3A_336 = arith.mulf %get3A_335, %get3A_288 : vector<16xf32>
          %swap3A_337 = arith.constant 0 : i32
          %swap3A_338 = arith.index_cast %swap3A_337 : i32 to index
          %swap3A_339 = arith.index_cast %scan3A_277 : i32 to index
          %swap3A_340 = arith.constant 48 : index
          %swap3A_341 = tpu.vector_load %arg16[%swap3A_338, %swap3A_339, %swap3A_340] {strides = array<i32>} : memref<2x80x96xf32, #tpu.memory_space<vmem>>, vector<1x1x16xf32>,
          %swap3A_342 = vector.shape_cast %swap3A_341 : vector<1x1x16xf32> to vector<16xf32>
          %swap3A_343 = vector.shape_cast %mul3A_336 : vector<16xf32> to vector<1x1x16xf32>
          tpu.vector_store %arg16[%swap3A_338, %swap3A_339, %swap3A_340], %swap3A_343 {strides = array<i32>} : memref<2x80x96xf32, #tpu.memory_space<vmem>>, vector<1x1x16xf32>,
          %get3A_344 = arith.constant 0 : i32
          %get3A_345 = arith.index_cast %get3A_344 : i32 to index
          %get3A_346 = arith.index_cast %scan3A_277 : i32 to index
          %get3A_347 = arith.constant 64 : index
          %get3A_348 = tpu.vector_load %arg16[%get3A_345, %get3A_346, %get3A_347] {strides = array<i32>} : memref<2x80x96xf32, #tpu.memory_space<vmem>>, vector<1x1x16xf32>,
          %get3A_349 = vector.shape_cast %get3A_348 : vector<1x1x16xf32> to vector<16xf32>
          %mul3A_350 = arith.mulf %get3A_349, %get3A_282 : vector<16xf32>
          %swap3A_351 = arith.constant 0 : i32
          %swap3A_352 = arith.index_cast %swap3A_351 : i32 to index
          %swap3A_353 = arith.index_cast %scan3A_277 : i32 to index
          %swap3A_354 = arith.constant 64 : index
          %swap3A_355 = tpu.vector_load %arg16[%swap3A_352, %swap3A_353, %swap3A_354] {strides = array<i32>} : memref<2x80x96xf32, #tpu.memory_space<vmem>>, vector<1x1x16xf32>,
          %swap3A_356 = vector.shape_cast %swap3A_355 : vector<1x1x16xf32> to vector<16xf32>
          %swap3A_357 = vector.shape_cast %mul3A_350 : vector<16xf32> to vector<1x1x16xf32>
          tpu.vector_store %arg16[%swap3A_352, %swap3A_353, %swap3A_354], %swap3A_357 {strides = array<i32>} : memref<2x80x96xf32, #tpu.memory_space<vmem>>, vector<1x1x16xf32>,
          %get3A_358 = arith.constant 0 : i32
          %get3A_359 = arith.index_cast %get3A_358 : i32 to index
          %get3A_360 = arith.index_cast %scan3A_277 : i32 to index
          %get3A_361 = arith.constant 80 : index
          %get3A_362 = tpu.vector_load %arg16[%get3A_359, %get3A_360, %get3A_361] {strides = array<i32>} : memref<2x80x96xf32, #tpu.memory_space<vmem>>, vector<1x1x16xf32>,
          %get3A_363 = vector.shape_cast %get3A_362 : vector<1x1x16xf32> to vector<16xf32>
          %mul3A_364 = arith.mulf %get3A_363, %get3A_288 : vector<16xf32>
          %swap3A_365 = arith.constant 0 : i32
          %swap3A_366 = arith.index_cast %swap3A_365 : i32 to index
          %swap3A_367 = arith.index_cast %scan3A_277 : i32 to index
          %swap3A_368 = arith.constant 80 : index
          %swap3A_369 = tpu.vector_load %arg16[%swap3A_366, %swap3A_367, %swap3A_368] {strides = array<i32>} : memref<2x80x96xf32, #tpu.memory_space<vmem>>, vector<1x1x16xf32>,
          %swap3A_370 = vector.shape_cast %swap3A_369 : vector<1x1x16xf32> to vector<16xf32>
          %swap3A_371 = vector.shape_cast %mul3A_364 : vector<16xf32> to vector<1x1x16xf32>
          tpu.vector_store %arg16[%swap3A_366, %swap3A_367, %swap3A_368], %swap3A_371 {strides = array<i32>} : memref<2x80x96xf32, #tpu.memory_space<vmem>>, vector<1x1x16xf32>,
        }
        %scan3A_209 = arith.constant 80 : i32
        %run_scoped3A = arith.constant 0 : i32
        %run_scoped3A_210 = arith.constant 0 : i32
        "tpu.region"() ({
          %run_scoped3A_277 = tpu.sem_alloc : memref<!tpu.dma_semaphore, #tpu.memory_space<semaphore_mem>>
          %dma_start3A_278 = arith.constant 0 : i32
          %dma_start3A_279 = arith.constant 0 : i32
          %dma_start3A_280 = tpu.memref_slice %arg16[%run_scoped3A, %dma_start3A_278, %dma_start3A_279] : memref<2x80x96xf32, #tpu.memory_space<vmem>> -> memref<1x80x96xf32, #tpu.memory_space<vmem>>
          %dma_start3A_281 = tpu.memref_squeeze %dma_start3A_280 : memref<1x80x96xf32, #tpu.memory_space<vmem>> -> memref<80x96xf32, #tpu.memory_space<vmem>>
          %dma_start3A_282 = arith.constant 0 : i32
          %dma_start3A_283 = tpu.memref_slice %arg13[%run_scoped3A_210, %dma_start3A_282] : memref<2x80xi32, #tpu.memory_space<vmem>> -> memref<1x80xi32, #tpu.memory_space<vmem>>
          %dma_start3A_284 = tpu.memref_squeeze %dma_start3A_283 : memref<1x80xi32, #tpu.memory_space<vmem>> -> memref<80xi32, #tpu.memory_space<vmem>>
          %dma_start3A_285 = arith.constant 0 : i32
          %dma_start3A_286 = arith.constant 0 : i32
          %dma_start3A_287 = tpu.memref_slice %arg18[%dma_start3A_285, %dma_start3A_286] : memref<10240x96xf32, #tpu.memory_space<vmem_shared>> -> memref<10240x96xf32, #tpu.memory_space<vmem_shared>>
          tpu.enqueue_indirect_dma source(%dma_start3A_281 : memref<80x96xf32, #tpu.memory_space<vmem>>) target(%dma_start3A_287 : memref<10240x96xf32, #tpu.memory_space<vmem_shared>>) offsets(%dma_start3A_284 : memref<80xi32, #tpu.memory_space<vmem>>) semaphore(%run_scoped3A_277 : memref<!tpu.dma_semaphore, #tpu.memory_space<semaphore_mem>>) {add = true}
          %dma_wait3A_288 = arith.constant 0 : i32
          %dma_wait3A_289 = arith.constant 0 : i32
          %dma_wait3A_290 = tpu.memref_slice %arg16[%run_scoped3A, %dma_wait3A_288, %dma_wait3A_289] : memref<2x80x96xf32, #tpu.memory_space<vmem>> -> memref<1x80x96xf32, #tpu.memory_space<vmem>>
          %dma_wait3A_291 = tpu.memref_squeeze %dma_wait3A_290 : memref<1x80x96xf32, #tpu.memory_space<vmem>> -> memref<80x96xf32, #tpu.memory_space<vmem>>
          %dma_wait3A_292 = arith.constant 0 : i32
          %dma_wait3A_293 = tpu.memref_slice %arg13[%run_scoped3A_210, %dma_wait3A_292] : memref<2x80xi32, #tpu.memory_space<vmem>> -> memref<1x80xi32, #tpu.memory_space<vmem>>
          %dma_wait3A_294 = tpu.memref_squeeze %dma_wait3A_293 : memref<1x80xi32, #tpu.memory_space<vmem>> -> memref<80xi32, #tpu.memory_space<vmem>>
          %dma_wait3A_295 = arith.constant 0 : i32
          %dma_wait3A_296 = arith.constant 0 : i32
          %dma_wait3A_297 = tpu.memref_slice %arg18[%dma_wait3A_295, %dma_wait3A_296] : memref<10240x96xf32, #tpu.memory_space<vmem_shared>> -> memref<10240x96xf32, #tpu.memory_space<vmem_shared>>
          tpu.wait_indirect_dma semaphore(%run_scoped3A_277 : memref<!tpu.dma_semaphore, #tpu.memory_space<semaphore_mem>>) src(%dma_wait3A_291 : memref<80x96xf32, #tpu.memory_space<vmem>>) dst(%dma_wait3A_297 : memref<10240x96xf32, #tpu.memory_space<vmem_shared>>)
          tpu.yield
        }) : () -> ()
        %add3A_211 = arith.constant 2 : i32
        %add3A_212 = arith.addi %add3A_165, %add3A_211 : i32
        %lt3A = arith.constant 62 : i32
        %lt3A_213 = arith.cmpi slt, %add3A_212, %lt3A : i32
        %convert_element_type3A_214 = arith.extui %lt3A_213 : i1 to i32
        %cond3A_215 = arith.constant 0 : i32
        %cond3A_216 = arith.cmpi ne, %convert_element_type3A_214, %cond3A_215 : i32
        scf.if %cond3A_216 {
          %add3A_277 = arith.constant 2 : i32
          %add3A_278 = arith.addi %add3A_165, %add3A_277 : i32
          %mul3A_279 = arith.constant 80 : i32
          %mul3A_280 = arith.muli %add3A_278, %mul3A_279 : i32
          %dma_start3A_281 = arith.constant 0 : i32
          %dma_start3A_282 = arith.constant 0 : i32
          %dma_start3A_283 = arith.constant 0 : i32
          %dma_start3A_284 = tpu.memref_slice %arg16[%dma_start3A_281, %dma_start3A_282, %dma_start3A_283] : memref<2x80x96xf32, #tpu.memory_space<vmem>> -> memref<1x80x96xf32, #tpu.memory_space<vmem>>
          %dma_start3A_285 = tpu.memref_squeeze %dma_start3A_284 : memref<1x80x96xf32, #tpu.memory_space<vmem>> -> memref<80x96xf32, #tpu.memory_space<vmem>>
          %dma_start3A_286 = tpu.memref_slice %arg12[%mul3A_280] : memref<10000xi32, #tpu.memory_space<vmem>> -> memref<80xi32, #tpu.memory_space<vmem>>
          %dma_start3A_287 = arith.constant 0 : i32
          %dma_start3A_288 = arith.constant 0 : i32
          %dma_start3A_289 = tpu.memref_slice %arg4[%dma_start3A_287, %dma_start3A_288] : memref<10000x96xf32, #tpu.memory_space<hbm>> -> memref<10000x96xf32, #tpu.memory_space<hbm>>
          tpu.enqueue_indirect_dma source(%dma_start3A_289 : memref<10000x96xf32, #tpu.memory_space<hbm>>) target(%dma_start3A_285 : memref<80x96xf32, #tpu.memory_space<vmem>>) offsets(%dma_start3A_286 : memref<80xi32, #tpu.memory_space<vmem>>) semaphore(%arg19 : memref<!tpu.dma_semaphore, #tpu.memory_space<semaphore_mem>>)
          %mul3A_290 = arith.constant 80 : i32
          %mul3A_291 = arith.muli %add3A_278, %mul3A_290 : i32
          %add3A_292 = arith.addi %mul3A_0, %mul3A_291 : i32
          %dma_start3A_293 = arith.constant 0 : i32
          %dma_start3A_294 = arith.constant 0 : i32
          %dma_start3A_295 = arith.constant 0 : i32
          %dma_start3A_296 = tpu.memref_slice %arg15[%dma_start3A_293, %dma_start3A_294, %dma_start3A_295] : memref<2x80x32xf32, #tpu.memory_space<vmem>> -> memref<1x80x32xf32, #tpu.memory_space<vmem>>
          %dma_start3A_297 = tpu.memref_squeeze %dma_start3A_296 : memref<1x80x32xf32, #tpu.memory_space<vmem>> -> memref<80x32xf32, #tpu.memory_space<vmem>>
          %dma_start3A_298 = arith.constant 64 : i32
          %dma_start3A_299 = tpu.memref_slice %arg5[%add3A_292, %dma_start3A_298] : memref<160000x128xf32, #tpu.memory_space<hbm>> -> memref<80x32xf32, #tpu.memory_space<hbm>>
          %dma_start3A_300 = arith.constant 0 : i32
          %dma_start3A_301 = arith.constant 0 : i32
          %dma_start3A_302 = tpu.memref_slice %arg15[%dma_start3A_293, %dma_start3A_300, %dma_start3A_301] : memref<2x80x32xf32, #tpu.memory_space<vmem>> -> memref<1x80x32xf32, #tpu.memory_space<vmem>>
          %dma_start3A_303 = tpu.memref_squeeze %dma_start3A_302 : memref<1x80x32xf32, #tpu.memory_space<vmem>> -> memref<80x32xf32, #tpu.memory_space<vmem>>
          %dma_start3A_304 = arith.constant 64 : i32
          %dma_start3A_305 = tpu.memref_slice %arg5[%add3A_292, %dma_start3A_304] : memref<160000x128xf32, #tpu.memory_space<hbm>> -> memref<80x32xf32, #tpu.memory_space<hbm>>
          tpu.enqueue_dma source(%dma_start3A_305 : memref<80x32xf32, #tpu.memory_space<hbm>>) target(%dma_start3A_303 : memref<80x32xf32, #tpu.memory_space<vmem>>) target_semaphore(%arg21 : memref<!tpu.dma_semaphore, #tpu.memory_space<semaphore_mem>>)
          %mul3A_306 = arith.constant 80 : i32
          %mul3A_307 = arith.muli %add3A_278, %mul3A_306 : i32
          %add3A_308 = arith.addi %mul3A_0, %mul3A_307 : i32
          %dma_start3A_309 = arith.constant 0 : i32
          %dma_start3A_310 = arith.constant 0 : i32
          %dma_start3A_311 = tpu.memref_slice %arg13[%dma_start3A_309, %dma_start3A_310] : memref<2x80xi32, #tpu.memory_space<vmem>> -> memref<1x80xi32, #tpu.memory_space<vmem>>
          %dma_start3A_312 = tpu.memref_squeeze %dma_start3A_311 : memref<1x80xi32, #tpu.memory_space<vmem>> -> memref<80xi32, #tpu.memory_space<vmem>>
          %dma_start3A_313 = tpu.memref_slice %arg6[%add3A_308] : memref<160000xi32, #tpu.memory_space<hbm>> -> memref<80xi32, #tpu.memory_space<hbm>>
          %dma_start3A_314 = arith.constant 0 : i32
          %dma_start3A_315 = tpu.memref_slice %arg13[%dma_start3A_309, %dma_start3A_314] : memref<2x80xi32, #tpu.memory_space<vmem>> -> memref<1x80xi32, #tpu.memory_space<vmem>>
          %dma_start3A_316 = tpu.memref_squeeze %dma_start3A_315 : memref<1x80xi32, #tpu.memory_space<vmem>> -> memref<80xi32, #tpu.memory_space<vmem>>
          %dma_start3A_317 = tpu.memref_slice %arg6[%add3A_308] : memref<160000xi32, #tpu.memory_space<hbm>> -> memref<80xi32, #tpu.memory_space<hbm>>
          tpu.enqueue_dma source(%dma_start3A_317 : memref<80xi32, #tpu.memory_space<hbm>>) target(%dma_start3A_316 : memref<80xi32, #tpu.memory_space<vmem>>) target_semaphore(%arg23 : memref<!tpu.dma_semaphore, #tpu.memory_space<semaphore_mem>>)
        } else {
        }
        %mul3A_217 = arith.constant 2 : i32
        %mul3A_218 = arith.muli %mul3A_217, %scan3A_161 : i32
        %add3A_219 = arith.constant 0 : i32
        %add3A_220 = arith.addi %add3A_219, %mul3A_218 : i32
        %add3A_221 = arith.constant 1 : i32
        %add3A_222 = arith.addi %add3A_220, %add3A_221 : i32
        %mul3A_223 = arith.constant 80 : i32
        %mul3A_224 = arith.muli %add3A_222, %mul3A_223 : i32
        %dma_wait3A_225 = arith.constant 1 : i32
        %dma_wait3A_226 = arith.constant 0 : i32
        %dma_wait3A_227 = arith.constant 0 : i32
        %dma_wait3A_228 = tpu.memref_slice %arg16[%dma_wait3A_225, %dma_wait3A_226, %dma_wait3A_227] : memref<2x80x96xf32, #tpu.memory_space<vmem>> -> memref<1x80x96xf32, #tpu.memory_space<vmem>>
        %dma_wait3A_229 = tpu.memref_squeeze %dma_wait3A_228 : memref<1x80x96xf32, #tpu.memory_space<vmem>> -> memref<80x96xf32, #tpu.memory_space<vmem>>
        %dma_wait3A_230 = tpu.memref_slice %arg12[%mul3A_224] : memref<10000xi32, #tpu.memory_space<vmem>> -> memref<80xi32, #tpu.memory_space<vmem>>
        %dma_wait3A_231 = arith.constant 0 : i32
        %dma_wait3A_232 = arith.constant 0 : i32
        %dma_wait3A_233 = tpu.memref_slice %arg4[%dma_wait3A_231, %dma_wait3A_232] : memref<10000x96xf32, #tpu.memory_space<hbm>> -> memref<10000x96xf32, #tpu.memory_space<hbm>>
        tpu.wait_indirect_dma semaphore(%arg20 : memref<!tpu.dma_semaphore, #tpu.memory_space<semaphore_mem>>) src(%dma_wait3A_233 : memref<10000x96xf32, #tpu.memory_space<hbm>>) dst(%dma_wait3A_229 : memref<80x96xf32, #tpu.memory_space<vmem>>)
        %mul3A_234 = arith.constant 80 : i32
        %mul3A_235 = arith.muli %add3A_222, %mul3A_234 : i32
        %add3A_236 = arith.addi %mul3A_0, %mul3A_235 : i32
        %dma_wait3A_237 = arith.constant 1 : i32
        %dma_wait3A_238 = arith.constant 0 : i32
        %dma_wait3A_239 = arith.constant 0 : i32
        %dma_wait3A_240 = tpu.memref_slice %arg15[%dma_wait3A_237, %dma_wait3A_238, %dma_wait3A_239] : memref<2x80x32xf32, #tpu.memory_space<vmem>> -> memref<1x80x32xf32, #tpu.memory_space<vmem>>
        %dma_wait3A_241 = tpu.memref_squeeze %dma_wait3A_240 : memref<1x80x32xf32, #tpu.memory_space<vmem>> -> memref<80x32xf32, #tpu.memory_space<vmem>>
        %dma_wait3A_242 = arith.constant 64 : i32
        %dma_wait3A_243 = tpu.memref_slice %arg5[%add3A_236, %dma_wait3A_242] : memref<160000x128xf32, #tpu.memory_space<hbm>> -> memref<80x32xf32, #tpu.memory_space<hbm>>
        %dma_wait3A_244 = arith.constant 0 : i32
        %dma_wait3A_245 = arith.constant 0 : i32
        %dma_wait3A_246 = tpu.memref_slice %arg15[%dma_wait3A_237, %dma_wait3A_244, %dma_wait3A_245] : memref<2x80x32xf32, #tpu.memory_space<vmem>> -> memref<1x80x32xf32, #tpu.memory_space<vmem>>
        %dma_wait3A_247 = tpu.memref_squeeze %dma_wait3A_246 : memref<1x80x32xf32, #tpu.memory_space<vmem>> -> memref<80x32xf32, #tpu.memory_space<vmem>>
        %dma_wait3A_248 = arith.constant 64 : i32
        %dma_wait3A_249 = tpu.memref_slice %arg5[%add3A_236, %dma_wait3A_248] : memref<160000x128xf32, #tpu.memory_space<hbm>> -> memref<80x32xf32, #tpu.memory_space<hbm>>
        tpu.wait_dma2 semaphore(%arg22 : memref<!tpu.dma_semaphore, #tpu.memory_space<semaphore_mem>>) src(%dma_wait3A_249 : memref<80x32xf32, #tpu.memory_space<hbm>>) dst(%dma_wait3A_247 : memref<80x32xf32, #tpu.memory_space<vmem>>)
        %mul3A_250 = arith.constant 80 : i32
        %mul3A_251 = arith.muli %add3A_222, %mul3A_250 : i32
        %add3A_252 = arith.addi %mul3A_0, %mul3A_251 : i32
        %dma_wait3A_253 = arith.constant 1 : i32
        %dma_wait3A_254 = arith.constant 0 : i32
        %dma_wait3A_255 = tpu.memref_slice %arg13[%dma_wait3A_253, %dma_wait3A_254] : memref<2x80xi32, #tpu.memory_space<vmem>> -> memref<1x80xi32, #tpu.memory_space<vmem>>
        %dma_wait3A_256 = tpu.memref_squeeze %dma_wait3A_255 : memref<1x80xi32, #tpu.memory_space<vmem>> -> memref<80xi32, #tpu.memory_space<vmem>>
        %dma_wait3A_257 = tpu.memref_slice %arg6[%add3A_252] : memref<160000xi32, #tpu.memory_space<hbm>> -> memref<80xi32, #tpu.memory_space<hbm>>
        %dma_wait3A_258 = arith.constant 0 : i32
        %dma_wait3A_259 = tpu.memref_slice %arg13[%dma_wait3A_253, %dma_wait3A_258] : memref<2x80xi32, #tpu.memory_space<vmem>> -> memref<1x80xi32, #tpu.memory_space<vmem>>
        %dma_wait3A_260 = tpu.memref_squeeze %dma_wait3A_259 : memref<1x80xi32, #tpu.memory_space<vmem>> -> memref<80xi32, #tpu.memory_space<vmem>>
        %dma_wait3A_261 = tpu.memref_slice %arg6[%add3A_252] : memref<160000xi32, #tpu.memory_space<hbm>> -> memref<80xi32, #tpu.memory_space<hbm>>
        tpu.wait_dma2 semaphore(%arg24 : memref<!tpu.dma_semaphore, #tpu.memory_space<semaphore_mem>>) src(%dma_wait3A_261 : memref<80xi32, #tpu.memory_space<hbm>>) dst(%dma_wait3A_260 : memref<80xi32, #tpu.memory_space<vmem>>)
        %scan3A_262 = arith.constant 0 : i32
        %scan3A_263 = arith.constant 0 : i32
        %scan3A_264 = arith.constant 80 : i32
        %scan3A_265 = arith.addi %scan3A_263, %scan3A_264 : i32
        %scan3A_266 = arith.constant 1 : i32
        scf.for %scan3A_277 = %scan3A_263 to %scan3A_265 step %scan3A_266  : i32 {
          %get3A = arith.constant 1 : i32
          %get3A_278 = arith.index_cast %get3A : i32 to index
          %get3A_279 = arith.index_cast %scan3A_277 : i32 to index
          %get3A_280 = arith.constant 0 : index
          %get3A_281 = tpu.vector_load %arg15[%get3A_278, %get3A_279, %get3A_280] {strides = array<i32>} : memref<2x80x32xf32, #tpu.memory_space<vmem>>, vector<1x1x16xf32>,
          %get3A_282 = vector.shape_cast %get3A_281 : vector<1x1x16xf32> to vector<16xf32>
          %get3A_283 = arith.constant 1 : i32
          %get3A_284 = arith.index_cast %get3A_283 : i32 to index
          %get3A_285 = arith.index_cast %scan3A_277 : i32 to index
          %get3A_286 = arith.constant 16 : index
          %get3A_287 = tpu.vector_load %arg15[%get3A_284, %get3A_285, %get3A_286] {strides = array<i32>} : memref<2x80x32xf32, #tpu.memory_space<vmem>>, vector<1x1x16xf32>,
          %get3A_288 = vector.shape_cast %get3A_287 : vector<1x1x16xf32> to vector<16xf32>
          %get3A_289 = arith.constant 1 : i32
          %get3A_290 = arith.index_cast %get3A_289 : i32 to index
          %get3A_291 = arith.index_cast %scan3A_277 : i32 to index
          %get3A_292 = arith.constant 0 : index
          %get3A_293 = tpu.vector_load %arg16[%get3A_290, %get3A_291, %get3A_292] {strides = array<i32>} : memref<2x80x96xf32, #tpu.memory_space<vmem>>, vector<1x1x16xf32>,
          %get3A_294 = vector.shape_cast %get3A_293 : vector<1x1x16xf32> to vector<16xf32>
          %mul3A_295 = arith.mulf %get3A_294, %get3A_282 : vector<16xf32>
          %swap3A = arith.constant 1 : i32
          %swap3A_296 = arith.index_cast %swap3A : i32 to index
          %swap3A_297 = arith.index_cast %scan3A_277 : i32 to index
          %swap3A_298 = arith.constant 0 : index
          %swap3A_299 = tpu.vector_load %arg16[%swap3A_296, %swap3A_297, %swap3A_298] {strides = array<i32>} : memref<2x80x96xf32, #tpu.memory_space<vmem>>, vector<1x1x16xf32>,
          %swap3A_300 = vector.shape_cast %swap3A_299 : vector<1x1x16xf32> to vector<16xf32>
          %swap3A_301 = vector.shape_cast %mul3A_295 : vector<16xf32> to vector<1x1x16xf32>
          tpu.vector_store %arg16[%swap3A_296, %swap3A_297, %swap3A_298], %swap3A_301 {strides = array<i32>} : memref<2x80x96xf32, #tpu.memory_space<vmem>>, vector<1x1x16xf32>,
          %get3A_302 = arith.constant 1 : i32
          %get3A_303 = arith.index_cast %get3A_302 : i32 to index
          %get3A_304 = arith.index_cast %scan3A_277 : i32 to index
          %get3A_305 = arith.constant 16 : index
          %get3A_306 = tpu.vector_load %arg16[%get3A_303, %get3A_304, %get3A_305] {strides = array<i32>} : memref<2x80x96xf32, #tpu.memory_space<vmem>>, vector<1x1x16xf32>,
          %get3A_307 = vector.shape_cast %get3A_306 : vector<1x1x16xf32> to vector<16xf32>
          %mul3A_308 = arith.mulf %get3A_307, %get3A_288 : vector<16xf32>
          %swap3A_309 = arith.constant 1 : i32
          %swap3A_310 = arith.index_cast %swap3A_309 : i32 to index
          %swap3A_311 = arith.index_cast %scan3A_277 : i32 to index
          %swap3A_312 = arith.constant 16 : index
          %swap3A_313 = tpu.vector_load %arg16[%swap3A_310, %swap3A_311, %swap3A_312] {strides = array<i32>} : memref<2x80x96xf32, #tpu.memory_space<vmem>>, vector<1x1x16xf32>,
          %swap3A_314 = vector.shape_cast %swap3A_313 : vector<1x1x16xf32> to vector<16xf32>
          %swap3A_315 = vector.shape_cast %mul3A_308 : vector<16xf32> to vector<1x1x16xf32>
          tpu.vector_store %arg16[%swap3A_310, %swap3A_311, %swap3A_312], %swap3A_315 {strides = array<i32>} : memref<2x80x96xf32, #tpu.memory_space<vmem>>, vector<1x1x16xf32>,
          %get3A_316 = arith.constant 1 : i32
          %get3A_317 = arith.index_cast %get3A_316 : i32 to index
          %get3A_318 = arith.index_cast %scan3A_277 : i32 to index
          %get3A_319 = arith.constant 32 : index
          %get3A_320 = tpu.vector_load %arg16[%get3A_317, %get3A_318, %get3A_319] {strides = array<i32>} : memref<2x80x96xf32, #tpu.memory_space<vmem>>, vector<1x1x16xf32>,
          %get3A_321 = vector.shape_cast %get3A_320 : vector<1x1x16xf32> to vector<16xf32>
          %mul3A_322 = arith.mulf %get3A_321, %get3A_282 : vector<16xf32>
          %swap3A_323 = arith.constant 1 : i32
          %swap3A_324 = arith.index_cast %swap3A_323 : i32 to index
          %swap3A_325 = arith.index_cast %scan3A_277 : i32 to index
          %swap3A_326 = arith.constant 32 : index
          %swap3A_327 = tpu.vector_load %arg16[%swap3A_324, %swap3A_325, %swap3A_326] {strides = array<i32>} : memref<2x80x96xf32, #tpu.memory_space<vmem>>, vector<1x1x16xf32>,
          %swap3A_328 = vector.shape_cast %swap3A_327 : vector<1x1x16xf32> to vector<16xf32>
          %swap3A_329 = vector.shape_cast %mul3A_322 : vector<16xf32> to vector<1x1x16xf32>
          tpu.vector_store %arg16[%swap3A_324, %swap3A_325, %swap3A_326], %swap3A_329 {strides = array<i32>} : memref<2x80x96xf32, #tpu.memory_space<vmem>>, vector<1x1x16xf32>,
          %get3A_330 = arith.constant 1 : i32
          %get3A_331 = arith.index_cast %get3A_330 : i32 to index
          %get3A_332 = arith.index_cast %scan3A_277 : i32 to index
          %get3A_333 = arith.constant 48 : index
          %get3A_334 = tpu.vector_load %arg16[%get3A_331, %get3A_332, %get3A_333] {strides = array<i32>} : memref<2x80x96xf32, #tpu.memory_space<vmem>>, vector<1x1x16xf32>,
          %get3A_335 = vector.shape_cast %get3A_334 : vector<1x1x16xf32> to vector<16xf32>
          %mul3A_336 = arith.mulf %get3A_335, %get3A_288 : vector<16xf32>
          %swap3A_337 = arith.constant 1 : i32
          %swap3A_338 = arith.index_cast %swap3A_337 : i32 to index
          %swap3A_339 = arith.index_cast %scan3A_277 : i32 to index
          %swap3A_340 = arith.constant 48 : index
          %swap3A_341 = tpu.vector_load %arg16[%swap3A_338, %swap3A_339, %swap3A_340] {strides = array<i32>} : memref<2x80x96xf32, #tpu.memory_space<vmem>>, vector<1x1x16xf32>,
          %swap3A_342 = vector.shape_cast %swap3A_341 : vector<1x1x16xf32> to vector<16xf32>
          %swap3A_343 = vector.shape_cast %mul3A_336 : vector<16xf32> to vector<1x1x16xf32>
          tpu.vector_store %arg16[%swap3A_338, %swap3A_339, %swap3A_340], %swap3A_343 {strides = array<i32>} : memref<2x80x96xf32, #tpu.memory_space<vmem>>, vector<1x1x16xf32>,
          %get3A_344 = arith.constant 1 : i32
          %get3A_345 = arith.index_cast %get3A_344 : i32 to index
          %get3A_346 = arith.index_cast %scan3A_277 : i32 to index
          %get3A_347 = arith.constant 64 : index
          %get3A_348 = tpu.vector_load %arg16[%get3A_345, %get3A_346, %get3A_347] {strides = array<i32>} : memref<2x80x96xf32, #tpu.memory_space<vmem>>, vector<1x1x16xf32>,
          %get3A_349 = vector.shape_cast %get3A_348 : vector<1x1x16xf32> to vector<16xf32>
          %mul3A_350 = arith.mulf %get3A_349, %get3A_282 : vector<16xf32>
          %swap3A_351 = arith.constant 1 : i32
          %swap3A_352 = arith.index_cast %swap3A_351 : i32 to index
          %swap3A_353 = arith.index_cast %scan3A_277 : i32 to index
          %swap3A_354 = arith.constant 64 : index
          %swap3A_355 = tpu.vector_load %arg16[%swap3A_352, %swap3A_353, %swap3A_354] {strides = array<i32>} : memref<2x80x96xf32, #tpu.memory_space<vmem>>, vector<1x1x16xf32>,
          %swap3A_356 = vector.shape_cast %swap3A_355 : vector<1x1x16xf32> to vector<16xf32>
          %swap3A_357 = vector.shape_cast %mul3A_350 : vector<16xf32> to vector<1x1x16xf32>
          tpu.vector_store %arg16[%swap3A_352, %swap3A_353, %swap3A_354], %swap3A_357 {strides = array<i32>} : memref<2x80x96xf32, #tpu.memory_space<vmem>>, vector<1x1x16xf32>,
          %get3A_358 = arith.constant 1 : i32
          %get3A_359 = arith.index_cast %get3A_358 : i32 to index
          %get3A_360 = arith.index_cast %scan3A_277 : i32 to index
          %get3A_361 = arith.constant 80 : index
          %get3A_362 = tpu.vector_load %arg16[%get3A_359, %get3A_360, %get3A_361] {strides = array<i32>} : memref<2x80x96xf32, #tpu.memory_space<vmem>>, vector<1x1x16xf32>,
          %get3A_363 = vector.shape_cast %get3A_362 : vector<1x1x16xf32> to vector<16xf32>
          %mul3A_364 = arith.mulf %get3A_363, %get3A_288 : vector<16xf32>
          %swap3A_365 = arith.constant 1 : i32
          %swap3A_366 = arith.index_cast %swap3A_365 : i32 to index
          %swap3A_367 = arith.index_cast %scan3A_277 : i32 to index
          %swap3A_368 = arith.constant 80 : index
          %swap3A_369 = tpu.vector_load %arg16[%swap3A_366, %swap3A_367, %swap3A_368] {strides = array<i32>} : memref<2x80x96xf32, #tpu.memory_space<vmem>>, vector<1x1x16xf32>,
          %swap3A_370 = vector.shape_cast %swap3A_369 : vector<1x1x16xf32> to vector<16xf32>
          %swap3A_371 = vector.shape_cast %mul3A_364 : vector<16xf32> to vector<1x1x16xf32>
          tpu.vector_store %arg16[%swap3A_366, %swap3A_367, %swap3A_368], %swap3A_371 {strides = array<i32>} : memref<2x80x96xf32, #tpu.memory_space<vmem>>, vector<1x1x16xf32>,
        }
        %scan3A_267 = arith.constant 80 : i32
        %run_scoped3A_268 = arith.constant 1 : i32
        %run_scoped3A_269 = arith.constant 1 : i32
        "tpu.region"() ({
          %run_scoped3A_277 = tpu.sem_alloc : memref<!tpu.dma_semaphore, #tpu.memory_space<semaphore_mem>>
          %dma_start3A_278 = arith.constant 0 : i32
          %dma_start3A_279 = arith.constant 0 : i32
          %dma_start3A_280 = tpu.memref_slice %arg16[%run_scoped3A_268, %dma_start3A_278, %dma_start3A_279] : memref<2x80x96xf32, #tpu.memory_space<vmem>> -> memref<1x80x96xf32, #tpu.memory_space<vmem>>
          %dma_start3A_281 = tpu.memref_squeeze %dma_start3A_280 : memref<1x80x96xf32, #tpu.memory_space<vmem>> -> memref<80x96xf32, #tpu.memory_space<vmem>>
          %dma_start3A_282 = arith.constant 0 : i32
          %dma_start3A_283 = tpu.memref_slice %arg13[%run_scoped3A_269, %dma_start3A_282] : memref<2x80xi32, #tpu.memory_space<vmem>> -> memref<1x80xi32, #tpu.memory_space<vmem>>
          %dma_start3A_284 = tpu.memref_squeeze %dma_start3A_283 : memref<1x80xi32, #tpu.memory_space<vmem>> -> memref<80xi32, #tpu.memory_space<vmem>>
          %dma_start3A_285 = arith.constant 0 : i32
          %dma_start3A_286 = arith.constant 0 : i32
          %dma_start3A_287 = tpu.memref_slice %arg18[%dma_start3A_285, %dma_start3A_286] : memref<10240x96xf32, #tpu.memory_space<vmem_shared>> -> memref<10240x96xf32, #tpu.memory_space<vmem_shared>>
          tpu.enqueue_indirect_dma source(%dma_start3A_281 : memref<80x96xf32, #tpu.memory_space<vmem>>) target(%dma_start3A_287 : memref<10240x96xf32, #tpu.memory_space<vmem_shared>>) offsets(%dma_start3A_284 : memref<80xi32, #tpu.memory_space<vmem>>) semaphore(%run_scoped3A_277 : memref<!tpu.dma_semaphore, #tpu.memory_space<semaphore_mem>>) {add = true}
          %dma_wait3A_288 = arith.constant 0 : i32
          %dma_wait3A_289 = arith.constant 0 : i32
          %dma_wait3A_290 = tpu.memref_slice %arg16[%run_scoped3A_268, %dma_wait3A_288, %dma_wait3A_289] : memref<2x80x96xf32, #tpu.memory_space<vmem>> -> memref<1x80x96xf32, #tpu.memory_space<vmem>>
          %dma_wait3A_291 = tpu.memref_squeeze %dma_wait3A_290 : memref<1x80x96xf32, #tpu.memory_space<vmem>> -> memref<80x96xf32, #tpu.memory_space<vmem>>
          %dma_wait3A_292 = arith.constant 0 : i32
          %dma_wait3A_293 = tpu.memref_slice %arg13[%run_scoped3A_269, %dma_wait3A_292] : memref<2x80xi32, #tpu.memory_space<vmem>> -> memref<1x80xi32, #tpu.memory_space<vmem>>
          %dma_wait3A_294 = tpu.memref_squeeze %dma_wait3A_293 : memref<1x80xi32, #tpu.memory_space<vmem>> -> memref<80xi32, #tpu.memory_space<vmem>>
          %dma_wait3A_295 = arith.constant 0 : i32
          %dma_wait3A_296 = arith.constant 0 : i32
          %dma_wait3A_297 = tpu.memref_slice %arg18[%dma_wait3A_295, %dma_wait3A_296] : memref<10240x96xf32, #tpu.memory_space<vmem_shared>> -> memref<10240x96xf32, #tpu.memory_space<vmem_shared>>
          tpu.wait_indirect_dma semaphore(%run_scoped3A_277 : memref<!tpu.dma_semaphore, #tpu.memory_space<semaphore_mem>>) src(%dma_wait3A_291 : memref<80x96xf32, #tpu.memory_space<vmem>>) dst(%dma_wait3A_297 : memref<10240x96xf32, #tpu.memory_space<vmem_shared>>)
          tpu.yield
        }) : () -> ()
        %add3A_270 = arith.constant 2 : i32
        %add3A_271 = arith.addi %add3A_222, %add3A_270 : i32
        %lt3A_272 = arith.constant 62 : i32
        %lt3A_273 = arith.cmpi slt, %add3A_271, %lt3A_272 : i32
        %convert_element_type3A_274 = arith.extui %lt3A_273 : i1 to i32
        %cond3A_275 = arith.constant 0 : i32
        %cond3A_276 = arith.cmpi ne, %convert_element_type3A_274, %cond3A_275 : i32
        scf.if %cond3A_276 {
          %add3A_277 = arith.constant 2 : i32
          %add3A_278 = arith.addi %add3A_222, %add3A_277 : i32
          %mul3A_279 = arith.constant 80 : i32
          %mul3A_280 = arith.muli %add3A_278, %mul3A_279 : i32
          %dma_start3A_281 = arith.constant 1 : i32
          %dma_start3A_282 = arith.constant 0 : i32
          %dma_start3A_283 = arith.constant 0 : i32
          %dma_start3A_284 = tpu.memref_slice %arg16[%dma_start3A_281, %dma_start3A_282, %dma_start3A_283] : memref<2x80x96xf32, #tpu.memory_space<vmem>> -> memref<1x80x96xf32, #tpu.memory_space<vmem>>
          %dma_start3A_285 = tpu.memref_squeeze %dma_start3A_284 : memref<1x80x96xf32, #tpu.memory_space<vmem>> -> memref<80x96xf32, #tpu.memory_space<vmem>>
          %dma_start3A_286 = tpu.memref_slice %arg12[%mul3A_280] : memref<10000xi32, #tpu.memory_space<vmem>> -> memref<80xi32, #tpu.memory_space<vmem>>
          %dma_start3A_287 = arith.constant 0 : i32
          %dma_start3A_288 = arith.constant 0 : i32
          %dma_start3A_289 = tpu.memref_slice %arg4[%dma_start3A_287, %dma_start3A_288] : memref<10000x96xf32, #tpu.memory_space<hbm>> -> memref<10000x96xf32, #tpu.memory_space<hbm>>
          tpu.enqueue_indirect_dma source(%dma_start3A_289 : memref<10000x96xf32, #tpu.memory_space<hbm>>) target(%dma_start3A_285 : memref<80x96xf32, #tpu.memory_space<vmem>>) offsets(%dma_start3A_286 : memref<80xi32, #tpu.memory_space<vmem>>) semaphore(%arg20 : memref<!tpu.dma_semaphore, #tpu.memory_space<semaphore_mem>>)
          %mul3A_290 = arith.constant 80 : i32
          %mul3A_291 = arith.muli %add3A_278, %mul3A_290 : i32
          %add3A_292 = arith.addi %mul3A_0, %mul3A_291 : i32
          %dma_start3A_293 = arith.constant 1 : i32
          %dma_start3A_294 = arith.constant 0 : i32
          %dma_start3A_295 = arith.constant 0 : i32
          %dma_start3A_296 = tpu.memref_slice %arg15[%dma_start3A_293, %dma_start3A_294, %dma_start3A_295] : memref<2x80x32xf32, #tpu.memory_space<vmem>> -> memref<1x80x32xf32, #tpu.memory_space<vmem>>
          %dma_start3A_297 = tpu.memref_squeeze %dma_start3A_296 : memref<1x80x32xf32, #tpu.memory_space<vmem>> -> memref<80x32xf32, #tpu.memory_space<vmem>>
          %dma_start3A_298 = arith.constant 64 : i32
          %dma_start3A_299 = tpu.memref_slice %arg5[%add3A_292, %dma_start3A_298] : memref<160000x128xf32, #tpu.memory_space<hbm>> -> memref<80x32xf32, #tpu.memory_space<hbm>>
          %dma_start3A_300 = arith.constant 0 : i32
          %dma_start3A_301 = arith.constant 0 : i32
          %dma_start3A_302 = tpu.memref_slice %arg15[%dma_start3A_293, %dma_start3A_300, %dma_start3A_301] : memref<2x80x32xf32, #tpu.memory_space<vmem>> -> memref<1x80x32xf32, #tpu.memory_space<vmem>>
          %dma_start3A_303 = tpu.memref_squeeze %dma_start3A_302 : memref<1x80x32xf32, #tpu.memory_space<vmem>> -> memref<80x32xf32, #tpu.memory_space<vmem>>
          %dma_start3A_304 = arith.constant 64 : i32
          %dma_start3A_305 = tpu.memref_slice %arg5[%add3A_292, %dma_start3A_304] : memref<160000x128xf32, #tpu.memory_space<hbm>> -> memref<80x32xf32, #tpu.memory_space<hbm>>
          tpu.enqueue_dma source(%dma_start3A_305 : memref<80x32xf32, #tpu.memory_space<hbm>>) target(%dma_start3A_303 : memref<80x32xf32, #tpu.memory_space<vmem>>) target_semaphore(%arg22 : memref<!tpu.dma_semaphore, #tpu.memory_space<semaphore_mem>>)
          %mul3A_306 = arith.constant 80 : i32
          %mul3A_307 = arith.muli %add3A_278, %mul3A_306 : i32
          %add3A_308 = arith.addi %mul3A_0, %mul3A_307 : i32
          %dma_start3A_309 = arith.constant 1 : i32
          %dma_start3A_310 = arith.constant 0 : i32
          %dma_start3A_311 = tpu.memref_slice %arg13[%dma_start3A_309, %dma_start3A_310] : memref<2x80xi32, #tpu.memory_space<vmem>> -> memref<1x80xi32, #tpu.memory_space<vmem>>
          %dma_start3A_312 = tpu.memref_squeeze %dma_start3A_311 : memref<1x80xi32, #tpu.memory_space<vmem>> -> memref<80xi32, #tpu.memory_space<vmem>>
          %dma_start3A_313 = tpu.memref_slice %arg6[%add3A_308] : memref<160000xi32, #tpu.memory_space<hbm>> -> memref<80xi32, #tpu.memory_space<hbm>>
          %dma_start3A_314 = arith.constant 0 : i32
          %dma_start3A_315 = tpu.memref_slice %arg13[%dma_start3A_309, %dma_start3A_314] : memref<2x80xi32, #tpu.memory_space<vmem>> -> memref<1x80xi32, #tpu.memory_space<vmem>>
          %dma_start3A_316 = tpu.memref_squeeze %dma_start3A_315 : memref<1x80xi32, #tpu.memory_space<vmem>> -> memref<80xi32, #tpu.memory_space<vmem>>
          %dma_start3A_317 = tpu.memref_slice %arg6[%add3A_308] : memref<160000xi32, #tpu.memory_space<hbm>> -> memref<80xi32, #tpu.memory_space<hbm>>
          tpu.enqueue_dma source(%dma_start3A_317 : memref<80xi32, #tpu.memory_space<hbm>>) target(%dma_start3A_316 : memref<80xi32, #tpu.memory_space<vmem>>) target_semaphore(%arg24 : memref<!tpu.dma_semaphore, #tpu.memory_space<semaphore_mem>>)
        } else {
        }
      }
      %scan3A_139 = arith.constant 31 : i32
      %barrier3A_140 = arith.constant 0 : index
      tpu.barrier barrier_id(%barrier3A_140)
      %mul3A_141 = arith.constant 640 : i32
      %mul3A_142 = arith.muli %arg1, %mul3A_141 : i32
      %add3A_143 = arith.constant 0 : i32
      %add3A_144 = arith.addi %mul3A_142, %add3A_143 : i32
      "tpu.region"() ({
        %run_scoped3A = tpu.sem_alloc : memref<!tpu.dma_semaphore, #tpu.memory_space<semaphore_mem>>
        %dma_start3A_161 = arith.constant 0 : i32
        %dma_start3A_162 = tpu.memref_slice %arg10[%add3A_144, %dma_start3A_161] : memref<10240x128xf32, #tpu.memory_space<hbm>> -> memref<128x96xf32, #tpu.memory_space<hbm>>
        %dma_start3A_163 = arith.constant 0 : i32
        %dma_start3A_164 = tpu.memref_slice %arg18[%add3A_144, %dma_start3A_163] : memref<10240x96xf32, #tpu.memory_space<vmem_shared>> -> memref<128x96xf32, #tpu.memory_space<vmem_shared>>
        tpu.enqueue_dma source(%dma_start3A_164 : memref<128x96xf32, #tpu.memory_space<vmem_shared>>) target(%dma_start3A_162 : memref<128x96xf32, #tpu.memory_space<hbm>>) target_semaphore(%run_scoped3A : memref<!tpu.dma_semaphore, #tpu.memory_space<semaphore_mem>>)
        %dma_wait3A = arith.constant 0 : i32
        %dma_wait3A_165 = tpu.memref_slice %arg10[%add3A_144, %dma_wait3A] : memref<10240x128xf32, #tpu.memory_space<hbm>> -> memref<128x96xf32, #tpu.memory_space<hbm>>
        %dma_wait3A_166 = arith.constant 0 : i32
        %dma_wait3A_167 = tpu.memref_slice %arg18[%add3A_144, %dma_wait3A_166] : memref<10240x96xf32, #tpu.memory_space<vmem_shared>> -> memref<128x96xf32, #tpu.memory_space<vmem_shared>>
        tpu.wait_dma2 semaphore(%run_scoped3A : memref<!tpu.dma_semaphore, #tpu.memory_space<semaphore_mem>>) src(%dma_wait3A_167 : memref<128x96xf32, #tpu.memory_space<vmem_shared>>) dst(%dma_wait3A_165 : memref<128x96xf32, #tpu.memory_space<hbm>>)
        tpu.yield
      }) : () -> ()
      %mul3A_145 = arith.constant 640 : i32
      %mul3A_146 = arith.muli %arg1, %mul3A_145 : i32
      %add3A_147 = arith.constant 128 : i32
      %add3A_148 = arith.addi %mul3A_146, %add3A_147 : i32
      "tpu.region"() ({
        %run_scoped3A = tpu.sem_alloc : memref<!tpu.dma_semaphore, #tpu.memory_space<semaphore_mem>>
        %dma_start3A_161 = arith.constant 0 : i32
        %dma_start3A_162 = tpu.memref_slice %arg10[%add3A_148, %dma_start3A_161] : memref<10240x128xf32, #tpu.memory_space<hbm>> -> memref<128x96xf32, #tpu.memory_space<hbm>>
        %dma_start3A_163 = arith.constant 0 : i32
        %dma_start3A_164 = tpu.memref_slice %arg18[%add3A_148, %dma_start3A_163] : memref<10240x96xf32, #tpu.memory_space<vmem_shared>> -> memref<128x96xf32, #tpu.memory_space<vmem_shared>>
        tpu.enqueue_dma source(%dma_start3A_164 : memref<128x96xf32, #tpu.memory_space<vmem_shared>>) target(%dma_start3A_162 : memref<128x96xf32, #tpu.memory_space<hbm>>) target_semaphore(%run_scoped3A : memref<!tpu.dma_semaphore, #tpu.memory_space<semaphore_mem>>)
        %dma_wait3A = arith.constant 0 : i32
        %dma_wait3A_165 = tpu.memref_slice %arg10[%add3A_148, %dma_wait3A] : memref<10240x128xf32, #tpu.memory_space<hbm>> -> memref<128x96xf32, #tpu.memory_space<hbm>>
        %dma_wait3A_166 = arith.constant 0 : i32
        %dma_wait3A_167 = tpu.memref_slice %arg18[%add3A_148, %dma_wait3A_166] : memref<10240x96xf32, #tpu.memory_space<vmem_shared>> -> memref<128x96xf32, #tpu.memory_space<vmem_shared>>
        tpu.wait_dma2 semaphore(%run_scoped3A : memref<!tpu.dma_semaphore, #tpu.memory_space<semaphore_mem>>) src(%dma_wait3A_167 : memref<128x96xf32, #tpu.memory_space<vmem_shared>>) dst(%dma_wait3A_165 : memref<128x96xf32, #tpu.memory_space<hbm>>)
        tpu.yield
      }) : () -> ()
      %mul3A_149 = arith.constant 640 : i32
      %mul3A_150 = arith.muli %arg1, %mul3A_149 : i32
      %add3A_151 = arith.constant 256 : i32
      %add3A_152 = arith.addi %mul3A_150, %add3A_151 : i32
      "tpu.region"() ({
        %run_scoped3A = tpu.sem_alloc : memref<!tpu.dma_semaphore, #tpu.memory_space<semaphore_mem>>
        %dma_start3A_161 = arith.constant 0 : i32
        %dma_start3A_162 = tpu.memref_slice %arg10[%add3A_152, %dma_start3A_161] : memref<10240x128xf32, #tpu.memory_space<hbm>> -> memref<128x96xf32, #tpu.memory_space<hbm>>
        %dma_start3A_163 = arith.constant 0 : i32
        %dma_start3A_164 = tpu.memref_slice %arg18[%add3A_152, %dma_start3A_163] : memref<10240x96xf32, #tpu.memory_space<vmem_shared>> -> memref<128x96xf32, #tpu.memory_space<vmem_shared>>
        tpu.enqueue_dma source(%dma_start3A_164 : memref<128x96xf32, #tpu.memory_space<vmem_shared>>) target(%dma_start3A_162 : memref<128x96xf32, #tpu.memory_space<hbm>>) target_semaphore(%run_scoped3A : memref<!tpu.dma_semaphore, #tpu.memory_space<semaphore_mem>>)
        %dma_wait3A = arith.constant 0 : i32
        %dma_wait3A_165 = tpu.memref_slice %arg10[%add3A_152, %dma_wait3A] : memref<10240x128xf32, #tpu.memory_space<hbm>> -> memref<128x96xf32, #tpu.memory_space<hbm>>
        %dma_wait3A_166 = arith.constant 0 : i32
        %dma_wait3A_167 = tpu.memref_slice %arg18[%add3A_152, %dma_wait3A_166] : memref<10240x96xf32, #tpu.memory_space<vmem_shared>> -> memref<128x96xf32, #tpu.memory_space<vmem_shared>>
        tpu.wait_dma2 semaphore(%run_scoped3A : memref<!tpu.dma_semaphore, #tpu.memory_space<semaphore_mem>>) src(%dma_wait3A_167 : memref<128x96xf32, #tpu.memory_space<vmem_shared>>) dst(%dma_wait3A_165 : memref<128x96xf32, #tpu.memory_space<hbm>>)
        tpu.yield
      }) : () -> ()
      %mul3A_153 = arith.constant 640 : i32
      %mul3A_154 = arith.muli %arg1, %mul3A_153 : i32
      %add3A_155 = arith.constant 384 : i32
      %add3A_156 = arith.addi %mul3A_154, %add3A_155 : i32
      "tpu.region"() ({
        %run_scoped3A = tpu.sem_alloc : memref<!tpu.dma_semaphore, #tpu.memory_space<semaphore_mem>>
        %dma_start3A_161 = arith.constant 0 : i32
        %dma_start3A_162 = tpu.memref_slice %arg10[%add3A_156, %dma_start3A_161] : memref<10240x128xf32, #tpu.memory_space<hbm>> -> memref<128x96xf32, #tpu.memory_space<hbm>>
        %dma_start3A_163 = arith.constant 0 : i32
        %dma_start3A_164 = tpu.memref_slice %arg18[%add3A_156, %dma_start3A_163] : memref<10240x96xf32, #tpu.memory_space<vmem_shared>> -> memref<128x96xf32, #tpu.memory_space<vmem_shared>>
        tpu.enqueue_dma source(%dma_start3A_164 : memref<128x96xf32, #tpu.memory_space<vmem_shared>>) target(%dma_start3A_162 : memref<128x96xf32, #tpu.memory_space<hbm>>) target_semaphore(%run_scoped3A : memref<!tpu.dma_semaphore, #tpu.memory_space<semaphore_mem>>)
        %dma_wait3A = arith.constant 0 : i32
        %dma_wait3A_165 = tpu.memref_slice %arg10[%add3A_156, %dma_wait3A] : memref<10240x128xf32, #tpu.memory_space<hbm>> -> memref<128x96xf32, #tpu.memory_space<hbm>>
        %dma_wait3A_166 = arith.constant 0 : i32
        %dma_wait3A_167 = tpu.memref_slice %arg18[%add3A_156, %dma_wait3A_166] : memref<10240x96xf32, #tpu.memory_space<vmem_shared>> -> memref<128x96xf32, #tpu.memory_space<vmem_shared>>
        tpu.wait_dma2 semaphore(%run_scoped3A : memref<!tpu.dma_semaphore, #tpu.memory_space<semaphore_mem>>) src(%dma_wait3A_167 : memref<128x96xf32, #tpu.memory_space<vmem_shared>>) dst(%dma_wait3A_165 : memref<128x96xf32, #tpu.memory_space<hbm>>)
        tpu.yield
      }) : () -> ()
      %mul3A_157 = arith.constant 640 : i32
      %mul3A_158 = arith.muli %arg1, %mul3A_157 : i32
      %add3A_159 = arith.constant 512 : i32
      %add3A_160 = arith.addi %mul3A_158, %add3A_159 : i32
      "tpu.region"() ({
        %run_scoped3A = tpu.sem_alloc : memref<!tpu.dma_semaphore, #tpu.memory_space<semaphore_mem>>
        %dma_start3A_161 = arith.constant 0 : i32
        %dma_start3A_162 = tpu.memref_slice %arg10[%add3A_160, %dma_start3A_161] : memref<10240x128xf32, #tpu.memory_space<hbm>> -> memref<128x96xf32, #tpu.memory_space<hbm>>
        %dma_start3A_163 = arith.constant 0 : i32
        %dma_start3A_164 = tpu.memref_slice %arg18[%add3A_160, %dma_start3A_163] : memref<10240x96xf32, #tpu.memory_space<vmem_shared>> -> memref<128x96xf32, #tpu.memory_space<vmem_shared>>
        tpu.enqueue_dma source(%dma_start3A_164 : memref<128x96xf32, #tpu.memory_space<vmem_shared>>) target(%dma_start3A_162 : memref<128x96xf32, #tpu.memory_space<hbm>>) target_semaphore(%run_scoped3A : memref<!tpu.dma_semaphore, #tpu.memory_space<semaphore_mem>>)
        %dma_wait3A = arith.constant 0 : i32
        %dma_wait3A_165 = tpu.memref_slice %arg10[%add3A_160, %dma_wait3A] : memref<10240x128xf32, #tpu.memory_space<hbm>> -> memref<128x96xf32, #tpu.memory_space<hbm>>
        %dma_wait3A_166 = arith.constant 0 : i32
        %dma_wait3A_167 = tpu.memref_slice %arg18[%add3A_160, %dma_wait3A_166] : memref<10240x96xf32, #tpu.memory_space<vmem_shared>> -> memref<128x96xf32, #tpu.memory_space<vmem_shared>>
        tpu.wait_dma2 semaphore(%run_scoped3A : memref<!tpu.dma_semaphore, #tpu.memory_space<semaphore_mem>>) src(%dma_wait3A_167 : memref<128x96xf32, #tpu.memory_space<vmem_shared>>) dst(%dma_wait3A_165 : memref<128x96xf32, #tpu.memory_space<hbm>>)
        tpu.yield
      }) : () -> ()
    } else {
    }
    %eq3A_58 = arith.constant 1 : i32
    %eq3A_59 = arith.cmpi eq, %arg0, %eq3A_58 : i32
    %convert_element_type3A_60 = arith.extui %eq3A_59 : i1 to i32
    %cond3A_61 = arith.constant 0 : i32
    %cond3A_62 = arith.cmpi ne, %convert_element_type3A_60, %cond3A_61 : i32
    scf.if %cond3A_62 {
      %dma_start3A = arith.constant 0 : i32
      %dma_start3A_63 = arith.constant 0 : i32
      %dma_start3A_64 = arith.constant 0 : i32
      %dma_start3A_65 = tpu.memref_slice %arg16[%dma_start3A, %dma_start3A_63, %dma_start3A_64] : memref<2x80x96xf32, #tpu.memory_space<vmem>> -> memref<1x80x96xf32, #tpu.memory_space<vmem>>
      %dma_start3A_66 = tpu.memref_squeeze %dma_start3A_65 : memref<1x80x96xf32, #tpu.memory_space<vmem>> -> memref<80x96xf32, #tpu.memory_space<vmem>>
      %dma_start3A_67 = arith.constant 4960 : i32
      %dma_start3A_68 = tpu.memref_slice %arg12[%dma_start3A_67] : memref<10000xi32, #tpu.memory_space<vmem>> -> memref<80xi32, #tpu.memory_space<vmem>>
      %dma_start3A_69 = arith.constant 0 : i32
      %dma_start3A_70 = arith.constant 0 : i32
      %dma_start3A_71 = tpu.memref_slice %arg4[%dma_start3A_69, %dma_start3A_70] : memref<10000x96xf32, #tpu.memory_space<hbm>> -> memref<10000x96xf32, #tpu.memory_space<hbm>>
      tpu.enqueue_indirect_dma source(%dma_start3A_71 : memref<10000x96xf32, #tpu.memory_space<hbm>>) target(%dma_start3A_66 : memref<80x96xf32, #tpu.memory_space<vmem>>) offsets(%dma_start3A_68 : memref<80xi32, #tpu.memory_space<vmem>>) semaphore(%arg19 : memref<!tpu.dma_semaphore, #tpu.memory_space<semaphore_mem>>)
      %add3A_72 = arith.constant 4960 : i32
      %add3A_73 = arith.addi %mul3A_0, %add3A_72 : i32
      %dma_start3A_74 = arith.constant 0 : i32
      %dma_start3A_75 = arith.constant 0 : i32
      %dma_start3A_76 = arith.constant 0 : i32
      %dma_start3A_77 = tpu.memref_slice %arg15[%dma_start3A_74, %dma_start3A_75, %dma_start3A_76] : memref<2x80x32xf32, #tpu.memory_space<vmem>> -> memref<1x80x32xf32, #tpu.memory_space<vmem>>
      %dma_start3A_78 = tpu.memref_squeeze %dma_start3A_77 : memref<1x80x32xf32, #tpu.memory_space<vmem>> -> memref<80x32xf32, #tpu.memory_space<vmem>>
      %dma_start3A_79 = arith.constant 64 : i32
      %dma_start3A_80 = tpu.memref_slice %arg5[%add3A_73, %dma_start3A_79] : memref<160000x128xf32, #tpu.memory_space<hbm>> -> memref<80x32xf32, #tpu.memory_space<hbm>>
      %dma_start3A_81 = arith.constant 0 : i32
      %dma_start3A_82 = arith.constant 0 : i32
      %dma_start3A_83 = tpu.memref_slice %arg15[%dma_start3A_74, %dma_start3A_81, %dma_start3A_82] : memref<2x80x32xf32, #tpu.memory_space<vmem>> -> memref<1x80x32xf32, #tpu.memory_space<vmem>>
      %dma_start3A_84 = tpu.memref_squeeze %dma_start3A_83 : memref<1x80x32xf32, #tpu.memory_space<vmem>> -> memref<80x32xf32, #tpu.memory_space<vmem>>
      %dma_start3A_85 = arith.constant 64 : i32
      %dma_start3A_86 = tpu.memref_slice %arg5[%add3A_73, %dma_start3A_85] : memref<160000x128xf32, #tpu.memory_space<hbm>> -> memref<80x32xf32, #tpu.memory_space<hbm>>
      tpu.enqueue_dma source(%dma_start3A_86 : memref<80x32xf32, #tpu.memory_space<hbm>>) target(%dma_start3A_84 : memref<80x32xf32, #tpu.memory_space<vmem>>) target_semaphore(%arg21 : memref<!tpu.dma_semaphore, #tpu.memory_space<semaphore_mem>>)
      %add3A_87 = arith.constant 4960 : i32
      %add3A_88 = arith.addi %mul3A_0, %add3A_87 : i32
      %dma_start3A_89 = arith.constant 0 : i32
      %dma_start3A_90 = arith.constant 0 : i32
      %dma_start3A_91 = tpu.memref_slice %arg13[%dma_start3A_89, %dma_start3A_90] : memref<2x80xi32, #tpu.memory_space<vmem>> -> memref<1x80xi32, #tpu.memory_space<vmem>>
      %dma_start3A_92 = tpu.memref_squeeze %dma_start3A_91 : memref<1x80xi32, #tpu.memory_space<vmem>> -> memref<80xi32, #tpu.memory_space<vmem>>
      %dma_start3A_93 = tpu.memref_slice %arg6[%add3A_88] : memref<160000xi32, #tpu.memory_space<hbm>> -> memref<80xi32, #tpu.memory_space<hbm>>
      %dma_start3A_94 = arith.constant 0 : i32
      %dma_start3A_95 = tpu.memref_slice %arg13[%dma_start3A_89, %dma_start3A_94] : memref<2x80xi32, #tpu.memory_space<vmem>> -> memref<1x80xi32, #tpu.memory_space<vmem>>
      %dma_start3A_96 = tpu.memref_squeeze %dma_start3A_95 : memref<1x80xi32, #tpu.memory_space<vmem>> -> memref<80xi32, #tpu.memory_space<vmem>>
      %dma_start3A_97 = tpu.memref_slice %arg6[%add3A_88] : memref<160000xi32, #tpu.memory_space<hbm>> -> memref<80xi32, #tpu.memory_space<hbm>>
      tpu.enqueue_dma source(%dma_start3A_97 : memref<80xi32, #tpu.memory_space<hbm>>) target(%dma_start3A_96 : memref<80xi32, #tpu.memory_space<vmem>>) target_semaphore(%arg23 : memref<!tpu.dma_semaphore, #tpu.memory_space<semaphore_mem>>)
      %dma_start3A_98 = arith.constant 1 : i32
      %dma_start3A_99 = arith.constant 0 : i32
      %dma_start3A_100 = arith.constant 0 : i32
      %dma_start3A_101 = tpu.memref_slice %arg16[%dma_start3A_98, %dma_start3A_99, %dma_start3A_100] : memref<2x80x96xf32, #tpu.memory_space<vmem>> -> memref<1x80x96xf32, #tpu.memory_space<vmem>>
      %dma_start3A_102 = tpu.memref_squeeze %dma_start3A_101 : memref<1x80x96xf32, #tpu.memory_space<vmem>> -> memref<80x96xf32, #tpu.memory_space<vmem>>
      %dma_start3A_103 = arith.constant 5040 : i32
      %dma_start3A_104 = tpu.memref_slice %arg12[%dma_start3A_103] : memref<10000xi32, #tpu.memory_space<vmem>> -> memref<80xi32, #tpu.memory_space<vmem>>
      %dma_start3A_105 = arith.constant 0 : i32
      %dma_start3A_106 = arith.constant 0 : i32
      %dma_start3A_107 = tpu.memref_slice %arg4[%dma_start3A_105, %dma_start3A_106] : memref<10000x96xf32, #tpu.memory_space<hbm>> -> memref<10000x96xf32, #tpu.memory_space<hbm>>
      tpu.enqueue_indirect_dma source(%dma_start3A_107 : memref<10000x96xf32, #tpu.memory_space<hbm>>) target(%dma_start3A_102 : memref<80x96xf32, #tpu.memory_space<vmem>>) offsets(%dma_start3A_104 : memref<80xi32, #tpu.memory_space<vmem>>) semaphore(%arg20 : memref<!tpu.dma_semaphore, #tpu.memory_space<semaphore_mem>>)
      %add3A_108 = arith.constant 5040 : i32
      %add3A_109 = arith.addi %mul3A_0, %add3A_108 : i32
      %dma_start3A_110 = arith.constant 1 : i32
      %dma_start3A_111 = arith.constant 0 : i32
      %dma_start3A_112 = arith.constant 0 : i32
      %dma_start3A_113 = tpu.memref_slice %arg15[%dma_start3A_110, %dma_start3A_111, %dma_start3A_112] : memref<2x80x32xf32, #tpu.memory_space<vmem>> -> memref<1x80x32xf32, #tpu.memory_space<vmem>>
      %dma_start3A_114 = tpu.memref_squeeze %dma_start3A_113 : memref<1x80x32xf32, #tpu.memory_space<vmem>> -> memref<80x32xf32, #tpu.memory_space<vmem>>
      %dma_start3A_115 = arith.constant 64 : i32
      %dma_start3A_116 = tpu.memref_slice %arg5[%add3A_109, %dma_start3A_115] : memref<160000x128xf32, #tpu.memory_space<hbm>> -> memref<80x32xf32, #tpu.memory_space<hbm>>
      %dma_start3A_117 = arith.constant 0 : i32
      %dma_start3A_118 = arith.constant 0 : i32
      %dma_start3A_119 = tpu.memref_slice %arg15[%dma_start3A_110, %dma_start3A_117, %dma_start3A_118] : memref<2x80x32xf32, #tpu.memory_space<vmem>> -> memref<1x80x32xf32, #tpu.memory_space<vmem>>
      %dma_start3A_120 = tpu.memref_squeeze %dma_start3A_119 : memref<1x80x32xf32, #tpu.memory_space<vmem>> -> memref<80x32xf32, #tpu.memory_space<vmem>>
      %dma_start3A_121 = arith.constant 64 : i32
      %dma_start3A_122 = tpu.memref_slice %arg5[%add3A_109, %dma_start3A_121] : memref<160000x128xf32, #tpu.memory_space<hbm>> -> memref<80x32xf32, #tpu.memory_space<hbm>>
      tpu.enqueue_dma source(%dma_start3A_122 : memref<80x32xf32, #tpu.memory_space<hbm>>) target(%dma_start3A_120 : memref<80x32xf32, #tpu.memory_space<vmem>>) target_semaphore(%arg22 : memref<!tpu.dma_semaphore, #tpu.memory_space<semaphore_mem>>)
      %add3A_123 = arith.constant 5040 : i32
      %add3A_124 = arith.addi %mul3A_0, %add3A_123 : i32
      %dma_start3A_125 = arith.constant 1 : i32
      %dma_start3A_126 = arith.constant 0 : i32
      %dma_start3A_127 = tpu.memref_slice %arg13[%dma_start3A_125, %dma_start3A_126] : memref<2x80xi32, #tpu.memory_space<vmem>> -> memref<1x80xi32, #tpu.memory_space<vmem>>
      %dma_start3A_128 = tpu.memref_squeeze %dma_start3A_127 : memref<1x80xi32, #tpu.memory_space<vmem>> -> memref<80xi32, #tpu.memory_space<vmem>>
      %dma_start3A_129 = tpu.memref_slice %arg6[%add3A_124] : memref<160000xi32, #tpu.memory_space<hbm>> -> memref<80xi32, #tpu.memory_space<hbm>>
      %dma_start3A_130 = arith.constant 0 : i32
      %dma_start3A_131 = tpu.memref_slice %arg13[%dma_start3A_125, %dma_start3A_130] : memref<2x80xi32, #tpu.memory_space<vmem>> -> memref<1x80xi32, #tpu.memory_space<vmem>>
      %dma_start3A_132 = tpu.memref_squeeze %dma_start3A_131 : memref<1x80xi32, #tpu.memory_space<vmem>> -> memref<80xi32, #tpu.memory_space<vmem>>
      %dma_start3A_133 = tpu.memref_slice %arg6[%add3A_124] : memref<160000xi32, #tpu.memory_space<hbm>> -> memref<80xi32, #tpu.memory_space<hbm>>
      tpu.enqueue_dma source(%dma_start3A_133 : memref<80xi32, #tpu.memory_space<hbm>>) target(%dma_start3A_132 : memref<80xi32, #tpu.memory_space<vmem>>) target_semaphore(%arg24 : memref<!tpu.dma_semaphore, #tpu.memory_space<semaphore_mem>>)
      %scan3A_134 = arith.constant 0 : i32
      %scan3A_135 = arith.constant 0 : i32
      %scan3A_136 = arith.constant 31 : i32
      %scan3A_137 = arith.addi %scan3A_135, %scan3A_136 : i32
      %scan3A_138 = arith.constant 1 : i32
      scf.for %scan3A_203 = %scan3A_135 to %scan3A_137 step %scan3A_138  : i32 {
        %mul3A_204 = arith.constant 2 : i32
        %mul3A_205 = arith.muli %mul3A_204, %scan3A_203 : i32
        %add3A_206 = arith.constant 62 : i32
        %add3A_207 = arith.addi %add3A_206, %mul3A_205 : i32
        %mul3A_208 = arith.constant 80 : i32
        %mul3A_209 = arith.muli %add3A_207, %mul3A_208 : i32
        %dma_wait3A_210 = arith.constant 0 : i32
        %dma_wait3A_211 = arith.constant 0 : i32
        %dma_wait3A_212 = arith.constant 0 : i32
        %dma_wait3A_213 = tpu.memref_slice %arg16[%dma_wait3A_210, %dma_wait3A_211, %dma_wait3A_212] : memref<2x80x96xf32, #tpu.memory_space<vmem>> -> memref<1x80x96xf32, #tpu.memory_space<vmem>>
        %dma_wait3A_214 = tpu.memref_squeeze %dma_wait3A_213 : memref<1x80x96xf32, #tpu.memory_space<vmem>> -> memref<80x96xf32, #tpu.memory_space<vmem>>
        %dma_wait3A_215 = tpu.memref_slice %arg12[%mul3A_209] : memref<10000xi32, #tpu.memory_space<vmem>> -> memref<80xi32, #tpu.memory_space<vmem>>
        %dma_wait3A_216 = arith.constant 0 : i32
        %dma_wait3A_217 = arith.constant 0 : i32
        %dma_wait3A_218 = tpu.memref_slice %arg4[%dma_wait3A_216, %dma_wait3A_217] : memref<10000x96xf32, #tpu.memory_space<hbm>> -> memref<10000x96xf32, #tpu.memory_space<hbm>>
        tpu.wait_indirect_dma semaphore(%arg19 : memref<!tpu.dma_semaphore, #tpu.memory_space<semaphore_mem>>) src(%dma_wait3A_218 : memref<10000x96xf32, #tpu.memory_space<hbm>>) dst(%dma_wait3A_214 : memref<80x96xf32, #tpu.memory_space<vmem>>)
        %mul3A_219 = arith.constant 80 : i32
        %mul3A_220 = arith.muli %add3A_207, %mul3A_219 : i32
        %add3A_221 = arith.addi %mul3A_0, %mul3A_220 : i32
        %dma_wait3A_222 = arith.constant 0 : i32
        %dma_wait3A_223 = arith.constant 0 : i32
        %dma_wait3A_224 = arith.constant 0 : i32
        %dma_wait3A_225 = tpu.memref_slice %arg15[%dma_wait3A_222, %dma_wait3A_223, %dma_wait3A_224] : memref<2x80x32xf32, #tpu.memory_space<vmem>> -> memref<1x80x32xf32, #tpu.memory_space<vmem>>
        %dma_wait3A_226 = tpu.memref_squeeze %dma_wait3A_225 : memref<1x80x32xf32, #tpu.memory_space<vmem>> -> memref<80x32xf32, #tpu.memory_space<vmem>>
        %dma_wait3A_227 = arith.constant 64 : i32
        %dma_wait3A_228 = tpu.memref_slice %arg5[%add3A_221, %dma_wait3A_227] : memref<160000x128xf32, #tpu.memory_space<hbm>> -> memref<80x32xf32, #tpu.memory_space<hbm>>
        %dma_wait3A_229 = arith.constant 0 : i32
        %dma_wait3A_230 = arith.constant 0 : i32
        %dma_wait3A_231 = tpu.memref_slice %arg15[%dma_wait3A_222, %dma_wait3A_229, %dma_wait3A_230] : memref<2x80x32xf32, #tpu.memory_space<vmem>> -> memref<1x80x32xf32, #tpu.memory_space<vmem>>
        %dma_wait3A_232 = tpu.memref_squeeze %dma_wait3A_231 : memref<1x80x32xf32, #tpu.memory_space<vmem>> -> memref<80x32xf32, #tpu.memory_space<vmem>>
        %dma_wait3A_233 = arith.constant 64 : i32
        %dma_wait3A_234 = tpu.memref_slice %arg5[%add3A_221, %dma_wait3A_233] : memref<160000x128xf32, #tpu.memory_space<hbm>> -> memref<80x32xf32, #tpu.memory_space<hbm>>
        tpu.wait_dma2 semaphore(%arg21 : memref<!tpu.dma_semaphore, #tpu.memory_space<semaphore_mem>>) src(%dma_wait3A_234 : memref<80x32xf32, #tpu.memory_space<hbm>>) dst(%dma_wait3A_232 : memref<80x32xf32, #tpu.memory_space<vmem>>)
        %mul3A_235 = arith.constant 80 : i32
        %mul3A_236 = arith.muli %add3A_207, %mul3A_235 : i32
        %add3A_237 = arith.addi %mul3A_0, %mul3A_236 : i32
        %dma_wait3A_238 = arith.constant 0 : i32
        %dma_wait3A_239 = arith.constant 0 : i32
        %dma_wait3A_240 = tpu.memref_slice %arg13[%dma_wait3A_238, %dma_wait3A_239] : memref<2x80xi32, #tpu.memory_space<vmem>> -> memref<1x80xi32, #tpu.memory_space<vmem>>
        %dma_wait3A_241 = tpu.memref_squeeze %dma_wait3A_240 : memref<1x80xi32, #tpu.memory_space<vmem>> -> memref<80xi32, #tpu.memory_space<vmem>>
        %dma_wait3A_242 = tpu.memref_slice %arg6[%add3A_237] : memref<160000xi32, #tpu.memory_space<hbm>> -> memref<80xi32, #tpu.memory_space<hbm>>
        %dma_wait3A_243 = arith.constant 0 : i32
        %dma_wait3A_244 = tpu.memref_slice %arg13[%dma_wait3A_238, %dma_wait3A_243] : memref<2x80xi32, #tpu.memory_space<vmem>> -> memref<1x80xi32, #tpu.memory_space<vmem>>
        %dma_wait3A_245 = tpu.memref_squeeze %dma_wait3A_244 : memref<1x80xi32, #tpu.memory_space<vmem>> -> memref<80xi32, #tpu.memory_space<vmem>>
        %dma_wait3A_246 = tpu.memref_slice %arg6[%add3A_237] : memref<160000xi32, #tpu.memory_space<hbm>> -> memref<80xi32, #tpu.memory_space<hbm>>
        tpu.wait_dma2 semaphore(%arg23 : memref<!tpu.dma_semaphore, #tpu.memory_space<semaphore_mem>>) src(%dma_wait3A_246 : memref<80xi32, #tpu.memory_space<hbm>>) dst(%dma_wait3A_245 : memref<80xi32, #tpu.memory_space<vmem>>)
        %scan3A_247 = arith.constant 0 : i32
        %scan3A_248 = arith.constant 0 : i32
        %scan3A_249 = arith.constant 80 : i32
        %scan3A_250 = arith.addi %scan3A_248, %scan3A_249 : i32
        %scan3A_251 = arith.constant 1 : i32
        scf.for %scan3A_321 = %scan3A_248 to %scan3A_250 step %scan3A_251  : i32 {
          %get3A = arith.constant 0 : i32
          %get3A_322 = arith.index_cast %get3A : i32 to index
          %get3A_323 = arith.index_cast %scan3A_321 : i32 to index
          %get3A_324 = arith.constant 0 : index
          %get3A_325 = tpu.vector_load %arg15[%get3A_322, %get3A_323, %get3A_324] {strides = array<i32>} : memref<2x80x32xf32, #tpu.memory_space<vmem>>, vector<1x1x16xf32>,
          %get3A_326 = vector.shape_cast %get3A_325 : vector<1x1x16xf32> to vector<16xf32>
          %get3A_327 = arith.constant 0 : i32
          %get3A_328 = arith.index_cast %get3A_327 : i32 to index
          %get3A_329 = arith.index_cast %scan3A_321 : i32 to index
          %get3A_330 = arith.constant 16 : index
          %get3A_331 = tpu.vector_load %arg15[%get3A_328, %get3A_329, %get3A_330] {strides = array<i32>} : memref<2x80x32xf32, #tpu.memory_space<vmem>>, vector<1x1x16xf32>,
          %get3A_332 = vector.shape_cast %get3A_331 : vector<1x1x16xf32> to vector<16xf32>
          %get3A_333 = arith.constant 0 : i32
          %get3A_334 = arith.index_cast %get3A_333 : i32 to index
          %get3A_335 = arith.index_cast %scan3A_321 : i32 to index
          %get3A_336 = arith.constant 0 : index
          %get3A_337 = tpu.vector_load %arg16[%get3A_334, %get3A_335, %get3A_336] {strides = array<i32>} : memref<2x80x96xf32, #tpu.memory_space<vmem>>, vector<1x1x16xf32>,
          %get3A_338 = vector.shape_cast %get3A_337 : vector<1x1x16xf32> to vector<16xf32>
          %mul3A_339 = arith.mulf %get3A_338, %get3A_326 : vector<16xf32>
          %swap3A = arith.constant 0 : i32
          %swap3A_340 = arith.index_cast %swap3A : i32 to index
          %swap3A_341 = arith.index_cast %scan3A_321 : i32 to index
          %swap3A_342 = arith.constant 0 : index
          %swap3A_343 = tpu.vector_load %arg16[%swap3A_340, %swap3A_341, %swap3A_342] {strides = array<i32>} : memref<2x80x96xf32, #tpu.memory_space<vmem>>, vector<1x1x16xf32>,
          %swap3A_344 = vector.shape_cast %swap3A_343 : vector<1x1x16xf32> to vector<16xf32>
          %swap3A_345 = vector.shape_cast %mul3A_339 : vector<16xf32> to vector<1x1x16xf32>
          tpu.vector_store %arg16[%swap3A_340, %swap3A_341, %swap3A_342], %swap3A_345 {strides = array<i32>} : memref<2x80x96xf32, #tpu.memory_space<vmem>>, vector<1x1x16xf32>,
          %get3A_346 = arith.constant 0 : i32
          %get3A_347 = arith.index_cast %get3A_346 : i32 to index
          %get3A_348 = arith.index_cast %scan3A_321 : i32 to index
          %get3A_349 = arith.constant 16 : index
          %get3A_350 = tpu.vector_load %arg16[%get3A_347, %get3A_348, %get3A_349] {strides = array<i32>} : memref<2x80x96xf32, #tpu.memory_space<vmem>>, vector<1x1x16xf32>,
          %get3A_351 = vector.shape_cast %get3A_350 : vector<1x1x16xf32> to vector<16xf32>
          %mul3A_352 = arith.mulf %get3A_351, %get3A_332 : vector<16xf32>
          %swap3A_353 = arith.constant 0 : i32
          %swap3A_354 = arith.index_cast %swap3A_353 : i32 to index
          %swap3A_355 = arith.index_cast %scan3A_321 : i32 to index
          %swap3A_356 = arith.constant 16 : index
          %swap3A_357 = tpu.vector_load %arg16[%swap3A_354, %swap3A_355, %swap3A_356] {strides = array<i32>} : memref<2x80x96xf32, #tpu.memory_space<vmem>>, vector<1x1x16xf32>,
          %swap3A_358 = vector.shape_cast %swap3A_357 : vector<1x1x16xf32> to vector<16xf32>
          %swap3A_359 = vector.shape_cast %mul3A_352 : vector<16xf32> to vector<1x1x16xf32>
          tpu.vector_store %arg16[%swap3A_354, %swap3A_355, %swap3A_356], %swap3A_359 {strides = array<i32>} : memref<2x80x96xf32, #tpu.memory_space<vmem>>, vector<1x1x16xf32>,
          %get3A_360 = arith.constant 0 : i32
          %get3A_361 = arith.index_cast %get3A_360 : i32 to index
          %get3A_362 = arith.index_cast %scan3A_321 : i32 to index
          %get3A_363 = arith.constant 32 : index
          %get3A_364 = tpu.vector_load %arg16[%get3A_361, %get3A_362, %get3A_363] {strides = array<i32>} : memref<2x80x96xf32, #tpu.memory_space<vmem>>, vector<1x1x16xf32>,
          %get3A_365 = vector.shape_cast %get3A_364 : vector<1x1x16xf32> to vector<16xf32>
          %mul3A_366 = arith.mulf %get3A_365, %get3A_326 : vector<16xf32>
          %swap3A_367 = arith.constant 0 : i32
          %swap3A_368 = arith.index_cast %swap3A_367 : i32 to index
          %swap3A_369 = arith.index_cast %scan3A_321 : i32 to index
          %swap3A_370 = arith.constant 32 : index
          %swap3A_371 = tpu.vector_load %arg16[%swap3A_368, %swap3A_369, %swap3A_370] {strides = array<i32>} : memref<2x80x96xf32, #tpu.memory_space<vmem>>, vector<1x1x16xf32>,
          %swap3A_372 = vector.shape_cast %swap3A_371 : vector<1x1x16xf32> to vector<16xf32>
          %swap3A_373 = vector.shape_cast %mul3A_366 : vector<16xf32> to vector<1x1x16xf32>
          tpu.vector_store %arg16[%swap3A_368, %swap3A_369, %swap3A_370], %swap3A_373 {strides = array<i32>} : memref<2x80x96xf32, #tpu.memory_space<vmem>>, vector<1x1x16xf32>,
          %get3A_374 = arith.constant 0 : i32
          %get3A_375 = arith.index_cast %get3A_374 : i32 to index
          %get3A_376 = arith.index_cast %scan3A_321 : i32 to index
          %get3A_377 = arith.constant 48 : index
          %get3A_378 = tpu.vector_load %arg16[%get3A_375, %get3A_376, %get3A_377] {strides = array<i32>} : memref<2x80x96xf32, #tpu.memory_space<vmem>>, vector<1x1x16xf32>,
          %get3A_379 = vector.shape_cast %get3A_378 : vector<1x1x16xf32> to vector<16xf32>
          %mul3A_380 = arith.mulf %get3A_379, %get3A_332 : vector<16xf32>
          %swap3A_381 = arith.constant 0 : i32
          %swap3A_382 = arith.index_cast %swap3A_381 : i32 to index
          %swap3A_383 = arith.index_cast %scan3A_321 : i32 to index
          %swap3A_384 = arith.constant 48 : index
          %swap3A_385 = tpu.vector_load %arg16[%swap3A_382, %swap3A_383, %swap3A_384] {strides = array<i32>} : memref<2x80x96xf32, #tpu.memory_space<vmem>>, vector<1x1x16xf32>,
          %swap3A_386 = vector.shape_cast %swap3A_385 : vector<1x1x16xf32> to vector<16xf32>
          %swap3A_387 = vector.shape_cast %mul3A_380 : vector<16xf32> to vector<1x1x16xf32>
          tpu.vector_store %arg16[%swap3A_382, %swap3A_383, %swap3A_384], %swap3A_387 {strides = array<i32>} : memref<2x80x96xf32, #tpu.memory_space<vmem>>, vector<1x1x16xf32>,
          %get3A_388 = arith.constant 0 : i32
          %get3A_389 = arith.index_cast %get3A_388 : i32 to index
          %get3A_390 = arith.index_cast %scan3A_321 : i32 to index
          %get3A_391 = arith.constant 64 : index
          %get3A_392 = tpu.vector_load %arg16[%get3A_389, %get3A_390, %get3A_391] {strides = array<i32>} : memref<2x80x96xf32, #tpu.memory_space<vmem>>, vector<1x1x16xf32>,
          %get3A_393 = vector.shape_cast %get3A_392 : vector<1x1x16xf32> to vector<16xf32>
          %mul3A_394 = arith.mulf %get3A_393, %get3A_326 : vector<16xf32>
          %swap3A_395 = arith.constant 0 : i32
          %swap3A_396 = arith.index_cast %swap3A_395 : i32 to index
          %swap3A_397 = arith.index_cast %scan3A_321 : i32 to index
          %swap3A_398 = arith.constant 64 : index
          %swap3A_399 = tpu.vector_load %arg16[%swap3A_396, %swap3A_397, %swap3A_398] {strides = array<i32>} : memref<2x80x96xf32, #tpu.memory_space<vmem>>, vector<1x1x16xf32>,
          %swap3A_400 = vector.shape_cast %swap3A_399 : vector<1x1x16xf32> to vector<16xf32>
          %swap3A_401 = vector.shape_cast %mul3A_394 : vector<16xf32> to vector<1x1x16xf32>
          tpu.vector_store %arg16[%swap3A_396, %swap3A_397, %swap3A_398], %swap3A_401 {strides = array<i32>} : memref<2x80x96xf32, #tpu.memory_space<vmem>>, vector<1x1x16xf32>,
          %get3A_402 = arith.constant 0 : i32
          %get3A_403 = arith.index_cast %get3A_402 : i32 to index
          %get3A_404 = arith.index_cast %scan3A_321 : i32 to index
          %get3A_405 = arith.constant 80 : index
          %get3A_406 = tpu.vector_load %arg16[%get3A_403, %get3A_404, %get3A_405] {strides = array<i32>} : memref<2x80x96xf32, #tpu.memory_space<vmem>>, vector<1x1x16xf32>,
          %get3A_407 = vector.shape_cast %get3A_406 : vector<1x1x16xf32> to vector<16xf32>
          %mul3A_408 = arith.mulf %get3A_407, %get3A_332 : vector<16xf32>
          %swap3A_409 = arith.constant 0 : i32
          %swap3A_410 = arith.index_cast %swap3A_409 : i32 to index
          %swap3A_411 = arith.index_cast %scan3A_321 : i32 to index
          %swap3A_412 = arith.constant 80 : index
          %swap3A_413 = tpu.vector_load %arg16[%swap3A_410, %swap3A_411, %swap3A_412] {strides = array<i32>} : memref<2x80x96xf32, #tpu.memory_space<vmem>>, vector<1x1x16xf32>,
          %swap3A_414 = vector.shape_cast %swap3A_413 : vector<1x1x16xf32> to vector<16xf32>
          %swap3A_415 = vector.shape_cast %mul3A_408 : vector<16xf32> to vector<1x1x16xf32>
          tpu.vector_store %arg16[%swap3A_410, %swap3A_411, %swap3A_412], %swap3A_415 {strides = array<i32>} : memref<2x80x96xf32, #tpu.memory_space<vmem>>, vector<1x1x16xf32>,
        }
        %scan3A_252 = arith.constant 80 : i32
        %run_scoped3A_253 = arith.constant 0 : i32
        %run_scoped3A_254 = arith.constant 0 : i32
        "tpu.region"() ({
          %run_scoped3A_321 = tpu.sem_alloc : memref<!tpu.dma_semaphore, #tpu.memory_space<semaphore_mem>>
          %dma_start3A_322 = arith.constant 0 : i32
          %dma_start3A_323 = arith.constant 0 : i32
          %dma_start3A_324 = tpu.memref_slice %arg16[%run_scoped3A_253, %dma_start3A_322, %dma_start3A_323] : memref<2x80x96xf32, #tpu.memory_space<vmem>> -> memref<1x80x96xf32, #tpu.memory_space<vmem>>
          %dma_start3A_325 = tpu.memref_squeeze %dma_start3A_324 : memref<1x80x96xf32, #tpu.memory_space<vmem>> -> memref<80x96xf32, #tpu.memory_space<vmem>>
          %dma_start3A_326 = arith.constant 0 : i32
          %dma_start3A_327 = tpu.memref_slice %arg13[%run_scoped3A_254, %dma_start3A_326] : memref<2x80xi32, #tpu.memory_space<vmem>> -> memref<1x80xi32, #tpu.memory_space<vmem>>
          %dma_start3A_328 = tpu.memref_squeeze %dma_start3A_327 : memref<1x80xi32, #tpu.memory_space<vmem>> -> memref<80xi32, #tpu.memory_space<vmem>>
          %dma_start3A_329 = arith.constant 0 : i32
          %dma_start3A_330 = arith.constant 0 : i32
          %dma_start3A_331 = tpu.memref_slice %arg18[%dma_start3A_329, %dma_start3A_330] : memref<10240x96xf32, #tpu.memory_space<vmem_shared>> -> memref<10240x96xf32, #tpu.memory_space<vmem_shared>>
          tpu.enqueue_indirect_dma source(%dma_start3A_325 : memref<80x96xf32, #tpu.memory_space<vmem>>) target(%dma_start3A_331 : memref<10240x96xf32, #tpu.memory_space<vmem_shared>>) offsets(%dma_start3A_328 : memref<80xi32, #tpu.memory_space<vmem>>) semaphore(%run_scoped3A_321 : memref<!tpu.dma_semaphore, #tpu.memory_space<semaphore_mem>>) {add = true}
          %dma_wait3A_332 = arith.constant 0 : i32
          %dma_wait3A_333 = arith.constant 0 : i32
          %dma_wait3A_334 = tpu.memref_slice %arg16[%run_scoped3A_253, %dma_wait3A_332, %dma_wait3A_333] : memref<2x80x96xf32, #tpu.memory_space<vmem>> -> memref<1x80x96xf32, #tpu.memory_space<vmem>>
          %dma_wait3A_335 = tpu.memref_squeeze %dma_wait3A_334 : memref<1x80x96xf32, #tpu.memory_space<vmem>> -> memref<80x96xf32, #tpu.memory_space<vmem>>
          %dma_wait3A_336 = arith.constant 0 : i32
          %dma_wait3A_337 = tpu.memref_slice %arg13[%run_scoped3A_254, %dma_wait3A_336] : memref<2x80xi32, #tpu.memory_space<vmem>> -> memref<1x80xi32, #tpu.memory_space<vmem>>
          %dma_wait3A_338 = tpu.memref_squeeze %dma_wait3A_337 : memref<1x80xi32, #tpu.memory_space<vmem>> -> memref<80xi32, #tpu.memory_space<vmem>>
          %dma_wait3A_339 = arith.constant 0 : i32
          %dma_wait3A_340 = arith.constant 0 : i32
          %dma_wait3A_341 = tpu.memref_slice %arg18[%dma_wait3A_339, %dma_wait3A_340] : memref<10240x96xf32, #tpu.memory_space<vmem_shared>> -> memref<10240x96xf32, #tpu.memory_space<vmem_shared>>
          tpu.wait_indirect_dma semaphore(%run_scoped3A_321 : memref<!tpu.dma_semaphore, #tpu.memory_space<semaphore_mem>>) src(%dma_wait3A_335 : memref<80x96xf32, #tpu.memory_space<vmem>>) dst(%dma_wait3A_341 : memref<10240x96xf32, #tpu.memory_space<vmem_shared>>)
          tpu.yield
        }) : () -> ()
        %add3A_255 = arith.constant 2 : i32
        %add3A_256 = arith.addi %add3A_207, %add3A_255 : i32
        %lt3A = arith.constant 125 : i32
        %lt3A_257 = arith.cmpi slt, %add3A_256, %lt3A : i32
        %convert_element_type3A_258 = arith.extui %lt3A_257 : i1 to i32
        %cond3A_259 = arith.constant 0 : i32
        %cond3A_260 = arith.cmpi ne, %convert_element_type3A_258, %cond3A_259 : i32
        scf.if %cond3A_260 {
          %add3A_321 = arith.constant 2 : i32
          %add3A_322 = arith.addi %add3A_207, %add3A_321 : i32
          %mul3A_323 = arith.constant 80 : i32
          %mul3A_324 = arith.muli %add3A_322, %mul3A_323 : i32
          %dma_start3A_325 = arith.constant 0 : i32
          %dma_start3A_326 = arith.constant 0 : i32
          %dma_start3A_327 = arith.constant 0 : i32
          %dma_start3A_328 = tpu.memref_slice %arg16[%dma_start3A_325, %dma_start3A_326, %dma_start3A_327] : memref<2x80x96xf32, #tpu.memory_space<vmem>> -> memref<1x80x96xf32, #tpu.memory_space<vmem>>
          %dma_start3A_329 = tpu.memref_squeeze %dma_start3A_328 : memref<1x80x96xf32, #tpu.memory_space<vmem>> -> memref<80x96xf32, #tpu.memory_space<vmem>>
          %dma_start3A_330 = tpu.memref_slice %arg12[%mul3A_324] : memref<10000xi32, #tpu.memory_space<vmem>> -> memref<80xi32, #tpu.memory_space<vmem>>
          %dma_start3A_331 = arith.constant 0 : i32
          %dma_start3A_332 = arith.constant 0 : i32
          %dma_start3A_333 = tpu.memref_slice %arg4[%dma_start3A_331, %dma_start3A_332] : memref<10000x96xf32, #tpu.memory_space<hbm>> -> memref<10000x96xf32, #tpu.memory_space<hbm>>
          tpu.enqueue_indirect_dma source(%dma_start3A_333 : memref<10000x96xf32, #tpu.memory_space<hbm>>) target(%dma_start3A_329 : memref<80x96xf32, #tpu.memory_space<vmem>>) offsets(%dma_start3A_330 : memref<80xi32, #tpu.memory_space<vmem>>) semaphore(%arg19 : memref<!tpu.dma_semaphore, #tpu.memory_space<semaphore_mem>>)
          %mul3A_334 = arith.constant 80 : i32
          %mul3A_335 = arith.muli %add3A_322, %mul3A_334 : i32
          %add3A_336 = arith.addi %mul3A_0, %mul3A_335 : i32
          %dma_start3A_337 = arith.constant 0 : i32
          %dma_start3A_338 = arith.constant 0 : i32
          %dma_start3A_339 = arith.constant 0 : i32
          %dma_start3A_340 = tpu.memref_slice %arg15[%dma_start3A_337, %dma_start3A_338, %dma_start3A_339] : memref<2x80x32xf32, #tpu.memory_space<vmem>> -> memref<1x80x32xf32, #tpu.memory_space<vmem>>
          %dma_start3A_341 = tpu.memref_squeeze %dma_start3A_340 : memref<1x80x32xf32, #tpu.memory_space<vmem>> -> memref<80x32xf32, #tpu.memory_space<vmem>>
          %dma_start3A_342 = arith.constant 64 : i32
          %dma_start3A_343 = tpu.memref_slice %arg5[%add3A_336, %dma_start3A_342] : memref<160000x128xf32, #tpu.memory_space<hbm>> -> memref<80x32xf32, #tpu.memory_space<hbm>>
          %dma_start3A_344 = arith.constant 0 : i32
          %dma_start3A_345 = arith.constant 0 : i32
          %dma_start3A_346 = tpu.memref_slice %arg15[%dma_start3A_337, %dma_start3A_344, %dma_start3A_345] : memref<2x80x32xf32, #tpu.memory_space<vmem>> -> memref<1x80x32xf32, #tpu.memory_space<vmem>>
          %dma_start3A_347 = tpu.memref_squeeze %dma_start3A_346 : memref<1x80x32xf32, #tpu.memory_space<vmem>> -> memref<80x32xf32, #tpu.memory_space<vmem>>
          %dma_start3A_348 = arith.constant 64 : i32
          %dma_start3A_349 = tpu.memref_slice %arg5[%add3A_336, %dma_start3A_348] : memref<160000x128xf32, #tpu.memory_space<hbm>> -> memref<80x32xf32, #tpu.memory_space<hbm>>
          tpu.enqueue_dma source(%dma_start3A_349 : memref<80x32xf32, #tpu.memory_space<hbm>>) target(%dma_start3A_347 : memref<80x32xf32, #tpu.memory_space<vmem>>) target_semaphore(%arg21 : memref<!tpu.dma_semaphore, #tpu.memory_space<semaphore_mem>>)
          %mul3A_350 = arith.constant 80 : i32
          %mul3A_351 = arith.muli %add3A_322, %mul3A_350 : i32
          %add3A_352 = arith.addi %mul3A_0, %mul3A_351 : i32
          %dma_start3A_353 = arith.constant 0 : i32
          %dma_start3A_354 = arith.constant 0 : i32
          %dma_start3A_355 = tpu.memref_slice %arg13[%dma_start3A_353, %dma_start3A_354] : memref<2x80xi32, #tpu.memory_space<vmem>> -> memref<1x80xi32, #tpu.memory_space<vmem>>
          %dma_start3A_356 = tpu.memref_squeeze %dma_start3A_355 : memref<1x80xi32, #tpu.memory_space<vmem>> -> memref<80xi32, #tpu.memory_space<vmem>>
          %dma_start3A_357 = tpu.memref_slice %arg6[%add3A_352] : memref<160000xi32, #tpu.memory_space<hbm>> -> memref<80xi32, #tpu.memory_space<hbm>>
          %dma_start3A_358 = arith.constant 0 : i32
          %dma_start3A_359 = tpu.memref_slice %arg13[%dma_start3A_353, %dma_start3A_358] : memref<2x80xi32, #tpu.memory_space<vmem>> -> memref<1x80xi32, #tpu.memory_space<vmem>>
          %dma_start3A_360 = tpu.memref_squeeze %dma_start3A_359 : memref<1x80xi32, #tpu.memory_space<vmem>> -> memref<80xi32, #tpu.memory_space<vmem>>
          %dma_start3A_361 = tpu.memref_slice %arg6[%add3A_352] : memref<160000xi32, #tpu.memory_space<hbm>> -> memref<80xi32, #tpu.memory_space<hbm>>
          tpu.enqueue_dma source(%dma_start3A_361 : memref<80xi32, #tpu.memory_space<hbm>>) target(%dma_start3A_360 : memref<80xi32, #tpu.memory_space<vmem>>) target_semaphore(%arg23 : memref<!tpu.dma_semaphore, #tpu.memory_space<semaphore_mem>>)
        } else {
        }
        %mul3A_261 = arith.constant 2 : i32
        %mul3A_262 = arith.muli %mul3A_261, %scan3A_203 : i32
        %add3A_263 = arith.constant 62 : i32
        %add3A_264 = arith.addi %add3A_263, %mul3A_262 : i32
        %add3A_265 = arith.constant 1 : i32
        %add3A_266 = arith.addi %add3A_264, %add3A_265 : i32
        %mul3A_267 = arith.constant 80 : i32
        %mul3A_268 = arith.muli %add3A_266, %mul3A_267 : i32
        %dma_wait3A_269 = arith.constant 1 : i32
        %dma_wait3A_270 = arith.constant 0 : i32
        %dma_wait3A_271 = arith.constant 0 : i32
        %dma_wait3A_272 = tpu.memref_slice %arg16[%dma_wait3A_269, %dma_wait3A_270, %dma_wait3A_271] : memref<2x80x96xf32, #tpu.memory_space<vmem>> -> memref<1x80x96xf32, #tpu.memory_space<vmem>>
        %dma_wait3A_273 = tpu.memref_squeeze %dma_wait3A_272 : memref<1x80x96xf32, #tpu.memory_space<vmem>> -> memref<80x96xf32, #tpu.memory_space<vmem>>
        %dma_wait3A_274 = tpu.memref_slice %arg12[%mul3A_268] : memref<10000xi32, #tpu.memory_space<vmem>> -> memref<80xi32, #tpu.memory_space<vmem>>
        %dma_wait3A_275 = arith.constant 0 : i32
        %dma_wait3A_276 = arith.constant 0 : i32
        %dma_wait3A_277 = tpu.memref_slice %arg4[%dma_wait3A_275, %dma_wait3A_276] : memref<10000x96xf32, #tpu.memory_space<hbm>> -> memref<10000x96xf32, #tpu.memory_space<hbm>>
        tpu.wait_indirect_dma semaphore(%arg20 : memref<!tpu.dma_semaphore, #tpu.memory_space<semaphore_mem>>) src(%dma_wait3A_277 : memref<10000x96xf32, #tpu.memory_space<hbm>>) dst(%dma_wait3A_273 : memref<80x96xf32, #tpu.memory_space<vmem>>)
        %mul3A_278 = arith.constant 80 : i32
        %mul3A_279 = arith.muli %add3A_266, %mul3A_278 : i32
        %add3A_280 = arith.addi %mul3A_0, %mul3A_279 : i32
        %dma_wait3A_281 = arith.constant 1 : i32
        %dma_wait3A_282 = arith.constant 0 : i32
        %dma_wait3A_283 = arith.constant 0 : i32
        %dma_wait3A_284 = tpu.memref_slice %arg15[%dma_wait3A_281, %dma_wait3A_282, %dma_wait3A_283] : memref<2x80x32xf32, #tpu.memory_space<vmem>> -> memref<1x80x32xf32, #tpu.memory_space<vmem>>
        %dma_wait3A_285 = tpu.memref_squeeze %dma_wait3A_284 : memref<1x80x32xf32, #tpu.memory_space<vmem>> -> memref<80x32xf32, #tpu.memory_space<vmem>>
        %dma_wait3A_286 = arith.constant 64 : i32
        %dma_wait3A_287 = tpu.memref_slice %arg5[%add3A_280, %dma_wait3A_286] : memref<160000x128xf32, #tpu.memory_space<hbm>> -> memref<80x32xf32, #tpu.memory_space<hbm>>
        %dma_wait3A_288 = arith.constant 0 : i32
        %dma_wait3A_289 = arith.constant 0 : i32
        %dma_wait3A_290 = tpu.memref_slice %arg15[%dma_wait3A_281, %dma_wait3A_288, %dma_wait3A_289] : memref<2x80x32xf32, #tpu.memory_space<vmem>> -> memref<1x80x32xf32, #tpu.memory_space<vmem>>
        %dma_wait3A_291 = tpu.memref_squeeze %dma_wait3A_290 : memref<1x80x32xf32, #tpu.memory_space<vmem>> -> memref<80x32xf32, #tpu.memory_space<vmem>>
        %dma_wait3A_292 = arith.constant 64 : i32
        %dma_wait3A_293 = tpu.memref_slice %arg5[%add3A_280, %dma_wait3A_292] : memref<160000x128xf32, #tpu.memory_space<hbm>> -> memref<80x32xf32, #tpu.memory_space<hbm>>
        tpu.wait_dma2 semaphore(%arg22 : memref<!tpu.dma_semaphore, #tpu.memory_space<semaphore_mem>>) src(%dma_wait3A_293 : memref<80x32xf32, #tpu.memory_space<hbm>>) dst(%dma_wait3A_291 : memref<80x32xf32, #tpu.memory_space<vmem>>)
        %mul3A_294 = arith.constant 80 : i32
        %mul3A_295 = arith.muli %add3A_266, %mul3A_294 : i32
        %add3A_296 = arith.addi %mul3A_0, %mul3A_295 : i32
        %dma_wait3A_297 = arith.constant 1 : i32
        %dma_wait3A_298 = arith.constant 0 : i32
        %dma_wait3A_299 = tpu.memref_slice %arg13[%dma_wait3A_297, %dma_wait3A_298] : memref<2x80xi32, #tpu.memory_space<vmem>> -> memref<1x80xi32, #tpu.memory_space<vmem>>
        %dma_wait3A_300 = tpu.memref_squeeze %dma_wait3A_299 : memref<1x80xi32, #tpu.memory_space<vmem>> -> memref<80xi32, #tpu.memory_space<vmem>>
        %dma_wait3A_301 = tpu.memref_slice %arg6[%add3A_296] : memref<160000xi32, #tpu.memory_space<hbm>> -> memref<80xi32, #tpu.memory_space<hbm>>
        %dma_wait3A_302 = arith.constant 0 : i32
        %dma_wait3A_303 = tpu.memref_slice %arg13[%dma_wait3A_297, %dma_wait3A_302] : memref<2x80xi32, #tpu.memory_space<vmem>> -> memref<1x80xi32, #tpu.memory_space<vmem>>
        %dma_wait3A_304 = tpu.memref_squeeze %dma_wait3A_303 : memref<1x80xi32, #tpu.memory_space<vmem>> -> memref<80xi32, #tpu.memory_space<vmem>>
        %dma_wait3A_305 = tpu.memref_slice %arg6[%add3A_296] : memref<160000xi32, #tpu.memory_space<hbm>> -> memref<80xi32, #tpu.memory_space<hbm>>
        tpu.wait_dma2 semaphore(%arg24 : memref<!tpu.dma_semaphore, #tpu.memory_space<semaphore_mem>>) src(%dma_wait3A_305 : memref<80xi32, #tpu.memory_space<hbm>>) dst(%dma_wait3A_304 : memref<80xi32, #tpu.memory_space<vmem>>)
        %scan3A_306 = arith.constant 0 : i32
        %scan3A_307 = arith.constant 0 : i32
        %scan3A_308 = arith.constant 80 : i32
        %scan3A_309 = arith.addi %scan3A_307, %scan3A_308 : i32
        %scan3A_310 = arith.constant 1 : i32
        scf.for %scan3A_321 = %scan3A_307 to %scan3A_309 step %scan3A_310  : i32 {
          %get3A = arith.constant 1 : i32
          %get3A_322 = arith.index_cast %get3A : i32 to index
          %get3A_323 = arith.index_cast %scan3A_321 : i32 to index
          %get3A_324 = arith.constant 0 : index
          %get3A_325 = tpu.vector_load %arg15[%get3A_322, %get3A_323, %get3A_324] {strides = array<i32>} : memref<2x80x32xf32, #tpu.memory_space<vmem>>, vector<1x1x16xf32>,
          %get3A_326 = vector.shape_cast %get3A_325 : vector<1x1x16xf32> to vector<16xf32>
          %get3A_327 = arith.constant 1 : i32
          %get3A_328 = arith.index_cast %get3A_327 : i32 to index
          %get3A_329 = arith.index_cast %scan3A_321 : i32 to index
          %get3A_330 = arith.constant 16 : index
          %get3A_331 = tpu.vector_load %arg15[%get3A_328, %get3A_329, %get3A_330] {strides = array<i32>} : memref<2x80x32xf32, #tpu.memory_space<vmem>>, vector<1x1x16xf32>,
          %get3A_332 = vector.shape_cast %get3A_331 : vector<1x1x16xf32> to vector<16xf32>
          %get3A_333 = arith.constant 1 : i32
          %get3A_334 = arith.index_cast %get3A_333 : i32 to index
          %get3A_335 = arith.index_cast %scan3A_321 : i32 to index
          %get3A_336 = arith.constant 0 : index
          %get3A_337 = tpu.vector_load %arg16[%get3A_334, %get3A_335, %get3A_336] {strides = array<i32>} : memref<2x80x96xf32, #tpu.memory_space<vmem>>, vector<1x1x16xf32>,
          %get3A_338 = vector.shape_cast %get3A_337 : vector<1x1x16xf32> to vector<16xf32>
          %mul3A_339 = arith.mulf %get3A_338, %get3A_326 : vector<16xf32>
          %swap3A = arith.constant 1 : i32
          %swap3A_340 = arith.index_cast %swap3A : i32 to index
          %swap3A_341 = arith.index_cast %scan3A_321 : i32 to index
          %swap3A_342 = arith.constant 0 : index
          %swap3A_343 = tpu.vector_load %arg16[%swap3A_340, %swap3A_341, %swap3A_342] {strides = array<i32>} : memref<2x80x96xf32, #tpu.memory_space<vmem>>, vector<1x1x16xf32>,
          %swap3A_344 = vector.shape_cast %swap3A_343 : vector<1x1x16xf32> to vector<16xf32>
          %swap3A_345 = vector.shape_cast %mul3A_339 : vector<16xf32> to vector<1x1x16xf32>
          tpu.vector_store %arg16[%swap3A_340, %swap3A_341, %swap3A_342], %swap3A_345 {strides = array<i32>} : memref<2x80x96xf32, #tpu.memory_space<vmem>>, vector<1x1x16xf32>,
          %get3A_346 = arith.constant 1 : i32
          %get3A_347 = arith.index_cast %get3A_346 : i32 to index
          %get3A_348 = arith.index_cast %scan3A_321 : i32 to index
          %get3A_349 = arith.constant 16 : index
          %get3A_350 = tpu.vector_load %arg16[%get3A_347, %get3A_348, %get3A_349] {strides = array<i32>} : memref<2x80x96xf32, #tpu.memory_space<vmem>>, vector<1x1x16xf32>,
          %get3A_351 = vector.shape_cast %get3A_350 : vector<1x1x16xf32> to vector<16xf32>
          %mul3A_352 = arith.mulf %get3A_351, %get3A_332 : vector<16xf32>
          %swap3A_353 = arith.constant 1 : i32
          %swap3A_354 = arith.index_cast %swap3A_353 : i32 to index
          %swap3A_355 = arith.index_cast %scan3A_321 : i32 to index
          %swap3A_356 = arith.constant 16 : index
          %swap3A_357 = tpu.vector_load %arg16[%swap3A_354, %swap3A_355, %swap3A_356] {strides = array<i32>} : memref<2x80x96xf32, #tpu.memory_space<vmem>>, vector<1x1x16xf32>,
          %swap3A_358 = vector.shape_cast %swap3A_357 : vector<1x1x16xf32> to vector<16xf32>
          %swap3A_359 = vector.shape_cast %mul3A_352 : vector<16xf32> to vector<1x1x16xf32>
          tpu.vector_store %arg16[%swap3A_354, %swap3A_355, %swap3A_356], %swap3A_359 {strides = array<i32>} : memref<2x80x96xf32, #tpu.memory_space<vmem>>, vector<1x1x16xf32>,
          %get3A_360 = arith.constant 1 : i32
          %get3A_361 = arith.index_cast %get3A_360 : i32 to index
          %get3A_362 = arith.index_cast %scan3A_321 : i32 to index
          %get3A_363 = arith.constant 32 : index
          %get3A_364 = tpu.vector_load %arg16[%get3A_361, %get3A_362, %get3A_363] {strides = array<i32>} : memref<2x80x96xf32, #tpu.memory_space<vmem>>, vector<1x1x16xf32>,
          %get3A_365 = vector.shape_cast %get3A_364 : vector<1x1x16xf32> to vector<16xf32>
          %mul3A_366 = arith.mulf %get3A_365, %get3A_326 : vector<16xf32>
          %swap3A_367 = arith.constant 1 : i32
          %swap3A_368 = arith.index_cast %swap3A_367 : i32 to index
          %swap3A_369 = arith.index_cast %scan3A_321 : i32 to index
          %swap3A_370 = arith.constant 32 : index
          %swap3A_371 = tpu.vector_load %arg16[%swap3A_368, %swap3A_369, %swap3A_370] {strides = array<i32>} : memref<2x80x96xf32, #tpu.memory_space<vmem>>, vector<1x1x16xf32>,
          %swap3A_372 = vector.shape_cast %swap3A_371 : vector<1x1x16xf32> to vector<16xf32>
          %swap3A_373 = vector.shape_cast %mul3A_366 : vector<16xf32> to vector<1x1x16xf32>
          tpu.vector_store %arg16[%swap3A_368, %swap3A_369, %swap3A_370], %swap3A_373 {strides = array<i32>} : memref<2x80x96xf32, #tpu.memory_space<vmem>>, vector<1x1x16xf32>,
          %get3A_374 = arith.constant 1 : i32
          %get3A_375 = arith.index_cast %get3A_374 : i32 to index
          %get3A_376 = arith.index_cast %scan3A_321 : i32 to index
          %get3A_377 = arith.constant 48 : index
          %get3A_378 = tpu.vector_load %arg16[%get3A_375, %get3A_376, %get3A_377] {strides = array<i32>} : memref<2x80x96xf32, #tpu.memory_space<vmem>>, vector<1x1x16xf32>,
          %get3A_379 = vector.shape_cast %get3A_378 : vector<1x1x16xf32> to vector<16xf32>
          %mul3A_380 = arith.mulf %get3A_379, %get3A_332 : vector<16xf32>
          %swap3A_381 = arith.constant 1 : i32
          %swap3A_382 = arith.index_cast %swap3A_381 : i32 to index
          %swap3A_383 = arith.index_cast %scan3A_321 : i32 to index
          %swap3A_384 = arith.constant 48 : index
          %swap3A_385 = tpu.vector_load %arg16[%swap3A_382, %swap3A_383, %swap3A_384] {strides = array<i32>} : memref<2x80x96xf32, #tpu.memory_space<vmem>>, vector<1x1x16xf32>,
          %swap3A_386 = vector.shape_cast %swap3A_385 : vector<1x1x16xf32> to vector<16xf32>
          %swap3A_387 = vector.shape_cast %mul3A_380 : vector<16xf32> to vector<1x1x16xf32>
          tpu.vector_store %arg16[%swap3A_382, %swap3A_383, %swap3A_384], %swap3A_387 {strides = array<i32>} : memref<2x80x96xf32, #tpu.memory_space<vmem>>, vector<1x1x16xf32>,
          %get3A_388 = arith.constant 1 : i32
          %get3A_389 = arith.index_cast %get3A_388 : i32 to index
          %get3A_390 = arith.index_cast %scan3A_321 : i32 to index
          %get3A_391 = arith.constant 64 : index
          %get3A_392 = tpu.vector_load %arg16[%get3A_389, %get3A_390, %get3A_391] {strides = array<i32>} : memref<2x80x96xf32, #tpu.memory_space<vmem>>, vector<1x1x16xf32>,
          %get3A_393 = vector.shape_cast %get3A_392 : vector<1x1x16xf32> to vector<16xf32>
          %mul3A_394 = arith.mulf %get3A_393, %get3A_326 : vector<16xf32>
          %swap3A_395 = arith.constant 1 : i32
          %swap3A_396 = arith.index_cast %swap3A_395 : i32 to index
          %swap3A_397 = arith.index_cast %scan3A_321 : i32 to index
          %swap3A_398 = arith.constant 64 : index
          %swap3A_399 = tpu.vector_load %arg16[%swap3A_396, %swap3A_397, %swap3A_398] {strides = array<i32>} : memref<2x80x96xf32, #tpu.memory_space<vmem>>, vector<1x1x16xf32>,
          %swap3A_400 = vector.shape_cast %swap3A_399 : vector<1x1x16xf32> to vector<16xf32>
          %swap3A_401 = vector.shape_cast %mul3A_394 : vector<16xf32> to vector<1x1x16xf32>
          tpu.vector_store %arg16[%swap3A_396, %swap3A_397, %swap3A_398], %swap3A_401 {strides = array<i32>} : memref<2x80x96xf32, #tpu.memory_space<vmem>>, vector<1x1x16xf32>,
          %get3A_402 = arith.constant 1 : i32
          %get3A_403 = arith.index_cast %get3A_402 : i32 to index
          %get3A_404 = arith.index_cast %scan3A_321 : i32 to index
          %get3A_405 = arith.constant 80 : index
          %get3A_406 = tpu.vector_load %arg16[%get3A_403, %get3A_404, %get3A_405] {strides = array<i32>} : memref<2x80x96xf32, #tpu.memory_space<vmem>>, vector<1x1x16xf32>,
          %get3A_407 = vector.shape_cast %get3A_406 : vector<1x1x16xf32> to vector<16xf32>
          %mul3A_408 = arith.mulf %get3A_407, %get3A_332 : vector<16xf32>
          %swap3A_409 = arith.constant 1 : i32
          %swap3A_410 = arith.index_cast %swap3A_409 : i32 to index
          %swap3A_411 = arith.index_cast %scan3A_321 : i32 to index
          %swap3A_412 = arith.constant 80 : index
          %swap3A_413 = tpu.vector_load %arg16[%swap3A_410, %swap3A_411, %swap3A_412] {strides = array<i32>} : memref<2x80x96xf32, #tpu.memory_space<vmem>>, vector<1x1x16xf32>,
          %swap3A_414 = vector.shape_cast %swap3A_413 : vector<1x1x16xf32> to vector<16xf32>
          %swap3A_415 = vector.shape_cast %mul3A_408 : vector<16xf32> to vector<1x1x16xf32>
          tpu.vector_store %arg16[%swap3A_410, %swap3A_411, %swap3A_412], %swap3A_415 {strides = array<i32>} : memref<2x80x96xf32, #tpu.memory_space<vmem>>, vector<1x1x16xf32>,
        }
        %scan3A_311 = arith.constant 80 : i32
        %run_scoped3A_312 = arith.constant 1 : i32
        %run_scoped3A_313 = arith.constant 1 : i32
        "tpu.region"() ({
          %run_scoped3A_321 = tpu.sem_alloc : memref<!tpu.dma_semaphore, #tpu.memory_space<semaphore_mem>>
          %dma_start3A_322 = arith.constant 0 : i32
          %dma_start3A_323 = arith.constant 0 : i32
          %dma_start3A_324 = tpu.memref_slice %arg16[%run_scoped3A_312, %dma_start3A_322, %dma_start3A_323] : memref<2x80x96xf32, #tpu.memory_space<vmem>> -> memref<1x80x96xf32, #tpu.memory_space<vmem>>
          %dma_start3A_325 = tpu.memref_squeeze %dma_start3A_324 : memref<1x80x96xf32, #tpu.memory_space<vmem>> -> memref<80x96xf32, #tpu.memory_space<vmem>>
          %dma_start3A_326 = arith.constant 0 : i32
          %dma_start3A_327 = tpu.memref_slice %arg13[%run_scoped3A_313, %dma_start3A_326] : memref<2x80xi32, #tpu.memory_space<vmem>> -> memref<1x80xi32, #tpu.memory_space<vmem>>
          %dma_start3A_328 = tpu.memref_squeeze %dma_start3A_327 : memref<1x80xi32, #tpu.memory_space<vmem>> -> memref<80xi32, #tpu.memory_space<vmem>>
          %dma_start3A_329 = arith.constant 0 : i32
          %dma_start3A_330 = arith.constant 0 : i32
          %dma_start3A_331 = tpu.memref_slice %arg18[%dma_start3A_329, %dma_start3A_330] : memref<10240x96xf32, #tpu.memory_space<vmem_shared>> -> memref<10240x96xf32, #tpu.memory_space<vmem_shared>>
          tpu.enqueue_indirect_dma source(%dma_start3A_325 : memref<80x96xf32, #tpu.memory_space<vmem>>) target(%dma_start3A_331 : memref<10240x96xf32, #tpu.memory_space<vmem_shared>>) offsets(%dma_start3A_328 : memref<80xi32, #tpu.memory_space<vmem>>) semaphore(%run_scoped3A_321 : memref<!tpu.dma_semaphore, #tpu.memory_space<semaphore_mem>>) {add = true}
          %dma_wait3A_332 = arith.constant 0 : i32
          %dma_wait3A_333 = arith.constant 0 : i32
          %dma_wait3A_334 = tpu.memref_slice %arg16[%run_scoped3A_312, %dma_wait3A_332, %dma_wait3A_333] : memref<2x80x96xf32, #tpu.memory_space<vmem>> -> memref<1x80x96xf32, #tpu.memory_space<vmem>>
          %dma_wait3A_335 = tpu.memref_squeeze %dma_wait3A_334 : memref<1x80x96xf32, #tpu.memory_space<vmem>> -> memref<80x96xf32, #tpu.memory_space<vmem>>
          %dma_wait3A_336 = arith.constant 0 : i32
          %dma_wait3A_337 = tpu.memref_slice %arg13[%run_scoped3A_313, %dma_wait3A_336] : memref<2x80xi32, #tpu.memory_space<vmem>> -> memref<1x80xi32, #tpu.memory_space<vmem>>
          %dma_wait3A_338 = tpu.memref_squeeze %dma_wait3A_337 : memref<1x80xi32, #tpu.memory_space<vmem>> -> memref<80xi32, #tpu.memory_space<vmem>>
          %dma_wait3A_339 = arith.constant 0 : i32
          %dma_wait3A_340 = arith.constant 0 : i32
          %dma_wait3A_341 = tpu.memref_slice %arg18[%dma_wait3A_339, %dma_wait3A_340] : memref<10240x96xf32, #tpu.memory_space<vmem_shared>> -> memref<10240x96xf32, #tpu.memory_space<vmem_shared>>
          tpu.wait_indirect_dma semaphore(%run_scoped3A_321 : memref<!tpu.dma_semaphore, #tpu.memory_space<semaphore_mem>>) src(%dma_wait3A_335 : memref<80x96xf32, #tpu.memory_space<vmem>>) dst(%dma_wait3A_341 : memref<10240x96xf32, #tpu.memory_space<vmem_shared>>)
          tpu.yield
        }) : () -> ()
        %add3A_314 = arith.constant 2 : i32
        %add3A_315 = arith.addi %add3A_266, %add3A_314 : i32
        %lt3A_316 = arith.constant 125 : i32
        %lt3A_317 = arith.cmpi slt, %add3A_315, %lt3A_316 : i32
        %convert_element_type3A_318 = arith.extui %lt3A_317 : i1 to i32
        %cond3A_319 = arith.constant 0 : i32
        %cond3A_320 = arith.cmpi ne, %convert_element_type3A_318, %cond3A_319 : i32
        scf.if %cond3A_320 {
          %add3A_321 = arith.constant 2 : i32
          %add3A_322 = arith.addi %add3A_266, %add3A_321 : i32
          %mul3A_323 = arith.constant 80 : i32
          %mul3A_324 = arith.muli %add3A_322, %mul3A_323 : i32
          %dma_start3A_325 = arith.constant 1 : i32
          %dma_start3A_326 = arith.constant 0 : i32
          %dma_start3A_327 = arith.constant 0 : i32
          %dma_start3A_328 = tpu.memref_slice %arg16[%dma_start3A_325, %dma_start3A_326, %dma_start3A_327] : memref<2x80x96xf32, #tpu.memory_space<vmem>> -> memref<1x80x96xf32, #tpu.memory_space<vmem>>
          %dma_start3A_329 = tpu.memref_squeeze %dma_start3A_328 : memref<1x80x96xf32, #tpu.memory_space<vmem>> -> memref<80x96xf32, #tpu.memory_space<vmem>>
          %dma_start3A_330 = tpu.memref_slice %arg12[%mul3A_324] : memref<10000xi32, #tpu.memory_space<vmem>> -> memref<80xi32, #tpu.memory_space<vmem>>
          %dma_start3A_331 = arith.constant 0 : i32
          %dma_start3A_332 = arith.constant 0 : i32
          %dma_start3A_333 = tpu.memref_slice %arg4[%dma_start3A_331, %dma_start3A_332] : memref<10000x96xf32, #tpu.memory_space<hbm>> -> memref<10000x96xf32, #tpu.memory_space<hbm>>
          tpu.enqueue_indirect_dma source(%dma_start3A_333 : memref<10000x96xf32, #tpu.memory_space<hbm>>) target(%dma_start3A_329 : memref<80x96xf32, #tpu.memory_space<vmem>>) offsets(%dma_start3A_330 : memref<80xi32, #tpu.memory_space<vmem>>) semaphore(%arg20 : memref<!tpu.dma_semaphore, #tpu.memory_space<semaphore_mem>>)
          %mul3A_334 = arith.constant 80 : i32
          %mul3A_335 = arith.muli %add3A_322, %mul3A_334 : i32
          %add3A_336 = arith.addi %mul3A_0, %mul3A_335 : i32
          %dma_start3A_337 = arith.constant 1 : i32
          %dma_start3A_338 = arith.constant 0 : i32
          %dma_start3A_339 = arith.constant 0 : i32
          %dma_start3A_340 = tpu.memref_slice %arg15[%dma_start3A_337, %dma_start3A_338, %dma_start3A_339] : memref<2x80x32xf32, #tpu.memory_space<vmem>> -> memref<1x80x32xf32, #tpu.memory_space<vmem>>
          %dma_start3A_341 = tpu.memref_squeeze %dma_start3A_340 : memref<1x80x32xf32, #tpu.memory_space<vmem>> -> memref<80x32xf32, #tpu.memory_space<vmem>>
          %dma_start3A_342 = arith.constant 64 : i32
          %dma_start3A_343 = tpu.memref_slice %arg5[%add3A_336, %dma_start3A_342] : memref<160000x128xf32, #tpu.memory_space<hbm>> -> memref<80x32xf32, #tpu.memory_space<hbm>>
          %dma_start3A_344 = arith.constant 0 : i32
          %dma_start3A_345 = arith.constant 0 : i32
          %dma_start3A_346 = tpu.memref_slice %arg15[%dma_start3A_337, %dma_start3A_344, %dma_start3A_345] : memref<2x80x32xf32, #tpu.memory_space<vmem>> -> memref<1x80x32xf32, #tpu.memory_space<vmem>>
          %dma_start3A_347 = tpu.memref_squeeze %dma_start3A_346 : memref<1x80x32xf32, #tpu.memory_space<vmem>> -> memref<80x32xf32, #tpu.memory_space<vmem>>
          %dma_start3A_348 = arith.constant 64 : i32
          %dma_start3A_349 = tpu.memref_slice %arg5[%add3A_336, %dma_start3A_348] : memref<160000x128xf32, #tpu.memory_space<hbm>> -> memref<80x32xf32, #tpu.memory_space<hbm>>
          tpu.enqueue_dma source(%dma_start3A_349 : memref<80x32xf32, #tpu.memory_space<hbm>>) target(%dma_start3A_347 : memref<80x32xf32, #tpu.memory_space<vmem>>) target_semaphore(%arg22 : memref<!tpu.dma_semaphore, #tpu.memory_space<semaphore_mem>>)
          %mul3A_350 = arith.constant 80 : i32
          %mul3A_351 = arith.muli %add3A_322, %mul3A_350 : i32
          %add3A_352 = arith.addi %mul3A_0, %mul3A_351 : i32
          %dma_start3A_353 = arith.constant 1 : i32
          %dma_start3A_354 = arith.constant 0 : i32
          %dma_start3A_355 = tpu.memref_slice %arg13[%dma_start3A_353, %dma_start3A_354] : memref<2x80xi32, #tpu.memory_space<vmem>> -> memref<1x80xi32, #tpu.memory_space<vmem>>
          %dma_start3A_356 = tpu.memref_squeeze %dma_start3A_355 : memref<1x80xi32, #tpu.memory_space<vmem>> -> memref<80xi32, #tpu.memory_space<vmem>>
          %dma_start3A_357 = tpu.memref_slice %arg6[%add3A_352] : memref<160000xi32, #tpu.memory_space<hbm>> -> memref<80xi32, #tpu.memory_space<hbm>>
          %dma_start3A_358 = arith.constant 0 : i32
          %dma_start3A_359 = tpu.memref_slice %arg13[%dma_start3A_353, %dma_start3A_358] : memref<2x80xi32, #tpu.memory_space<vmem>> -> memref<1x80xi32, #tpu.memory_space<vmem>>
          %dma_start3A_360 = tpu.memref_squeeze %dma_start3A_359 : memref<1x80xi32, #tpu.memory_space<vmem>> -> memref<80xi32, #tpu.memory_space<vmem>>
          %dma_start3A_361 = tpu.memref_slice %arg6[%add3A_352] : memref<160000xi32, #tpu.memory_space<hbm>> -> memref<80xi32, #tpu.memory_space<hbm>>
          tpu.enqueue_dma source(%dma_start3A_361 : memref<80xi32, #tpu.memory_space<hbm>>) target(%dma_start3A_360 : memref<80xi32, #tpu.memory_space<vmem>>) target_semaphore(%arg24 : memref<!tpu.dma_semaphore, #tpu.memory_space<semaphore_mem>>)
        } else {
        }
      }
      %scan3A_139 = arith.constant 31 : i32
      %dma_wait3A = arith.constant 0 : i32
      %dma_wait3A_140 = arith.constant 0 : i32
      %dma_wait3A_141 = arith.constant 0 : i32
      %dma_wait3A_142 = tpu.memref_slice %arg16[%dma_wait3A, %dma_wait3A_140, %dma_wait3A_141] : memref<2x80x96xf32, #tpu.memory_space<vmem>> -> memref<1x80x96xf32, #tpu.memory_space<vmem>>
      %dma_wait3A_143 = tpu.memref_squeeze %dma_wait3A_142 : memref<1x80x96xf32, #tpu.memory_space<vmem>> -> memref<80x96xf32, #tpu.memory_space<vmem>>
      %dma_wait3A_144 = arith.constant 9920 : i32
      %dma_wait3A_145 = tpu.memref_slice %arg12[%dma_wait3A_144] : memref<10000xi32, #tpu.memory_space<vmem>> -> memref<80xi32, #tpu.memory_space<vmem>>
      %dma_wait3A_146 = arith.constant 0 : i32
      %dma_wait3A_147 = arith.constant 0 : i32
      %dma_wait3A_148 = tpu.memref_slice %arg4[%dma_wait3A_146, %dma_wait3A_147] : memref<10000x96xf32, #tpu.memory_space<hbm>> -> memref<10000x96xf32, #tpu.memory_space<hbm>>
      tpu.wait_indirect_dma semaphore(%arg19 : memref<!tpu.dma_semaphore, #tpu.memory_space<semaphore_mem>>) src(%dma_wait3A_148 : memref<10000x96xf32, #tpu.memory_space<hbm>>) dst(%dma_wait3A_143 : memref<80x96xf32, #tpu.memory_space<vmem>>)
      %add3A_149 = arith.constant 9920 : i32
      %add3A_150 = arith.addi %mul3A_0, %add3A_149 : i32
      %dma_wait3A_151 = arith.constant 0 : i32
      %dma_wait3A_152 = arith.constant 0 : i32
      %dma_wait3A_153 = arith.constant 0 : i32
      %dma_wait3A_154 = tpu.memref_slice %arg15[%dma_wait3A_151, %dma_wait3A_152, %dma_wait3A_153] : memref<2x80x32xf32, #tpu.memory_space<vmem>> -> memref<1x80x32xf32, #tpu.memory_space<vmem>>
      %dma_wait3A_155 = tpu.memref_squeeze %dma_wait3A_154 : memref<1x80x32xf32, #tpu.memory_space<vmem>> -> memref<80x32xf32, #tpu.memory_space<vmem>>
      %dma_wait3A_156 = arith.constant 64 : i32
      %dma_wait3A_157 = tpu.memref_slice %arg5[%add3A_150, %dma_wait3A_156] : memref<160000x128xf32, #tpu.memory_space<hbm>> -> memref<80x32xf32, #tpu.memory_space<hbm>>
      %dma_wait3A_158 = arith.constant 0 : i32
      %dma_wait3A_159 = arith.constant 0 : i32
      %dma_wait3A_160 = tpu.memref_slice %arg15[%dma_wait3A_151, %dma_wait3A_158, %dma_wait3A_159] : memref<2x80x32xf32, #tpu.memory_space<vmem>> -> memref<1x80x32xf32, #tpu.memory_space<vmem>>
      %dma_wait3A_161 = tpu.memref_squeeze %dma_wait3A_160 : memref<1x80x32xf32, #tpu.memory_space<vmem>> -> memref<80x32xf32, #tpu.memory_space<vmem>>
      %dma_wait3A_162 = arith.constant 64 : i32
      %dma_wait3A_163 = tpu.memref_slice %arg5[%add3A_150, %dma_wait3A_162] : memref<160000x128xf32, #tpu.memory_space<hbm>> -> memref<80x32xf32, #tpu.memory_space<hbm>>
      tpu.wait_dma2 semaphore(%arg21 : memref<!tpu.dma_semaphore, #tpu.memory_space<semaphore_mem>>) src(%dma_wait3A_163 : memref<80x32xf32, #tpu.memory_space<hbm>>) dst(%dma_wait3A_161 : memref<80x32xf32, #tpu.memory_space<vmem>>)
      %add3A_164 = arith.constant 9920 : i32
      %add3A_165 = arith.addi %mul3A_0, %add3A_164 : i32
      %dma_wait3A_166 = arith.constant 0 : i32
      %dma_wait3A_167 = arith.constant 0 : i32
      %dma_wait3A_168 = tpu.memref_slice %arg13[%dma_wait3A_166, %dma_wait3A_167] : memref<2x80xi32, #tpu.memory_space<vmem>> -> memref<1x80xi32, #tpu.memory_space<vmem>>
      %dma_wait3A_169 = tpu.memref_squeeze %dma_wait3A_168 : memref<1x80xi32, #tpu.memory_space<vmem>> -> memref<80xi32, #tpu.memory_space<vmem>>
      %dma_wait3A_170 = tpu.memref_slice %arg6[%add3A_165] : memref<160000xi32, #tpu.memory_space<hbm>> -> memref<80xi32, #tpu.memory_space<hbm>>
      %dma_wait3A_171 = arith.constant 0 : i32
      %dma_wait3A_172 = tpu.memref_slice %arg13[%dma_wait3A_166, %dma_wait3A_171] : memref<2x80xi32, #tpu.memory_space<vmem>> -> memref<1x80xi32, #tpu.memory_space<vmem>>
      %dma_wait3A_173 = tpu.memref_squeeze %dma_wait3A_172 : memref<1x80xi32, #tpu.memory_space<vmem>> -> memref<80xi32, #tpu.memory_space<vmem>>
      %dma_wait3A_174 = tpu.memref_slice %arg6[%add3A_165] : memref<160000xi32, #tpu.memory_space<hbm>> -> memref<80xi32, #tpu.memory_space<hbm>>
      tpu.wait_dma2 semaphore(%arg23 : memref<!tpu.dma_semaphore, #tpu.memory_space<semaphore_mem>>) src(%dma_wait3A_174 : memref<80xi32, #tpu.memory_space<hbm>>) dst(%dma_wait3A_173 : memref<80xi32, #tpu.memory_space<vmem>>)
      %scan3A_175 = arith.constant 0 : i32
      %scan3A_176 = arith.constant 0 : i32
      %scan3A_177 = arith.constant 80 : i32
      %scan3A_178 = arith.addi %scan3A_176, %scan3A_177 : i32
      %scan3A_179 = arith.constant 1 : i32
      scf.for %scan3A_203 = %scan3A_176 to %scan3A_178 step %scan3A_179  : i32 {
        %get3A = arith.constant 0 : i32
        %get3A_204 = arith.index_cast %get3A : i32 to index
        %get3A_205 = arith.index_cast %scan3A_203 : i32 to index
        %get3A_206 = arith.constant 0 : index
        %get3A_207 = tpu.vector_load %arg15[%get3A_204, %get3A_205, %get3A_206] {strides = array<i32>} : memref<2x80x32xf32, #tpu.memory_space<vmem>>, vector<1x1x16xf32>,
        %get3A_208 = vector.shape_cast %get3A_207 : vector<1x1x16xf32> to vector<16xf32>
        %get3A_209 = arith.constant 0 : i32
        %get3A_210 = arith.index_cast %get3A_209 : i32 to index
        %get3A_211 = arith.index_cast %scan3A_203 : i32 to index
        %get3A_212 = arith.constant 16 : index
        %get3A_213 = tpu.vector_load %arg15[%get3A_210, %get3A_211, %get3A_212] {strides = array<i32>} : memref<2x80x32xf32, #tpu.memory_space<vmem>>, vector<1x1x16xf32>,
        %get3A_214 = vector.shape_cast %get3A_213 : vector<1x1x16xf32> to vector<16xf32>
        %get3A_215 = arith.constant 0 : i32
        %get3A_216 = arith.index_cast %get3A_215 : i32 to index
        %get3A_217 = arith.index_cast %scan3A_203 : i32 to index
        %get3A_218 = arith.constant 0 : index
        %get3A_219 = tpu.vector_load %arg16[%get3A_216, %get3A_217, %get3A_218] {strides = array<i32>} : memref<2x80x96xf32, #tpu.memory_space<vmem>>, vector<1x1x16xf32>,
        %get3A_220 = vector.shape_cast %get3A_219 : vector<1x1x16xf32> to vector<16xf32>
        %mul3A_221 = arith.mulf %get3A_220, %get3A_208 : vector<16xf32>
        %swap3A = arith.constant 0 : i32
        %swap3A_222 = arith.index_cast %swap3A : i32 to index
        %swap3A_223 = arith.index_cast %scan3A_203 : i32 to index
        %swap3A_224 = arith.constant 0 : index
        %swap3A_225 = tpu.vector_load %arg16[%swap3A_222, %swap3A_223, %swap3A_224] {strides = array<i32>} : memref<2x80x96xf32, #tpu.memory_space<vmem>>, vector<1x1x16xf32>,
        %swap3A_226 = vector.shape_cast %swap3A_225 : vector<1x1x16xf32> to vector<16xf32>
        %swap3A_227 = vector.shape_cast %mul3A_221 : vector<16xf32> to vector<1x1x16xf32>
        tpu.vector_store %arg16[%swap3A_222, %swap3A_223, %swap3A_224], %swap3A_227 {strides = array<i32>} : memref<2x80x96xf32, #tpu.memory_space<vmem>>, vector<1x1x16xf32>,
        %get3A_228 = arith.constant 0 : i32
        %get3A_229 = arith.index_cast %get3A_228 : i32 to index
        %get3A_230 = arith.index_cast %scan3A_203 : i32 to index
        %get3A_231 = arith.constant 16 : index
        %get3A_232 = tpu.vector_load %arg16[%get3A_229, %get3A_230, %get3A_231] {strides = array<i32>} : memref<2x80x96xf32, #tpu.memory_space<vmem>>, vector<1x1x16xf32>,
        %get3A_233 = vector.shape_cast %get3A_232 : vector<1x1x16xf32> to vector<16xf32>
        %mul3A_234 = arith.mulf %get3A_233, %get3A_214 : vector<16xf32>
        %swap3A_235 = arith.constant 0 : i32
        %swap3A_236 = arith.index_cast %swap3A_235 : i32 to index
        %swap3A_237 = arith.index_cast %scan3A_203 : i32 to index
        %swap3A_238 = arith.constant 16 : index
        %swap3A_239 = tpu.vector_load %arg16[%swap3A_236, %swap3A_237, %swap3A_238] {strides = array<i32>} : memref<2x80x96xf32, #tpu.memory_space<vmem>>, vector<1x1x16xf32>,
        %swap3A_240 = vector.shape_cast %swap3A_239 : vector<1x1x16xf32> to vector<16xf32>
        %swap3A_241 = vector.shape_cast %mul3A_234 : vector<16xf32> to vector<1x1x16xf32>
        tpu.vector_store %arg16[%swap3A_236, %swap3A_237, %swap3A_238], %swap3A_241 {strides = array<i32>} : memref<2x80x96xf32, #tpu.memory_space<vmem>>, vector<1x1x16xf32>,
        %get3A_242 = arith.constant 0 : i32
        %get3A_243 = arith.index_cast %get3A_242 : i32 to index
        %get3A_244 = arith.index_cast %scan3A_203 : i32 to index
        %get3A_245 = arith.constant 32 : index
        %get3A_246 = tpu.vector_load %arg16[%get3A_243, %get3A_244, %get3A_245] {strides = array<i32>} : memref<2x80x96xf32, #tpu.memory_space<vmem>>, vector<1x1x16xf32>,
        %get3A_247 = vector.shape_cast %get3A_246 : vector<1x1x16xf32> to vector<16xf32>
        %mul3A_248 = arith.mulf %get3A_247, %get3A_208 : vector<16xf32>
        %swap3A_249 = arith.constant 0 : i32
        %swap3A_250 = arith.index_cast %swap3A_249 : i32 to index
        %swap3A_251 = arith.index_cast %scan3A_203 : i32 to index
        %swap3A_252 = arith.constant 32 : index
        %swap3A_253 = tpu.vector_load %arg16[%swap3A_250, %swap3A_251, %swap3A_252] {strides = array<i32>} : memref<2x80x96xf32, #tpu.memory_space<vmem>>, vector<1x1x16xf32>,
        %swap3A_254 = vector.shape_cast %swap3A_253 : vector<1x1x16xf32> to vector<16xf32>
        %swap3A_255 = vector.shape_cast %mul3A_248 : vector<16xf32> to vector<1x1x16xf32>
        tpu.vector_store %arg16[%swap3A_250, %swap3A_251, %swap3A_252], %swap3A_255 {strides = array<i32>} : memref<2x80x96xf32, #tpu.memory_space<vmem>>, vector<1x1x16xf32>,
        %get3A_256 = arith.constant 0 : i32
        %get3A_257 = arith.index_cast %get3A_256 : i32 to index
        %get3A_258 = arith.index_cast %scan3A_203 : i32 to index
        %get3A_259 = arith.constant 48 : index
        %get3A_260 = tpu.vector_load %arg16[%get3A_257, %get3A_258, %get3A_259] {strides = array<i32>} : memref<2x80x96xf32, #tpu.memory_space<vmem>>, vector<1x1x16xf32>,
        %get3A_261 = vector.shape_cast %get3A_260 : vector<1x1x16xf32> to vector<16xf32>
        %mul3A_262 = arith.mulf %get3A_261, %get3A_214 : vector<16xf32>
        %swap3A_263 = arith.constant 0 : i32
        %swap3A_264 = arith.index_cast %swap3A_263 : i32 to index
        %swap3A_265 = arith.index_cast %scan3A_203 : i32 to index
        %swap3A_266 = arith.constant 48 : index
        %swap3A_267 = tpu.vector_load %arg16[%swap3A_264, %swap3A_265, %swap3A_266] {strides = array<i32>} : memref<2x80x96xf32, #tpu.memory_space<vmem>>, vector<1x1x16xf32>,
        %swap3A_268 = vector.shape_cast %swap3A_267 : vector<1x1x16xf32> to vector<16xf32>
        %swap3A_269 = vector.shape_cast %mul3A_262 : vector<16xf32> to vector<1x1x16xf32>
        tpu.vector_store %arg16[%swap3A_264, %swap3A_265, %swap3A_266], %swap3A_269 {strides = array<i32>} : memref<2x80x96xf32, #tpu.memory_space<vmem>>, vector<1x1x16xf32>,
        %get3A_270 = arith.constant 0 : i32
        %get3A_271 = arith.index_cast %get3A_270 : i32 to index
        %get3A_272 = arith.index_cast %scan3A_203 : i32 to index
        %get3A_273 = arith.constant 64 : index
        %get3A_274 = tpu.vector_load %arg16[%get3A_271, %get3A_272, %get3A_273] {strides = array<i32>} : memref<2x80x96xf32, #tpu.memory_space<vmem>>, vector<1x1x16xf32>,
        %get3A_275 = vector.shape_cast %get3A_274 : vector<1x1x16xf32> to vector<16xf32>
        %mul3A_276 = arith.mulf %get3A_275, %get3A_208 : vector<16xf32>
        %swap3A_277 = arith.constant 0 : i32
        %swap3A_278 = arith.index_cast %swap3A_277 : i32 to index
        %swap3A_279 = arith.index_cast %scan3A_203 : i32 to index
        %swap3A_280 = arith.constant 64 : index
        %swap3A_281 = tpu.vector_load %arg16[%swap3A_278, %swap3A_279, %swap3A_280] {strides = array<i32>} : memref<2x80x96xf32, #tpu.memory_space<vmem>>, vector<1x1x16xf32>,
        %swap3A_282 = vector.shape_cast %swap3A_281 : vector<1x1x16xf32> to vector<16xf32>
        %swap3A_283 = vector.shape_cast %mul3A_276 : vector<16xf32> to vector<1x1x16xf32>
        tpu.vector_store %arg16[%swap3A_278, %swap3A_279, %swap3A_280], %swap3A_283 {strides = array<i32>} : memref<2x80x96xf32, #tpu.memory_space<vmem>>, vector<1x1x16xf32>,
        %get3A_284 = arith.constant 0 : i32
        %get3A_285 = arith.index_cast %get3A_284 : i32 to index
        %get3A_286 = arith.index_cast %scan3A_203 : i32 to index
        %get3A_287 = arith.constant 80 : index
        %get3A_288 = tpu.vector_load %arg16[%get3A_285, %get3A_286, %get3A_287] {strides = array<i32>} : memref<2x80x96xf32, #tpu.memory_space<vmem>>, vector<1x1x16xf32>,
        %get3A_289 = vector.shape_cast %get3A_288 : vector<1x1x16xf32> to vector<16xf32>
        %mul3A_290 = arith.mulf %get3A_289, %get3A_214 : vector<16xf32>
        %swap3A_291 = arith.constant 0 : i32
        %swap3A_292 = arith.index_cast %swap3A_291 : i32 to index
        %swap3A_293 = arith.index_cast %scan3A_203 : i32 to index
        %swap3A_294 = arith.constant 80 : index
        %swap3A_295 = tpu.vector_load %arg16[%swap3A_292, %swap3A_293, %swap3A_294] {strides = array<i32>} : memref<2x80x96xf32, #tpu.memory_space<vmem>>, vector<1x1x16xf32>,
        %swap3A_296 = vector.shape_cast %swap3A_295 : vector<1x1x16xf32> to vector<16xf32>
        %swap3A_297 = vector.shape_cast %mul3A_290 : vector<16xf32> to vector<1x1x16xf32>
        tpu.vector_store %arg16[%swap3A_292, %swap3A_293, %swap3A_294], %swap3A_297 {strides = array<i32>} : memref<2x80x96xf32, #tpu.memory_space<vmem>>, vector<1x1x16xf32>,
      }
      %scan3A_180 = arith.constant 80 : i32
      %run_scoped3A = arith.constant 0 : i32
      %run_scoped3A_181 = arith.constant 0 : i32
      "tpu.region"() ({
        %run_scoped3A_203 = tpu.sem_alloc : memref<!tpu.dma_semaphore, #tpu.memory_space<semaphore_mem>>
        %dma_start3A_204 = arith.constant 0 : i32
        %dma_start3A_205 = arith.constant 0 : i32
        %dma_start3A_206 = tpu.memref_slice %arg16[%run_scoped3A, %dma_start3A_204, %dma_start3A_205] : memref<2x80x96xf32, #tpu.memory_space<vmem>> -> memref<1x80x96xf32, #tpu.memory_space<vmem>>
        %dma_start3A_207 = tpu.memref_squeeze %dma_start3A_206 : memref<1x80x96xf32, #tpu.memory_space<vmem>> -> memref<80x96xf32, #tpu.memory_space<vmem>>
        %dma_start3A_208 = arith.constant 0 : i32
        %dma_start3A_209 = tpu.memref_slice %arg13[%run_scoped3A_181, %dma_start3A_208] : memref<2x80xi32, #tpu.memory_space<vmem>> -> memref<1x80xi32, #tpu.memory_space<vmem>>
        %dma_start3A_210 = tpu.memref_squeeze %dma_start3A_209 : memref<1x80xi32, #tpu.memory_space<vmem>> -> memref<80xi32, #tpu.memory_space<vmem>>
        %dma_start3A_211 = arith.constant 0 : i32
        %dma_start3A_212 = arith.constant 0 : i32
        %dma_start3A_213 = tpu.memref_slice %arg18[%dma_start3A_211, %dma_start3A_212] : memref<10240x96xf32, #tpu.memory_space<vmem_shared>> -> memref<10240x96xf32, #tpu.memory_space<vmem_shared>>
        tpu.enqueue_indirect_dma source(%dma_start3A_207 : memref<80x96xf32, #tpu.memory_space<vmem>>) target(%dma_start3A_213 : memref<10240x96xf32, #tpu.memory_space<vmem_shared>>) offsets(%dma_start3A_210 : memref<80xi32, #tpu.memory_space<vmem>>) semaphore(%run_scoped3A_203 : memref<!tpu.dma_semaphore, #tpu.memory_space<semaphore_mem>>) {add = true}
        %dma_wait3A_214 = arith.constant 0 : i32
        %dma_wait3A_215 = arith.constant 0 : i32
        %dma_wait3A_216 = tpu.memref_slice %arg16[%run_scoped3A, %dma_wait3A_214, %dma_wait3A_215] : memref<2x80x96xf32, #tpu.memory_space<vmem>> -> memref<1x80x96xf32, #tpu.memory_space<vmem>>
        %dma_wait3A_217 = tpu.memref_squeeze %dma_wait3A_216 : memref<1x80x96xf32, #tpu.memory_space<vmem>> -> memref<80x96xf32, #tpu.memory_space<vmem>>
        %dma_wait3A_218 = arith.constant 0 : i32
        %dma_wait3A_219 = tpu.memref_slice %arg13[%run_scoped3A_181, %dma_wait3A_218] : memref<2x80xi32, #tpu.memory_space<vmem>> -> memref<1x80xi32, #tpu.memory_space<vmem>>
        %dma_wait3A_220 = tpu.memref_squeeze %dma_wait3A_219 : memref<1x80xi32, #tpu.memory_space<vmem>> -> memref<80xi32, #tpu.memory_space<vmem>>
        %dma_wait3A_221 = arith.constant 0 : i32
        %dma_wait3A_222 = arith.constant 0 : i32
        %dma_wait3A_223 = tpu.memref_slice %arg18[%dma_wait3A_221, %dma_wait3A_222] : memref<10240x96xf32, #tpu.memory_space<vmem_shared>> -> memref<10240x96xf32, #tpu.memory_space<vmem_shared>>
        tpu.wait_indirect_dma semaphore(%run_scoped3A_203 : memref<!tpu.dma_semaphore, #tpu.memory_space<semaphore_mem>>) src(%dma_wait3A_217 : memref<80x96xf32, #tpu.memory_space<vmem>>) dst(%dma_wait3A_223 : memref<10240x96xf32, #tpu.memory_space<vmem_shared>>)
        tpu.yield
      }) : () -> ()
      %barrier3A_182 = arith.constant 0 : index
      tpu.barrier barrier_id(%barrier3A_182)
      %mul3A_183 = arith.constant 640 : i32
      %mul3A_184 = arith.muli %arg1, %mul3A_183 : i32
      %add3A_185 = arith.constant 0 : i32
      %add3A_186 = arith.addi %mul3A_184, %add3A_185 : i32
      "tpu.region"() ({
        %run_scoped3A_203 = tpu.sem_alloc : memref<!tpu.dma_semaphore, #tpu.memory_space<semaphore_mem>>
        %dma_start3A_204 = arith.constant 0 : i32
        %dma_start3A_205 = tpu.memref_slice %arg11[%add3A_186, %dma_start3A_204] : memref<10240x128xf32, #tpu.memory_space<hbm>> -> memref<128x96xf32, #tpu.memory_space<hbm>>
        %dma_start3A_206 = arith.constant 0 : i32
        %dma_start3A_207 = tpu.memref_slice %arg18[%add3A_186, %dma_start3A_206] : memref<10240x96xf32, #tpu.memory_space<vmem_shared>> -> memref<128x96xf32, #tpu.memory_space<vmem_shared>>
        tpu.enqueue_dma source(%dma_start3A_207 : memref<128x96xf32, #tpu.memory_space<vmem_shared>>) target(%dma_start3A_205 : memref<128x96xf32, #tpu.memory_space<hbm>>) target_semaphore(%run_scoped3A_203 : memref<!tpu.dma_semaphore, #tpu.memory_space<semaphore_mem>>)
        %dma_wait3A_208 = arith.constant 0 : i32
        %dma_wait3A_209 = tpu.memref_slice %arg11[%add3A_186, %dma_wait3A_208] : memref<10240x128xf32, #tpu.memory_space<hbm>> -> memref<128x96xf32, #tpu.memory_space<hbm>>
        %dma_wait3A_210 = arith.constant 0 : i32
        %dma_wait3A_211 = tpu.memref_slice %arg18[%add3A_186, %dma_wait3A_210] : memref<10240x96xf32, #tpu.memory_space<vmem_shared>> -> memref<128x96xf32, #tpu.memory_space<vmem_shared>>
        tpu.wait_dma2 semaphore(%run_scoped3A_203 : memref<!tpu.dma_semaphore, #tpu.memory_space<semaphore_mem>>) src(%dma_wait3A_211 : memref<128x96xf32, #tpu.memory_space<vmem_shared>>) dst(%dma_wait3A_209 : memref<128x96xf32, #tpu.memory_space<hbm>>)
        tpu.yield
      }) : () -> ()
      %mul3A_187 = arith.constant 640 : i32
      %mul3A_188 = arith.muli %arg1, %mul3A_187 : i32
      %add3A_189 = arith.constant 128 : i32
      %add3A_190 = arith.addi %mul3A_188, %add3A_189 : i32
      "tpu.region"() ({
        %run_scoped3A_203 = tpu.sem_alloc : memref<!tpu.dma_semaphore, #tpu.memory_space<semaphore_mem>>
        %dma_start3A_204 = arith.constant 0 : i32
        %dma_start3A_205 = tpu.memref_slice %arg11[%add3A_190, %dma_start3A_204] : memref<10240x128xf32, #tpu.memory_space<hbm>> -> memref<128x96xf32, #tpu.memory_space<hbm>>
        %dma_start3A_206 = arith.constant 0 : i32
        %dma_start3A_207 = tpu.memref_slice %arg18[%add3A_190, %dma_start3A_206] : memref<10240x96xf32, #tpu.memory_space<vmem_shared>> -> memref<128x96xf32, #tpu.memory_space<vmem_shared>>
        tpu.enqueue_dma source(%dma_start3A_207 : memref<128x96xf32, #tpu.memory_space<vmem_shared>>) target(%dma_start3A_205 : memref<128x96xf32, #tpu.memory_space<hbm>>) target_semaphore(%run_scoped3A_203 : memref<!tpu.dma_semaphore, #tpu.memory_space<semaphore_mem>>)
        %dma_wait3A_208 = arith.constant 0 : i32
        %dma_wait3A_209 = tpu.memref_slice %arg11[%add3A_190, %dma_wait3A_208] : memref<10240x128xf32, #tpu.memory_space<hbm>> -> memref<128x96xf32, #tpu.memory_space<hbm>>
        %dma_wait3A_210 = arith.constant 0 : i32
        %dma_wait3A_211 = tpu.memref_slice %arg18[%add3A_190, %dma_wait3A_210] : memref<10240x96xf32, #tpu.memory_space<vmem_shared>> -> memref<128x96xf32, #tpu.memory_space<vmem_shared>>
        tpu.wait_dma2 semaphore(%run_scoped3A_203 : memref<!tpu.dma_semaphore, #tpu.memory_space<semaphore_mem>>) src(%dma_wait3A_211 : memref<128x96xf32, #tpu.memory_space<vmem_shared>>) dst(%dma_wait3A_209 : memref<128x96xf32, #tpu.memory_space<hbm>>)
        tpu.yield
      }) : () -> ()
      %mul3A_191 = arith.constant 640 : i32
      %mul3A_192 = arith.muli %arg1, %mul3A_191 : i32
      %add3A_193 = arith.constant 256 : i32
      %add3A_194 = arith.addi %mul3A_192, %add3A_193 : i32
      "tpu.region"() ({
        %run_scoped3A_203 = tpu.sem_alloc : memref<!tpu.dma_semaphore, #tpu.memory_space<semaphore_mem>>
        %dma_start3A_204 = arith.constant 0 : i32
        %dma_start3A_205 = tpu.memref_slice %arg11[%add3A_194, %dma_start3A_204] : memref<10240x128xf32, #tpu.memory_space<hbm>> -> memref<128x96xf32, #tpu.memory_space<hbm>>
        %dma_start3A_206 = arith.constant 0 : i32
        %dma_start3A_207 = tpu.memref_slice %arg18[%add3A_194, %dma_start3A_206] : memref<10240x96xf32, #tpu.memory_space<vmem_shared>> -> memref<128x96xf32, #tpu.memory_space<vmem_shared>>
        tpu.enqueue_dma source(%dma_start3A_207 : memref<128x96xf32, #tpu.memory_space<vmem_shared>>) target(%dma_start3A_205 : memref<128x96xf32, #tpu.memory_space<hbm>>) target_semaphore(%run_scoped3A_203 : memref<!tpu.dma_semaphore, #tpu.memory_space<semaphore_mem>>)
        %dma_wait3A_208 = arith.constant 0 : i32
        %dma_wait3A_209 = tpu.memref_slice %arg11[%add3A_194, %dma_wait3A_208] : memref<10240x128xf32, #tpu.memory_space<hbm>> -> memref<128x96xf32, #tpu.memory_space<hbm>>
        %dma_wait3A_210 = arith.constant 0 : i32
        %dma_wait3A_211 = tpu.memref_slice %arg18[%add3A_194, %dma_wait3A_210] : memref<10240x96xf32, #tpu.memory_space<vmem_shared>> -> memref<128x96xf32, #tpu.memory_space<vmem_shared>>
        tpu.wait_dma2 semaphore(%run_scoped3A_203 : memref<!tpu.dma_semaphore, #tpu.memory_space<semaphore_mem>>) src(%dma_wait3A_211 : memref<128x96xf32, #tpu.memory_space<vmem_shared>>) dst(%dma_wait3A_209 : memref<128x96xf32, #tpu.memory_space<hbm>>)
        tpu.yield
      }) : () -> ()
      %mul3A_195 = arith.constant 640 : i32
      %mul3A_196 = arith.muli %arg1, %mul3A_195 : i32
      %add3A_197 = arith.constant 384 : i32
      %add3A_198 = arith.addi %mul3A_196, %add3A_197 : i32
      "tpu.region"() ({
        %run_scoped3A_203 = tpu.sem_alloc : memref<!tpu.dma_semaphore, #tpu.memory_space<semaphore_mem>>
        %dma_start3A_204 = arith.constant 0 : i32
        %dma_start3A_205 = tpu.memref_slice %arg11[%add3A_198, %dma_start3A_204] : memref<10240x128xf32, #tpu.memory_space<hbm>> -> memref<128x96xf32, #tpu.memory_space<hbm>>
        %dma_start3A_206 = arith.constant 0 : i32
        %dma_start3A_207 = tpu.memref_slice %arg18[%add3A_198, %dma_start3A_206] : memref<10240x96xf32, #tpu.memory_space<vmem_shared>> -> memref<128x96xf32, #tpu.memory_space<vmem_shared>>
        tpu.enqueue_dma source(%dma_start3A_207 : memref<128x96xf32, #tpu.memory_space<vmem_shared>>) target(%dma_start3A_205 : memref<128x96xf32, #tpu.memory_space<hbm>>) target_semaphore(%run_scoped3A_203 : memref<!tpu.dma_semaphore, #tpu.memory_space<semaphore_mem>>)
        %dma_wait3A_208 = arith.constant 0 : i32
        %dma_wait3A_209 = tpu.memref_slice %arg11[%add3A_198, %dma_wait3A_208] : memref<10240x128xf32, #tpu.memory_space<hbm>> -> memref<128x96xf32, #tpu.memory_space<hbm>>
        %dma_wait3A_210 = arith.constant 0 : i32
        %dma_wait3A_211 = tpu.memref_slice %arg18[%add3A_198, %dma_wait3A_210] : memref<10240x96xf32, #tpu.memory_space<vmem_shared>> -> memref<128x96xf32, #tpu.memory_space<vmem_shared>>
        tpu.wait_dma2 semaphore(%run_scoped3A_203 : memref<!tpu.dma_semaphore, #tpu.memory_space<semaphore_mem>>) src(%dma_wait3A_211 : memref<128x96xf32, #tpu.memory_space<vmem_shared>>) dst(%dma_wait3A_209 : memref<128x96xf32, #tpu.memory_space<hbm>>)
        tpu.yield
      }) : () -> ()
      %mul3A_199 = arith.constant 640 : i32
      %mul3A_200 = arith.muli %arg1, %mul3A_199 : i32
      %add3A_201 = arith.constant 512 : i32
      %add3A_202 = arith.addi %mul3A_200, %add3A_201 : i32
      "tpu.region"() ({
        %run_scoped3A_203 = tpu.sem_alloc : memref<!tpu.dma_semaphore, #tpu.memory_space<semaphore_mem>>
        %dma_start3A_204 = arith.constant 0 : i32
        %dma_start3A_205 = tpu.memref_slice %arg11[%add3A_202, %dma_start3A_204] : memref<10240x128xf32, #tpu.memory_space<hbm>> -> memref<128x96xf32, #tpu.memory_space<hbm>>
        %dma_start3A_206 = arith.constant 0 : i32
        %dma_start3A_207 = tpu.memref_slice %arg18[%add3A_202, %dma_start3A_206] : memref<10240x96xf32, #tpu.memory_space<vmem_shared>> -> memref<128x96xf32, #tpu.memory_space<vmem_shared>>
        tpu.enqueue_dma source(%dma_start3A_207 : memref<128x96xf32, #tpu.memory_space<vmem_shared>>) target(%dma_start3A_205 : memref<128x96xf32, #tpu.memory_space<hbm>>) target_semaphore(%run_scoped3A_203 : memref<!tpu.dma_semaphore, #tpu.memory_space<semaphore_mem>>)
        %dma_wait3A_208 = arith.constant 0 : i32
        %dma_wait3A_209 = tpu.memref_slice %arg11[%add3A_202, %dma_wait3A_208] : memref<10240x128xf32, #tpu.memory_space<hbm>> -> memref<128x96xf32, #tpu.memory_space<hbm>>
        %dma_wait3A_210 = arith.constant 0 : i32
        %dma_wait3A_211 = tpu.memref_slice %arg18[%add3A_202, %dma_wait3A_210] : memref<10240x96xf32, #tpu.memory_space<vmem_shared>> -> memref<128x96xf32, #tpu.memory_space<vmem_shared>>
        tpu.wait_dma2 semaphore(%run_scoped3A_203 : memref<!tpu.dma_semaphore, #tpu.memory_space<semaphore_mem>>) src(%dma_wait3A_211 : memref<128x96xf32, #tpu.memory_space<vmem_shared>>) dst(%dma_wait3A_209 : memref<128x96xf32, #tpu.memory_space<hbm>>)
        tpu.yield
      }) : () -> ()
    } else {
    }
    return
  }
}

module attributes {stable_mosaic.version = 14 : i64} {
  func.func @_prep_body(%arg0: i32, %arg1: memref<1000x288xf32, #tpu.memory_space<vmem>>, %arg2: memref<288x288xf32, #tpu.memory_space<vmem>>, %arg3: memref<32x32xf32, #tpu.memory_space<vmem>>, %arg4: memref<32x32xf32, #tpu.memory_space<vmem>>, %arg5: memref<32x32xf32, #tpu.memory_space<vmem>>, %arg6: memref<1000x96xf32, #tpu.memory_space<vmem>>, %arg7: memref<1000x96xf32, #tpu.memory_space<vmem>>, %arg8: memref<1000x96xf32, #tpu.memory_space<vmem>>, %arg9: memref<1000x288xf32, #tpu.memory_space<vmem>>) attributes {dimension_semantics = [#tpu.dimension_semantics<arbitrary>], iteration_bounds = array<i64: 10>, scalar_prefetch = 0 : i64, scratch_operands = 0 : i64, tpu.core_type = #tpu.core_type<tc>, window_params = [{transform_indices = @transform_0, window_bounds = array<i64: 1000, 288>}, {pipeline_mode = #tpu.pipeline_mode<synchronous>, transform_indices = @transform_1, window_bounds = array<i64: 288, 288>}, {pipeline_mode = #tpu.pipeline_mode<synchronous>, transform_indices = @transform_2, window_bounds = array<i64: 32, 32>}, {pipeline_mode = #tpu.pipeline_mode<synchronous>, transform_indices = @transform_3, window_bounds = array<i64: 32, 32>}, {pipeline_mode = #tpu.pipeline_mode<synchronous>, transform_indices = @transform_4, window_bounds = array<i64: 32, 32>}, {transform_indices = @transform_5, window_bounds = array<i64: 1000, 96>}, {transform_indices = @transform_6, window_bounds = array<i64: 1000, 96>}, {transform_indices = @transform_7, window_bounds = array<i64: 1000, 96>}, {transform_indices = @transform_8, window_bounds = array<i64: 1000, 288>}]} {
    %get3A = arith.constant 0 : index
    %get3A_0 = arith.constant 0 : index
    %get3A_1 = vector.load %arg1[%get3A, %get3A_0] : memref<1000x288xf32, #tpu.memory_space<vmem>>, vector<1000x288xf32>
    %get3A_2 = arith.constant 0 : index
    %get3A_3 = arith.constant 0 : index
    %get3A_4 = vector.load %arg2[%get3A_2, %get3A_3] : memref<288x288xf32, #tpu.memory_space<vmem>>, vector<288x288xf32>
    %dot_general3A = arith.constant dense<0.000000e+00> : vector<1000x288xf32>
    %dot_general3A_5 = tpu.matmul %get3A_1, %get3A_4, %dot_general3A {dimension_numbers = #tpu.dot_dimension_numbers<[1], [0], [0], [1], [0, 0, 1, 1], [], []>, transpose_lhs_hint = false} : vector<1000x288xf32>, vector<288x288xf32>, vector<1000x288xf32> -> vector<1000x288xf32>
    %slice3A = vector.extract_strided_slice %dot_general3A_5 {offsets = [0, 0], sizes = [1000, 32], strides = [1, 1]} : vector<1000x288xf32> to vector<1000x32xf32>
    %integer_pow3A = arith.mulf %slice3A, %slice3A : vector<1000x32xf32>
    %add3A = arith.constant 0.000000e+00 : f32
    %add3A_6 = vector.broadcast %add3A : f32 to vector<1000x32xf32>
    %add3A_7 = arith.addf %add3A_6, %integer_pow3A : vector<1000x32xf32>
    %slice3A_8 = vector.extract_strided_slice %dot_general3A_5 {offsets = [0, 32], sizes = [1000, 32], strides = [1, 1]} : vector<1000x288xf32> to vector<1000x32xf32>
    %integer_pow3A_9 = arith.mulf %slice3A_8, %slice3A_8 : vector<1000x32xf32>
    %add3A_10 = arith.addf %add3A_7, %integer_pow3A_9 : vector<1000x32xf32>
    %slice3A_11 = vector.extract_strided_slice %dot_general3A_5 {offsets = [0, 64], sizes = [1000, 32], strides = [1, 1]} : vector<1000x288xf32> to vector<1000x32xf32>
    %integer_pow3A_12 = arith.mulf %slice3A_11, %slice3A_11 : vector<1000x32xf32>
    %add3A_13 = arith.addf %add3A_10, %integer_pow3A_12 : vector<1000x32xf32>
    %slice3A_14 = vector.extract_strided_slice %dot_general3A_5 {offsets = [0, 96], sizes = [1000, 32], strides = [1, 1]} : vector<1000x288xf32> to vector<1000x32xf32>
    %integer_pow3A_15 = arith.mulf %slice3A_14, %slice3A_14 : vector<1000x32xf32>
    %add3A_16 = arith.addf %add3A_13, %integer_pow3A_15 : vector<1000x32xf32>
    %slice3A_17 = vector.extract_strided_slice %dot_general3A_5 {offsets = [0, 128], sizes = [1000, 32], strides = [1, 1]} : vector<1000x288xf32> to vector<1000x32xf32>
    %integer_pow3A_18 = arith.mulf %slice3A_17, %slice3A_17 : vector<1000x32xf32>
    %add3A_19 = arith.addf %add3A_16, %integer_pow3A_18 : vector<1000x32xf32>
    %slice3A_20 = vector.extract_strided_slice %dot_general3A_5 {offsets = [0, 160], sizes = [1000, 32], strides = [1, 1]} : vector<1000x288xf32> to vector<1000x32xf32>
    %integer_pow3A_21 = arith.mulf %slice3A_20, %slice3A_20 : vector<1000x32xf32>
    %add3A_22 = arith.addf %add3A_19, %integer_pow3A_21 : vector<1000x32xf32>
    %slice3A_23 = vector.extract_strided_slice %dot_general3A_5 {offsets = [0, 192], sizes = [1000, 32], strides = [1, 1]} : vector<1000x288xf32> to vector<1000x32xf32>
    %integer_pow3A_24 = arith.mulf %slice3A_23, %slice3A_23 : vector<1000x32xf32>
    %add3A_25 = arith.addf %add3A_22, %integer_pow3A_24 : vector<1000x32xf32>
    %slice3A_26 = vector.extract_strided_slice %dot_general3A_5 {offsets = [0, 224], sizes = [1000, 32], strides = [1, 1]} : vector<1000x288xf32> to vector<1000x32xf32>
    %integer_pow3A_27 = arith.mulf %slice3A_26, %slice3A_26 : vector<1000x32xf32>
    %add3A_28 = arith.addf %add3A_25, %integer_pow3A_27 : vector<1000x32xf32>
    %slice3A_29 = vector.extract_strided_slice %dot_general3A_5 {offsets = [0, 256], sizes = [1000, 32], strides = [1, 1]} : vector<1000x288xf32> to vector<1000x32xf32>
    %integer_pow3A_30 = arith.mulf %slice3A_29, %slice3A_29 : vector<1000x32xf32>
    %add3A_31 = arith.addf %add3A_28, %integer_pow3A_30 : vector<1000x32xf32>
    %add3A_32 = arith.constant 1.000000e+00 : f32
    %add3A_33 = vector.broadcast %add3A_32 : f32 to vector<1000x32xf32>
    %add3A_34 = arith.addf %add3A_31, %add3A_33 : vector<1000x32xf32>
    %div3A = arith.constant 1.000000e+00 : f32
    %div3A_35 = vector.broadcast %div3A : f32 to vector<1000x32xf32>
    %div3A_36 = arith.divf %div3A_35, %add3A_34 : vector<1000x32xf32>
    %slice3A_37 = vector.extract_strided_slice %dot_general3A_5 {offsets = [0, 0], sizes = [1000, 32], strides = [1, 1]} : vector<1000x288xf32> to vector<1000x32xf32>
    %mul3A = arith.mulf %slice3A_37, %div3A_36 : vector<1000x32xf32>
    %slice3A_38 = vector.extract_strided_slice %dot_general3A_5 {offsets = [0, 32], sizes = [1000, 32], strides = [1, 1]} : vector<1000x288xf32> to vector<1000x32xf32>
    %mul3A_39 = arith.mulf %slice3A_38, %div3A_36 : vector<1000x32xf32>
    %slice3A_40 = vector.extract_strided_slice %dot_general3A_5 {offsets = [0, 64], sizes = [1000, 32], strides = [1, 1]} : vector<1000x288xf32> to vector<1000x32xf32>
    %mul3A_41 = arith.mulf %slice3A_40, %div3A_36 : vector<1000x32xf32>
    %slice3A_42 = vector.extract_strided_slice %dot_general3A_5 {offsets = [0, 96], sizes = [1000, 32], strides = [1, 1]} : vector<1000x288xf32> to vector<1000x32xf32>
    %mul3A_43 = arith.mulf %slice3A_42, %div3A_36 : vector<1000x32xf32>
    %slice3A_44 = vector.extract_strided_slice %dot_general3A_5 {offsets = [0, 128], sizes = [1000, 32], strides = [1, 1]} : vector<1000x288xf32> to vector<1000x32xf32>
    %mul3A_45 = arith.mulf %slice3A_44, %div3A_36 : vector<1000x32xf32>
    %slice3A_46 = vector.extract_strided_slice %dot_general3A_5 {offsets = [0, 160], sizes = [1000, 32], strides = [1, 1]} : vector<1000x288xf32> to vector<1000x32xf32>
    %mul3A_47 = arith.mulf %slice3A_46, %div3A_36 : vector<1000x32xf32>
    %slice3A_48 = vector.extract_strided_slice %dot_general3A_5 {offsets = [0, 192], sizes = [1000, 32], strides = [1, 1]} : vector<1000x288xf32> to vector<1000x32xf32>
    %mul3A_49 = arith.mulf %slice3A_48, %div3A_36 : vector<1000x32xf32>
    %slice3A_50 = vector.extract_strided_slice %dot_general3A_5 {offsets = [0, 224], sizes = [1000, 32], strides = [1, 1]} : vector<1000x288xf32> to vector<1000x32xf32>
    %mul3A_51 = arith.mulf %slice3A_50, %div3A_36 : vector<1000x32xf32>
    %slice3A_52 = vector.extract_strided_slice %dot_general3A_5 {offsets = [0, 256], sizes = [1000, 32], strides = [1, 1]} : vector<1000x288xf32> to vector<1000x32xf32>
    %mul3A_53 = arith.mulf %slice3A_52, %div3A_36 : vector<1000x32xf32>
    %concatenate3A = tpu.concatenate %mul3A, %mul3A_39, %mul3A_41, %mul3A_43, %mul3A_45, %mul3A_47, %mul3A_49, %mul3A_51, %mul3A_53 in 1 : vector<1000x32xf32>, vector<1000x32xf32>, vector<1000x32xf32>, vector<1000x32xf32>, vector<1000x32xf32>, vector<1000x32xf32>, vector<1000x32xf32>, vector<1000x32xf32>, vector<1000x32xf32> -> vector<1000x288xf32>
    %swap3A = arith.constant 0 : index
    %swap3A_54 = arith.constant 0 : index
    %swap3A_55 = vector.load %arg9[%swap3A, %swap3A_54] : memref<1000x288xf32, #tpu.memory_space<vmem>>, vector<1000x288xf32>
    tpu.vector_store %arg9[%swap3A, %swap3A_54], %concatenate3A {strides = array<i32>} : memref<1000x288xf32, #tpu.memory_space<vmem>>, vector<1000x288xf32>,
    %add3A_56 = arith.addf %mul3A, %mul3A_45 : vector<1000x32xf32>
    %add3A_57 = arith.addf %add3A_56, %mul3A_53 : vector<1000x32xf32>
    %mul3A_58 = arith.constant 0.333333343 : f32
    %mul3A_59 = vector.broadcast %mul3A_58 : f32 to vector<1000x32xf32>
    %mul3A_60 = arith.mulf %add3A_57, %mul3A_59 : vector<1000x32xf32>
    %sub3A = arith.subf %mul3A_39, %mul3A_43 : vector<1000x32xf32>
    %mul3A_61 = arith.constant 5.000000e-01 : f32
    %mul3A_62 = vector.broadcast %mul3A_61 : f32 to vector<1000x32xf32>
    %mul3A_63 = arith.mulf %mul3A_62, %sub3A : vector<1000x32xf32>
    %sub3A_64 = arith.subf %mul3A_41, %mul3A_49 : vector<1000x32xf32>
    %mul3A_65 = arith.constant 5.000000e-01 : f32
    %mul3A_66 = vector.broadcast %mul3A_65 : f32 to vector<1000x32xf32>
    %mul3A_67 = arith.mulf %mul3A_66, %sub3A_64 : vector<1000x32xf32>
    %sub3A_68 = arith.subf %mul3A_47, %mul3A_51 : vector<1000x32xf32>
    %mul3A_69 = arith.constant 5.000000e-01 : f32
    %mul3A_70 = vector.broadcast %mul3A_69 : f32 to vector<1000x32xf32>
    %mul3A_71 = arith.mulf %mul3A_70, %sub3A_68 : vector<1000x32xf32>
    %sub3A_72 = arith.subf %mul3A, %mul3A_60 : vector<1000x32xf32>
    %add3A_73 = arith.addf %mul3A_39, %mul3A_43 : vector<1000x32xf32>
    %mul3A_74 = arith.constant 5.000000e-01 : f32
    %mul3A_75 = vector.broadcast %mul3A_74 : f32 to vector<1000x32xf32>
    %mul3A_76 = arith.mulf %mul3A_75, %add3A_73 : vector<1000x32xf32>
    %add3A_77 = arith.addf %mul3A_41, %mul3A_49 : vector<1000x32xf32>
    %mul3A_78 = arith.constant 5.000000e-01 : f32
    %mul3A_79 = vector.broadcast %mul3A_78 : f32 to vector<1000x32xf32>
    %mul3A_80 = arith.mulf %mul3A_79, %add3A_77 : vector<1000x32xf32>
    %sub3A_81 = arith.subf %mul3A_45, %mul3A_60 : vector<1000x32xf32>
    %add3A_82 = arith.addf %mul3A_47, %mul3A_51 : vector<1000x32xf32>
    %mul3A_83 = arith.constant 5.000000e-01 : f32
    %mul3A_84 = vector.broadcast %mul3A_83 : f32 to vector<1000x32xf32>
    %mul3A_85 = arith.mulf %mul3A_84, %add3A_82 : vector<1000x32xf32>
    %get3A_86 = arith.constant 0 : index
    %get3A_87 = arith.constant 0 : index
    %get3A_88 = vector.load %arg4[%get3A_86, %get3A_87] : memref<32x32xf32, #tpu.memory_space<vmem>>, vector<32x32xf32>
    %get3A_89 = arith.constant 0 : index
    %get3A_90 = arith.constant 0 : index
    %get3A_91 = vector.load %arg5[%get3A_89, %get3A_90] : memref<32x32xf32, #tpu.memory_space<vmem>>, vector<32x32xf32>
    %get3A_92 = arith.constant 0 : index
    %get3A_93 = arith.constant 0 : index
    %get3A_94 = vector.load %arg3[%get3A_92, %get3A_93] : memref<32x32xf32, #tpu.memory_space<vmem>>, vector<32x32xf32>
    %dot_general3A_95 = arith.constant dense<0.000000e+00> : vector<1000x32xf32>
    %dot_general3A_96 = tpu.matmul %mul3A_60, %get3A_94, %dot_general3A_95 {dimension_numbers = #tpu.dot_dimension_numbers<[1], [0], [0], [1], [0, 0, 1, 1], [], []>, transpose_lhs_hint = false} : vector<1000x32xf32>, vector<32x32xf32>, vector<1000x32xf32> -> vector<1000x32xf32>
    %dot_general3A_97 = arith.constant dense<0.000000e+00> : vector<1000x32xf32>
    %dot_general3A_98 = tpu.matmul %mul3A_63, %get3A_88, %dot_general3A_97 {dimension_numbers = #tpu.dot_dimension_numbers<[1], [0], [0], [1], [0, 0, 1, 1], [], []>, transpose_lhs_hint = false} : vector<1000x32xf32>, vector<32x32xf32>, vector<1000x32xf32> -> vector<1000x32xf32>
    %dot_general3A_99 = arith.constant dense<0.000000e+00> : vector<1000x32xf32>
    %dot_general3A_100 = tpu.matmul %mul3A_67, %get3A_88, %dot_general3A_99 {dimension_numbers = #tpu.dot_dimension_numbers<[1], [0], [0], [1], [0, 0, 1, 1], [], []>, transpose_lhs_hint = false} : vector<1000x32xf32>, vector<32x32xf32>, vector<1000x32xf32> -> vector<1000x32xf32>
    %concatenate3A_101 = tpu.concatenate %dot_general3A_96, %dot_general3A_98, %dot_general3A_100 in 1 : vector<1000x32xf32>, vector<1000x32xf32>, vector<1000x32xf32> -> vector<1000x96xf32>
    %swap3A_102 = arith.constant 0 : index
    %swap3A_103 = arith.constant 0 : index
    %swap3A_104 = vector.load %arg6[%swap3A_102, %swap3A_103] : memref<1000x96xf32, #tpu.memory_space<vmem>>, vector<1000x96xf32>
    tpu.vector_store %arg6[%swap3A_102, %swap3A_103], %concatenate3A_101 {strides = array<i32>} : memref<1000x96xf32, #tpu.memory_space<vmem>>, vector<1000x96xf32>,
    %dot_general3A_105 = arith.constant dense<0.000000e+00> : vector<1000x32xf32>
    %dot_general3A_106 = tpu.matmul %mul3A_71, %get3A_88, %dot_general3A_105 {dimension_numbers = #tpu.dot_dimension_numbers<[1], [0], [0], [1], [0, 0, 1, 1], [], []>, transpose_lhs_hint = false} : vector<1000x32xf32>, vector<32x32xf32>, vector<1000x32xf32> -> vector<1000x32xf32>
    %dot_general3A_107 = arith.constant dense<0.000000e+00> : vector<1000x32xf32>
    %dot_general3A_108 = tpu.matmul %sub3A_72, %get3A_91, %dot_general3A_107 {dimension_numbers = #tpu.dot_dimension_numbers<[1], [0], [0], [1], [0, 0, 1, 1], [], []>, transpose_lhs_hint = false} : vector<1000x32xf32>, vector<32x32xf32>, vector<1000x32xf32> -> vector<1000x32xf32>
    %dot_general3A_109 = arith.constant dense<0.000000e+00> : vector<1000x32xf32>
    %dot_general3A_110 = tpu.matmul %mul3A_76, %get3A_91, %dot_general3A_109 {dimension_numbers = #tpu.dot_dimension_numbers<[1], [0], [0], [1], [0, 0, 1, 1], [], []>, transpose_lhs_hint = false} : vector<1000x32xf32>, vector<32x32xf32>, vector<1000x32xf32> -> vector<1000x32xf32>
    %concatenate3A_111 = tpu.concatenate %dot_general3A_106, %dot_general3A_108, %dot_general3A_110 in 1 : vector<1000x32xf32>, vector<1000x32xf32>, vector<1000x32xf32> -> vector<1000x96xf32>
    %swap3A_112 = arith.constant 0 : index
    %swap3A_113 = arith.constant 0 : index
    %swap3A_114 = vector.load %arg7[%swap3A_112, %swap3A_113] : memref<1000x96xf32, #tpu.memory_space<vmem>>, vector<1000x96xf32>
    tpu.vector_store %arg7[%swap3A_112, %swap3A_113], %concatenate3A_111 {strides = array<i32>} : memref<1000x96xf32, #tpu.memory_space<vmem>>, vector<1000x96xf32>,
    %dot_general3A_115 = arith.constant dense<0.000000e+00> : vector<1000x32xf32>
    %dot_general3A_116 = tpu.matmul %mul3A_80, %get3A_91, %dot_general3A_115 {dimension_numbers = #tpu.dot_dimension_numbers<[1], [0], [0], [1], [0, 0, 1, 1], [], []>, transpose_lhs_hint = false} : vector<1000x32xf32>, vector<32x32xf32>, vector<1000x32xf32> -> vector<1000x32xf32>
    %dot_general3A_117 = arith.constant dense<0.000000e+00> : vector<1000x32xf32>
    %dot_general3A_118 = tpu.matmul %sub3A_81, %get3A_91, %dot_general3A_117 {dimension_numbers = #tpu.dot_dimension_numbers<[1], [0], [0], [1], [0, 0, 1, 1], [], []>, transpose_lhs_hint = false} : vector<1000x32xf32>, vector<32x32xf32>, vector<1000x32xf32> -> vector<1000x32xf32>
    %dot_general3A_119 = arith.constant dense<0.000000e+00> : vector<1000x32xf32>
    %dot_general3A_120 = tpu.matmul %mul3A_85, %get3A_91, %dot_general3A_119 {dimension_numbers = #tpu.dot_dimension_numbers<[1], [0], [0], [1], [0, 0, 1, 1], [], []>, transpose_lhs_hint = false} : vector<1000x32xf32>, vector<32x32xf32>, vector<1000x32xf32> -> vector<1000x32xf32>
    %concatenate3A_121 = tpu.concatenate %dot_general3A_116, %dot_general3A_118, %dot_general3A_120 in 1 : vector<1000x32xf32>, vector<1000x32xf32>, vector<1000x32xf32> -> vector<1000x96xf32>
    %swap3A_122 = arith.constant 0 : index
    %swap3A_123 = arith.constant 0 : index
    %swap3A_124 = vector.load %arg8[%swap3A_122, %swap3A_123] : memref<1000x96xf32, #tpu.memory_space<vmem>>, vector<1000x96xf32>
    tpu.vector_store %arg8[%swap3A_122, %swap3A_123], %concatenate3A_121 {strides = array<i32>} : memref<1000x96xf32, #tpu.memory_space<vmem>>, vector<1000x96xf32>,
    return
  }
  func.func @transform_0(%arg0: i32) -> (i32, i32) {
    %c0_i32 = arith.constant 0 : i32
    %c0_i32_0 = arith.constant 0 : i32
    return %arg0, %c0_i32 : i32, i32
  }
  func.func @transform_1(%arg0: i32) -> (i32, i32) {
    %c0_i32 = arith.constant 0 : i32
    %c0_i32_0 = arith.constant 0 : i32
    %c0_i32_1 = arith.constant 0 : i32
    return %c0_i32, %c0_i32_0 : i32, i32
  }
  func.func @transform_2(%arg0: i32) -> (i32, i32) {
    %c0_i32 = arith.constant 0 : i32
    %c0_i32_0 = arith.constant 0 : i32
    %c0_i32_1 = arith.constant 0 : i32
    return %c0_i32, %c0_i32_0 : i32, i32
  }
  func.func @transform_3(%arg0: i32) -> (i32, i32) {
    %c0_i32 = arith.constant 0 : i32
    %c0_i32_0 = arith.constant 0 : i32
    %c0_i32_1 = arith.constant 0 : i32
    return %c0_i32, %c0_i32_0 : i32, i32
  }
  func.func @transform_4(%arg0: i32) -> (i32, i32) {
    %c0_i32 = arith.constant 0 : i32
    %c0_i32_0 = arith.constant 0 : i32
    %c0_i32_1 = arith.constant 0 : i32
    return %c0_i32, %c0_i32_0 : i32, i32
  }
  func.func @transform_5(%arg0: i32) -> (i32, i32) {
    %c0_i32 = arith.constant 0 : i32
    %c0_i32_0 = arith.constant 0 : i32
    return %arg0, %c0_i32 : i32, i32
  }
  func.func @transform_6(%arg0: i32) -> (i32, i32) {
    %c0_i32 = arith.constant 0 : i32
    %c0_i32_0 = arith.constant 0 : i32
    return %arg0, %c0_i32 : i32, i32
  }
  func.func @transform_7(%arg0: i32) -> (i32, i32) {
    %c0_i32 = arith.constant 0 : i32
    %c0_i32_0 = arith.constant 0 : i32
    return %arg0, %c0_i32 : i32, i32
  }
  func.func @transform_8(%arg0: i32) -> (i32, i32) {
    %c0_i32 = arith.constant 0 : i32
    %c0_i32_0 = arith.constant 0 : i32
    return %arg0, %c0_i32 : i32, i32
  }
}

module attributes {stable_mosaic.version = 14 : i64} {
  func.func @_mlp_body(%arg0: i32, %arg1: memref<3200x8xf32, #tpu.memory_space<vmem>>, %arg2: memref<160000xf32, #tpu.memory_space<vmem>>, %arg3: memref<8x32xf32, #tpu.memory_space<vmem>>, %arg4: memref<1x32xf32, #tpu.memory_space<vmem>>, %arg5: memref<32x64xf32, #tpu.memory_space<vmem>>, %arg6: memref<1x64xf32, #tpu.memory_space<vmem>>, %arg7: memref<64x96xf32, #tpu.memory_space<vmem>>, %arg8: memref<1x96xf32, #tpu.memory_space<vmem>>, %arg9: memref<3200x128xf32, #tpu.memory_space<vmem>>) attributes {dimension_semantics = [#tpu.dimension_semantics<arbitrary>], iteration_bounds = array<i64: 50>, scalar_prefetch = 0 : i64, scratch_operands = 0 : i64, tpu.core_type = #tpu.core_type<tc>, window_params = [{transform_indices = @transform_0, window_bounds = array<i64: 3200, 8>}, {pipeline_mode = #tpu.pipeline_mode<synchronous>, transform_indices = @transform_1, window_bounds = array<i64: 160000>}, {pipeline_mode = #tpu.pipeline_mode<synchronous>, transform_indices = @transform_2, window_bounds = array<i64: 8, 32>}, {pipeline_mode = #tpu.pipeline_mode<synchronous>, transform_indices = @transform_3, window_bounds = array<i64: 1, 32>}, {pipeline_mode = #tpu.pipeline_mode<synchronous>, transform_indices = @transform_4, window_bounds = array<i64: 32, 64>}, {pipeline_mode = #tpu.pipeline_mode<synchronous>, transform_indices = @transform_5, window_bounds = array<i64: 1, 64>}, {pipeline_mode = #tpu.pipeline_mode<synchronous>, transform_indices = @transform_6, window_bounds = array<i64: 64, 96>}, {pipeline_mode = #tpu.pipeline_mode<synchronous>, transform_indices = @transform_7, window_bounds = array<i64: 1, 96>}, {transform_indices = @transform_8, window_bounds = array<i64: 3200, 128>}]} {
    %get3A = arith.constant 0 : index
    %get3A_0 = arith.constant 0 : index
    %get3A_1 = vector.load %arg1[%get3A, %get3A_0] : memref<3200x8xf32, #tpu.memory_space<vmem>>, vector<3200x8xf32>
    %get3A_2 = arith.constant 0 : index
    %get3A_3 = arith.constant 0 : index
    %get3A_4 = vector.load %arg3[%get3A_2, %get3A_3] : memref<8x32xf32, #tpu.memory_space<vmem>>, vector<8x32xf32>
    %dot_general3A = arith.constant dense<0.000000e+00> : vector<3200x32xf32>
    %dot_general3A_5 = tpu.matmul %get3A_1, %get3A_4, %dot_general3A {dimension_numbers = #tpu.dot_dimension_numbers<[1], [0], [0], [1], [0, 0, 1, 1], [], []>, transpose_lhs_hint = false} : vector<3200x8xf32>, vector<8x32xf32>, vector<3200x32xf32> -> vector<3200x32xf32>
    %get3A_6 = arith.constant 0 : index
    %get3A_7 = arith.constant 0 : index
    %get3A_8 = vector.load %arg4[%get3A_6, %get3A_7] : memref<1x32xf32, #tpu.memory_space<vmem>>, vector<1x32xf32>
    %add3A = vector.broadcast %get3A_8 : vector<1x32xf32> to vector<3200x32xf32>
    %add3A_9 = arith.addf %dot_general3A_5, %add3A : vector<3200x32xf32>
    %logistic3A = arith.negf %add3A_9 : vector<3200x32xf32>
    %logistic3A_10 = math.exp %logistic3A : vector<3200x32xf32>
    %logistic3A_11 = arith.constant 1.000000e+00 : f32
    %logistic3A_12 = vector.broadcast %logistic3A_11 : f32 to vector<3200x32xf32>
    %logistic3A_13 = arith.addf %logistic3A_12, %logistic3A_10 : vector<3200x32xf32>
    %logistic3A_14 = arith.divf %logistic3A_12, %logistic3A_13 : vector<3200x32xf32>
    %mul3A = arith.mulf %add3A_9, %logistic3A_14 : vector<3200x32xf32>
    %get3A_15 = arith.constant 0 : index
    %get3A_16 = arith.constant 0 : index
    %get3A_17 = vector.load %arg5[%get3A_15, %get3A_16] : memref<32x64xf32, #tpu.memory_space<vmem>>, vector<32x64xf32>
    %dot_general3A_18 = arith.constant dense<0.000000e+00> : vector<3200x64xf32>
    %dot_general3A_19 = tpu.matmul %mul3A, %get3A_17, %dot_general3A_18 {dimension_numbers = #tpu.dot_dimension_numbers<[1], [0], [0], [1], [0, 0, 1, 1], [], []>, transpose_lhs_hint = false} : vector<3200x32xf32>, vector<32x64xf32>, vector<3200x64xf32> -> vector<3200x64xf32>
    %get3A_20 = arith.constant 0 : index
    %get3A_21 = arith.constant 0 : index
    %get3A_22 = vector.load %arg6[%get3A_20, %get3A_21] : memref<1x64xf32, #tpu.memory_space<vmem>>, vector<1x64xf32>
    %add3A_23 = vector.broadcast %get3A_22 : vector<1x64xf32> to vector<3200x64xf32>
    %add3A_24 = arith.addf %dot_general3A_19, %add3A_23 : vector<3200x64xf32>
    %logistic3A_25 = arith.negf %add3A_24 : vector<3200x64xf32>
    %logistic3A_26 = math.exp %logistic3A_25 : vector<3200x64xf32>
    %logistic3A_27 = arith.constant 1.000000e+00 : f32
    %logistic3A_28 = vector.broadcast %logistic3A_27 : f32 to vector<3200x64xf32>
    %logistic3A_29 = arith.addf %logistic3A_28, %logistic3A_26 : vector<3200x64xf32>
    %logistic3A_30 = arith.divf %logistic3A_28, %logistic3A_29 : vector<3200x64xf32>
    %mul3A_31 = arith.mulf %add3A_24, %logistic3A_30 : vector<3200x64xf32>
    %mul3A_32 = arith.constant 3200 : i32
    %mul3A_33 = arith.muli %arg0, %mul3A_32 : i32
    %get3A_34 = arith.index_cast %mul3A_33 : i32 to index
    %get3A_35 = vector.load %arg2[%get3A_34] : memref<160000xf32, #tpu.memory_space<vmem>>, vector<3200xf32>
    %get3A_36 = arith.constant 0 : index
    %get3A_37 = arith.constant 0 : index
    %get3A_38 = vector.load %arg7[%get3A_36, %get3A_37] : memref<64x96xf32, #tpu.memory_space<vmem>>, vector<64x96xf32>
    %dot_general3A_39 = arith.constant dense<0.000000e+00> : vector<3200x96xf32>
    %dot_general3A_40 = tpu.matmul %mul3A_31, %get3A_38, %dot_general3A_39 {dimension_numbers = #tpu.dot_dimension_numbers<[1], [0], [0], [1], [0, 0, 1, 1], [], []>, transpose_lhs_hint = false} : vector<3200x64xf32>, vector<64x96xf32>, vector<3200x96xf32> -> vector<3200x96xf32>
    %get3A_41 = arith.constant 0 : index
    %get3A_42 = arith.constant 0 : index
    %get3A_43 = vector.load %arg8[%get3A_41, %get3A_42] : memref<1x96xf32, #tpu.memory_space<vmem>>, vector<1x96xf32>
    %add3A_44 = vector.broadcast %get3A_43 : vector<1x96xf32> to vector<3200x96xf32>
    %add3A_45 = arith.addf %dot_general3A_40, %add3A_44 : vector<3200x96xf32>
    %logistic3A_46 = arith.negf %add3A_45 : vector<3200x96xf32>
    %logistic3A_47 = math.exp %logistic3A_46 : vector<3200x96xf32>
    %logistic3A_48 = arith.constant 1.000000e+00 : f32
    %logistic3A_49 = vector.broadcast %logistic3A_48 : f32 to vector<3200x96xf32>
    %logistic3A_50 = arith.addf %logistic3A_49, %logistic3A_47 : vector<3200x96xf32>
    %logistic3A_51 = arith.divf %logistic3A_49, %logistic3A_50 : vector<3200x96xf32>
    %mul3A_52 = arith.mulf %add3A_45, %logistic3A_51 : vector<3200x96xf32>
    %broadcast_in_dim3A = vector.shape_cast %get3A_35 : vector<3200xf32> to vector<3200x1xf32>
    %mul3A_53 = vector.broadcast %broadcast_in_dim3A : vector<3200x1xf32> to vector<3200x96xf32>
    %mul3A_54 = arith.mulf %mul3A_52, %mul3A_53 : vector<3200x96xf32>
    %broadcast_in_dim3A_55 = arith.constant 0.000000e+00 : f32
    %broadcast_in_dim3A_56 = vector.broadcast %broadcast_in_dim3A_55 : f32 to vector<3200x32xf32>
    %concatenate3A = tpu.concatenate %mul3A_54, %broadcast_in_dim3A_56 in 1 : vector<3200x96xf32>, vector<3200x32xf32> -> vector<3200x128xf32>
    %swap3A = arith.constant 0 : index
    %swap3A_57 = arith.constant 0 : index
    %swap3A_58 = vector.load %arg9[%swap3A, %swap3A_57] : memref<3200x128xf32, #tpu.memory_space<vmem>>, vector<3200x128xf32>
    tpu.vector_store %arg9[%swap3A, %swap3A_57], %concatenate3A {strides = array<i32>} : memref<3200x128xf32, #tpu.memory_space<vmem>>, vector<3200x128xf32>,
    return
  }
  func.func @transform_0(%arg0: i32) -> (i32, i32) {
    %c0_i32 = arith.constant 0 : i32
    %c0_i32_0 = arith.constant 0 : i32
    return %arg0, %c0_i32 : i32, i32
  }
  func.func @transform_1(%arg0: i32) -> i32 {
    %c0_i32 = arith.constant 0 : i32
    %c0_i32_0 = arith.constant 0 : i32
    return %c0_i32 : i32
  }
  func.func @transform_2(%arg0: i32) -> (i32, i32) {
    %c0_i32 = arith.constant 0 : i32
    %c0_i32_0 = arith.constant 0 : i32
    %c0_i32_1 = arith.constant 0 : i32
    return %c0_i32, %c0_i32_0 : i32, i32
  }
  func.func @transform_3(%arg0: i32) -> (i32, i32) {
    %c0_i32 = arith.constant 0 : i32
    %c0_i32_0 = arith.constant 0 : i32
    %c0_i32_1 = arith.constant 0 : i32
    return %c0_i32, %c0_i32_0 : i32, i32
  }
  func.func @transform_4(%arg0: i32) -> (i32, i32) {
    %c0_i32 = arith.constant 0 : i32
    %c0_i32_0 = arith.constant 0 : i32
    %c0_i32_1 = arith.constant 0 : i32
    return %c0_i32, %c0_i32_0 : i32, i32
  }
  func.func @transform_5(%arg0: i32) -> (i32, i32) {
    %c0_i32 = arith.constant 0 : i32
    %c0_i32_0 = arith.constant 0 : i32
    %c0_i32_1 = arith.constant 0 : i32
    return %c0_i32, %c0_i32_0 : i32, i32
  }
  func.func @transform_6(%arg0: i32) -> (i32, i32) {
    %c0_i32 = arith.constant 0 : i32
    %c0_i32_0 = arith.constant 0 : i32
    %c0_i32_1 = arith.constant 0 : i32
    return %c0_i32, %c0_i32_0 : i32, i32
  }
  func.func @transform_7(%arg0: i32) -> (i32, i32) {
    %c0_i32 = arith.constant 0 : i32
    %c0_i32_0 = arith.constant 0 : i32
    %c0_i32_1 = arith.constant 0 : i32
    return %c0_i32, %c0_i32_0 : i32, i32
  }
  func.func @transform_8(%arg0: i32) -> (i32, i32) {
    %c0_i32 = arith.constant 0 : i32
    %c0_i32_0 = arith.constant 0 : i32
    return %arg0, %c0_i32 : i32, i32
  }
}

module attributes {stable_mosaic.version = 14 : i64} {
  func.func @_tail_body(%arg0: i32, %arg1: memref<1000x128xf32, #tpu.memory_space<vmem>>, %arg2: memref<1000x128xf32, #tpu.memory_space<vmem>>, %arg3: memref<1000x128xf32, #tpu.memory_space<vmem>>, %arg4: memref<1000x128xf32, #tpu.memory_space<vmem>>, %arg5: memref<1000x96xf32, #tpu.memory_space<vmem>>, %arg6: memref<1000x96xf32, #tpu.memory_space<vmem>>, %arg7: memref<1000x96xf32, #tpu.memory_space<vmem>>, %arg8: memref<1000x288xf32, #tpu.memory_space<vmem>>, %arg9: memref<288x288xf32, #tpu.memory_space<vmem>>, %arg10: memref<32x32xf32, #tpu.memory_space<vmem>>, %arg11: memref<32x32xf32, #tpu.memory_space<vmem>>, %arg12: memref<32x32xf32, #tpu.memory_space<vmem>>, %arg13: memref<1000x288xf32, #tpu.memory_space<vmem>>) attributes {dimension_semantics = [#tpu.dimension_semantics<arbitrary>], iteration_bounds = array<i64: 10>, scalar_prefetch = 0 : i64, scratch_operands = 0 : i64, tpu.core_type = #tpu.core_type<tc>, window_params = [{transform_indices = @transform_0, window_bounds = array<i64: 1000, 128>}, {transform_indices = @transform_1, window_bounds = array<i64: 1000, 128>}, {transform_indices = @transform_2, window_bounds = array<i64: 1000, 128>}, {transform_indices = @transform_3, window_bounds = array<i64: 1000, 128>}, {transform_indices = @transform_4, window_bounds = array<i64: 1000, 96>}, {transform_indices = @transform_5, window_bounds = array<i64: 1000, 96>}, {transform_indices = @transform_6, window_bounds = array<i64: 1000, 96>}, {transform_indices = @transform_7, window_bounds = array<i64: 1000, 288>}, {pipeline_mode = #tpu.pipeline_mode<synchronous>, transform_indices = @transform_8, window_bounds = array<i64: 288, 288>}, {pipeline_mode = #tpu.pipeline_mode<synchronous>, transform_indices = @transform_9, window_bounds = array<i64: 32, 32>}, {pipeline_mode = #tpu.pipeline_mode<synchronous>, transform_indices = @transform_10, window_bounds = array<i64: 32, 32>}, {pipeline_mode = #tpu.pipeline_mode<synchronous>, transform_indices = @transform_11, window_bounds = array<i64: 32, 32>}, {transform_indices = @transform_12, window_bounds = array<i64: 1000, 288>}]} {
    %get3A = arith.constant 0 : index
    %get3A_0 = arith.constant 0 : index
    %get3A_1 = vector.load %arg1[%get3A, %get3A_0] : memref<1000x128xf32, #tpu.memory_space<vmem>>, vector<1000x128xf32>
    %slice3A = vector.extract_strided_slice %get3A_1 {offsets = [0, 0], sizes = [1000, 96], strides = [1, 1]} : vector<1000x128xf32> to vector<1000x96xf32>
    %get3A_2 = arith.constant 0 : index
    %get3A_3 = arith.constant 0 : index
    %get3A_4 = vector.load %arg2[%get3A_2, %get3A_3] : memref<1000x128xf32, #tpu.memory_space<vmem>>, vector<1000x128xf32>
    %slice3A_5 = vector.extract_strided_slice %get3A_4 {offsets = [0, 0], sizes = [1000, 96], strides = [1, 1]} : vector<1000x128xf32> to vector<1000x96xf32>
    %get3A_6 = arith.constant 0 : index
    %get3A_7 = arith.constant 0 : index
    %get3A_8 = vector.load %arg3[%get3A_6, %get3A_7] : memref<1000x128xf32, #tpu.memory_space<vmem>>, vector<1000x128xf32>
    %slice3A_9 = vector.extract_strided_slice %get3A_8 {offsets = [0, 0], sizes = [1000, 96], strides = [1, 1]} : vector<1000x128xf32> to vector<1000x96xf32>
    %get3A_10 = arith.constant 0 : index
    %get3A_11 = arith.constant 0 : index
    %get3A_12 = vector.load %arg4[%get3A_10, %get3A_11] : memref<1000x128xf32, #tpu.memory_space<vmem>>, vector<1000x128xf32>
    %slice3A_13 = vector.extract_strided_slice %get3A_12 {offsets = [0, 0], sizes = [1000, 96], strides = [1, 1]} : vector<1000x128xf32> to vector<1000x96xf32>
    %add3A = arith.addf %slice3A_9, %slice3A_13 : vector<1000x96xf32>
    %slice3A_14 = vector.extract_strided_slice %slice3A {offsets = [0, 0], sizes = [1000, 32], strides = [1, 1]} : vector<1000x96xf32> to vector<1000x32xf32>
    %slice3A_15 = vector.extract_strided_slice %slice3A {offsets = [0, 32], sizes = [1000, 32], strides = [1, 1]} : vector<1000x96xf32> to vector<1000x32xf32>
    %slice3A_16 = vector.extract_strided_slice %slice3A {offsets = [0, 64], sizes = [1000, 32], strides = [1, 1]} : vector<1000x96xf32> to vector<1000x32xf32>
    %slice3A_17 = vector.extract_strided_slice %slice3A_5 {offsets = [0, 0], sizes = [1000, 32], strides = [1, 1]} : vector<1000x96xf32> to vector<1000x32xf32>
    %slice3A_18 = vector.extract_strided_slice %slice3A_5 {offsets = [0, 32], sizes = [1000, 32], strides = [1, 1]} : vector<1000x96xf32> to vector<1000x32xf32>
    %slice3A_19 = vector.extract_strided_slice %slice3A_5 {offsets = [0, 64], sizes = [1000, 32], strides = [1, 1]} : vector<1000x96xf32> to vector<1000x32xf32>
    %slice3A_20 = vector.extract_strided_slice %add3A {offsets = [0, 0], sizes = [1000, 32], strides = [1, 1]} : vector<1000x96xf32> to vector<1000x32xf32>
    %slice3A_21 = vector.extract_strided_slice %add3A {offsets = [0, 32], sizes = [1000, 32], strides = [1, 1]} : vector<1000x96xf32> to vector<1000x32xf32>
    %slice3A_22 = vector.extract_strided_slice %add3A {offsets = [0, 64], sizes = [1000, 32], strides = [1, 1]} : vector<1000x96xf32> to vector<1000x32xf32>
    %add3A_23 = arith.addf %slice3A_18, %slice3A_21 : vector<1000x32xf32>
    %neg3A = arith.constant 0.000000e+00 : f32
    %neg3A_24 = vector.broadcast %neg3A : f32 to vector<1000x32xf32>
    %neg3A_25 = arith.subf %neg3A_24, %add3A_23 : vector<1000x32xf32>
    %add3A_26 = arith.addf %slice3A_14, %slice3A_18 : vector<1000x32xf32>
    %add3A_27 = arith.addf %slice3A_15, %slice3A_19 : vector<1000x32xf32>
    %add3A_28 = arith.addf %slice3A_16, %slice3A_20 : vector<1000x32xf32>
    %neg3A_29 = arith.constant 0.000000e+00 : f32
    %neg3A_30 = vector.broadcast %neg3A_29 : f32 to vector<1000x32xf32>
    %neg3A_31 = arith.subf %neg3A_30, %slice3A_15 : vector<1000x32xf32>
    %add3A_32 = arith.addf %neg3A_31, %slice3A_19 : vector<1000x32xf32>
    %add3A_33 = arith.addf %slice3A_14, %slice3A_21 : vector<1000x32xf32>
    %add3A_34 = arith.addf %slice3A_17, %slice3A_22 : vector<1000x32xf32>
    %neg3A_35 = arith.constant 0.000000e+00 : f32
    %neg3A_36 = vector.broadcast %neg3A_35 : f32 to vector<1000x32xf32>
    %neg3A_37 = arith.subf %neg3A_36, %slice3A_16 : vector<1000x32xf32>
    %add3A_38 = arith.addf %neg3A_37, %slice3A_20 : vector<1000x32xf32>
    %neg3A_39 = arith.constant 0.000000e+00 : f32
    %neg3A_40 = vector.broadcast %neg3A_39 : f32 to vector<1000x32xf32>
    %neg3A_41 = arith.subf %neg3A_40, %slice3A_17 : vector<1000x32xf32>
    %add3A_42 = arith.addf %neg3A_41, %slice3A_22 : vector<1000x32xf32>
    %add3A_43 = arith.addf %slice3A_14, %neg3A_25 : vector<1000x32xf32>
    %get3A_44 = arith.constant 0 : index
    %get3A_45 = arith.constant 0 : index
    %get3A_46 = vector.load %arg5[%get3A_44, %get3A_45] : memref<1000x96xf32, #tpu.memory_space<vmem>>, vector<1000x96xf32>
    %get3A_47 = arith.constant 0 : index
    %get3A_48 = arith.constant 0 : index
    %get3A_49 = vector.load %arg6[%get3A_47, %get3A_48] : memref<1000x96xf32, #tpu.memory_space<vmem>>, vector<1000x96xf32>
    %get3A_50 = arith.constant 0 : index
    %get3A_51 = arith.constant 0 : index
    %get3A_52 = vector.load %arg7[%get3A_50, %get3A_51] : memref<1000x96xf32, #tpu.memory_space<vmem>>, vector<1000x96xf32>
    %slice3A_53 = vector.extract_strided_slice %get3A_46 {offsets = [0, 0], sizes = [1000, 32], strides = [1, 1]} : vector<1000x96xf32> to vector<1000x32xf32>
    %slice3A_54 = vector.extract_strided_slice %get3A_46 {offsets = [0, 32], sizes = [1000, 32], strides = [1, 1]} : vector<1000x96xf32> to vector<1000x32xf32>
    %slice3A_55 = vector.extract_strided_slice %get3A_46 {offsets = [0, 64], sizes = [1000, 32], strides = [1, 1]} : vector<1000x96xf32> to vector<1000x32xf32>
    %slice3A_56 = vector.extract_strided_slice %get3A_49 {offsets = [0, 0], sizes = [1000, 32], strides = [1, 1]} : vector<1000x96xf32> to vector<1000x32xf32>
    %slice3A_57 = vector.extract_strided_slice %get3A_49 {offsets = [0, 32], sizes = [1000, 32], strides = [1, 1]} : vector<1000x96xf32> to vector<1000x32xf32>
    %slice3A_58 = vector.extract_strided_slice %get3A_49 {offsets = [0, 64], sizes = [1000, 32], strides = [1, 1]} : vector<1000x96xf32> to vector<1000x32xf32>
    %slice3A_59 = vector.extract_strided_slice %get3A_52 {offsets = [0, 0], sizes = [1000, 32], strides = [1, 1]} : vector<1000x96xf32> to vector<1000x32xf32>
    %slice3A_60 = vector.extract_strided_slice %get3A_52 {offsets = [0, 32], sizes = [1000, 32], strides = [1, 1]} : vector<1000x96xf32> to vector<1000x32xf32>
    %slice3A_61 = vector.extract_strided_slice %get3A_52 {offsets = [0, 64], sizes = [1000, 32], strides = [1, 1]} : vector<1000x96xf32> to vector<1000x32xf32>
    %add3A_62 = arith.addf %slice3A_57, %slice3A_60 : vector<1000x32xf32>
    %neg3A_63 = arith.constant 0.000000e+00 : f32
    %neg3A_64 = vector.broadcast %neg3A_63 : f32 to vector<1000x32xf32>
    %neg3A_65 = arith.subf %neg3A_64, %add3A_62 : vector<1000x32xf32>
    %add3A_66 = arith.addf %slice3A_53, %slice3A_57 : vector<1000x32xf32>
    %add3A_67 = arith.addf %slice3A_54, %slice3A_58 : vector<1000x32xf32>
    %add3A_68 = arith.addf %slice3A_55, %slice3A_59 : vector<1000x32xf32>
    %neg3A_69 = arith.constant 0.000000e+00 : f32
    %neg3A_70 = vector.broadcast %neg3A_69 : f32 to vector<1000x32xf32>
    %neg3A_71 = arith.subf %neg3A_70, %slice3A_54 : vector<1000x32xf32>
    %add3A_72 = arith.addf %neg3A_71, %slice3A_58 : vector<1000x32xf32>
    %add3A_73 = arith.addf %slice3A_53, %slice3A_60 : vector<1000x32xf32>
    %add3A_74 = arith.addf %slice3A_56, %slice3A_61 : vector<1000x32xf32>
    %neg3A_75 = arith.constant 0.000000e+00 : f32
    %neg3A_76 = vector.broadcast %neg3A_75 : f32 to vector<1000x32xf32>
    %neg3A_77 = arith.subf %neg3A_76, %slice3A_55 : vector<1000x32xf32>
    %add3A_78 = arith.addf %neg3A_77, %slice3A_59 : vector<1000x32xf32>
    %neg3A_79 = arith.constant 0.000000e+00 : f32
    %neg3A_80 = vector.broadcast %neg3A_79 : f32 to vector<1000x32xf32>
    %neg3A_81 = arith.subf %neg3A_80, %slice3A_56 : vector<1000x32xf32>
    %add3A_82 = arith.addf %neg3A_81, %slice3A_61 : vector<1000x32xf32>
    %add3A_83 = arith.addf %slice3A_53, %neg3A_65 : vector<1000x32xf32>
    %mul3A = arith.mulf %add3A_26, %add3A_66 : vector<1000x32xf32>
    %mul3A_84 = arith.mulf %add3A_66, %add3A_26 : vector<1000x32xf32>
    %add3A_85 = arith.addf %mul3A, %mul3A_84 : vector<1000x32xf32>
    %add3A_86 = arith.constant 0.000000e+00 : f32
    %add3A_87 = vector.broadcast %add3A_86 : f32 to vector<1000x32xf32>
    %add3A_88 = arith.addf %add3A_87, %add3A_85 : vector<1000x32xf32>
    %mul3A_89 = arith.mulf %add3A_27, %add3A_72 : vector<1000x32xf32>
    %mul3A_90 = arith.mulf %add3A_67, %add3A_32 : vector<1000x32xf32>
    %add3A_91 = arith.addf %mul3A_89, %mul3A_90 : vector<1000x32xf32>
    %add3A_92 = arith.addf %add3A_88, %add3A_91 : vector<1000x32xf32>
    %mul3A_93 = arith.mulf %add3A_28, %add3A_78 : vector<1000x32xf32>
    %mul3A_94 = arith.mulf %add3A_68, %add3A_38 : vector<1000x32xf32>
    %add3A_95 = arith.addf %mul3A_93, %mul3A_94 : vector<1000x32xf32>
    %add3A_96 = arith.addf %add3A_92, %add3A_95 : vector<1000x32xf32>
    %mul3A_97 = arith.mulf %add3A_26, %add3A_67 : vector<1000x32xf32>
    %mul3A_98 = arith.mulf %add3A_66, %add3A_27 : vector<1000x32xf32>
    %add3A_99 = arith.addf %mul3A_97, %mul3A_98 : vector<1000x32xf32>
    %add3A_100 = arith.constant 0.000000e+00 : f32
    %add3A_101 = vector.broadcast %add3A_100 : f32 to vector<1000x32xf32>
    %add3A_102 = arith.addf %add3A_101, %add3A_99 : vector<1000x32xf32>
    %mul3A_103 = arith.mulf %add3A_27, %add3A_73 : vector<1000x32xf32>
    %mul3A_104 = arith.mulf %add3A_67, %add3A_33 : vector<1000x32xf32>
    %add3A_105 = arith.addf %mul3A_103, %mul3A_104 : vector<1000x32xf32>
    %add3A_106 = arith.addf %add3A_102, %add3A_105 : vector<1000x32xf32>
    %mul3A_107 = arith.mulf %add3A_28, %add3A_82 : vector<1000x32xf32>
    %mul3A_108 = arith.mulf %add3A_68, %add3A_42 : vector<1000x32xf32>
    %add3A_109 = arith.addf %mul3A_107, %mul3A_108 : vector<1000x32xf32>
    %add3A_110 = arith.addf %add3A_106, %add3A_109 : vector<1000x32xf32>
    %mul3A_111 = arith.mulf %add3A_26, %add3A_68 : vector<1000x32xf32>
    %mul3A_112 = arith.mulf %add3A_66, %add3A_28 : vector<1000x32xf32>
    %add3A_113 = arith.addf %mul3A_111, %mul3A_112 : vector<1000x32xf32>
    %add3A_114 = arith.constant 0.000000e+00 : f32
    %add3A_115 = vector.broadcast %add3A_114 : f32 to vector<1000x32xf32>
    %add3A_116 = arith.addf %add3A_115, %add3A_113 : vector<1000x32xf32>
    %mul3A_117 = arith.mulf %add3A_27, %add3A_74 : vector<1000x32xf32>
    %mul3A_118 = arith.mulf %add3A_67, %add3A_34 : vector<1000x32xf32>
    %add3A_119 = arith.addf %mul3A_117, %mul3A_118 : vector<1000x32xf32>
    %add3A_120 = arith.addf %add3A_116, %add3A_119 : vector<1000x32xf32>
    %mul3A_121 = arith.mulf %add3A_28, %add3A_83 : vector<1000x32xf32>
    %mul3A_122 = arith.mulf %add3A_68, %add3A_43 : vector<1000x32xf32>
    %add3A_123 = arith.addf %mul3A_121, %mul3A_122 : vector<1000x32xf32>
    %add3A_124 = arith.addf %add3A_120, %add3A_123 : vector<1000x32xf32>
    %mul3A_125 = arith.mulf %add3A_32, %add3A_66 : vector<1000x32xf32>
    %mul3A_126 = arith.mulf %add3A_72, %add3A_26 : vector<1000x32xf32>
    %add3A_127 = arith.addf %mul3A_125, %mul3A_126 : vector<1000x32xf32>
    %add3A_128 = arith.constant 0.000000e+00 : f32
    %add3A_129 = vector.broadcast %add3A_128 : f32 to vector<1000x32xf32>
    %add3A_130 = arith.addf %add3A_129, %add3A_127 : vector<1000x32xf32>
    %mul3A_131 = arith.mulf %add3A_33, %add3A_72 : vector<1000x32xf32>
    %mul3A_132 = arith.mulf %add3A_73, %add3A_32 : vector<1000x32xf32>
    %add3A_133 = arith.addf %mul3A_131, %mul3A_132 : vector<1000x32xf32>
    %add3A_134 = arith.addf %add3A_130, %add3A_133 : vector<1000x32xf32>
    %mul3A_135 = arith.mulf %add3A_34, %add3A_78 : vector<1000x32xf32>
    %mul3A_136 = arith.mulf %add3A_74, %add3A_38 : vector<1000x32xf32>
    %add3A_137 = arith.addf %mul3A_135, %mul3A_136 : vector<1000x32xf32>
    %add3A_138 = arith.addf %add3A_134, %add3A_137 : vector<1000x32xf32>
    %mul3A_139 = arith.mulf %add3A_32, %add3A_67 : vector<1000x32xf32>
    %mul3A_140 = arith.mulf %add3A_72, %add3A_27 : vector<1000x32xf32>
    %add3A_141 = arith.addf %mul3A_139, %mul3A_140 : vector<1000x32xf32>
    %add3A_142 = arith.constant 0.000000e+00 : f32
    %add3A_143 = vector.broadcast %add3A_142 : f32 to vector<1000x32xf32>
    %add3A_144 = arith.addf %add3A_143, %add3A_141 : vector<1000x32xf32>
    %mul3A_145 = arith.mulf %add3A_33, %add3A_73 : vector<1000x32xf32>
    %mul3A_146 = arith.mulf %add3A_73, %add3A_33 : vector<1000x32xf32>
    %add3A_147 = arith.addf %mul3A_145, %mul3A_146 : vector<1000x32xf32>
    %add3A_148 = arith.addf %add3A_144, %add3A_147 : vector<1000x32xf32>
    %mul3A_149 = arith.mulf %add3A_34, %add3A_82 : vector<1000x32xf32>
    %mul3A_150 = arith.mulf %add3A_74, %add3A_42 : vector<1000x32xf32>
    %add3A_151 = arith.addf %mul3A_149, %mul3A_150 : vector<1000x32xf32>
    %add3A_152 = arith.addf %add3A_148, %add3A_151 : vector<1000x32xf32>
    %mul3A_153 = arith.mulf %add3A_32, %add3A_68 : vector<1000x32xf32>
    %mul3A_154 = arith.mulf %add3A_72, %add3A_28 : vector<1000x32xf32>
    %add3A_155 = arith.addf %mul3A_153, %mul3A_154 : vector<1000x32xf32>
    %add3A_156 = arith.constant 0.000000e+00 : f32
    %add3A_157 = vector.broadcast %add3A_156 : f32 to vector<1000x32xf32>
    %add3A_158 = arith.addf %add3A_157, %add3A_155 : vector<1000x32xf32>
    %mul3A_159 = arith.mulf %add3A_33, %add3A_74 : vector<1000x32xf32>
    %mul3A_160 = arith.mulf %add3A_73, %add3A_34 : vector<1000x32xf32>
    %add3A_161 = arith.addf %mul3A_159, %mul3A_160 : vector<1000x32xf32>
    %add3A_162 = arith.addf %add3A_158, %add3A_161 : vector<1000x32xf32>
    %mul3A_163 = arith.mulf %add3A_34, %add3A_83 : vector<1000x32xf32>
    %mul3A_164 = arith.mulf %add3A_74, %add3A_43 : vector<1000x32xf32>
    %add3A_165 = arith.addf %mul3A_163, %mul3A_164 : vector<1000x32xf32>
    %add3A_166 = arith.addf %add3A_162, %add3A_165 : vector<1000x32xf32>
    %mul3A_167 = arith.mulf %add3A_38, %add3A_66 : vector<1000x32xf32>
    %mul3A_168 = arith.mulf %add3A_78, %add3A_26 : vector<1000x32xf32>
    %add3A_169 = arith.addf %mul3A_167, %mul3A_168 : vector<1000x32xf32>
    %add3A_170 = arith.constant 0.000000e+00 : f32
    %add3A_171 = vector.broadcast %add3A_170 : f32 to vector<1000x32xf32>
    %add3A_172 = arith.addf %add3A_171, %add3A_169 : vector<1000x32xf32>
    %mul3A_173 = arith.mulf %add3A_42, %add3A_72 : vector<1000x32xf32>
    %mul3A_174 = arith.mulf %add3A_82, %add3A_32 : vector<1000x32xf32>
    %add3A_175 = arith.addf %mul3A_173, %mul3A_174 : vector<1000x32xf32>
    %add3A_176 = arith.addf %add3A_172, %add3A_175 : vector<1000x32xf32>
    %mul3A_177 = arith.mulf %add3A_43, %add3A_78 : vector<1000x32xf32>
    %mul3A_178 = arith.mulf %add3A_83, %add3A_38 : vector<1000x32xf32>
    %add3A_179 = arith.addf %mul3A_177, %mul3A_178 : vector<1000x32xf32>
    %add3A_180 = arith.addf %add3A_176, %add3A_179 : vector<1000x32xf32>
    %mul3A_181 = arith.mulf %add3A_38, %add3A_67 : vector<1000x32xf32>
    %mul3A_182 = arith.mulf %add3A_78, %add3A_27 : vector<1000x32xf32>
    %add3A_183 = arith.addf %mul3A_181, %mul3A_182 : vector<1000x32xf32>
    %add3A_184 = arith.constant 0.000000e+00 : f32
    %add3A_185 = vector.broadcast %add3A_184 : f32 to vector<1000x32xf32>
    %add3A_186 = arith.addf %add3A_185, %add3A_183 : vector<1000x32xf32>
    %mul3A_187 = arith.mulf %add3A_42, %add3A_73 : vector<1000x32xf32>
    %mul3A_188 = arith.mulf %add3A_82, %add3A_33 : vector<1000x32xf32>
    %add3A_189 = arith.addf %mul3A_187, %mul3A_188 : vector<1000x32xf32>
    %add3A_190 = arith.addf %add3A_186, %add3A_189 : vector<1000x32xf32>
    %mul3A_191 = arith.mulf %add3A_43, %add3A_82 : vector<1000x32xf32>
    %mul3A_192 = arith.mulf %add3A_83, %add3A_42 : vector<1000x32xf32>
    %add3A_193 = arith.addf %mul3A_191, %mul3A_192 : vector<1000x32xf32>
    %add3A_194 = arith.addf %add3A_190, %add3A_193 : vector<1000x32xf32>
    %mul3A_195 = arith.mulf %add3A_38, %add3A_68 : vector<1000x32xf32>
    %mul3A_196 = arith.mulf %add3A_78, %add3A_28 : vector<1000x32xf32>
    %add3A_197 = arith.addf %mul3A_195, %mul3A_196 : vector<1000x32xf32>
    %add3A_198 = arith.constant 0.000000e+00 : f32
    %add3A_199 = vector.broadcast %add3A_198 : f32 to vector<1000x32xf32>
    %add3A_200 = arith.addf %add3A_199, %add3A_197 : vector<1000x32xf32>
    %mul3A_201 = arith.mulf %add3A_42, %add3A_74 : vector<1000x32xf32>
    %mul3A_202 = arith.mulf %add3A_82, %add3A_34 : vector<1000x32xf32>
    %add3A_203 = arith.addf %mul3A_201, %mul3A_202 : vector<1000x32xf32>
    %add3A_204 = arith.addf %add3A_200, %add3A_203 : vector<1000x32xf32>
    %mul3A_205 = arith.mulf %add3A_43, %add3A_83 : vector<1000x32xf32>
    %mul3A_206 = arith.mulf %add3A_83, %add3A_43 : vector<1000x32xf32>
    %add3A_207 = arith.addf %mul3A_205, %mul3A_206 : vector<1000x32xf32>
    %add3A_208 = arith.addf %add3A_204, %add3A_207 : vector<1000x32xf32>
    %integer_pow3A = arith.mulf %add3A_96, %add3A_96 : vector<1000x32xf32>
    %add3A_209 = arith.constant 0.000000e+00 : f32
    %add3A_210 = vector.broadcast %add3A_209 : f32 to vector<1000x32xf32>
    %add3A_211 = arith.addf %add3A_210, %integer_pow3A : vector<1000x32xf32>
    %integer_pow3A_212 = arith.mulf %add3A_110, %add3A_110 : vector<1000x32xf32>
    %add3A_213 = arith.addf %add3A_211, %integer_pow3A_212 : vector<1000x32xf32>
    %integer_pow3A_214 = arith.mulf %add3A_124, %add3A_124 : vector<1000x32xf32>
    %add3A_215 = arith.addf %add3A_213, %integer_pow3A_214 : vector<1000x32xf32>
    %integer_pow3A_216 = arith.mulf %add3A_138, %add3A_138 : vector<1000x32xf32>
    %add3A_217 = arith.addf %add3A_215, %integer_pow3A_216 : vector<1000x32xf32>
    %integer_pow3A_218 = arith.mulf %add3A_152, %add3A_152 : vector<1000x32xf32>
    %add3A_219 = arith.addf %add3A_217, %integer_pow3A_218 : vector<1000x32xf32>
    %integer_pow3A_220 = arith.mulf %add3A_166, %add3A_166 : vector<1000x32xf32>
    %add3A_221 = arith.addf %add3A_219, %integer_pow3A_220 : vector<1000x32xf32>
    %integer_pow3A_222 = arith.mulf %add3A_180, %add3A_180 : vector<1000x32xf32>
    %add3A_223 = arith.addf %add3A_221, %integer_pow3A_222 : vector<1000x32xf32>
    %integer_pow3A_224 = arith.mulf %add3A_194, %add3A_194 : vector<1000x32xf32>
    %add3A_225 = arith.addf %add3A_223, %integer_pow3A_224 : vector<1000x32xf32>
    %integer_pow3A_226 = arith.mulf %add3A_208, %add3A_208 : vector<1000x32xf32>
    %add3A_227 = arith.addf %add3A_225, %integer_pow3A_226 : vector<1000x32xf32>
    %add3A_228 = arith.constant 1.000000e+00 : f32
    %add3A_229 = vector.broadcast %add3A_228 : f32 to vector<1000x32xf32>
    %add3A_230 = arith.addf %add3A_227, %add3A_229 : vector<1000x32xf32>
    %div3A = arith.constant 1.000000e+00 : f32
    %div3A_231 = vector.broadcast %div3A : f32 to vector<1000x32xf32>
    %div3A_232 = arith.divf %div3A_231, %add3A_230 : vector<1000x32xf32>
    %add3A_233 = arith.addf %add3A_96, %add3A_152 : vector<1000x32xf32>
    %add3A_234 = arith.addf %add3A_233, %add3A_208 : vector<1000x32xf32>
    %mul3A_235 = arith.constant 0.333333343 : f32
    %mul3A_236 = vector.broadcast %mul3A_235 : f32 to vector<1000x32xf32>
    %mul3A_237 = arith.mulf %add3A_234, %mul3A_236 : vector<1000x32xf32>
    %sub3A = arith.subf %add3A_110, %add3A_138 : vector<1000x32xf32>
    %mul3A_238 = arith.constant 5.000000e-01 : f32
    %mul3A_239 = vector.broadcast %mul3A_238 : f32 to vector<1000x32xf32>
    %mul3A_240 = arith.mulf %mul3A_239, %sub3A : vector<1000x32xf32>
    %sub3A_241 = arith.subf %add3A_124, %add3A_180 : vector<1000x32xf32>
    %mul3A_242 = arith.constant 5.000000e-01 : f32
    %mul3A_243 = vector.broadcast %mul3A_242 : f32 to vector<1000x32xf32>
    %mul3A_244 = arith.mulf %mul3A_243, %sub3A_241 : vector<1000x32xf32>
    %sub3A_245 = arith.subf %add3A_166, %add3A_194 : vector<1000x32xf32>
    %mul3A_246 = arith.constant 5.000000e-01 : f32
    %mul3A_247 = vector.broadcast %mul3A_246 : f32 to vector<1000x32xf32>
    %mul3A_248 = arith.mulf %mul3A_247, %sub3A_245 : vector<1000x32xf32>
    %sub3A_249 = arith.subf %add3A_96, %mul3A_237 : vector<1000x32xf32>
    %add3A_250 = arith.addf %add3A_110, %add3A_138 : vector<1000x32xf32>
    %mul3A_251 = arith.constant 5.000000e-01 : f32
    %mul3A_252 = vector.broadcast %mul3A_251 : f32 to vector<1000x32xf32>
    %mul3A_253 = arith.mulf %mul3A_252, %add3A_250 : vector<1000x32xf32>
    %add3A_254 = arith.addf %add3A_124, %add3A_180 : vector<1000x32xf32>
    %mul3A_255 = arith.constant 5.000000e-01 : f32
    %mul3A_256 = vector.broadcast %mul3A_255 : f32 to vector<1000x32xf32>
    %mul3A_257 = arith.mulf %mul3A_256, %add3A_254 : vector<1000x32xf32>
    %sub3A_258 = arith.subf %add3A_152, %mul3A_237 : vector<1000x32xf32>
    %add3A_259 = arith.addf %add3A_166, %add3A_194 : vector<1000x32xf32>
    %mul3A_260 = arith.constant 5.000000e-01 : f32
    %mul3A_261 = vector.broadcast %mul3A_260 : f32 to vector<1000x32xf32>
    %mul3A_262 = arith.mulf %mul3A_261, %add3A_259 : vector<1000x32xf32>
    %get3A_263 = arith.constant 0 : index
    %get3A_264 = arith.constant 0 : index
    %get3A_265 = vector.load %arg10[%get3A_263, %get3A_264] : memref<32x32xf32, #tpu.memory_space<vmem>>, vector<32x32xf32>
    %get3A_266 = arith.constant 0 : index
    %get3A_267 = arith.constant 0 : index
    %get3A_268 = vector.load %arg11[%get3A_266, %get3A_267] : memref<32x32xf32, #tpu.memory_space<vmem>>, vector<32x32xf32>
    %get3A_269 = arith.constant 0 : index
    %get3A_270 = arith.constant 0 : index
    %get3A_271 = vector.load %arg12[%get3A_269, %get3A_270] : memref<32x32xf32, #tpu.memory_space<vmem>>, vector<32x32xf32>
    %mul3A_272 = arith.mulf %mul3A_237, %div3A_232 : vector<1000x32xf32>
    %dot_general3A = arith.constant dense<0.000000e+00> : vector<1000x32xf32>
    %dot_general3A_273 = tpu.matmul %mul3A_272, %get3A_265, %dot_general3A {dimension_numbers = #tpu.dot_dimension_numbers<[1], [0], [0], [1], [0, 0, 1, 1], [], []>, transpose_lhs_hint = false} : vector<1000x32xf32>, vector<32x32xf32>, vector<1000x32xf32> -> vector<1000x32xf32>
    %mul3A_274 = arith.mulf %mul3A_240, %div3A_232 : vector<1000x32xf32>
    %dot_general3A_275 = arith.constant dense<0.000000e+00> : vector<1000x32xf32>
    %dot_general3A_276 = tpu.matmul %mul3A_274, %get3A_268, %dot_general3A_275 {dimension_numbers = #tpu.dot_dimension_numbers<[1], [0], [0], [1], [0, 0, 1, 1], [], []>, transpose_lhs_hint = false} : vector<1000x32xf32>, vector<32x32xf32>, vector<1000x32xf32> -> vector<1000x32xf32>
    %mul3A_277 = arith.mulf %mul3A_244, %div3A_232 : vector<1000x32xf32>
    %dot_general3A_278 = arith.constant dense<0.000000e+00> : vector<1000x32xf32>
    %dot_general3A_279 = tpu.matmul %mul3A_277, %get3A_268, %dot_general3A_278 {dimension_numbers = #tpu.dot_dimension_numbers<[1], [0], [0], [1], [0, 0, 1, 1], [], []>, transpose_lhs_hint = false} : vector<1000x32xf32>, vector<32x32xf32>, vector<1000x32xf32> -> vector<1000x32xf32>
    %mul3A_280 = arith.mulf %mul3A_248, %div3A_232 : vector<1000x32xf32>
    %dot_general3A_281 = arith.constant dense<0.000000e+00> : vector<1000x32xf32>
    %dot_general3A_282 = tpu.matmul %mul3A_280, %get3A_268, %dot_general3A_281 {dimension_numbers = #tpu.dot_dimension_numbers<[1], [0], [0], [1], [0, 0, 1, 1], [], []>, transpose_lhs_hint = false} : vector<1000x32xf32>, vector<32x32xf32>, vector<1000x32xf32> -> vector<1000x32xf32>
    %mul3A_283 = arith.mulf %sub3A_249, %div3A_232 : vector<1000x32xf32>
    %dot_general3A_284 = arith.constant dense<0.000000e+00> : vector<1000x32xf32>
    %dot_general3A_285 = tpu.matmul %mul3A_283, %get3A_271, %dot_general3A_284 {dimension_numbers = #tpu.dot_dimension_numbers<[1], [0], [0], [1], [0, 0, 1, 1], [], []>, transpose_lhs_hint = false} : vector<1000x32xf32>, vector<32x32xf32>, vector<1000x32xf32> -> vector<1000x32xf32>
    %mul3A_286 = arith.mulf %mul3A_253, %div3A_232 : vector<1000x32xf32>
    %dot_general3A_287 = arith.constant dense<0.000000e+00> : vector<1000x32xf32>
    %dot_general3A_288 = tpu.matmul %mul3A_286, %get3A_271, %dot_general3A_287 {dimension_numbers = #tpu.dot_dimension_numbers<[1], [0], [0], [1], [0, 0, 1, 1], [], []>, transpose_lhs_hint = false} : vector<1000x32xf32>, vector<32x32xf32>, vector<1000x32xf32> -> vector<1000x32xf32>
    %mul3A_289 = arith.mulf %mul3A_257, %div3A_232 : vector<1000x32xf32>
    %dot_general3A_290 = arith.constant dense<0.000000e+00> : vector<1000x32xf32>
    %dot_general3A_291 = tpu.matmul %mul3A_289, %get3A_271, %dot_general3A_290 {dimension_numbers = #tpu.dot_dimension_numbers<[1], [0], [0], [1], [0, 0, 1, 1], [], []>, transpose_lhs_hint = false} : vector<1000x32xf32>, vector<32x32xf32>, vector<1000x32xf32> -> vector<1000x32xf32>
    %mul3A_292 = arith.mulf %sub3A_258, %div3A_232 : vector<1000x32xf32>
    %dot_general3A_293 = arith.constant dense<0.000000e+00> : vector<1000x32xf32>
    %dot_general3A_294 = tpu.matmul %mul3A_292, %get3A_271, %dot_general3A_293 {dimension_numbers = #tpu.dot_dimension_numbers<[1], [0], [0], [1], [0, 0, 1, 1], [], []>, transpose_lhs_hint = false} : vector<1000x32xf32>, vector<32x32xf32>, vector<1000x32xf32> -> vector<1000x32xf32>
    %mul3A_295 = arith.mulf %mul3A_262, %div3A_232 : vector<1000x32xf32>
    %dot_general3A_296 = arith.constant dense<0.000000e+00> : vector<1000x32xf32>
    %dot_general3A_297 = tpu.matmul %mul3A_295, %get3A_271, %dot_general3A_296 {dimension_numbers = #tpu.dot_dimension_numbers<[1], [0], [0], [1], [0, 0, 1, 1], [], []>, transpose_lhs_hint = false} : vector<1000x32xf32>, vector<32x32xf32>, vector<1000x32xf32> -> vector<1000x32xf32>
    %add3A_298 = arith.addf %dot_general3A_285, %dot_general3A_294 : vector<1000x32xf32>
    %neg3A_299 = arith.constant 0.000000e+00 : f32
    %neg3A_300 = vector.broadcast %neg3A_299 : f32 to vector<1000x32xf32>
    %neg3A_301 = arith.subf %neg3A_300, %add3A_298 : vector<1000x32xf32>
    %add3A_302 = arith.addf %dot_general3A_273, %dot_general3A_285 : vector<1000x32xf32>
    %add3A_303 = arith.addf %dot_general3A_276, %dot_general3A_288 : vector<1000x32xf32>
    %add3A_304 = arith.addf %dot_general3A_279, %dot_general3A_291 : vector<1000x32xf32>
    %neg3A_305 = arith.constant 0.000000e+00 : f32
    %neg3A_306 = vector.broadcast %neg3A_305 : f32 to vector<1000x32xf32>
    %neg3A_307 = arith.subf %neg3A_306, %dot_general3A_276 : vector<1000x32xf32>
    %add3A_308 = arith.addf %neg3A_307, %dot_general3A_288 : vector<1000x32xf32>
    %add3A_309 = arith.addf %dot_general3A_273, %dot_general3A_294 : vector<1000x32xf32>
    %add3A_310 = arith.addf %dot_general3A_282, %dot_general3A_297 : vector<1000x32xf32>
    %neg3A_311 = arith.constant 0.000000e+00 : f32
    %neg3A_312 = vector.broadcast %neg3A_311 : f32 to vector<1000x32xf32>
    %neg3A_313 = arith.subf %neg3A_312, %dot_general3A_279 : vector<1000x32xf32>
    %add3A_314 = arith.addf %neg3A_313, %dot_general3A_291 : vector<1000x32xf32>
    %neg3A_315 = arith.constant 0.000000e+00 : f32
    %neg3A_316 = vector.broadcast %neg3A_315 : f32 to vector<1000x32xf32>
    %neg3A_317 = arith.subf %neg3A_316, %dot_general3A_282 : vector<1000x32xf32>
    %add3A_318 = arith.addf %neg3A_317, %dot_general3A_297 : vector<1000x32xf32>
    %add3A_319 = arith.addf %dot_general3A_273, %neg3A_301 : vector<1000x32xf32>
    %get3A_320 = arith.constant 0 : index
    %get3A_321 = arith.constant 0 : index
    %get3A_322 = vector.load %arg8[%get3A_320, %get3A_321] : memref<1000x288xf32, #tpu.memory_space<vmem>>, vector<1000x288xf32>
    %mul3A_323 = arith.mulf %add3A_302, %add3A_302 : vector<1000x32xf32>
    %add3A_324 = arith.constant 0.000000e+00 : f32
    %add3A_325 = vector.broadcast %add3A_324 : f32 to vector<1000x32xf32>
    %add3A_326 = arith.addf %add3A_325, %mul3A_323 : vector<1000x32xf32>
    %mul3A_327 = arith.mulf %add3A_303, %add3A_308 : vector<1000x32xf32>
    %add3A_328 = arith.addf %add3A_326, %mul3A_327 : vector<1000x32xf32>
    %mul3A_329 = arith.mulf %add3A_304, %add3A_314 : vector<1000x32xf32>
    %add3A_330 = arith.addf %add3A_328, %mul3A_329 : vector<1000x32xf32>
    %slice3A_331 = vector.extract_strided_slice %get3A_322 {offsets = [0, 0], sizes = [1000, 32], strides = [1, 1]} : vector<1000x288xf32> to vector<1000x32xf32>
    %add3A_332 = arith.addf %slice3A_331, %add3A_302 : vector<1000x32xf32>
    %add3A_333 = arith.addf %add3A_332, %add3A_330 : vector<1000x32xf32>
    %mul3A_334 = arith.mulf %add3A_302, %add3A_303 : vector<1000x32xf32>
    %add3A_335 = arith.constant 0.000000e+00 : f32
    %add3A_336 = vector.broadcast %add3A_335 : f32 to vector<1000x32xf32>
    %add3A_337 = arith.addf %add3A_336, %mul3A_334 : vector<1000x32xf32>
    %mul3A_338 = arith.mulf %add3A_303, %add3A_309 : vector<1000x32xf32>
    %add3A_339 = arith.addf %add3A_337, %mul3A_338 : vector<1000x32xf32>
    %mul3A_340 = arith.mulf %add3A_304, %add3A_318 : vector<1000x32xf32>
    %add3A_341 = arith.addf %add3A_339, %mul3A_340 : vector<1000x32xf32>
    %slice3A_342 = vector.extract_strided_slice %get3A_322 {offsets = [0, 32], sizes = [1000, 32], strides = [1, 1]} : vector<1000x288xf32> to vector<1000x32xf32>
    %add3A_343 = arith.addf %slice3A_342, %add3A_303 : vector<1000x32xf32>
    %add3A_344 = arith.addf %add3A_343, %add3A_341 : vector<1000x32xf32>
    %mul3A_345 = arith.mulf %add3A_302, %add3A_304 : vector<1000x32xf32>
    %add3A_346 = arith.constant 0.000000e+00 : f32
    %add3A_347 = vector.broadcast %add3A_346 : f32 to vector<1000x32xf32>
    %add3A_348 = arith.addf %add3A_347, %mul3A_345 : vector<1000x32xf32>
    %mul3A_349 = arith.mulf %add3A_303, %add3A_310 : vector<1000x32xf32>
    %add3A_350 = arith.addf %add3A_348, %mul3A_349 : vector<1000x32xf32>
    %mul3A_351 = arith.mulf %add3A_304, %add3A_319 : vector<1000x32xf32>
    %add3A_352 = arith.addf %add3A_350, %mul3A_351 : vector<1000x32xf32>
    %slice3A_353 = vector.extract_strided_slice %get3A_322 {offsets = [0, 64], sizes = [1000, 32], strides = [1, 1]} : vector<1000x288xf32> to vector<1000x32xf32>
    %add3A_354 = arith.addf %slice3A_353, %add3A_304 : vector<1000x32xf32>
    %add3A_355 = arith.addf %add3A_354, %add3A_352 : vector<1000x32xf32>
    %mul3A_356 = arith.mulf %add3A_308, %add3A_302 : vector<1000x32xf32>
    %add3A_357 = arith.constant 0.000000e+00 : f32
    %add3A_358 = vector.broadcast %add3A_357 : f32 to vector<1000x32xf32>
    %add3A_359 = arith.addf %add3A_358, %mul3A_356 : vector<1000x32xf32>
    %mul3A_360 = arith.mulf %add3A_309, %add3A_308 : vector<1000x32xf32>
    %add3A_361 = arith.addf %add3A_359, %mul3A_360 : vector<1000x32xf32>
    %mul3A_362 = arith.mulf %add3A_310, %add3A_314 : vector<1000x32xf32>
    %add3A_363 = arith.addf %add3A_361, %mul3A_362 : vector<1000x32xf32>
    %slice3A_364 = vector.extract_strided_slice %get3A_322 {offsets = [0, 96], sizes = [1000, 32], strides = [1, 1]} : vector<1000x288xf32> to vector<1000x32xf32>
    %add3A_365 = arith.addf %slice3A_364, %add3A_308 : vector<1000x32xf32>
    %add3A_366 = arith.addf %add3A_365, %add3A_363 : vector<1000x32xf32>
    %mul3A_367 = arith.mulf %add3A_308, %add3A_303 : vector<1000x32xf32>
    %add3A_368 = arith.constant 0.000000e+00 : f32
    %add3A_369 = vector.broadcast %add3A_368 : f32 to vector<1000x32xf32>
    %add3A_370 = arith.addf %add3A_369, %mul3A_367 : vector<1000x32xf32>
    %mul3A_371 = arith.mulf %add3A_309, %add3A_309 : vector<1000x32xf32>
    %add3A_372 = arith.addf %add3A_370, %mul3A_371 : vector<1000x32xf32>
    %mul3A_373 = arith.mulf %add3A_310, %add3A_318 : vector<1000x32xf32>
    %add3A_374 = arith.addf %add3A_372, %mul3A_373 : vector<1000x32xf32>
    %slice3A_375 = vector.extract_strided_slice %get3A_322 {offsets = [0, 128], sizes = [1000, 32], strides = [1, 1]} : vector<1000x288xf32> to vector<1000x32xf32>
    %add3A_376 = arith.addf %slice3A_375, %add3A_309 : vector<1000x32xf32>
    %add3A_377 = arith.addf %add3A_376, %add3A_374 : vector<1000x32xf32>
    %mul3A_378 = arith.mulf %add3A_308, %add3A_304 : vector<1000x32xf32>
    %add3A_379 = arith.constant 0.000000e+00 : f32
    %add3A_380 = vector.broadcast %add3A_379 : f32 to vector<1000x32xf32>
    %add3A_381 = arith.addf %add3A_380, %mul3A_378 : vector<1000x32xf32>
    %mul3A_382 = arith.mulf %add3A_309, %add3A_310 : vector<1000x32xf32>
    %add3A_383 = arith.addf %add3A_381, %mul3A_382 : vector<1000x32xf32>
    %mul3A_384 = arith.mulf %add3A_310, %add3A_319 : vector<1000x32xf32>
    %add3A_385 = arith.addf %add3A_383, %mul3A_384 : vector<1000x32xf32>
    %slice3A_386 = vector.extract_strided_slice %get3A_322 {offsets = [0, 160], sizes = [1000, 32], strides = [1, 1]} : vector<1000x288xf32> to vector<1000x32xf32>
    %add3A_387 = arith.addf %slice3A_386, %add3A_310 : vector<1000x32xf32>
    %add3A_388 = arith.addf %add3A_387, %add3A_385 : vector<1000x32xf32>
    %mul3A_389 = arith.mulf %add3A_314, %add3A_302 : vector<1000x32xf32>
    %add3A_390 = arith.constant 0.000000e+00 : f32
    %add3A_391 = vector.broadcast %add3A_390 : f32 to vector<1000x32xf32>
    %add3A_392 = arith.addf %add3A_391, %mul3A_389 : vector<1000x32xf32>
    %mul3A_393 = arith.mulf %add3A_318, %add3A_308 : vector<1000x32xf32>
    %add3A_394 = arith.addf %add3A_392, %mul3A_393 : vector<1000x32xf32>
    %mul3A_395 = arith.mulf %add3A_319, %add3A_314 : vector<1000x32xf32>
    %add3A_396 = arith.addf %add3A_394, %mul3A_395 : vector<1000x32xf32>
    %slice3A_397 = vector.extract_strided_slice %get3A_322 {offsets = [0, 192], sizes = [1000, 32], strides = [1, 1]} : vector<1000x288xf32> to vector<1000x32xf32>
    %add3A_398 = arith.addf %slice3A_397, %add3A_314 : vector<1000x32xf32>
    %add3A_399 = arith.addf %add3A_398, %add3A_396 : vector<1000x32xf32>
    %mul3A_400 = arith.mulf %add3A_314, %add3A_303 : vector<1000x32xf32>
    %add3A_401 = arith.constant 0.000000e+00 : f32
    %add3A_402 = vector.broadcast %add3A_401 : f32 to vector<1000x32xf32>
    %add3A_403 = arith.addf %add3A_402, %mul3A_400 : vector<1000x32xf32>
    %mul3A_404 = arith.mulf %add3A_318, %add3A_309 : vector<1000x32xf32>
    %add3A_405 = arith.addf %add3A_403, %mul3A_404 : vector<1000x32xf32>
    %mul3A_406 = arith.mulf %add3A_319, %add3A_318 : vector<1000x32xf32>
    %add3A_407 = arith.addf %add3A_405, %mul3A_406 : vector<1000x32xf32>
    %slice3A_408 = vector.extract_strided_slice %get3A_322 {offsets = [0, 224], sizes = [1000, 32], strides = [1, 1]} : vector<1000x288xf32> to vector<1000x32xf32>
    %add3A_409 = arith.addf %slice3A_408, %add3A_318 : vector<1000x32xf32>
    %add3A_410 = arith.addf %add3A_409, %add3A_407 : vector<1000x32xf32>
    %mul3A_411 = arith.mulf %add3A_314, %add3A_304 : vector<1000x32xf32>
    %add3A_412 = arith.constant 0.000000e+00 : f32
    %add3A_413 = vector.broadcast %add3A_412 : f32 to vector<1000x32xf32>
    %add3A_414 = arith.addf %add3A_413, %mul3A_411 : vector<1000x32xf32>
    %mul3A_415 = arith.mulf %add3A_318, %add3A_310 : vector<1000x32xf32>
    %add3A_416 = arith.addf %add3A_414, %mul3A_415 : vector<1000x32xf32>
    %mul3A_417 = arith.mulf %add3A_319, %add3A_319 : vector<1000x32xf32>
    %add3A_418 = arith.addf %add3A_416, %mul3A_417 : vector<1000x32xf32>
    %slice3A_419 = vector.extract_strided_slice %get3A_322 {offsets = [0, 256], sizes = [1000, 32], strides = [1, 1]} : vector<1000x288xf32> to vector<1000x32xf32>
    %add3A_420 = arith.addf %slice3A_419, %add3A_319 : vector<1000x32xf32>
    %add3A_421 = arith.addf %add3A_420, %add3A_418 : vector<1000x32xf32>
    %concatenate3A = tpu.concatenate %add3A_333, %add3A_344, %add3A_355, %add3A_366, %add3A_377, %add3A_388, %add3A_399, %add3A_410, %add3A_421 in 1 : vector<1000x32xf32>, vector<1000x32xf32>, vector<1000x32xf32>, vector<1000x32xf32>, vector<1000x32xf32>, vector<1000x32xf32>, vector<1000x32xf32>, vector<1000x32xf32>, vector<1000x32xf32> -> vector<1000x288xf32>
    %get3A_422 = arith.constant 0 : index
    %get3A_423 = arith.constant 0 : index
    %get3A_424 = vector.load %arg9[%get3A_422, %get3A_423] : memref<288x288xf32, #tpu.memory_space<vmem>>, vector<288x288xf32>
    %dot_general3A_425 = arith.constant dense<0.000000e+00> : vector<1000x288xf32>
    %dot_general3A_426 = tpu.matmul %concatenate3A, %get3A_424, %dot_general3A_425 {dimension_numbers = #tpu.dot_dimension_numbers<[1], [0], [0], [1], [0, 0, 1, 1], [], []>, transpose_lhs_hint = false} : vector<1000x288xf32>, vector<288x288xf32>, vector<1000x288xf32> -> vector<1000x288xf32>
    %swap3A = arith.constant 0 : index
    %swap3A_427 = arith.constant 0 : index
    %swap3A_428 = vector.load %arg13[%swap3A, %swap3A_427] : memref<1000x288xf32, #tpu.memory_space<vmem>>, vector<1000x288xf32>
    tpu.vector_store %arg13[%swap3A, %swap3A_427], %dot_general3A_426 {strides = array<i32>} : memref<1000x288xf32, #tpu.memory_space<vmem>>, vector<1000x288xf32>,
    return
  }
  func.func @transform_0(%arg0: i32) -> (i32, i32) {
    %c0_i32 = arith.constant 0 : i32
    %c0_i32_0 = arith.constant 0 : i32
    return %arg0, %c0_i32 : i32, i32
  }
  func.func @transform_1(%arg0: i32) -> (i32, i32) {
    %c0_i32 = arith.constant 0 : i32
    %c0_i32_0 = arith.constant 0 : i32
    return %arg0, %c0_i32 : i32, i32
  }
  func.func @transform_2(%arg0: i32) -> (i32, i32) {
    %c0_i32 = arith.constant 0 : i32
    %c0_i32_0 = arith.constant 0 : i32
    return %arg0, %c0_i32 : i32, i32
  }
  func.func @transform_3(%arg0: i32) -> (i32, i32) {
    %c0_i32 = arith.constant 0 : i32
    %c0_i32_0 = arith.constant 0 : i32
    return %arg0, %c0_i32 : i32, i32
  }
  func.func @transform_4(%arg0: i32) -> (i32, i32) {
    %c0_i32 = arith.constant 0 : i32
    %c0_i32_0 = arith.constant 0 : i32
    return %arg0, %c0_i32 : i32, i32
  }
  func.func @transform_5(%arg0: i32) -> (i32, i32) {
    %c0_i32 = arith.constant 0 : i32
    %c0_i32_0 = arith.constant 0 : i32
    return %arg0, %c0_i32 : i32, i32
  }
  func.func @transform_6(%arg0: i32) -> (i32, i32) {
    %c0_i32 = arith.constant 0 : i32
    %c0_i32_0 = arith.constant 0 : i32
    return %arg0, %c0_i32 : i32, i32
  }
  func.func @transform_7(%arg0: i32) -> (i32, i32) {
    %c0_i32 = arith.constant 0 : i32
    %c0_i32_0 = arith.constant 0 : i32
    return %arg0, %c0_i32 : i32, i32
  }
  func.func @transform_8(%arg0: i32) -> (i32, i32) {
    %c0_i32 = arith.constant 0 : i32
    %c0_i32_0 = arith.constant 0 : i32
    %c0_i32_1 = arith.constant 0 : i32
    return %c0_i32, %c0_i32_0 : i32, i32
  }
  func.func @transform_9(%arg0: i32) -> (i32, i32) {
    %c0_i32 = arith.constant 0 : i32
    %c0_i32_0 = arith.constant 0 : i32
    %c0_i32_1 = arith.constant 0 : i32
    return %c0_i32, %c0_i32_0 : i32, i32
  }
  func.func @transform_10(%arg0: i32) -> (i32, i32) {
    %c0_i32 = arith.constant 0 : i32
    %c0_i32_0 = arith.constant 0 : i32
    %c0_i32_1 = arith.constant 0 : i32
    return %c0_i32, %c0_i32_0 : i32, i32
  }
  func.func @transform_11(%arg0: i32) -> (i32, i32) {
    %c0_i32 = arith.constant 0 : i32
    %c0_i32_0 = arith.constant 0 : i32
    %c0_i32_1 = arith.constant 0 : i32
    return %c0_i32, %c0_i32_0 : i32, i32
  }
  func.func @transform_12(%arg0: i32) -> (i32, i32) {
    %c0_i32 = arith.constant 0 : i32
    %c0_i32_0 = arith.constant 0 : i32
    return %arg0, %c0_i32 : i32, i32
  }
}

</mosaic_0001>

<sc_bundles>
// kernel: kernel.6.cloned.1.call-start
scs
__scs_entry_jumppad:
0x0: {  	(pc) =	sbr.rel $0x88, $3  }
0x1: {  	(tag) =	ssettag $0x0;
	lr =	simm.s32 $0x1  }
0x2: {  	[smem:$0x3F90] =	sst lr;
	_ =	strace $0xD0000000  }
0x3: {  	_ = 	snop  }
0x4: {  	_ = 	snop  }
0x5: {  	_ = 	snop  }
0x6: {  	_ = 	snop  }
0x7: {  	_ = 	snop  }
__scs_overlays_trampoline_lowered:
0x8: {  	[smem:$0x3F9F] =	sst s0  }
0x9: {  	[smem:$0x3FA0] =	sst s1  }
0xa: {  	[smem:$0x3FA1] =	sst s2  }
0xb: {  	[smem:$0x3FA2] =	sst s3  }
0xc: {  	[smem:$0x3FA3] =	sst s4  }
0xd: {  	[smem:$0x3FA4] =	sst s5  }
0xe: {  	[smem:$0x3FA5] =	sst s6  }
0xf: {  	[smem:$0x3FA6] =	sst s7  }
0x10: {  	[smem:$0x3FA7] =	sst s8  }
0x11: {  	[smem:$0x3FA8] =	sst s9;
	s0 =	simm.s32 @!p0 $0x0  }
0x12: {  	s1 =	sld [smem:$0x3F8E];
	s0 =	simm.s32 @p0 $0x1  }
0x13: {  	[smem:$0x3FA9] =	sst s0;
	s0 =	simm.s32 @!p1 $0x0  }
0x14: {  	s2 =	sld [smem:$0x3F8D];
	s0 =	simm.s32 @p1 $0x1  }
0x15: {  	[smem:$0x3FAA] =	sst s0;
	s0 =	simm.s32 @!p2 $0x0  }
0x16: {  	s3 =	sld [smem:$0x3FDB];
	s0 =	simm.s32 @p2 $0x1  }
0x17: {  	s4 =	simm.s32 $0x1BF5;
	[smem:$0x3FAC] =	sst s0  }
0x18: {  	s0 =	sld [smem:$0x3F8F];
	_ =	swait.ge [sflag:s4], $0x0  }
0x19: {  	s7 =	sld [smem:$0x3F90]  }
0x1a: {  	s8 =	sadd.s32 $0xFFFFE003, lr  }
0x1b: {  	s9 =	sadd.s32 $0xFFFFFEF7, lr;
	s5 =	simm.s32 $0xFFFFFFFF;
	p2 =	slt.u32 s8, $0xFFFFF086  }
0x1c: {  	p1 =	slt.u32 s9, $0xF7A;
	s5 =	simm.s32 @!p2 $0x0  }
0x1d: {  	s5 =	simm.s32 @p1 $0x1;
	p0 =	seq.s32 s7, s2  }
0x1e: {  	s7 =	smul.u32 @!p0 $0xF7A, s2;
	p2 =	seq.s32 @!p0 s5, $0x0  }
0x1f: {  	s9 =	smul.u32 $0xF7A, s1;
	s8 =	simm.s32 @!p0 $0x1BF5;
	p2 =	por !p2, p0  }
0x20: {  	[sflag:s8] =	ssyncset.s32 @!p0 $0xFFFFF086;
	s6 =	sadd.s32 @!p0 s3, s7;
	s7 =	simm.s32 @!p0 $0x108  }
0x21: {  	s3 =	sadd.s32 s3, s9;
	s6 =	sadd.s32 @!p0 $0x88, s6;
	s7 =	simm.s32 @p2 $0x1082  }
0x22: {  	[simem:s7], [sflag:s8] =	dma.local @!p0 [hbm:s6], $0xF7A  }
0x23: {  	s9 =	sor.u32 $0xD0000000, s2;
	s6 =	simm.s32 $0x108;
	_ =	swait.ge @!p0 [sflag:s8], $0x0  }
0x24: {  	s3 =	sadd.s32 $0x88, s3;
	s6 =	simm.s32 @!p1 $0x1082;
	[sflag:s4] =	ssyncset.s32 $0xFFFFF086  }
0x25: {  	[simem:s6], [sflag:s4] =	dma.local [hbm:s3], $0xF7A  }
0x26: {  	[smem:$0x3F90] =	sst s1;
	(tag) =	ssettag s2;
	_ =	strace s9  }
0x27: {  	s1 =	sld [smem:$0x3FA0]  }
0x28: {  	s2 =	sld [smem:$0x3FA1]  }
0x29: {  	s4 =	sld [smem:$0x3FA3]  }
0x2a: {  	p0 =	seq.s32 s5, $0x0;
	s5 =	sld [smem:$0x3FA4]  }
0x2b: {  	s6 =	sld [smem:$0x3FA5]  }
0x2c: {  	s7 =	sld [smem:$0x3FA6]  }
0x2d: {  	s3 =	simm.s32 $0x108;
	s8 =	sld [smem:$0x3FA7]  }
0x2e: {  	s3 =	simm.s32 @!p0 $0x1082;
	s9 =	sld [smem:$0x3FA8]  }
0x2f: {  	lr =	sadd.s32 s0, s3;
	s0 =	sld [smem:$0x3F9F]  }
0x30: {  	s3 =	sld [smem:$0x3FA2]  }
0x31: {  	[smem:$0x3FAB] =	sst s10  }
0x32: {  	s10 =	sld [smem:$0x3FA9];
	_ =	sdelay $0x3  }
0x33: {  	p0 =	seq.s32 s10, $0x1;
	s10 =	sld [smem:$0x3FAB];
	_ =	sdelay $0x3  }
0x34: {  	[smem:$0x3FAB] =	sst s10  }
0x35: {  	s10 =	sld [smem:$0x3FAA];
	_ =	sdelay $0x3  }
0x36: {  	p1 =	seq.s32 s10, $0x1;
	s10 =	sld [smem:$0x3FAB];
	_ =	sdelay $0x3  }
0x37: {  	[smem:$0x3FAB] =	sst s10  }
0x38: {  	s10 =	sld [smem:$0x3FAC]  }
0x39: {  	_ = 	snop;
	(pc) =	sbr.ind lr, $3  }
0x3a: {  	_ = 	snop  }
0x3b: {  	_ = 	snop  }
0x3c: {  	p2 =	seq.s32 s10, $0x1;
	s10 =	sld [smem:$0x3FAB]  }
0x3d: {  	_ =	shalt  }
0x3e: {  	_ =	shalt  }
0x3f: {  	_ =	shalt  }
0x40: {  	_ =	shalt  }
0x41: {  	_ =	shalt  }
0x42: {  	_ =	shalt  }
0x43: {  	_ =	shalt  }
0x44: {  	_ =	shalt  }
0x45: {  	_ =	shalt  }
0x46: {  	_ =	shalt  }
0x47: {  	_ =	shalt  }
0x48: {  	_ =	shalt  }
0x49: {  	_ =	shalt  }
0x4a: {  	_ =	shalt  }
0x4b: {  	_ =	shalt  }
0x4c: {  	_ =	shalt  }
0x4d: {  	_ =	shalt  }
0x4e: {  	_ =	shalt  }
0x4f: {  	_ =	shalt  }
0x50: {  	_ =	shalt  }
0x51: {  	_ =	shalt  }
0x52: {  	_ =	shalt  }
0x53: {  	_ =	shalt  }
0x54: {  	_ =	shalt  }
0x55: {  	_ =	shalt  }
0x56: {  	_ =	shalt  }
0x57: {  	_ =	shalt  }
0x58: {  	_ =	shalt  }
0x59: {  	_ =	shalt  }
0x5a: {  	_ =	shalt  }
0x5b: {  	_ =	shalt  }
0x5c: {  	_ =	shalt  }
0x5d: {  	_ =	shalt  }
0x5e: {  	_ =	shalt  }
0x5f: {  	_ =	shalt  }
0x60: {  	_ =	shalt  }
0x61: {  	_ =	shalt  }
0x62: {  	_ =	shalt  }
0x63: {  	_ =	shalt  }
0x64: {  	_ =	shalt  }
0x65: {  	_ =	shalt  }
0x66: {  	_ =	shalt  }
0x67: {  	_ =	shalt  }
0x68: {  	_ =	shalt  }
0x69: {  	_ =	shalt  }
0x6a: {  	_ =	shalt  }
0x6b: {  	_ =	shalt  }
0x6c: {  	_ =	shalt  }
0x6d: {  	_ =	shalt  }
0x6e: {  	_ =	shalt  }
0x6f: {  	_ =	shalt  }
0x70: {  	_ =	shalt  }
0x71: {  	_ =	shalt  }
0x72: {  	_ =	shalt  }
0x73: {  	_ =	shalt  }
0x74: {  	_ =	shalt  }
0x75: {  	_ =	shalt  }
0x76: {  	_ =	shalt  }
0x77: {  	_ =	shalt  }
0x78: {  	_ =	shalt  }
0x79: {  	_ =	shalt  }
0x7a: {  	_ =	shalt  }
0x7b: {  	_ =	shalt  }
0x7c: {  	_ =	shalt  }
0x7d: {  	_ =	shalt  }
0x7e: {  	_ =	shalt  }
0x7f: {  	_ =	shalt  }
0x80: {  	_ =	shalt  }
0x81: {  	_ =	shalt  }
0x82: {  	_ =	shalt  }
0x83: {  	_ =	shalt  }
0x84: {  	_ =	shalt  }
0x85: {  	_ =	shalt  }
0x86: {  	_ =	shalt  }
0x87: {  	_ =	shalt  }
.Lfunc_end0:
.L_simem_size_0:
called_computation_lowered:
.L_overlay_start_0:
0x88: {  	s2 =	sld [smem:$0x3FD9]  }
0x89: {  	s3 =	sld [smem:$0x3FFE];
	_ =	sdelay $0x1  }
0x8a: {  	s1 =	srdreg.scid  }
0x8b: {  	s0 =	sand.u32 $0x1, s1  }
0x8c: {  	s17 =	sshll.u32 s0, $0xA;
	s2 =	sadd.s32 s3, s2  }
0x8d: {  	s2 =	sadd.s32 s2, s17  }
0x8e: {  	[smem:$0x3FB7] =	sst s2  }
0x8f: {  	_ = 	snop  }
0x90: {  	s2 =	sld [smem:$0x3FC6]  }
0x91: {  	s18 =	sld [smem:$0x3FC5]  }
0x92: {  	s4 =	sld [smem:$0x3FD0];
	(tm) =	ssettm $0x1  }
0x93: {  	s5 =	sld [smem:$0x3FFB];
	_ =	sdelay $0x3  }
0x94: {  	_ =	strace s5  }
0x95: {  	s5 =	sld [smem:$0x3FFC];
	_ =	sdelay $0x3  }
0x96: {  	_ =	strace s5  }
0x97: {  	s5 =	sld [smem:$0x3FFD];
	_ =	sdelay $0x3  }
0x98: {  	_ =	strace s5  }
0x99: {  	_ =	strace $0x8FFFFFFF  }
0x9a: {  	s19 =	sld [smem:$0x3FDB];
	_ =	sdelay $0x1  }
0x9b: {  	s6 =	simm.s32 $_scs_section_size  }
0x9c: {  	s7 =	simm.s32 $_size__tile_overlayer_lowered;
	s8 =	simm.s32 $_tile_overlayer_lowered  }
0x9d: {  	s22 =	simm.s32 $0x1BFF;
	s21 =	sshll.u32 s8, $0x1;
	s5 =	sadd.s32 s6, s19  }
0x9e: {  	s9 =	simm.s32 $0x0;
	s20 =	sshll.u32 s7, $0x1;
	s7 =	sadd.s32 s21, s5  }
0x9f: {  	[timem:s9], [sflag:s22] =	dma.local [hbm:s7], s20  }
0xa0: {  	_ =	swait.ge [sflag:s22], s20  }
0xa1: {  	s6 =	ssub.s32 $0x0, s20;
	[sflag:s22] =	ssyncset.done $0x0  }
0xa2: {  	[sflag:s22] =	ssyncadd.s32 s6;
	_ =	sdelay $0x1  }
0xa3: {  	s23 =	simm.s32 $0x1B8B  }
0xa4: {  	_ =	swait.ge [sflag:s23], $0x1  }
0xa5: {  	[sflag:s23] =	ssyncset.done $0x0  }
0xa6: {  	s25 =	simm.s32 $0x1B8E;
	s24 =	sld [smem:$0x3FFE];
	[sflag:s23] =	ssyncadd.s32 $0xFFFFFFFF  }
0xa7: {  	s26 =	simm.s32 $execute0_lowered;
	[smem:$0x3FD2] =	sst s25  }
0xa8: {  	s7 =	sshll.u32 s26, $0x1;
	_ =	strace $0x80000046;
	[dreg:$0x1] =	wrdreg $0xFFFFFFFF  }
0xa9: {  	s28 =	simm.s32 $_size_execute0_lowered;
	s5 =	sadd.s32 s5, s7;
	[dreg:$0x0] =	wrdreg $0x0  }
0xaa: {  	s7 =	sshll.u32 s28, $0x1;
	[dreg:$0x2] =	wrdreg s5  }
0xab: {  	[dreg:$0x3] =	wrdreg s7  }
0xac: {  	[dreg:$0x4] =	wrdreg $0xC0  }
0xad: {  	_ =	task [dreg:s9], $0x5FFFF  }
0xae: {  	[dreg:$0x1] =	wrdreg $0xFFFFFFFF  }
0xaf: {  	[dreg:$0x0] =	wrdreg $0x60  }
0xb0: {  	[dreg:$0x2] =	wrdreg s24  }
0xb1: {  	[dreg:$0x3] =	wrdreg s2  }
0xb2: {  	[dreg:$0x4] =	wrdreg s18  }
0xb3: {  	[dreg:$0x5] =	wrdreg s4  }
0xb4: {  	[dreg:$0x6] =	wrdreg $0xCFB00  }
0xb5: {  	[dreg:$0x7] =	wrdreg $0x9  }
0xb6: {  	_ =	task.clear_ibuf [dreg:s9], $0x8FFFF;
	_ =	strace $0x90000046  }
0xb7: {  	s29 =	simm.s32 $0x9;
	_ =	strace $0x80000048  }
0xb8: {  	_ =	swait.ge [sflag:s29], $0x1  }
0xb9: {  	[sflag:s29] =	ssyncadd.s32 $0xFFFFFFFF  }
0xba: {  	_ =	strace $0x90000048  }
0xbb: {  	_ =	sfence  }
0xbc: {  	s30 =	sld [smem:$0x0];
	_ =	sdelay $0x2  }
0xbd: {  	s31 =	sshll.u32 s1, $0xD;
	s1 =	sshrl.u32 s1, $0x2  }
0xbe: {  	s3 =	sand.u32 $0x4000, s31;
	s1 =	sadd.s32 s1, s30  }
0xbf: {  	s0 =	sor.u32 s3, s0;
	s1 =	sshll.u32 s1, $0x11  }
0xc0: {  	s0 =	sor.u32 s1, s0  }
0xc1: {  	s0 =	sadd.s32 $0x8F2B, s0  }
0xc2: {  	[sflag:s0] =	ssyncadd.remote.s32 $0x1  }
0xc3: {  	_ =	sfence.sel $0xFFFF  }
0xc4: {  	[dreg:$0x0] =	wrdreg $0xFFFFFFFF;
	(pc) =	sbr.abs _section_cstart, $3  }
0xc5: {  	[dreg:$0x1] =	wrdreg $0xFFFFFFFF  }
0xc6: {  	_ =	task.clear_ibuf [dreg:s9], $0x2FFFF;
	_ =	strace $0x9FFFFFFF  }
0xc7: {  	(tm) =	ssettm $0x7FFFFFFF  }
tec
execute0_lowered:
.L_overlay_start_1:
0x0: {  	(tag) =	ssettag $0x1  }
0x1: {  	s0 =	rddreg [dreg:$0x0]  }
0x2: {  	s1 =	rddreg [dreg:$0x1]  }
0x3: {  	s2 =	rddreg [dreg:$0x2]  }
0x4: {  	s3 =	rddreg [dreg:$0x4];
	s4 =	simm.s32 $0x0;
	s17 =	stileid.u32  }
0x5: {  	s5 =	srdreg.scid;
	s29 =	simm.s32 $0x50;
	s30 =	simm.s32 $0x40  }
0x6: {  	s31 =	simm.s32 $0x80;
	s6 =	sadd.s32 $0x134400, s0;
	s7 =	sadd.s32 $0x116E00, s0  }
0x7: {  	[smem:$0x7FF] =	sst s4;
	s8 =	sadd.s32 $0x3C2A00, s0;
	s9 =	smul.u32 $0x280, s17  }
0x8: {  	s10 =	sadd.s32 $0x151A00, s0;
	s5 =	sand.u32 $0x1, s5;
	s12 =	smul.u32 $0x3C000, s17  }
0x9: {  	s28 =	sadd.s32 $0x3C2A08, s0;
	_ =	strace $0x80000047;
	[dreg:$0x6] =	wrdreg s10  }
0xa: {  	s10 =	smul.u32 $0x2710, s17;
	s11 =	ssub.s32 $0x2, s5;
	[smem:$0x7FC] =	sst s8  }
0xb: {  	p0 =	sne.s32 s5, $0x0;
	[smem:$0x7FD] =	sst s6;
	s13 =	sadd.s32 $0x80, s9  }
0xc: {  	s14 =	sshrl.u32 s11, $0x1;
	s18 =	sshrl.u32 s12, $0x2;
	s20 =	sadd.s32 $0x18000, s12  }
0xd: {  	s21 =	sshll.u32 s9, $0x4;
	s23 =	sadd.s32 $0x24000, s12;
	s12 =	sadd.s32 $0x30000, s12  }
0xe: {  	s15 =	sshrl.u32 s10, $0x3;
	s16 =	smul.u32 $0x180, s13;
	s11 =	ssub.s32 s11, s14  }
0xf: {  	s22 =	sshrl.u32 s20, $0x2;
	s12 =	sshrl.u32 s12, $0x2;
	s20 =	sadd.s32 $0x179A00, s0  }
0x10: {  	s24 =	sadd.s32 $0x50, s10;
	s2 =	sadd.s32 s2, s15;
	[dreg:$0x13] =	wrdreg s20  }
0x11: {  	s5 =	sadd.s32 $0x13B0, s10;
	s9 =	sadd.s32 s22, s3;
	[dreg:$0x7] =	wrdreg s2  }
0x12: {  	s25 =	sadd.s32 s12, s3;
	s15 =	sadd.s32 s1, s15;
	[dreg:$0xa] =	wrdreg s9  }
0x13: {  	s12 =	sshll.u32 s24, $0x4;
	s22 =	sadd.s32 $0x1360, s10;
	[dreg:$0xc] =	wrdreg s25  }
0x14: {  	s2 =	sadd.s32 s18, s3;
	s19 =	sshrl.u32 s16, $0x2;
	[dreg:$0xd] =	wrdreg s15  }
0x15: {  	s9 =	sshrl.u32 s23, $0x2;
	s16 =	sshll.u32 s13, $0x4;
	[dreg:$0x8] =	wrdreg s2  }
0x16: {  	s18 =	sadd.s32 $0x1000, s21;
	s23 =	sshll.u32 s22, $0x4;
	[dreg:$0xf] =	wrdreg s16  }
0x17: {  	s25 =	sshrl.u32 s22, $0x3;
	s22 =	sadd.s32 s12, s28;
	[dreg:$0x10] =	wrdreg s18  }
0x18: {  	s26 =	sshrl.u32 s24, $0x3;
	s2 =	sadd.s32 s19, s3;
	[dreg:$0x1e] =	wrdreg s22  }
0x19: {  	s24 =	sadd.s32 $0x53800, s0;
	s9 =	sadd.s32 s9, s3;
	[dreg:$0x9] =	wrdreg s2  }
0x1a: {  	s13 =	smul.u32 $0x27100, s17;
	s19 =	sadd.s32 $0x1800, s21;
	[dreg:$0xb] =	wrdreg s9  }
0x1b: {  	s22 =	simm.s32 $0x2;
	s9 =	sadd.s32 s1, s26;
	[dreg:$0x11] =	wrdreg s19  }
0x1c: {  	s2 =	sadd.s32 $0x2000, s21;
	s21 =	sadd.s32 $0x1A1A00, s0;
	[dreg:$0xe] =	wrdreg s9  }
0x1d: {  	s26 =	sadd.s32 $0x3C2A04, s0;
	s0 =	sadd.s32 s23, s28;
	[dreg:$0x12] =	wrdreg s2  }
0x1e: {  	s18 =	sadd.s32 s8, s13;
	s19 =	sadd.s32 s13, s28;
	[dreg:$0x14] =	wrdreg s21  }
0x1f: {  	s23 =	smax.u32 s11, $0x1;
	s11 =	simm.s32 $0x2710;
	[dreg:$0x15] =	wrdreg s0  }
0x20: {  	s9 =	sshll.u32 s5, $0x4;
	s2 =	sshrl.u32 s5, $0x3;
	[dreg:$0x1a] =	wrdreg s18  }
0x21: {  	s0 =	sadd.s32 s1, s25;
	s16 =	sadd.s32 s13, s26;
	[dreg:$0x1b] =	wrdreg s19  }
0x22: {  	s20 =	sadd.s32 s12, s26;
	s21 =	sadd.s32 s8, s12;
	[dreg:$0x1f] =	wrdreg s23  }
0x23: {  	s25 =	smul.u32 $0x2800, s17;
	s23 =	simm.s32 $0x63B0;
	[dreg:$0x16] =	wrdreg s0  }
0x24: {  	s18 =	simm.s32 $0x2760;
	s19 =	simm.s32 $0x1;
	[dreg:$0x19] =	wrdreg s16  }
.Ltmp0:
0x25: {  	s12 =	simm.s32 $0x6;
	[dreg:$0x1c] =	wrdreg s20;
	(pc) =	sbr.rel .LBB2_1-.Ltmp0, $4  }
0x26: {  	s14 =	sadd.s32 s9, s28;
	s15 =	sadd.s32 s1, s2;
	[dreg:$0x1d] =	wrdreg s21  }
0x27: {  	s2 =	simm.s32 $0x7;
	s20 =	simm.s32 $0x3;
	[dreg:$0x17] =	wrdreg s14  }
0x28: {  	s21 =	simm.s32 $0x5;
	s0 =	simm.s32 $0x4;
	[dreg:$0x18] =	wrdreg s15  }
0x29: {  	v0 =	vimm.f32 $0.0e+00;
	[smem:$0x7FB] =	sst s25;
	s25 =	simm.s32 $0x81B0;
	s14 =	simm.s32 $0x0  }
.LBB2_31:
0x2a: {  	s5 =	rddreg [dreg:$0x13]  }
0x2b: {  	s14 =	sld [smem:$0x7FA]  }
.LBB2_42:
0x2c: {  	s9 =	sld [smem:$0x7FB];
	[bflag:$0x0] =	sbarrier.arrive $0xFFFF  }
0x2d: {  	s8 =	sld [smem:$0x7F8]  }
0x2e: {  	s15 =	sld [smem:$0x7F4];
	_ =	sdelay $0x1  }
0x2f: {  	s4 =	simm.s32 $0x10;
	s13 =	simm.s32 $0xC;
	s9 =	sadd.s32 s5, s9  }
0x30: {  	[hbm:s9@s4], [sflag:s8] =	dma.strided [spmem:s15@s13], $0x600, s19, $0xc   }
0x31: {  	_ =	swait.ge [sflag:s2], $0x600  }
0x32: {  	s17 =	sld [smem:$0x7F5]  }
0x33: {  	[sflag:s2] =	ssyncset.done $0x0;
	s16 =	rddreg [dreg:$0xf]  }
0x34: {  	s9 =	sadd.s32 s5, s16;
	[sflag:s2] =	ssyncadd.s32 $0xFFFFFA00  }
0x35: {  	[hbm:s9@s4], [sflag:s8] =	dma.strided [spmem:s17@s13], $0x600, s19, $0xc   }
0x36: {  	_ =	swait.ge [sflag:s2], $0x600  }
0x37: {  	s17 =	sld [smem:$0x7F6]  }
0x38: {  	[sflag:s2] =	ssyncset.done $0x0;
	s16 =	rddreg [dreg:$0x10]  }
0x39: {  	s9 =	sadd.s32 s5, s16;
	[sflag:s2] =	ssyncadd.s32 $0xFFFFFA00  }
0x3a: {  	[hbm:s9@s4], [sflag:s8] =	dma.strided [spmem:s17@s13], $0x600, s19, $0xc   }
0x3b: {  	_ =	swait.ge [sflag:s2], $0x600  }
0x3c: {  	s16 =	sld [smem:$0x7F7]  }
0x3d: {  	[sflag:s2] =	ssyncset.done $0x0;
	s15 =	rddreg [dreg:$0x11]  }
0x3e: {  	s9 =	sadd.s32 s5, s15;
	[sflag:s2] =	ssyncadd.s32 $0xFFFFFA00  }
0x3f: {  	[hbm:s9@s4], [sflag:s8] =	dma.strided [spmem:s16@s13], $0x600, s19, $0xc   }
0x40: {  	_ =	swait.ge [sflag:s2], $0x600  }
0x41: {  	s16 =	sld [smem:$0x7F9]  }
0x42: {  	[sflag:s2] =	ssyncset.done $0x0;
	s17 =	rddreg [dreg:$0x12]  }
0x43: {  	s15 =	sadd.s32 s5, s17;
	[sflag:s2] =	ssyncadd.s32 $0xFFFFFA00  }
0x44: {  	[hbm:s15@s4], [sflag:s8] =	dma.strided [spmem:s16@s13], $0x600, s19, $0xc   }
0x45: {  	_ =	swait.ge [sflag:s2], $0x600  }
0x46: {  	s14 =	sadd.s32 $0x1, s14;
	s17 =	rddreg [dreg:$0x1f]  }
0x47: {  	p1 =	sne.s32 s14, s17  }
.Ltmp1:
0x48: {  	_ = 	snop;
	(pc) =	sbr.rel @!p1 .LBB2_43-.Ltmp1, $3  }
0x49: {  	_ =	sdelay $0x1  }
0x4a: {  	[sflag:s2] =	ssyncset.done $0x0  }
0x4b: {  	s4 =	simm.s32 $0x0;
	s8 =	sld [smem:$0x7FC];
	[sflag:s2] =	ssyncadd.s32 $0xFFFFFA00  }
.LBB2_1:
0x4c: {  	[smem:$0x7FA] =	sst s14  }
0x4d: {  	s5 =	rddreg [dreg:$0x7]  }
0x4e: {  	[tilespmem:s4], [sflag:$0x7] =	stream.linear.gather [hbm4b:s5+s4], $0x2710, $0x38;
	[tilespmem:$0x1BFB0] =	vst v63  }
0x4f: {  	_ =	swait.ge [sflag:s2], $0x2710  }
0x50: {  	[sflag:s2] =	ssyncset.done $0x0  }
0x51: {  	s5 =	simm.s32 $0x0;
	[sflag:s2] =	ssyncadd.s32 $0xFFFFD8F0  }
0x52: {  	[tilespmem:s5+$0xA000] =	vst v0  }
0x53: {  	[tilespmem:s5+$0x9FB0] =	vst v0  }
0x54: {  	[tilespmem:s5+$0x9FC0] =	vst v0  }
0x55: {  	[tilespmem:s5+$0x9FD0] =	vst v0  }
0x56: {  	s9 =	simm.s32 $0x180;
	[tilespmem:s5+$0x9FE0] =	vst v0  }
.LBB2_2:
0x57: {  	p1 =	sne.s32 s9, $0xBE80;
	[tilespmem:s5+$0x9FF0] =	vst v0;
	s5 =	sshra.s32 s9, $0x2;
	s9 =	sadd.s32 $0x180, s9  }
.Ltmp2:
0x58: {  	[tilespmem:s5+$0xA000] =	vst v0;
	(pc) =	sbr.rel @p1 .LBB2_2-.Ltmp2, $4  }
0x59: {  	[tilespmem:s5+$0x9FB0] =	vst v0  }
0x5a: {  	[tilespmem:s5+$0x9FC0] =	vst v0  }
0x5b: {  	[tilespmem:s5+$0x9FD0] =	vst v0  }
0x5c: {  	[tilespmem:s5+$0x9FE0] =	vst v0  }
0x5d: {  	[tilespmem:s5+$0x9FF0] =	vst v0;
	s13 =	rddreg [dreg:$0x8];
	s9 =	simm.s32 $0x9FB0  }
0x5e: {  	[spmem:s13] =	stream.linear.scatter [tilespmem:s9], [sflag:$0x7], $0x3000, $0x38;
	[tilespmem:$0x1BFB0] =	vst v63  }
0x5f: {  	_ =	swait.ge [sflag:s2], $0x3000  }
0x60: {  	[sflag:s2] =	ssyncset.done $0x0  }
0x61: {  	s14 =	rddreg [dreg:$0x9];
	[sflag:s2] =	ssyncadd.s32 $0xFFFFD000  }
0x62: {  	[spmem:s14] =	stream.linear.scatter [tilespmem:s9], [sflag:$0x7], $0x3000, $0x38;
	[tilespmem:$0x1BFB0] =	vst v63  }
0x63: {  	_ =	swait.ge [sflag:s2], $0x3000  }
0x64: {  	[sflag:s2] =	ssyncset.done $0x0  }
0x65: {  	s15 =	rddreg [dreg:$0xa];
	[sflag:s2] =	ssyncadd.s32 $0xFFFFD000  }
0x66: {  	[spmem:s15] =	stream.linear.scatter [tilespmem:s9], [sflag:$0x7], $0x3000, $0x38;
	[tilespmem:$0x1BFB0] =	vst v63  }
0x67: {  	_ =	swait.ge [sflag:s2], $0x3000  }
0x68: {  	[sflag:s2] =	ssyncset.done $0x0  }
0x69: {  	s16 =	rddreg [dreg:$0xb];
	[sflag:s2] =	ssyncadd.s32 $0xFFFFD000  }
0x6a: {  	[spmem:s16] =	stream.linear.scatter [tilespmem:s9], [sflag:$0x7], $0x3000, $0x38;
	[tilespmem:$0x1BFB0] =	vst v63  }
0x6b: {  	_ =	swait.ge [sflag:s2], $0x3000  }
0x6c: {  	[sflag:s2] =	ssyncset.done $0x0  }
0x6d: {  	s17 =	rddreg [dreg:$0xc];
	[sflag:s2] =	ssyncadd.s32 $0xFFFFD000  }
0x6e: {  	[spmem:s17] =	stream.linear.scatter [tilespmem:s9], [sflag:$0x7], $0x3000, $0x38;
	[tilespmem:$0x1BFB0] =	vst v63  }
.Ltmp3:
0x6f: {  	_ =	swait.ge [sflag:s2], $0x3000;
	(pc) =	sbr.rel @p0 .LBB2_14-.Ltmp3, $4  }
0x70: {  	[sflag:s2] =	ssyncset.done $0x0  }
0x71: {  	[sflag:s2] =	ssyncadd.s32 $0xFFFFD000  }
0x72: {  	[bflag:$0x0] =	sbarrier.arrive $0xFFFF  }
0x73: {  	s14 =	simm.s32 $0x0  }
0x74: {  	[tilespmem:s23], [sflag:$0x1] =	stream.indirect.gather [hbm4b:s6+s29], $0x60, s14, s29, $0xb8;
	[tilespmem:$0x1BFB0] =	vst v63  }
0x75: {  	s5 =	rddreg [dreg:$0x1a];
	s9 =	simm.s32 $0x27B0  }
0x76: {  	[tilespmem:s9], [sflag:$0x3] =	stream.strided.gather [hbm4b:s5+s30], $0x1400, s31, s30, $0x38;
	[tilespmem:$0x1BFB0] =	vst v63  }
0x77: {  	s13 =	rddreg [dreg:$0xd]  }
0x78: {  	[tilespmem:s11], [sflag:$0x5] =	stream.linear.gather [hbm4b:s13+s14], $0x50, $0x38;
	[tilespmem:$0x1BFB0] =	vst v63  }
0x79: {  	_ = 	snop  }
0x7a: {  	[tilespmem:s25], [sflag:$0x2] =	stream.indirect.gather [hbm4b:s6+s29], $0x60, s29, s29, $0xb8;
	[tilespmem:$0x1BFB0] =	vst v63  }
0x7b: {  	s15 =	rddreg [dreg:$0x1d];
	s16 =	simm.s32 $0x3BB0  }
0x7c: {  	[tilespmem:s16], [sflag:$0x4] =	stream.strided.gather [hbm4b:s15+s30], $0x1400, s31, s30, $0x38;
	[tilespmem:$0x1BFB0] =	vst v63  }
0x7d: {  	s17 =	rddreg [dreg:$0xe]  }
0x7e: {  	[tilespmem:s18], [sflag:$0x6] =	stream.linear.gather [hbm4b:s17+s14], $0x50, $0x38;
	[tilespmem:$0x1BFB0] =	vst v63  }
.LBB2_5:
0x7f: {  	_ =	swait.ge [sflag:s19], $0x1E00  }
0x80: {  	[sflag:s19] =	ssyncset.done $0x0  }
0x81: {  	[sflag:s19] =	ssyncadd.s32 $0xFFFFE200  }
0x82: {  	_ =	swait.ge [sflag:s20], $0x1400  }
0x83: {  	[sflag:s20] =	ssyncset.done $0x0  }
0x84: {  	[sflag:s20] =	ssyncadd.s32 $0xFFFFEC00  }
0x85: {  	_ =	swait.ge [sflag:s21], $0x50  }
0x86: {  	[sflag:s21] =	ssyncset.done $0x0  }
0x87: {  	s9 =	simm.s32 $0x63E0;
	[sflag:s21] =	ssyncadd.s32 $0xFFFFFFB0  }
0x88: {  	v1 =	vld [tilespmem:s9+$0xFFFFFFF0]  }
0x89: {  	v8 =	vld [tilespmem:s9+$0x0]  }
0x8a: {  	v2 =	vld [tilespmem:s9+$0xFFFFFFD0]  }
0x8b: {  	s5 =	simm.s32 $0x0;
	v10 =	vld [tilespmem:s9+$0x20]  }
0x8c: {  	v11 =	vld [tilespmem:s5+$0x27E0]  }
0x8d: {  	v3 =	vld [tilespmem:s9+$0x10]  }
0x8e: {  	v4 =	vld [tilespmem:s5+$0x27C0]  }
0x8f: {  	v7 =	vld [tilespmem:s5+$0x27B0]  }
0x90: {  	v6 =	vld [tilespmem:s5+$0x27D0]  }
0x91: {  	s16 =	simm.s32 $0x100;
	s13 =	simm.s32 $0x63E0;
	v5 =	vld [tilespmem:s9+$0xFFFFFFE0];
	v9 =	vmul.f32 v8, v11;
	v8 =	vmul.f32 v10, v11  }
.LBB2_6:
0x92: {  	p1 =	sne.s32 s16, $0x4F00  }
0x93: {  	s9 =	sadd.s32 $0x60, s9;
	s5 =	smov.u32 s16;
	s16 =	sadd.s32 $0x100, s16  }
0x94: {  	v2 =	vmul.f32 v2, v7;
	[tilespmem:s13+$0x0] =	vst v9  }
0x95: {  	v7 =	vmul.f32 v1, v6;
	v1 =	vld [tilespmem:s9+$0xFFFFFFF0];
	v3 =	vmul.f32 v3, v6;
	[tilespmem:s13+$0x20] =	vst v8  }
0x96: {  	v8 =	vld [tilespmem:s9+$0x0];
	[tilespmem:s13+$0xFFFFFFD0] =	vst v2;
	v4 =	vmul.f32 v5, v4  }
0x97: {  	v2 =	vld [tilespmem:s9+$0xFFFFFFD0];
	[tilespmem:s13+$0xFFFFFFF0] =	vst v7  }
0x98: {  	s5 =	sshra.s32 s5, $0x2;
	v10 =	vld [tilespmem:s9+$0x20];
	[tilespmem:s13+$0x10] =	vst v3  }
0x99: {  	v3 =	vld [tilespmem:s9+$0x10];
	[tilespmem:s13+$0xFFFFFFE0] =	vst v4;
	s13 =	smov.u32 s9  }
0x9a: {  	v11 =	vld [tilespmem:s5+$0x27E0]  }
.Ltmp4:
0x9b: {  	v4 =	vld [tilespmem:s5+$0x27C0];
	(pc) =	sbr.rel @p1 .LBB2_6-.Ltmp4, $4  }
0x9c: {  	v7 =	vld [tilespmem:s5+$0x27B0]  }
0x9d: {  	v6 =	vld [tilespmem:s5+$0x27D0]  }
0x9e: {  	v5 =	vld [tilespmem:s9+$0xFFFFFFE0]  }
0x9f: {  	v9 =	vmul.f32 v8, v11;
	v8 =	vmul.f32 v10, v11  }
0xa0: {  	_ = 	snop  }
0xa1: {  	v2 =	vmul.f32 v2, v7;
	[tilespmem:s13+$0x0] =	vst v9  }
0xa2: {  	[tilespmem:s13+$0x20] =	vst v8;
	v1 =	vmul.f32 v1, v6  }
0xa3: {  	v3 =	vmul.f32 v3, v6;
	[tilespmem:s13+$0xFFFFFFD0] =	vst v2  }
0xa4: {  	v2 =	vmul.f32 v5, v4;
	[tilespmem:s13+$0xFFFFFFF0] =	vst v1  }
0xa5: {  	[tilespmem:s13+$0x10] =	vst v3  }
0xa6: {  	[tilespmem:s13+$0xFFFFFFE0] =	vst v2  }
0xa7: {  	[spmem:s3] =	stream.indirect.scatter.add.f32 [tilespmem:s23], [sflag:$0x7], $0x60, s11, s29, $0xb8;
	[tilespmem:$0x1BFB0] =	vst v63  }
0xa8: {  	s13 =	smul.u32 $0xA0, s14;
	_ =	swait.ge [sflag:s2], $0x1E00  }
0xa9: {  	[sflag:s2] =	ssyncset.done $0x0  }
0xaa: {  	s5 =	sadd.s32 $0xA0, s13;
	[sflag:s2] =	ssyncadd.s32 $0xFFFFE200  }
0xab: {  	[tilespmem:s23], [sflag:$0x1] =	stream.indirect.gather [hbm4b:s6+s29], $0x60, s5, s29, $0xb8;
	[tilespmem:$0x1BFB0] =	vst v63  }
0xac: {  	s5 =	sadd.s32 s10, s5  }
0xad: {  	s9 =	sshll.u32 s5, $0x4  }
0xae: {  	s15 =	simm.s32 $0x27B0;
	s5 =	sshrl.u32 s5, $0x3;
	s9 =	sadd.s32 s8, s9  }
0xaf: {  	[tilespmem:s15], [sflag:$0x3] =	stream.strided.gather [hbm4b:s9+s30], $0x1400, s31, s30, $0x38;
	[tilespmem:$0x1BFB0] =	vst v63  }
0xb0: {  	s17 =	simm.s32 $0x0;
	s5 =	sadd.s32 s1, s5  }
0xb1: {  	[tilespmem:s11], [sflag:$0x5] =	stream.linear.gather [hbm4b:s5+s17], $0x50, $0x38;
	[tilespmem:$0x1BFB0] =	vst v63  }
0xb2: {  	_ =	swait.ge [sflag:s22], $0x1E00  }
0xb3: {  	[sflag:s22] =	ssyncset.done $0x0  }
0xb4: {  	[sflag:s22] =	ssyncadd.s32 $0xFFFFE200  }
0xb5: {  	_ =	swait.ge [sflag:s0], $0x1400  }
0xb6: {  	[sflag:s0] =	ssyncset.done $0x0  }
0xb7: {  	[sflag:s0] =	ssyncadd.s32 $0xFFFFEC00  }
0xb8: {  	_ =	swait.ge [sflag:s12], $0x50  }
0xb9: {  	[sflag:s12] =	ssyncset.done $0x0  }
0xba: {  	s16 =	simm.s32 $0x8200;
	[sflag:s12] =	ssyncadd.s32 $0xFFFFFFB0  }
0xbb: {  	v1 =	vld [tilespmem:s16+$0xFFFFFFF0]  }
0xbc: {  	v4 =	vld [tilespmem:s16+$0xFFFFFFD0]  }
0xbd: {  	v2 =	vld [tilespmem:s16+$0xFFFFFFE0]  }
0xbe: {  	v3 =	vld [tilespmem:s16+$0x0]  }
0xbf: {  	s5 =	simm.s32 $0x0;
	v5 =	vld [tilespmem:s16+$0xFFFFFFB0]  }
0xc0: {  	v6 =	vld [tilespmem:s5+$0x3BD0]  }
0xc1: {  	s9 =	simm.s32 $0x8200;
	s17 =	simm.s32 $0x100;
	v7 =	vld [tilespmem:s5+$0x3BB0]  }
.LBB2_8:
0xc2: {  	p1 =	sne.s32 s17, $0x4F00  }
0xc3: {  	v8 =	vld [tilespmem:s5+$0x3BE0];
	s16 =	sadd.s32 $0x60, s16;
	s15 =	smov.u32 s17;
	s17 =	sadd.s32 $0x100, s17  }
0xc4: {  	v9 =	vld [tilespmem:s9+$0xFFFFFFC0]  }
0xc5: {  	v10 =	vld [tilespmem:s5+$0x3BC0]  }
0xc6: {  	v4 =	vmul.f32 v4, v6;
	v6 =	vmul.f32 v1, v6  }
0xc7: {  	v5 =	vmul.f32 v5, v7  }
0xc8: {  	s5 =	sshra.s32 s15, $0x2;
	[tilespmem:s9+$0xFFFFFFD0] =	vst v4;
	v2 =	vmul.f32 v2, v8;
	v3 =	vmul.f32 v3, v8  }
0xc9: {  	v1 =	vld [tilespmem:s16+$0xFFFFFFF0];
	[tilespmem:s9+$0xFFFFFFB0] =	vst v5  }
0xca: {  	v4 =	vld [tilespmem:s16+$0xFFFFFFD0];
	v7 =	vmul.f32 v9, v10;
	[tilespmem:s9+$0xFFFFFFE0] =	vst v2  }
.Ltmp5:
0xcb: {  	v2 =	vld [tilespmem:s16+$0xFFFFFFE0];
	[tilespmem:s9+$0x0] =	vst v3;
	(pc) =	sbr.rel @p1 .LBB2_8-.Ltmp5, $4  }
0xcc: {  	v3 =	vld [tilespmem:s16+$0x0];
	[tilespmem:s9+$0xFFFFFFF0] =	vst v6  }
0xcd: {  	v5 =	vld [tilespmem:s16+$0xFFFFFFB0];
	[tilespmem:s9+$0xFFFFFFC0] =	vst v7;
	s9 =	smov.u32 s16  }
0xce: {  	v6 =	vld [tilespmem:s5+$0x3BD0]  }
0xcf: {  	v7 =	vld [tilespmem:s5+$0x3BB0]  }
0xd0: {  	_ = 	snop  }
0xd1: {  	v8 =	vld [tilespmem:s5+$0x3BE0]  }
0xd2: {  	v9 =	vld [tilespmem:s9+$0xFFFFFFC0]  }
0xd3: {  	v10 =	vld [tilespmem:s5+$0x3BC0];
	v4 =	vmul.f32 v4, v6  }
0xd4: {  	v1 =	vmul.f32 v1, v6  }
0xd5: {  	v5 =	vmul.f32 v5, v7;
	[tilespmem:s9+$0xFFFFFFD0] =	vst v4  }
0xd6: {  	v2 =	vmul.f32 v2, v8;
	[tilespmem:s9+$0xFFFFFFF0] =	vst v1  }
0xd7: {  	v3 =	vmul.f32 v3, v8;
	[tilespmem:s9+$0xFFFFFFB0] =	vst v5  }
0xd8: {  	[tilespmem:s9+$0xFFFFFFE0] =	vst v2;
	v2 =	vmul.f32 v9, v10  }
0xd9: {  	p1 =	seq.s32 s14, $0x3D;
	[tilespmem:s9+$0x0] =	vst v3  }
.Ltmp6:
0xda: {  	[tilespmem:s9+$0xFFFFFFC0] =	vst v2;
	(pc) =	sbr.rel @p1 .LBB2_11-.Ltmp6, $4  }
0xdb: {  	[spmem:s3] =	stream.indirect.scatter.add.f32 [tilespmem:s25], [sflag:$0x7], $0x60, s18, s29, $0xb8;
	[tilespmem:$0x1BFB0] =	vst v63  }
0xdc: {  	_ =	swait.ge [sflag:s2], $0x1E00  }
0xdd: {  	[sflag:s2] =	ssyncset.done $0x0  }
0xde: {  	[sflag:s2] =	ssyncadd.s32 $0xFFFFE200  }
0xdf: {  	s5 =	sadd.s32 $0xF0, s13  }
0xe0: {  	[tilespmem:s25], [sflag:$0x2] =	stream.indirect.gather [hbm4b:s6+s29], $0x60, s5, s29, $0xb8;
	[tilespmem:$0x1BFB0] =	vst v63  }
0xe1: {  	s5 =	sadd.s32 s10, s5  }
.Ltmp7:
0xe2: {  	s9 =	sshll.u32 s5, $0x4;
	(pc) =	sbr.rel .LBB2_5-.Ltmp7, $4  }
0xe3: {  	s17 =	simm.s32 $0x3BB0;
	s5 =	sshrl.u32 s5, $0x3;
	s9 =	sadd.s32 s8, s9  }
0xe4: {  	[tilespmem:s17], [sflag:$0x4] =	stream.strided.gather [hbm4b:s9+s30], $0x1400, s31, s30, $0x38;
	[tilespmem:$0x1BFB0] =	vst v63  }
0xe5: {  	s14 =	sadd.s32 $0x1, s14;
	s5 =	sadd.s32 s1, s5  }
0xe6: {  	[tilespmem:s18], [sflag:$0x6] =	stream.linear.gather [hbm4b:s5+s4], $0x50, $0x38;
	[tilespmem:$0x1BFB0] =	vst v63  }
.LBB2_14:
0xe7: {  	[tilespmem:s23], [sflag:$0x1] =	stream.indirect.gather [hbm4b:s7+s29], $0x60, s14, s29, $0xb8;
	[tilespmem:$0x1BFB0] =	vst v63  }
0xe8: {  	s5 =	rddreg [dreg:$0x19];
	s9 =	simm.s32 $0x27B0  }
0xe9: {  	[tilespmem:s9], [sflag:$0x3] =	stream.strided.gather [hbm4b:s5+s30], $0x1400, s31, s30, $0x38;
	[tilespmem:$0x1BFB0] =	vst v63  }
0xea: {  	s13 =	rddreg [dreg:$0xd]  }
0xeb: {  	[tilespmem:s11], [sflag:$0x5] =	stream.linear.gather [hbm4b:s13+s14], $0x50, $0x38;
	[tilespmem:$0x1BFB0] =	vst v63  }
0xec: {  	_ = 	snop  }
0xed: {  	[tilespmem:s25], [sflag:$0x2] =	stream.indirect.gather [hbm4b:s7+s29], $0x60, s29, s29, $0xb8;
	[tilespmem:$0x1BFB0] =	vst v63  }
0xee: {  	s15 =	rddreg [dreg:$0x1c];
	s16 =	simm.s32 $0x3BB0  }
0xef: {  	[tilespmem:s16], [sflag:$0x4] =	stream.strided.gather [hbm4b:s15+s30], $0x1400, s31, s30, $0x38;
	[tilespmem:$0x1BFB0] =	vst v63  }
0xf0: {  	s17 =	rddreg [dreg:$0xe]  }
0xf1: {  	[tilespmem:s18], [sflag:$0x6] =	stream.linear.gather [hbm4b:s17+s14], $0x50, $0x38;
	[tilespmem:$0x1BFB0] =	vst v63  }
.LBB2_15:
0xf2: {  	_ =	swait.ge [sflag:s19], $0x1E00  }
0xf3: {  	[sflag:s19] =	ssyncset.done $0x0  }
0xf4: {  	[sflag:s19] =	ssyncadd.s32 $0xFFFFE200  }
0xf5: {  	_ =	swait.ge [sflag:s20], $0x1400  }
0xf6: {  	[sflag:s20] =	ssyncset.done $0x0  }
0xf7: {  	[sflag:s20] =	ssyncadd.s32 $0xFFFFEC00  }
0xf8: {  	_ =	swait.ge [sflag:s21], $0x50  }
0xf9: {  	[sflag:s21] =	ssyncset.done $0x0  }
0xfa: {  	s9 =	simm.s32 $0x63E0;
	[sflag:s21] =	ssyncadd.s32 $0xFFFFFFB0  }
0xfb: {  	v1 =	vld [tilespmem:s9+$0xFFFFFFF0]  }
0xfc: {  	v8 =	vld [tilespmem:s9+$0x0]  }
0xfd: {  	v2 =	vld [tilespmem:s9+$0xFFFFFFD0]  }
0xfe: {  	s5 =	simm.s32 $0x0;
	v10 =	vld [tilespmem:s9+$0x20]  }
0xff: {  	v11 =	vld [tilespmem:s5+$0x27E0]  }
0x100: {  	v3 =	vld [tilespmem:s9+$0x10]  }
0x101: {  	v4 =	vld [tilespmem:s5+$0x27C0]  }
0x102: {  	v7 =	vld [tilespmem:s5+$0x27B0]  }
0x103: {  	v6 =	vld [tilespmem:s5+$0x27D0]  }
0x104: {  	s16 =	simm.s32 $0x100;
	s13 =	simm.s32 $0x63E0;
	v5 =	vld [tilespmem:s9+$0xFFFFFFE0];
	v9 =	vmul.f32 v8, v11;
	v8 =	vmul.f32 v10, v11  }
.LBB2_16:
0x105: {  	p1 =	sne.s32 s16, $0x4F00  }
0x106: {  	s9 =	sadd.s32 $0x60, s9;
	s5 =	smov.u32 s16;
	s16 =	sadd.s32 $0x100, s16  }
0x107: {  	v2 =	vmul.f32 v2, v7;
	[tilespmem:s13+$0x0] =	vst v9  }
0x108: {  	v7 =	vmul.f32 v1, v6;
	v1 =	vld [tilespmem:s9+$0xFFFFFFF0];
	v3 =	vmul.f32 v3, v6;
	[tilespmem:s13+$0x20] =	vst v8  }
0x109: {  	v8 =	vld [tilespmem:s9+$0x0];
	[tilespmem:s13+$0xFFFFFFD0] =	vst v2;
	v4 =	vmul.f32 v5, v4  }
0x10a: {  	v2 =	vld [tilespmem:s9+$0xFFFFFFD0];
	[tilespmem:s13+$0xFFFFFFF0] =	vst v7  }
0x10b: {  	s5 =	sshra.s32 s5, $0x2;
	v10 =	vld [tilespmem:s9+$0x20];
	[tilespmem:s13+$0x10] =	vst v3  }
0x10c: {  	v3 =	vld [tilespmem:s9+$0x10];
	[tilespmem:s13+$0xFFFFFFE0] =	vst v4;
	s13 =	smov.u32 s9  }
0x10d: {  	v11 =	vld [tilespmem:s5+$0x27E0]  }
.Ltmp8:
0x10e: {  	v4 =	vld [tilespmem:s5+$0x27C0];
	(pc) =	sbr.rel @p1 .LBB2_16-.Ltmp8, $4  }
0x10f: {  	v7 =	vld [tilespmem:s5+$0x27B0]  }
0x110: {  	v6 =	vld [tilespmem:s5+$0x27D0]  }
0x111: {  	v5 =	vld [tilespmem:s9+$0xFFFFFFE0]  }
0x112: {  	v9 =	vmul.f32 v8, v11;
	v8 =	vmul.f32 v10, v11  }
0x113: {  	_ = 	snop  }
0x114: {  	v2 =	vmul.f32 v2, v7;
	[tilespmem:s13+$0x0] =	vst v9  }
0x115: {  	[tilespmem:s13+$0x20] =	vst v8;
	v1 =	vmul.f32 v1, v6  }
0x116: {  	v3 =	vmul.f32 v3, v6;
	[tilespmem:s13+$0xFFFFFFD0] =	vst v2  }
0x117: {  	v2 =	vmul.f32 v5, v4;
	[tilespmem:s13+$0xFFFFFFF0] =	vst v1  }
0x118: {  	[tilespmem:s13+$0x10] =	vst v3  }
0x119: {  	[tilespmem:s13+$0xFFFFFFE0] =	vst v2  }
0x11a: {  	[spmem:s3] =	stream.indirect.scatter.add.f32 [tilespmem:s23], [sflag:$0x7], $0x60, s11, s29, $0xb8;
	[tilespmem:$0x1BFB0] =	vst v63  }
0x11b: {  	s13 =	smul.u32 $0xA0, s14;
	_ =	swait.ge [sflag:s2], $0x1E00  }
0x11c: {  	[sflag:s2] =	ssyncset.done $0x0  }
0x11d: {  	s5 =	sadd.s32 $0xA0, s13;
	[sflag:s2] =	ssyncadd.s32 $0xFFFFE200  }
0x11e: {  	[tilespmem:s23], [sflag:$0x1] =	stream.indirect.gather [hbm4b:s7+s29], $0x60, s5, s29, $0xb8;
	[tilespmem:$0x1BFB0] =	vst v63  }
0x11f: {  	s5 =	sadd.s32 s10, s5  }
0x120: {  	s9 =	sshll.u32 s5, $0x4  }
0x121: {  	s15 =	simm.s32 $0x27B0;
	s5 =	sshrl.u32 s5, $0x3;
	s9 =	sadd.s32 s9, s26  }
0x122: {  	[tilespmem:s15], [sflag:$0x3] =	stream.strided.gather [hbm4b:s9+s30], $0x1400, s31, s30, $0x38;
	[tilespmem:$0x1BFB0] =	vst v63  }
0x123: {  	s17 =	simm.s32 $0x0;
	s5 =	sadd.s32 s1, s5  }
0x124: {  	[tilespmem:s11], [sflag:$0x5] =	stream.linear.gather [hbm4b:s5+s17], $0x50, $0x38;
	[tilespmem:$0x1BFB0] =	vst v63  }
0x125: {  	_ =	swait.ge [sflag:s22], $0x1E00  }
0x126: {  	[sflag:s22] =	ssyncset.done $0x0  }
0x127: {  	[sflag:s22] =	ssyncadd.s32 $0xFFFFE200  }
0x128: {  	_ =	swait.ge [sflag:s0], $0x1400  }
0x129: {  	[sflag:s0] =	ssyncset.done $0x0  }
0x12a: {  	[sflag:s0] =	ssyncadd.s32 $0xFFFFEC00  }
0x12b: {  	_ =	swait.ge [sflag:s12], $0x50  }
0x12c: {  	[sflag:s12] =	ssyncset.done $0x0  }
0x12d: {  	s16 =	simm.s32 $0x8200;
	[sflag:s12] =	ssyncadd.s32 $0xFFFFFFB0  }
0x12e: {  	v1 =	vld [tilespmem:s16+$0xFFFFFFF0]  }
0x12f: {  	v4 =	vld [tilespmem:s16+$0xFFFFFFD0]  }
0x130: {  	v2 =	vld [tilespmem:s16+$0xFFFFFFE0]  }
0x131: {  	v3 =	vld [tilespmem:s16+$0x0]  }
0x132: {  	s5 =	simm.s32 $0x0;
	v5 =	vld [tilespmem:s16+$0xFFFFFFB0]  }
0x133: {  	v6 =	vld [tilespmem:s5+$0x3BD0]  }
0x134: {  	s9 =	simm.s32 $0x8200;
	s17 =	simm.s32 $0x100;
	v7 =	vld [tilespmem:s5+$0x3BB0]  }
.LBB2_18:
0x135: {  	p1 =	sne.s32 s17, $0x4F00  }
0x136: {  	v8 =	vld [tilespmem:s5+$0x3BE0];
	s16 =	sadd.s32 $0x60, s16;
	s15 =	smov.u32 s17;
	s17 =	sadd.s32 $0x100, s17  }
0x137: {  	v9 =	vld [tilespmem:s9+$0xFFFFFFC0]  }
0x138: {  	v10 =	vld [tilespmem:s5+$0x3BC0]  }
0x139: {  	v4 =	vmul.f32 v4, v6;
	v6 =	vmul.f32 v1, v6  }
0x13a: {  	v5 =	vmul.f32 v5, v7  }
0x13b: {  	s5 =	sshra.s32 s15, $0x2;
	[tilespmem:s9+$0xFFFFFFD0] =	vst v4;
	v2 =	vmul.f32 v2, v8;
	v3 =	vmul.f32 v3, v8  }
0x13c: {  	v1 =	vld [tilespmem:s16+$0xFFFFFFF0];
	[tilespmem:s9+$0xFFFFFFB0] =	vst v5  }
0x13d: {  	v4 =	vld [tilespmem:s16+$0xFFFFFFD0];
	v7 =	vmul.f32 v9, v10;
	[tilespmem:s9+$0xFFFFFFE0] =	vst v2  }
.Ltmp9:
0x13e: {  	v2 =	vld [tilespmem:s16+$0xFFFFFFE0];
	[tilespmem:s9+$0x0] =	vst v3;
	(pc) =	sbr.rel @p1 .LBB2_18-.Ltmp9, $4  }
0x13f: {  	v3 =	vld [tilespmem:s16+$0x0];
	[tilespmem:s9+$0xFFFFFFF0] =	vst v6  }
0x140: {  	v5 =	vld [tilespmem:s16+$0xFFFFFFB0];
	[tilespmem:s9+$0xFFFFFFC0] =	vst v7;
	s9 =	smov.u32 s16  }
0x141: {  	v6 =	vld [tilespmem:s5+$0x3BD0]  }
0x142: {  	v7 =	vld [tilespmem:s5+$0x3BB0]  }
0x143: {  	_ = 	snop  }
0x144: {  	v8 =	vld [tilespmem:s5+$0x3BE0]  }
0x145: {  	v9 =	vld [tilespmem:s9+$0xFFFFFFC0]  }
0x146: {  	v10 =	vld [tilespmem:s5+$0x3BC0];
	v4 =	vmul.f32 v4, v6  }
0x147: {  	v1 =	vmul.f32 v1, v6  }
0x148: {  	v5 =	vmul.f32 v5, v7;
	[tilespmem:s9+$0xFFFFFFD0] =	vst v4  }
0x149: {  	v2 =	vmul.f32 v2, v8;
	[tilespmem:s9+$0xFFFFFFF0] =	vst v1  }
0x14a: {  	v3 =	vmul.f32 v3, v8;
	[tilespmem:s9+$0xFFFFFFB0] =	vst v5  }
0x14b: {  	[tilespmem:s9+$0xFFFFFFE0] =	vst v2;
	v2 =	vmul.f32 v9, v10  }
0x14c: {  	p1 =	seq.s32 s14, $0x3D;
	[tilespmem:s9+$0x0] =	vst v3  }
.Ltmp10:
0x14d: {  	[tilespmem:s9+$0xFFFFFFC0] =	vst v2;
	(pc) =	sbr.rel @p1 .LBB2_21-.Ltmp10, $4  }
0x14e: {  	[spmem:s3] =	stream.indirect.scatter.add.f32 [tilespmem:s25], [sflag:$0x7], $0x60, s18, s29, $0xb8;
	[tilespmem:$0x1BFB0] =	vst v63  }
0x14f: {  	_ =	swait.ge [sflag:s2], $0x1E00  }
0x150: {  	[sflag:s2] =	ssyncset.done $0x0  }
0x151: {  	[sflag:s2] =	ssyncadd.s32 $0xFFFFE200  }
0x152: {  	s5 =	sadd.s32 $0xF0, s13  }
0x153: {  	[tilespmem:s25], [sflag:$0x2] =	stream.indirect.gather [hbm4b:s7+s29], $0x60, s5, s29, $0xb8;
	[tilespmem:$0x1BFB0] =	vst v63  }
0x154: {  	s5 =	sadd.s32 s10, s5  }
.Ltmp11:
0x155: {  	s9 =	sshll.u32 s5, $0x4;
	(pc) =	sbr.rel .LBB2_15-.Ltmp11, $4  }
0x156: {  	s17 =	simm.s32 $0x3BB0;
	s5 =	sshrl.u32 s5, $0x3;
	s9 =	sadd.s32 s9, s26  }
0x157: {  	[tilespmem:s17], [sflag:$0x4] =	stream.strided.gather [hbm4b:s9+s30], $0x1400, s31, s30, $0x38;
	[tilespmem:$0x1BFB0] =	vst v63  }
0x158: {  	s14 =	sadd.s32 $0x1, s14;
	s5 =	sadd.s32 s1, s5  }
0x159: {  	[tilespmem:s18], [sflag:$0x6] =	stream.linear.gather [hbm4b:s5+s4], $0x50, $0x38;
	[tilespmem:$0x1BFB0] =	vst v63  }
.LBB2_11:
0x15a: {  	_ =	swait.ge [sflag:s19], $0x1E00  }
0x15b: {  	[sflag:s19] =	ssyncset.done $0x0  }
0x15c: {  	[sflag:s19] =	ssyncadd.s32 $0xFFFFE200  }
0x15d: {  	_ =	swait.ge [sflag:s20], $0x1400  }
0x15e: {  	[sflag:s20] =	ssyncset.done $0x0  }
0x15f: {  	[sflag:s20] =	ssyncadd.s32 $0xFFFFEC00  }
0x160: {  	_ =	swait.ge [sflag:s21], $0x50  }
0x161: {  	[sflag:s21] =	ssyncset.done $0x0  }
0x162: {  	s9 =	simm.s32 $0x63E0;
	[sflag:s21] =	ssyncadd.s32 $0xFFFFFFB0  }
0x163: {  	v1 =	vld [tilespmem:s9+$0xFFFFFFF0]  }
0x164: {  	v8 =	vld [tilespmem:s9+$0x0]  }
0x165: {  	v2 =	vld [tilespmem:s9+$0xFFFFFFD0]  }
0x166: {  	s5 =	simm.s32 $0x0;
	v10 =	vld [tilespmem:s9+$0x20]  }
0x167: {  	v11 =	vld [tilespmem:s5+$0x27E0]  }
0x168: {  	v3 =	vld [tilespmem:s9+$0x10]  }
0x169: {  	v4 =	vld [tilespmem:s5+$0x27C0]  }
0x16a: {  	v7 =	vld [tilespmem:s5+$0x27B0]  }
0x16b: {  	v6 =	vld [tilespmem:s5+$0x27D0]  }
0x16c: {  	s14 =	simm.s32 $0x100;
	s13 =	simm.s32 $0x63E0;
	v5 =	vld [tilespmem:s9+$0xFFFFFFE0];
	v9 =	vmul.f32 v8, v11;
	v8 =	vmul.f32 v10, v11  }
.LBB2_12:
0x16d: {  	p1 =	seq.s32 s14, $0x4F00  }
0x16e: {  	s9 =	sadd.s32 $0x60, s9;
	s5 =	smov.u32 s14;
	s14 =	sadd.s32 $0x100, s14  }
0x16f: {  	v2 =	vmul.f32 v2, v7;
	[tilespmem:s13+$0x0] =	vst v9  }
0x170: {  	v7 =	vmul.f32 v1, v6;
	v1 =	vld [tilespmem:s9+$0xFFFFFFF0];
	v3 =	vmul.f32 v3, v6;
	[tilespmem:s13+$0x20] =	vst v8  }
0x171: {  	v8 =	vld [tilespmem:s9+$0x0];
	[tilespmem:s13+$0xFFFFFFD0] =	vst v2;
	v4 =	vmul.f32 v5, v4  }
0x172: {  	v2 =	vld [tilespmem:s9+$0xFFFFFFD0];
	[tilespmem:s13+$0xFFFFFFF0] =	vst v7  }
0x173: {  	s5 =	sshra.s32 s5, $0x2;
	v10 =	vld [tilespmem:s9+$0x20];
	[tilespmem:s13+$0x10] =	vst v3  }
0x174: {  	v3 =	vld [tilespmem:s9+$0x10];
	[tilespmem:s13+$0xFFFFFFE0] =	vst v4;
	s13 =	smov.u32 s9  }
0x175: {  	v11 =	vld [tilespmem:s5+$0x27E0]  }
.Ltmp12:
0x176: {  	v4 =	vld [tilespmem:s5+$0x27C0];
	(pc) =	sbr.rel @!p1 .LBB2_12-.Ltmp12, $4  }
0x177: {  	v7 =	vld [tilespmem:s5+$0x27B0]  }
0x178: {  	v6 =	vld [tilespmem:s5+$0x27D0]  }
0x179: {  	v5 =	vld [tilespmem:s9+$0xFFFFFFE0]  }
0x17a: {  	v9 =	vmul.f32 v8, v11;
	v8 =	vmul.f32 v10, v11  }
0x17b: {  	_ = 	snop  }
0x17c: {  	v2 =	vmul.f32 v2, v7;
	[tilespmem:s13+$0x0] =	vst v9  }
.Ltmp13:
0x17d: {  	[tilespmem:s13+$0x20] =	vst v8;
	v1 =	vmul.f32 v1, v6;
	(pc) =	sbr.rel .LBB2_24-.Ltmp13, $4  }
0x17e: {  	v3 =	vmul.f32 v3, v6;
	[tilespmem:s13+$0xFFFFFFD0] =	vst v2  }
0x17f: {  	v2 =	vmul.f32 v5, v4;
	[tilespmem:s13+$0xFFFFFFF0] =	vst v1  }
0x180: {  	[tilespmem:s13+$0x10] =	vst v3  }
0x181: {  	s5 =	rddreg [dreg:$0x3];
	[tilespmem:s13+$0xFFFFFFE0] =	vst v2  }
.LBB2_21:
0x182: {  	_ =	swait.ge [sflag:s19], $0x1E00  }
0x183: {  	[sflag:s19] =	ssyncset.done $0x0  }
0x184: {  	[sflag:s19] =	ssyncadd.s32 $0xFFFFE200  }
0x185: {  	_ =	swait.ge [sflag:s20], $0x1400  }
0x186: {  	[sflag:s20] =	ssyncset.done $0x0  }
0x187: {  	[sflag:s20] =	ssyncadd.s32 $0xFFFFEC00  }
0x188: {  	_ =	swait.ge [sflag:s21], $0x50  }
0x189: {  	[sflag:s21] =	ssyncset.done $0x0  }
0x18a: {  	s9 =	simm.s32 $0x63E0;
	[sflag:s21] =	ssyncadd.s32 $0xFFFFFFB0  }
0x18b: {  	v1 =	vld [tilespmem:s9+$0xFFFFFFF0]  }
0x18c: {  	v8 =	vld [tilespmem:s9+$0x0]  }
0x18d: {  	v2 =	vld [tilespmem:s9+$0xFFFFFFD0]  }
0x18e: {  	s5 =	simm.s32 $0x0;
	v10 =	vld [tilespmem:s9+$0x20]  }
0x18f: {  	v11 =	vld [tilespmem:s5+$0x27E0]  }
0x190: {  	v3 =	vld [tilespmem:s9+$0x10]  }
0x191: {  	v4 =	vld [tilespmem:s5+$0x27C0]  }
0x192: {  	v7 =	vld [tilespmem:s5+$0x27B0]  }
0x193: {  	v6 =	vld [tilespmem:s5+$0x27D0]  }
0x194: {  	s14 =	simm.s32 $0x100;
	s13 =	simm.s32 $0x63E0;
	v5 =	vld [tilespmem:s9+$0xFFFFFFE0];
	v9 =	vmul.f32 v8, v11;
	v8 =	vmul.f32 v10, v11  }
.LBB2_22:
0x195: {  	p1 =	sne.s32 s14, $0x4F00  }
0x196: {  	s9 =	sadd.s32 $0x60, s9;
	s5 =	smov.u32 s14;
	s14 =	sadd.s32 $0x100, s14  }
0x197: {  	v2 =	vmul.f32 v2, v7;
	[tilespmem:s13+$0x0] =	vst v9  }
0x198: {  	v7 =	vmul.f32 v1, v6;
	v1 =	vld [tilespmem:s9+$0xFFFFFFF0];
	v3 =	vmul.f32 v3, v6;
	[tilespmem:s13+$0x20] =	vst v8  }
0x199: {  	v8 =	vld [tilespmem:s9+$0x0];
	[tilespmem:s13+$0xFFFFFFD0] =	vst v2;
	v4 =	vmul.f32 v5, v4  }
0x19a: {  	v2 =	vld [tilespmem:s9+$0xFFFFFFD0];
	[tilespmem:s13+$0xFFFFFFF0] =	vst v7  }
0x19b: {  	s5 =	sshra.s32 s5, $0x2;
	v10 =	vld [tilespmem:s9+$0x20];
	[tilespmem:s13+$0x10] =	vst v3  }
0x19c: {  	v3 =	vld [tilespmem:s9+$0x10];
	[tilespmem:s13+$0xFFFFFFE0] =	vst v4;
	s13 =	smov.u32 s9  }
0x19d: {  	v11 =	vld [tilespmem:s5+$0x27E0]  }
.Ltmp14:
0x19e: {  	v4 =	vld [tilespmem:s5+$0x27C0];
	(pc) =	sbr.rel @p1 .LBB2_22-.Ltmp14, $4  }
0x19f: {  	v7 =	vld [tilespmem:s5+$0x27B0]  }
0x1a0: {  	v6 =	vld [tilespmem:s5+$0x27D0]  }
0x1a1: {  	v5 =	vld [tilespmem:s9+$0xFFFFFFE0]  }
0x1a2: {  	v9 =	vmul.f32 v8, v11;
	v8 =	vmul.f32 v10, v11  }
0x1a3: {  	_ = 	snop  }
0x1a4: {  	v2 =	vmul.f32 v2, v7;
	[tilespmem:s13+$0x0] =	vst v9  }
0x1a5: {  	[tilespmem:s13+$0x20] =	vst v8;
	v1 =	vmul.f32 v1, v6  }
0x1a6: {  	v3 =	vmul.f32 v3, v6;
	[tilespmem:s13+$0xFFFFFFD0] =	vst v2  }
0x1a7: {  	v2 =	vmul.f32 v5, v4;
	[tilespmem:s13+$0xFFFFFFF0] =	vst v1  }
0x1a8: {  	[tilespmem:s13+$0x10] =	vst v3  }
0x1a9: {  	s5 =	rddreg [dreg:$0x6];
	[tilespmem:s13+$0xFFFFFFE0] =	vst v2  }
.LBB2_24:
0x1aa: {  	[spmem:s3] =	stream.indirect.scatter.add.f32 [tilespmem:s23], [sflag:$0x7], $0x60, s11, s29, $0xb8;
	[tilespmem:$0x1BFB0] =	vst v63  }
0x1ab: {  	_ =	swait.ge [sflag:s2], $0x1E00  }
0x1ac: {  	[sflag:s2] =	ssyncset.done $0x0  }
0x1ad: {  	s13 =	stileid.u32;
	[sflag:s2] =	ssyncadd.s32 $0xFFFFE200  }
0x1ae: {  	s13 =	sshll.u32 s13, $0x6;
	s9 =	sld [smem:$0x7FB];
	[bflag:$0x0] =	sbarrier.arrive $0xFFFF  }
0x1af: {  	s8 =	sor.u32 $0x1C07, s13;
	s13 =	rddreg [dreg:$0x8]  }
0x1b0: {  	s4 =	simm.s32 $0x10;
	s15 =	sshrl.u32 s13, $0x3  }
0x1b1: {  	s14 =	simm.s32 $0xC;
	s9 =	sadd.s32 s5, s9;
	[smem:$0x7F4] =	sst s15  }
0x1b2: {  	[hbm:s9@s4], [sflag:s8] =	dma.strided [spmem:s15@s14], $0x600, s19, $0xc   }
0x1b3: {  	_ =	swait.ge [sflag:s2], $0x600  }
0x1b4: {  	s15 =	rddreg [dreg:$0xf]  }
0x1b5: {  	s9 =	sadd.s32 s5, s15;
	s15 =	rddreg [dreg:$0x9]  }
0x1b6: {  	[sflag:s2] =	ssyncset.done $0x0;
	s16 =	sshrl.u32 s15, $0x3  }
0x1b7: {  	[sflag:s2] =	ssyncadd.s32 $0xFFFFFA00;
	[smem:$0x7F5] =	sst s16  }
0x1b8: {  	[hbm:s9@s4], [sflag:s8] =	dma.strided [spmem:s16@s14], $0x600, s19, $0xc   }
0x1b9: {  	_ =	swait.ge [sflag:s2], $0x600  }
0x1ba: {  	s16 =	rddreg [dreg:$0x10]  }
0x1bb: {  	s9 =	sadd.s32 s5, s16;
	s16 =	rddreg [dreg:$0xa]  }
0x1bc: {  	[sflag:s2] =	ssyncset.done $0x0;
	s17 =	sshrl.u32 s16, $0x3  }
0x1bd: {  	[sflag:s2] =	ssyncadd.s32 $0xFFFFFA00;
	[smem:$0x7F6] =	sst s17  }
0x1be: {  	[hbm:s9@s4], [sflag:s8] =	dma.strided [spmem:s17@s14], $0x600, s19, $0xc   }
0x1bf: {  	_ =	swait.ge [sflag:s2], $0x600  }
0x1c0: {  	s17 =	rddreg [dreg:$0x11]  }
0x1c1: {  	s9 =	sadd.s32 s5, s17;
	s17 =	rddreg [dreg:$0xb]  }
0x1c2: {  	[sflag:s2] =	ssyncset.done $0x0;
	s6 =	sshrl.u32 s17, $0x3  }
0x1c3: {  	[sflag:s2] =	ssyncadd.s32 $0xFFFFFA00;
	[smem:$0x7F7] =	sst s6  }
0x1c4: {  	[hbm:s9@s4], [sflag:s8] =	dma.strided [spmem:s6@s14], $0x600, s19, $0xc   }
0x1c5: {  	_ =	swait.ge [sflag:s2], $0x600  }
0x1c6: {  	s6 =	rddreg [dreg:$0x12]  }
0x1c7: {  	[sflag:s2] =	ssyncset.done $0x0;
	s9 =	rddreg [dreg:$0xc]  }
0x1c8: {  	[smem:$0x7F8] =	sst s8;
	s5 =	sadd.s32 s5, s6;
	s6 =	sshrl.u32 s9, $0x3  }
0x1c9: {  	[sflag:s2] =	ssyncadd.s32 $0xFFFFFA00;
	[smem:$0x7F9] =	sst s6  }
0x1ca: {  	[hbm:s5@s4], [sflag:s8] =	dma.strided [spmem:s6@s14], $0x600, s19, $0xc   }
0x1cb: {  	_ =	swait.ge [sflag:s2], $0x600  }
0x1cc: {  	[sflag:s2] =	ssyncset.done $0x0  }
0x1cd: {  	s14 =	simm.s32 $0x9FB0;
	[sflag:s2] =	ssyncadd.s32 $0xFFFFFA00  }
0x1ce: {  	[spmem:s13] =	stream.linear.scatter [tilespmem:s14], [sflag:$0x7], $0x3000, $0x38;
	[tilespmem:$0x1BFB0] =	vst v63  }
0x1cf: {  	_ =	swait.ge [sflag:s2], $0x3000  }
0x1d0: {  	[sflag:s2] =	ssyncset.done $0x0  }
0x1d1: {  	[sflag:s2] =	ssyncadd.s32 $0xFFFFD000  }
0x1d2: {  	[spmem:s15] =	stream.linear.scatter [tilespmem:s14], [sflag:$0x7], $0x3000, $0x38;
	[tilespmem:$0x1BFB0] =	vst v63  }
0x1d3: {  	_ =	swait.ge [sflag:s2], $0x3000  }
0x1d4: {  	[sflag:s2] =	ssyncset.done $0x0  }
0x1d5: {  	[sflag:s2] =	ssyncadd.s32 $0xFFFFD000  }
0x1d6: {  	[spmem:s16] =	stream.linear.scatter [tilespmem:s14], [sflag:$0x7], $0x3000, $0x38;
	[tilespmem:$0x1BFB0] =	vst v63  }
0x1d7: {  	_ =	swait.ge [sflag:s2], $0x3000  }
0x1d8: {  	[sflag:s2] =	ssyncset.done $0x0  }
0x1d9: {  	[sflag:s2] =	ssyncadd.s32 $0xFFFFD000  }
0x1da: {  	[spmem:s17] =	stream.linear.scatter [tilespmem:s14], [sflag:$0x7], $0x3000, $0x38;
	[tilespmem:$0x1BFB0] =	vst v63  }
0x1db: {  	_ =	swait.ge [sflag:s2], $0x3000  }
0x1dc: {  	[sflag:s2] =	ssyncset.done $0x0  }
0x1dd: {  	[sflag:s2] =	ssyncadd.s32 $0xFFFFD000  }
0x1de: {  	[spmem:s9] =	stream.linear.scatter [tilespmem:s14], [sflag:$0x7], $0x3000, $0x38;
	[tilespmem:$0x1BFB0] =	vst v63  }
.Ltmp15:
0x1df: {  	_ =	swait.ge [sflag:s2], $0x3000;
	(pc) =	sbr.rel @p0 .LBB2_33-.Ltmp15, $3  }
0x1e0: {  	[sflag:s2] =	ssyncset.done $0x0  }
0x1e1: {  	[sflag:s2] =	ssyncadd.s32 $0xFFFFD000  }
0x1e2: {  	[bflag:$0x0] =	sbarrier.arrive $0xFFFF;
	_ =	sdelay $0x1  }
0x1e3: {  	s13 =	simm.s32 $0x0  }
0x1e4: {  	[tilespmem:s23], [sflag:$0x1] =	stream.indirect.gather [hbm4b:s24+s29], $0x60, s13, s29, $0xb8;
	[tilespmem:$0x1BFB0] =	vst v63  }
0x1e5: {  	s5 =	rddreg [dreg:$0x1b];
	s14 =	simm.s32 $0x20;
	s4 =	simm.s32 $0x4FB0  }
0x1e6: {  	[tilespmem:s4], [sflag:$0x3] =	stream.strided.gather [hbm4b:s5+s14], $0xA00, s31, s14, $0x38;
	[tilespmem:$0x1BFB0] =	vst v63  }
0x1e7: {  	s9 =	rddreg [dreg:$0xd]  }
0x1e8: {  	[tilespmem:s11], [sflag:$0x5] =	stream.linear.gather [hbm4b:s9+s13], $0x50, $0x38;
	[tilespmem:$0x1BFB0] =	vst v63  }
0x1e9: {  	s15 =	rddreg [dreg:$0x1e]  }
0x1ea: {  	[tilespmem:s25], [sflag:$0x2] =	stream.indirect.gather [hbm4b:s24+s29], $0x60, s29, s29, $0xb8;
	[tilespmem:$0x1BFB0] =	vst v63  }
0x1eb: {  	s16 =	simm.s32 $0x59B0;
	s17 =	rddreg [dreg:$0xe]  }
0x1ec: {  	[tilespmem:s16], [sflag:$0x4] =	stream.strided.gather [hbm4b:s15+s14], $0xA00, s31, s14, $0x38;
	[tilespmem:$0x1BFB0] =	vst v63  }
0x1ed: {  	s6 =	sld [smem:$0x7FD];
	s4 =	simm.s32 $0x0  }
0x1ee: {  	[tilespmem:s18], [sflag:$0x6] =	stream.linear.gather [hbm4b:s17+s13], $0x50, $0x38;
	[tilespmem:$0x1BFB0] =	vst v63  }
.LBB2_26:
0x1ef: {  	_ =	swait.ge [sflag:s19], $0x1E00  }
0x1f0: {  	[sflag:s19] =	ssyncset.done $0x0  }
0x1f1: {  	[sflag:s19] =	ssyncadd.s32 $0xFFFFE200  }
0x1f2: {  	_ =	swait.ge [sflag:s20], $0xA00  }
0x1f3: {  	[sflag:s20] =	ssyncset.done $0x0  }
0x1f4: {  	[sflag:s20] =	ssyncadd.s32 $0xFFFFF600  }
0x1f5: {  	_ =	swait.ge [sflag:s21], $0x50  }
0x1f6: {  	[sflag:s21] =	ssyncset.done $0x0  }
0x1f7: {  	s9 =	simm.s32 $0x63E0;
	[sflag:s21] =	ssyncadd.s32 $0xFFFFFFB0  }
0x1f8: {  	v3 =	vld [tilespmem:s9+$0xFFFFFFF0]  }
0x1f9: {  	s5 =	simm.s32 $0x10;
	v5 =	vld [tilespmem:s9+$0xFFFFFFD0]  }
0x1fa: {  	v9 =	vld [tilespmem:s5+$0x4FA0]  }
0x1fb: {  	v4 =	vld [tilespmem:s9+$0xFFFFFFE0]  }
0x1fc: {  	v8 =	vld [tilespmem:s9+$0x10]  }
0x1fd: {  	v2 =	vld [tilespmem:s5+$0x4FB0]  }
0x1fe: {  	v1 =	vld [tilespmem:s9+$0x0]  }
0x1ff: {  	v7 =	vmul.f32 v5, v9;
	v5 =	vld [tilespmem:s9+$0x20];
	_ =	sdelay $0x1  }
0x200: {  	v3 =	vmul.f32 v3, v9  }
0x201: {  	s16 =	simm.s32 $0xC0;
	s5 =	simm.s32 $0x63E0;
	v6 =	vmul.f32 v4, v2;
	v4 =	vmul.f32 v8, v9  }
.LBB2_27:
0x202: {  	p1 =	sne.s32 s16, $0x27C0  }
0x203: {  	[tilespmem:s9+$0xFFFFFFD0] =	vst v7;
	v1 =	vmul.f32 v1, v2;
	v2 =	vmul.f32 v5, v2;
	s5 =	sadd.s32 $0x60, s5;
	s15 =	smov.u32 s16;
	s16 =	sadd.s32 $0x80, s16  }
0x204: {  	v8 =	vld [tilespmem:s5+$0xFFFFFFF0];
	[tilespmem:s9+$0xFFFFFFE0] =	vst v6  }
0x205: {  	v6 =	vld [tilespmem:s5+$0xFFFFFFE0];
	[tilespmem:s9+$0xFFFFFFF0] =	vst v3  }
0x206: {  	v3 =	vld [tilespmem:s5+$0xFFFFFFD0];
	[tilespmem:s9+$0x10] =	vst v4  }
0x207: {  	v4 =	vld [tilespmem:s5+$0x10];
	[tilespmem:s9+$0x0] =	vst v1  }
0x208: {  	s15 =	sshra.s32 s15, $0x2;
	v1 =	vld [tilespmem:s5+$0x0];
	[tilespmem:s9+$0x20] =	vst v2;
	s9 =	smov.u32 s5  }
0x209: {  	v9 =	vld [tilespmem:s15+$0x4FA0]  }
0x20a: {  	v2 =	vld [tilespmem:s15+$0x4FB0]  }
.Ltmp16:
0x20b: {  	v5 =	vld [tilespmem:s5+$0x20];
	(pc) =	sbr.rel @p1 .LBB2_27-.Ltmp16, $3  }
0x20c: {  	_ =	sdelay $0x1  }
0x20d: {  	v7 =	vmul.f32 v3, v9;
	v3 =	vmul.f32 v8, v9  }
0x20e: {  	v4 =	vmul.f32 v4, v9;
	v6 =	vmul.f32 v6, v2  }
0x20f: {  	[tilespmem:s9+$0xFFFFFFD0] =	vst v7  }
0x210: {  	[tilespmem:s9+$0xFFFFFFF0] =	vst v3  }
0x211: {  	v1 =	vmul.f32 v1, v2;
	[tilespmem:s9+$0xFFFFFFE0] =	vst v6  }
0x212: {  	v2 =	vmul.f32 v5, v2;
	[tilespmem:s9+$0x10] =	vst v4  }
0x213: {  	[tilespmem:s9+$0x0] =	vst v1  }
0x214: {  	p1 =	seq.s32 s13, $0x1E;
	[tilespmem:s9+$0x20] =	vst v2  }
0x215: {  	[spmem:s3] =	stream.indirect.scatter.add.f32 [tilespmem:s23], [sflag:$0x7], $0x60, s11, s29, $0xb8;
	[tilespmem:$0x1BFB0] =	vst v63  }
0x216: {  	s5 =	smul.u32 @!p1 $0xA0, s13;
	_ =	swait.ge [sflag:s2], $0x1E00  }
0x217: {  	s15 =	simm.s32 @!p1 $0x63B0;
	[sflag:s2] =	ssyncset.done $0x0  }
0x218: {  	s9 =	simm.s32 @!p1 $0x50;
	s5 =	sadd.s32 @!p1 $0xA0, s5;
	[sflag:s2] =	ssyncadd.s32 $0xFFFFE200  }
0x219: {  	[tilespmem:s15], [sflag:$0x1] =	stream.indirect.gather @!p1 [hbm4b:s24+s9], $0x60, s5, s9, $0xb8;
	[tilespmem:$0x1BFB0] =	vst v63  }
0x21a: {  	s5 =	sadd.s32 @!p1 s10, s5  }
0x21b: {  	s16 =	simm.s32 @!p1 $0x80;
	s17 =	simm.s32 @!p1 $0x4FB0;
	s9 =	sshll.u32 @!p1 s5, $0x4  }
0x21c: {  	s15 =	simm.s32 @!p1 $0x20;
	s5 =	sshrl.u32 @!p1 s5, $0x3;
	s9 =	sadd.s32 @!p1 s9, s28  }
0x21d: {  	[tilespmem:s17], [sflag:$0x3] =	stream.strided.gather @!p1 [hbm4b:s9+s15], $0xA00, s16, s15, $0x38;
	[tilespmem:$0x1BFB0] =	vst v63  }
0x21e: {  	s5 =	sadd.s32 @!p1 s1, s5;
	s9 =	simm.s32 @!p1 $0x0;
	s15 =	simm.s32 @!p1 $0x2710  }
0x21f: {  	[tilespmem:s15], [sflag:$0x5] =	stream.linear.gather @!p1 [hbm4b:s5+s9], $0x50, $0x38;
	[tilespmem:$0x1BFB0] =	vst v63  }
0x220: {  	_ =	swait.ge [sflag:s22], $0x1E00  }
0x221: {  	[sflag:s22] =	ssyncset.done $0x0  }
0x222: {  	[sflag:s22] =	ssyncadd.s32 $0xFFFFE200  }
0x223: {  	_ =	swait.ge [sflag:s0], $0xA00  }
0x224: {  	[sflag:s0] =	ssyncset.done $0x0  }
0x225: {  	[sflag:s0] =	ssyncadd.s32 $0xFFFFF600  }
0x226: {  	_ =	swait.ge [sflag:s12], $0x50  }
0x227: {  	[sflag:s12] =	ssyncset.done $0x0  }
0x228: {  	s9 =	simm.s32 $0x8200;
	[sflag:s12] =	ssyncadd.s32 $0xFFFFFFB0  }
0x229: {  	v3 =	vld [tilespmem:s9+$0xFFFFFFB0]  }
0x22a: {  	s17 =	simm.s32 $0x0;
	v5 =	vld [tilespmem:s9+$0xFFFFFFD0]  }
0x22b: {  	v8 =	vld [tilespmem:s17+$0x59B0]  }
0x22c: {  	v4 =	vld [tilespmem:s9+$0xFFFFFFF0]  }
0x22d: {  	v6 =	vld [tilespmem:s9+$0xFFFFFFC0]  }
0x22e: {  	v2 =	vld [tilespmem:s17+$0x59C0]  }
0x22f: {  	v1 =	vld [tilespmem:s9+$0xFFFFFFE0]  }
0x230: {  	v7 =	vmul.f32 v3, v8;
	v3 =	vmul.f32 v5, v8;
	v5 =	vld [tilespmem:s9+$0x0];
	_ =	sdelay $0x2  }
0x231: {  	s16 =	simm.s32 $0x80;
	s5 =	simm.s32 $0x8200;
	v6 =	vmul.f32 v6, v2;
	v4 =	vmul.f32 v4, v8  }
.LBB2_29:
0x232: {  	p2 =	sne.s32 s16, $0x2780  }
0x233: {  	[tilespmem:s9+$0xFFFFFFB0] =	vst v7;
	v1 =	vmul.f32 v1, v2;
	v2 =	vmul.f32 v5, v2;
	s5 =	sadd.s32 $0x60, s5;
	s15 =	smov.u32 s16;
	s16 =	sadd.s32 $0x80, s16  }
0x234: {  	v8 =	vld [tilespmem:s5+$0xFFFFFFF0];
	[tilespmem:s9+$0xFFFFFFC0] =	vst v6  }
0x235: {  	v6 =	vld [tilespmem:s5+$0xFFFFFFC0];
	[tilespmem:s9+$0xFFFFFFD0] =	vst v3  }
0x236: {  	v3 =	vld [tilespmem:s5+$0xFFFFFFB0];
	[tilespmem:s9+$0xFFFFFFF0] =	vst v4  }
0x237: {  	v4 =	vld [tilespmem:s5+$0xFFFFFFD0];
	[tilespmem:s9+$0xFFFFFFE0] =	vst v1  }
0x238: {  	s15 =	sshra.s32 s15, $0x2;
	v1 =	vld [tilespmem:s5+$0xFFFFFFE0];
	[tilespmem:s9+$0x0] =	vst v2;
	s9 =	smov.u32 s5  }
0x239: {  	v9 =	vld [tilespmem:s15+$0x59B0]  }
0x23a: {  	v2 =	vld [tilespmem:s15+$0x59C0]  }
.Ltmp17:
0x23b: {  	v5 =	vld [tilespmem:s5+$0x0];
	(pc) =	sbr.rel @p2 .LBB2_29-.Ltmp17, $3  }
0x23c: {  	_ =	sdelay $0x1  }
0x23d: {  	v7 =	vmul.f32 v3, v9;
	v3 =	vmul.f32 v4, v9  }
0x23e: {  	v4 =	vmul.f32 v8, v9;
	v6 =	vmul.f32 v6, v2  }
0x23f: {  	[tilespmem:s9+$0xFFFFFFB0] =	vst v7  }
0x240: {  	[tilespmem:s9+$0xFFFFFFD0] =	vst v3  }
0x241: {  	v1 =	vmul.f32 v1, v2;
	[tilespmem:s9+$0xFFFFFFC0] =	vst v6  }
0x242: {  	v2 =	vmul.f32 v5, v2;
	[tilespmem:s9+$0xFFFFFFF0] =	vst v4  }
0x243: {  	[tilespmem:s9+$0xFFFFFFE0] =	vst v1  }
.Ltmp18:
0x244: {  	[tilespmem:s9+$0x0] =	vst v2;
	(pc) =	sbr.rel @p1 .LBB2_31-.Ltmp18, $4  }
0x245: {  	[spmem:s3] =	stream.indirect.scatter.add.f32 [tilespmem:s25], [sflag:$0x7], $0x60, s18, s29, $0xb8;
	[tilespmem:$0x1BFB0] =	vst v63  }
0x246: {  	_ =	swait.ge [sflag:s2], $0x1E00  }
0x247: {  	[sflag:s2] =	ssyncset.done $0x0  }
0x248: {  	[sflag:s2] =	ssyncadd.s32 $0xFFFFE200  }
0x249: {  	s5 =	smul.u32 $0xA0, s13;
	_ =	sdelay $0x1  }
0x24a: {  	s5 =	sadd.s32 $0xF0, s5  }
0x24b: {  	[tilespmem:s25], [sflag:$0x2] =	stream.indirect.gather [hbm4b:s24+s29], $0x60, s5, s29, $0xb8;
	[tilespmem:$0x1BFB0] =	vst v63  }
0x24c: {  	s5 =	sadd.s32 s10, s5  }
.Ltmp19:
0x24d: {  	s9 =	sshll.u32 s5, $0x4;
	(pc) =	sbr.rel .LBB2_26-.Ltmp19, $4  }
0x24e: {  	s15 =	simm.s32 $0x59B0;
	s5 =	sshrl.u32 s5, $0x3;
	s9 =	sadd.s32 s9, s28  }
0x24f: {  	[tilespmem:s15], [sflag:$0x4] =	stream.strided.gather [hbm4b:s9+s14], $0xA00, s31, s14, $0x38;
	[tilespmem:$0x1BFB0] =	vst v63  }
0x250: {  	s13 =	sadd.s32 $0x1, s13;
	s5 =	sadd.s32 s1, s5  }
0x251: {  	[tilespmem:s18], [sflag:$0x6] =	stream.linear.gather [hbm4b:s5+s4], $0x50, $0x38;
	[tilespmem:$0x1BFB0] =	vst v63  }
.LBB2_33:
0x252: {  	s4 =	simm.s32 $0x1360  }
0x253: {  	[tilespmem:s23], [sflag:$0x1] =	stream.indirect.gather [hbm4b:s24+s29], $0x60, s4, s29, $0xb8;
	[tilespmem:$0x1BFB0] =	vst v63  }
0x254: {  	s5 =	rddreg [dreg:$0x15];
	s14 =	simm.s32 $0x4FB0;
	s4 =	simm.s32 $0x20  }
0x255: {  	[tilespmem:s14], [sflag:$0x3] =	stream.strided.gather [hbm4b:s5+s4], $0xA00, s31, s4, $0x38;
	[tilespmem:$0x1BFB0] =	vst v63  }
0x256: {  	s13 =	simm.s32 $0x0;
	s9 =	rddreg [dreg:$0x16]  }
0x257: {  	[tilespmem:s11], [sflag:$0x5] =	stream.linear.gather [hbm4b:s9+s13], $0x50, $0x38;
	[tilespmem:$0x1BFB0] =	vst v63  }
0x258: {  	s15 =	simm.s32 $0x13B0;
	s16 =	rddreg [dreg:$0x17]  }
0x259: {  	[tilespmem:s25], [sflag:$0x2] =	stream.indirect.gather [hbm4b:s24+s29], $0x60, s15, s29, $0xb8;
	[tilespmem:$0x1BFB0] =	vst v63  }
0x25a: {  	s17 =	rddreg [dreg:$0x18];
	s9 =	simm.s32 $0x59B0  }
0x25b: {  	[tilespmem:s9], [sflag:$0x4] =	stream.strided.gather [hbm4b:s16+s4], $0xA00, s31, s4, $0x38;
	[tilespmem:$0x1BFB0] =	vst v63  }
0x25c: {  	s6 =	sld [smem:$0x7FD]  }
0x25d: {  	[tilespmem:s18], [sflag:$0x6] =	stream.linear.gather [hbm4b:s17+s13], $0x50, $0x38;
	[tilespmem:$0x1BFB0] =	vst v63  }
.LBB2_34:
0x25e: {  	_ =	swait.ge [sflag:s19], $0x1E00  }
0x25f: {  	[sflag:s19] =	ssyncset.done $0x0  }
0x260: {  	[sflag:s19] =	ssyncadd.s32 $0xFFFFE200  }
0x261: {  	_ =	swait.ge [sflag:s20], $0xA00  }
0x262: {  	[sflag:s20] =	ssyncset.done $0x0  }
0x263: {  	[sflag:s20] =	ssyncadd.s32 $0xFFFFF600  }
0x264: {  	_ =	swait.ge [sflag:s21], $0x50  }
0x265: {  	[sflag:s21] =	ssyncset.done $0x0  }
0x266: {  	s9 =	simm.s32 $0x63E0;
	[sflag:s21] =	ssyncadd.s32 $0xFFFFFFB0  }
0x267: {  	v3 =	vld [tilespmem:s9+$0xFFFFFFF0]  }
0x268: {  	s5 =	simm.s32 $0x10;
	v5 =	vld [tilespmem:s9+$0xFFFFFFD0]  }
0x269: {  	v9 =	vld [tilespmem:s5+$0x4FA0]  }
0x26a: {  	v4 =	vld [tilespmem:s9+$0xFFFFFFE0]  }
0x26b: {  	v8 =	vld [tilespmem:s9+$0x10]  }
0x26c: {  	v2 =	vld [tilespmem:s5+$0x4FB0]  }
0x26d: {  	v1 =	vld [tilespmem:s9+$0x0]  }
0x26e: {  	v7 =	vmul.f32 v5, v9;
	v5 =	vld [tilespmem:s9+$0x20];
	_ =	sdelay $0x1  }
0x26f: {  	v3 =	vmul.f32 v3, v9  }
0x270: {  	s16 =	simm.s32 $0xC0;
	s5 =	simm.s32 $0x63E0;
	v6 =	vmul.f32 v4, v2;
	v4 =	vmul.f32 v8, v9  }
.LBB2_35:
0x271: {  	p1 =	sne.s32 s16, $0x27C0  }
0x272: {  	[tilespmem:s9+$0xFFFFFFD0] =	vst v7;
	v1 =	vmul.f32 v1, v2;
	v2 =	vmul.f32 v5, v2;
	s5 =	sadd.s32 $0x60, s5;
	s15 =	smov.u32 s16;
	s16 =	sadd.s32 $0x80, s16  }
0x273: {  	v8 =	vld [tilespmem:s5+$0xFFFFFFF0];
	[tilespmem:s9+$0xFFFFFFE0] =	vst v6  }
0x274: {  	v6 =	vld [tilespmem:s5+$0xFFFFFFE0];
	[tilespmem:s9+$0xFFFFFFF0] =	vst v3  }
0x275: {  	v3 =	vld [tilespmem:s5+$0xFFFFFFD0];
	[tilespmem:s9+$0x10] =	vst v4  }
0x276: {  	v4 =	vld [tilespmem:s5+$0x10];
	[tilespmem:s9+$0x0] =	vst v1  }
0x277: {  	s15 =	sshra.s32 s15, $0x2;
	v1 =	vld [tilespmem:s5+$0x0];
	[tilespmem:s9+$0x20] =	vst v2;
	s9 =	smov.u32 s5  }
0x278: {  	v9 =	vld [tilespmem:s15+$0x4FA0]  }
0x279: {  	v2 =	vld [tilespmem:s15+$0x4FB0]  }
.Ltmp20:
0x27a: {  	v5 =	vld [tilespmem:s5+$0x20];
	(pc) =	sbr.rel @p1 .LBB2_35-.Ltmp20, $3  }
0x27b: {  	_ =	sdelay $0x1  }
0x27c: {  	v7 =	vmul.f32 v3, v9;
	v3 =	vmul.f32 v8, v9  }
0x27d: {  	v4 =	vmul.f32 v4, v9;
	v6 =	vmul.f32 v6, v2  }
0x27e: {  	[tilespmem:s9+$0xFFFFFFD0] =	vst v7  }
0x27f: {  	[tilespmem:s9+$0xFFFFFFF0] =	vst v3  }
0x280: {  	v1 =	vmul.f32 v1, v2;
	[tilespmem:s9+$0xFFFFFFE0] =	vst v6  }
0x281: {  	v2 =	vmul.f32 v5, v2;
	[tilespmem:s9+$0x10] =	vst v4  }
0x282: {  	[tilespmem:s9+$0x0] =	vst v1  }
0x283: {  	[tilespmem:s9+$0x20] =	vst v2  }
0x284: {  	[spmem:s3] =	stream.indirect.scatter.add.f32 [tilespmem:s23], [sflag:$0x7], $0x60, s11, s29, $0xb8;
	[tilespmem:$0x1BFB0] =	vst v63  }
0x285: {  	s5 =	smul.u32 $0xA0, s13;
	_ =	swait.ge [sflag:s2], $0x1E00  }
0x286: {  	[sflag:s2] =	ssyncset.done $0x0  }
0x287: {  	s5 =	sadd.s32 $0x1400, s5;
	[sflag:s2] =	ssyncadd.s32 $0xFFFFE200  }
0x288: {  	[tilespmem:s23], [sflag:$0x1] =	stream.indirect.gather [hbm4b:s24+s29], $0x60, s5, s29, $0xb8;
	[tilespmem:$0x1BFB0] =	vst v63  }
0x289: {  	s5 =	sadd.s32 s10, s5  }
0x28a: {  	s15 =	sshll.u32 s5, $0x4  }
0x28b: {  	s5 =	sshrl.u32 s5, $0x3;
	s9 =	sadd.s32 s15, s28  }
0x28c: {  	[tilespmem:s14], [sflag:$0x3] =	stream.strided.gather [hbm4b:s9+s4], $0xA00, s31, s4, $0x38;
	[tilespmem:$0x1BFB0] =	vst v63  }
0x28d: {  	s16 =	simm.s32 $0x0;
	s5 =	sadd.s32 s1, s5  }
0x28e: {  	[tilespmem:s11], [sflag:$0x5] =	stream.linear.gather [hbm4b:s5+s16], $0x50, $0x38;
	[tilespmem:$0x1BFB0] =	vst v63  }
0x28f: {  	_ =	swait.ge [sflag:s22], $0x1E00  }
0x290: {  	[sflag:s22] =	ssyncset.done $0x0  }
0x291: {  	[sflag:s22] =	ssyncadd.s32 $0xFFFFE200  }
0x292: {  	_ =	swait.ge [sflag:s0], $0xA00  }
0x293: {  	[sflag:s0] =	ssyncset.done $0x0  }
0x294: {  	[sflag:s0] =	ssyncadd.s32 $0xFFFFF600  }
0x295: {  	_ =	swait.ge [sflag:s12], $0x50  }
0x296: {  	[sflag:s12] =	ssyncset.done $0x0  }
0x297: {  	s9 =	simm.s32 $0x8200;
	[sflag:s12] =	ssyncadd.s32 $0xFFFFFFB0  }
0x298: {  	v3 =	vld [tilespmem:s9+$0xFFFFFFB0]  }
0x299: {  	s17 =	simm.s32 $0x0;
	v5 =	vld [tilespmem:s9+$0xFFFFFFD0]  }
0x29a: {  	v8 =	vld [tilespmem:s17+$0x59B0]  }
0x29b: {  	v4 =	vld [tilespmem:s9+$0xFFFFFFF0]  }
0x29c: {  	v6 =	vld [tilespmem:s9+$0xFFFFFFC0]  }
0x29d: {  	v2 =	vld [tilespmem:s17+$0x59C0]  }
0x29e: {  	v1 =	vld [tilespmem:s9+$0xFFFFFFE0]  }
0x29f: {  	v7 =	vmul.f32 v3, v8;
	v3 =	vmul.f32 v5, v8;
	v5 =	vld [tilespmem:s9+$0x0];
	_ =	sdelay $0x2  }
0x2a0: {  	s16 =	simm.s32 $0x80;
	s5 =	simm.s32 $0x8200;
	v6 =	vmul.f32 v6, v2;
	v4 =	vmul.f32 v4, v8  }
.LBB2_37:
0x2a1: {  	p1 =	sne.s32 s16, $0x2780  }
0x2a2: {  	[tilespmem:s9+$0xFFFFFFB0] =	vst v7;
	v1 =	vmul.f32 v1, v2;
	v2 =	vmul.f32 v5, v2;
	s5 =	sadd.s32 $0x60, s5;
	s15 =	smov.u32 s16;
	s16 =	sadd.s32 $0x80, s16  }
0x2a3: {  	v8 =	vld [tilespmem:s5+$0xFFFFFFF0];
	[tilespmem:s9+$0xFFFFFFC0] =	vst v6  }
0x2a4: {  	v6 =	vld [tilespmem:s5+$0xFFFFFFC0];
	[tilespmem:s9+$0xFFFFFFD0] =	vst v3  }
0x2a5: {  	v3 =	vld [tilespmem:s5+$0xFFFFFFB0];
	[tilespmem:s9+$0xFFFFFFF0] =	vst v4  }
0x2a6: {  	v4 =	vld [tilespmem:s5+$0xFFFFFFD0];
	[tilespmem:s9+$0xFFFFFFE0] =	vst v1  }
0x2a7: {  	s15 =	sshra.s32 s15, $0x2;
	v1 =	vld [tilespmem:s5+$0xFFFFFFE0];
	[tilespmem:s9+$0x0] =	vst v2;
	s9 =	smov.u32 s5  }
0x2a8: {  	v9 =	vld [tilespmem:s15+$0x59B0]  }
0x2a9: {  	v2 =	vld [tilespmem:s15+$0x59C0]  }
.Ltmp21:
0x2aa: {  	v5 =	vld [tilespmem:s5+$0x0];
	(pc) =	sbr.rel @p1 .LBB2_37-.Ltmp21, $3  }
0x2ab: {  	_ =	sdelay $0x1  }
0x2ac: {  	v7 =	vmul.f32 v3, v9;
	v3 =	vmul.f32 v4, v9  }
0x2ad: {  	v4 =	vmul.f32 v8, v9;
	v6 =	vmul.f32 v6, v2  }
0x2ae: {  	[tilespmem:s9+$0xFFFFFFB0] =	vst v7  }
0x2af: {  	[tilespmem:s9+$0xFFFFFFD0] =	vst v3  }
0x2b0: {  	v1 =	vmul.f32 v1, v2;
	[tilespmem:s9+$0xFFFFFFC0] =	vst v6  }
0x2b1: {  	v2 =	vmul.f32 v5, v2;
	[tilespmem:s9+$0xFFFFFFF0] =	vst v4  }
0x2b2: {  	s5 =	sshll.u32 s13, $0x1;
	[tilespmem:s9+$0xFFFFFFE0] =	vst v1  }
0x2b3: {  	s5 =	sor.u32 $0x41, s5;
	[tilespmem:s9+$0x0] =	vst v2  }
0x2b4: {  	[spmem:s3] =	stream.indirect.scatter.add.f32 [tilespmem:s25], [sflag:$0x7], $0x60, s18, s29, $0xb8;
	[tilespmem:$0x1BFB0] =	vst v63  }
0x2b5: {  	p1 =	sgt.u32 s5, $0x7C;
	_ =	swait.ge [sflag:s2], $0x1E00  }
0x2b6: {  	s5 =	smul.u32 @!p1 $0x50, s5;
	[sflag:s2] =	ssyncset.done $0x0  }
0x2b7: {  	s9 =	simm.s32 @!p1 $0x50;
	s15 =	simm.s32 @!p1 $0x81B0;
	[sflag:s2] =	ssyncadd.s32 $0xFFFFE200  }
0x2b8: {  	[tilespmem:s15], [sflag:$0x2] =	stream.indirect.gather @!p1 [hbm4b:s24+s9], $0x60, s5, s9, $0xb8;
	[tilespmem:$0x1BFB0] =	vst v63  }
0x2b9: {  	s13 =	sadd.s32 $0x1, s13;
	s5 =	sadd.s32 @!p1 s10, s5  }
0x2ba: {  	s16 =	simm.s32 @!p1 $0x80;
	s17 =	simm.s32 @!p1 $0x59B0;
	s9 =	sshll.u32 @!p1 s5, $0x4  }
0x2bb: {  	s15 =	simm.s32 @!p1 $0x20;
	s5 =	sshrl.u32 @!p1 s5, $0x3;
	s9 =	sadd.s32 @!p1 s9, s28  }
0x2bc: {  	[tilespmem:s17], [sflag:$0x4] =	stream.strided.gather @!p1 [hbm4b:s9+s15], $0xA00, s16, s15, $0x38;
	[tilespmem:$0x1BFB0] =	vst v63  }
0x2bd: {  	s5 =	sadd.s32 @!p1 s1, s5;
	s9 =	simm.s32 @!p1 $0x0;
	s15 =	simm.s32 @!p1 $0x2760  }
0x2be: {  	[tilespmem:s15], [sflag:$0x6] =	stream.linear.gather @!p1 [hbm4b:s5+s9], $0x50, $0x38;
	[tilespmem:$0x1BFB0] =	vst v63  }
0x2bf: {  	p1 =	sne.s32 s13, $0x1F  }
.Ltmp22:
0x2c0: {  	_ = 	snop;
	(pc) =	sbr.rel @p1 .LBB2_34-.Ltmp22, $1  }
0x2c1: {  	_ =	sdelay $0x3  }
0x2c2: {  	_ =	swait.ge [sflag:s19], $0x1E00  }
0x2c3: {  	[sflag:s19] =	ssyncset.done $0x0  }
0x2c4: {  	[sflag:s19] =	ssyncadd.s32 $0xFFFFE200  }
0x2c5: {  	_ =	swait.ge [sflag:s20], $0xA00  }
0x2c6: {  	[sflag:s20] =	ssyncset.done $0x0  }
0x2c7: {  	[sflag:s20] =	ssyncadd.s32 $0xFFFFF600  }
0x2c8: {  	_ =	swait.ge [sflag:s21], $0x50  }
0x2c9: {  	[sflag:s21] =	ssyncset.done $0x0  }
0x2ca: {  	s9 =	simm.s32 $0x63E0;
	[sflag:s21] =	ssyncadd.s32 $0xFFFFFFB0  }
0x2cb: {  	v3 =	vld [tilespmem:s9+$0xFFFFFFF0]  }
0x2cc: {  	s5 =	simm.s32 $0x10;
	v5 =	vld [tilespmem:s9+$0xFFFFFFD0]  }
0x2cd: {  	v9 =	vld [tilespmem:s5+$0x4FA0]  }
0x2ce: {  	v4 =	vld [tilespmem:s9+$0xFFFFFFE0]  }
0x2cf: {  	v8 =	vld [tilespmem:s9+$0x10]  }
0x2d0: {  	v2 =	vld [tilespmem:s5+$0x4FB0]  }
0x2d1: {  	v1 =	vld [tilespmem:s9+$0x0]  }
0x2d2: {  	v7 =	vmul.f32 v5, v9;
	v5 =	vld [tilespmem:s9+$0x20];
	_ =	sdelay $0x1  }
0x2d3: {  	v3 =	vmul.f32 v3, v9  }
0x2d4: {  	s13 =	simm.s32 $0xC0;
	s5 =	simm.s32 $0x63E0;
	v6 =	vmul.f32 v4, v2;
	v4 =	vmul.f32 v8, v9  }
.LBB2_40:
0x2d5: {  	p1 =	sne.s32 s13, $0x27C0  }
0x2d6: {  	[tilespmem:s9+$0xFFFFFFD0] =	vst v7;
	v1 =	vmul.f32 v1, v2;
	v2 =	vmul.f32 v5, v2;
	s5 =	sadd.s32 $0x60, s5;
	s15 =	smov.u32 s13;
	s13 =	sadd.s32 $0x80, s13  }
0x2d7: {  	v8 =	vld [tilespmem:s5+$0xFFFFFFF0];
	[tilespmem:s9+$0xFFFFFFE0] =	vst v6  }
0x2d8: {  	v6 =	vld [tilespmem:s5+$0xFFFFFFE0];
	[tilespmem:s9+$0xFFFFFFF0] =	vst v3  }
0x2d9: {  	v3 =	vld [tilespmem:s5+$0xFFFFFFD0];
	[tilespmem:s9+$0x10] =	vst v4  }
0x2da: {  	v4 =	vld [tilespmem:s5+$0x10];
	[tilespmem:s9+$0x0] =	vst v1  }
0x2db: {  	s15 =	sshra.s32 s15, $0x2;
	v1 =	vld [tilespmem:s5+$0x0];
	[tilespmem:s9+$0x20] =	vst v2;
	s9 =	smov.u32 s5  }
0x2dc: {  	v9 =	vld [tilespmem:s15+$0x4FA0]  }
0x2dd: {  	v2 =	vld [tilespmem:s15+$0x4FB0]  }
.Ltmp23:
0x2de: {  	v5 =	vld [tilespmem:s5+$0x20];
	(pc) =	sbr.rel @p1 .LBB2_40-.Ltmp23, $3  }
0x2df: {  	_ =	sdelay $0x1  }
0x2e0: {  	v7 =	vmul.f32 v3, v9;
	v3 =	vmul.f32 v8, v9  }
0x2e1: {  	v4 =	vmul.f32 v4, v9;
	v6 =	vmul.f32 v6, v2  }
0x2e2: {  	[tilespmem:s9+$0xFFFFFFD0] =	vst v7  }
0x2e3: {  	[tilespmem:s9+$0xFFFFFFF0] =	vst v3  }
0x2e4: {  	v1 =	vmul.f32 v1, v2;
	[tilespmem:s9+$0xFFFFFFE0] =	vst v6  }
0x2e5: {  	v2 =	vmul.f32 v5, v2;
	[tilespmem:s9+$0x10] =	vst v4  }
0x2e6: {  	[tilespmem:s9+$0x0] =	vst v1  }
.Ltmp24:
0x2e7: {  	[tilespmem:s9+$0x20] =	vst v2;
	(pc) =	sbr.rel .LBB2_42-.Ltmp24, $4  }
0x2e8: {  	[spmem:s3] =	stream.indirect.scatter.add.f32 [tilespmem:s23], [sflag:$0x7], $0x60, s11, s29, $0xb8;
	[tilespmem:$0x1BFB0] =	vst v63  }
0x2e9: {  	_ =	swait.ge [sflag:s2], $0x1E00  }
0x2ea: {  	[sflag:s2] =	ssyncset.done $0x0;
	s5 =	rddreg [dreg:$0x14]  }
0x2eb: {  	s14 =	sld [smem:$0x7FA];
	[sflag:s2] =	ssyncadd.s32 $0xFFFFE200  }
.LBB2_43:
0x2ec: {  	_ =	sfence.sel $0x180000  }
0x2ed: {  	[bflag:$0x0] =	sbarrier.arrive $0xFFFF  }
0x2ee: {  	_ =	strace $0x90000047  }
0x2ef: {  	s0 =	stileid.u32;
	[bflag:$0x2] =	sbarrier.arrive $0xFFFF  }
0x2f0: {  	p0 =	sne.s32 s0, $0x0;
	s0 =	rddreg [dreg:$0x5]  }
0x2f1: {  	s0 =	sadd.s32 @!p0 $0x100000, s0  }
0x2f2: {  	[sflag:s0] =	ssyncadd.tile.s32 @!p0 $0x1;
	_ =	shalt  }
.Lfunc_end2:
_tile_overlayer_lowered:
.L_overlay_start_2:
0x2f3: {  	(tag) =	ssettag $0x2  }
0x2f4: {  	s0 =	rddreg [dreg:$0x0];
	s2 =	stileid.u32  }
0x2f5: {  	s1 =	rddreg [dreg:$0x1];
	p0 =	sne.s32 s2, $0x0  }
0x2f6: {  	s3 =	rddreg [dreg:$0x2];
	[bflag:$0x3] =	sbarrier.arrive $0xFFFF;
	s2 =	simm.s32 @!p0 $0x1C07  }
0x2f7: {  	[timem:s3], [sflag:s2] =	dma.local @!p0 [hbm:s0], s1  }
0x2f8: {  	s0 =	simm.s32 @!p0 $0x7  }
0x2f9: {  	_ =	swait.ge @!p0 [sflag:s0], s1  }
0x2fa: {  	s1 =	ssub.s32 @!p0 $0x0, s1;
	[sflag:s0] =	ssyncset.done @!p0 $0x0  }
0x2fb: {  	[sflag:s0] =	ssyncadd.s32 @!p0 s1  }
0x2fc: {  	[bflag:$0x3] =	sbarrier.arrive $0xFFFF  }
0x2fd: {  	_ =	shalt  }

</sc_bundles>
